<compile_context>
chip_gen: v7x
topology: tpu7x:2x2x1
jax: 0.10.2.dev20260603
libtpu: 0.0.44.dev20260713+nightly
codegen_flags: <defaults>
</compile_context>

<pallas_src>
import functools

import jax
import jax.numpy as jnp
from jax import lax
from jax.experimental import pallas as pl
from jax.experimental.pallas import tpu as pltpu
from jax.experimental.pallas import tpu_sc as plsc

_K = 16
_NW = 32



def _sc_gather_body(n_chunks, ch, per_w, table_ref, idx_ref, out_ref,
                    idx_v, buf0, buf1, sem0, sem1):
    wid = lax.axis_index("s") * 2 + lax.axis_index("c")
    pltpu.sync_copy(idx_ref.at[wid], idx_v)
    base = pl.multiple_of(wid * per_w, 8)
    if n_chunks == 1:
        pltpu.async_copy(table_ref.at[idx_v.at[0]], buf0, sem0).wait()
        pltpu.sync_copy(buf0, out_ref.at[pl.ds(base, ch)])
    else:
        @pl.loop(0, n_chunks // 2)
        def _(p):
            j0 = 2 * p
            c0 = pltpu.async_copy(table_ref.at[idx_v.at[j0]], buf0, sem0)
            c1 = pltpu.async_copy(table_ref.at[idx_v.at[j0 + 1]], buf1, sem1)
            c0.wait()
            pltpu.sync_copy(
                buf0, out_ref.at[pl.ds(pl.multiple_of(base + j0 * ch, 8), ch)])
            c1.wait()
            pltpu.sync_copy(
                buf1,
                out_ref.at[pl.ds(pl.multiple_of(base + (j0 + 1) * ch, 8), ch)])


def _sc_gather_flat(table, idx_flat):
    R = idx_flat.shape[0]
    C = table.shape[1]
    if R % _NW:
        raise ValueError(R)
    per_w = R // _NW
    if per_w <= 128:
        ch = per_w
    elif per_w % 256 == 0:
        ch = 128
    elif per_w % 192 == 0:
        ch = 96
    else:
        raise ValueError(per_w)
    n_chunks = per_w // ch
    idx2 = idx_flat.reshape(_NW, n_chunks, ch)
    mesh = plsc.VectorSubcoreMesh(core_axis_name="c", subcore_axis_name="s")
    fn = pl.kernel(
        functools.partial(_sc_gather_body, n_chunks, ch, per_w),
        out_type=jax.ShapeDtypeStruct((R, C), jnp.float32),
        mesh=mesh,
        scratch_types=[
            pltpu.VMEM((n_chunks, ch), jnp.int32),
            pltpu.VMEM((ch, C), jnp.float32),
            pltpu.VMEM((ch, C), jnp.float32),
            pltpu.SemaphoreType.DMA,
            pltpu.SemaphoreType.DMA,
        ],
    )
    return fn(table, idx2)


def _batch_gather_sc(a, i):
    B, N, C = a.shape
    gid = (i + (jnp.arange(B, dtype=i.dtype) * N).reshape(
        (B,) + (1,) * (i.ndim - 1))).reshape(-1)
    out = _sc_gather_flat(a.reshape(B * N, C), gid)
    return out.reshape(i.shape + (C,))


def _combined_gather_sc(parts, i):
    B, N = parts[0].shape[:2]
    cs = [p.shape[2] for p in parts]
    C = sum(cs)
    pad = (-C) % 128
    if pad:
        parts = list(parts) + [jnp.zeros((B, N, pad), jnp.float32)]
    g = _batch_gather_sc(jnp.concatenate(parts, axis=-1), i)
    outs = []
    off = 0
    for c in cs:
        outs.append(g[..., off:off + c])
        off += c
    return outs



def _knn_body(K, Nr, q_ref, r_ref, d_ref, i_ref):
    q = q_ref[0]
    r = r_ref[0]
    BR = q.shape[0]
    dx = q[:, 0:1] - r[:, 0][None, :]
    dy = q[:, 1:2] - r[:, 1][None, :]
    dz = q[:, 2:3] - r[:, 2][None, :]
    d0 = dx * dx + dy * dy + dz * dz
    col = lax.broadcasted_iota(jnp.int32, (BR, Nr), 1)

    def body(k, d):
        mn = jnp.min(d, axis=1)
        cand = jnp.where(d == mn[:, None], col, Nr)
        j = jnp.min(cand, axis=1).astype(jnp.int32)
        d_ref[0, pl.ds(k, 1), :] = mn[None, :]
        i_ref[0, pl.ds(k, 1), :] = j[None, :]
        return jnp.where(col == j[:, None], jnp.float32(jnp.inf), d)

    lax.fori_loop(0, K, body, d0)


def _knn_pallas(q, r, K, BR=256):
    B, Nq, _ = q.shape
    Nr = r.shape[1]
    BR = min(BR, Nq)
    return pl.pallas_call(
        functools.partial(_knn_body, K, Nr),
        grid=(B, Nq // BR),
        in_specs=[
            pl.BlockSpec((1, BR, 3), lambda b, i: (b, i, 0)),
            pl.BlockSpec((1, Nr, 3), lambda b, i: (b, 0, 0)),
        ],
        out_specs=[
            pl.BlockSpec((1, K, BR), lambda b, i: (b, 0, i)),
            pl.BlockSpec((1, K, BR), lambda b, i: (b, 0, i)),
        ],
        out_shape=[
            jax.ShapeDtypeStruct((B, K, Nq), jnp.float32),
            jax.ShapeDtypeStruct((B, K, Nq), jnp.int32),
        ],
    )(q, r)



def _fps_body(npoint, pos_ref, out_ref):
    pos = pos_ref[...]
    B = pos.shape[1]
    N = pos.shape[2]
    px = pos[0]
    py = pos[1]
    pz = pos[2]
    col = lax.broadcasted_iota(jnp.int32, (B, N), 1)
    pm = pos.reshape(3 * B, N)

    def step(t, carry):
        dists, far = carry
        out_ref[pl.ds(t, 1), :] = far[None, :]
        m = (col == far[:, None]).astype(jnp.float32)
        m3 = jnp.broadcast_to(m[None], (3, B, N)).reshape(3 * B, N)
        c = jnp.sum(pm * m3, axis=1, keepdims=True)
        dx = px - c[0:B]
        dy = py - c[B:2 * B]
        dz = pz - c[2 * B:3 * B]
        d = dx * dx + dy * dy + dz * dz
        dists = jnp.minimum(dists, d)
        mx = jnp.max(dists, axis=1)
        cand = jnp.where(dists == mx[:, None], col, N)
        far = jnp.min(cand, axis=1).astype(jnp.int32)
        return dists, far

    lax.fori_loop(
        0, npoint, step,
        (jnp.full((B, N), 1e10, jnp.float32), jnp.zeros((B,), jnp.int32)),
    )


def _fps_pallas(pos, npoint):
    B, N, _ = pos.shape
    pos_t = jnp.transpose(pos, (2, 0, 1))
    out = pl.pallas_call(
        functools.partial(_fps_body, npoint),
        out_shape=jax.ShapeDtypeStruct((npoint, B), jnp.int32),
    )(pos_t)
    return out.T



def _adj_body(K, N, BR, lr_ref, lf_ref, ir_ref, it_ref, out_ref):
    i = pl.program_id(1)
    lr = lr_ref[0]
    lf = lf_ref[0]
    g = lax.dot_general(lr, lf, (((1,), (1,)), ((), ())),
                        preferred_element_type=jnp.float32,
                        precision=lax.Precision.HIGHEST)
    nr = jnp.sum(lr * lr, axis=1)[:, None]
    nc = jnp.sum(lf * lf, axis=1)[None, :]
    d = jnp.maximum(nr + nc - 2.0 * g, 0.0)
    col = lax.broadcasted_iota(jnp.int32, (BR, N), 1)
    row = lax.broadcasted_iota(jnp.int32, (BR, N), 0) + i * BR
    ir = ir_ref[0]
    it = it_ref[0]
    kio_c = lax.broadcasted_iota(jnp.int32, (BR, K), 1)
    kio_r = lax.broadcasted_iota(jnp.int32, (K, N), 0)

    def body(k2, m):
        for t in range(2):
            k = k2 * 2 + t
            ck = jnp.sum(jnp.where(kio_c == k, ir, 0), axis=1)[:, None]
            rk = jnp.sum(jnp.where(kio_r == k, it, 0), axis=0)[None, :]
            m = (m + (ck == col).astype(jnp.float32)
                 + (rk == row).astype(jnp.float32))
        return m

    m = lax.fori_loop(0, K // 2, body, jnp.zeros((BR, N), jnp.float32))
    out_ref[0] = (0.5 * m) * d


def _adj_pallas(latent, idx, idx_t, BR=256):
    B, N, C = latent.shape
    K = idx.shape[2]
    return pl.pallas_call(
        functools.partial(_adj_body, K, N, BR),
        grid=(B, N // BR),
        in_specs=[
            pl.BlockSpec((1, BR, C), lambda b, i: (b, i, 0)),
            pl.BlockSpec((1, N, C), lambda b, i: (b, 0, 0)),
            pl.BlockSpec((1, BR, K), lambda b, i: (b, i, 0)),
            pl.BlockSpec((1, K, N), lambda b, i: (b, 0, 0)),
        ],
        out_specs=pl.BlockSpec((1, BR, N), lambda b, i: (b, i, 0)),
        out_shape=jax.ShapeDtypeStruct((B, N, N), jnp.float32),
    )(latent, latent, idx, idx_t)



def _edge_conv(x, pos, idx, w_self, w_edge, nx=None, npos=None):
    term_self = x @ w_self
    if nx is None:
        (nx,) = _combined_gather_sc([x], idx)
    if npos is None:
        (npos,) = _combined_gather_sc([pos], idx)
    rel = pos[:, :, None, :] - npos
    dsq = jnp.sum(rel ** 2, axis=-1, keepdims=True)
    h = jnp.concatenate([nx, rel, dsq], axis=-1)
    tn = jnp.mean(h @ w_edge, axis=2)
    return jax.nn.leaky_relu(term_self + tn, 0.2)


def _interp_weights(d3):
    dr = 1.0 / (d3 + 1e-08)
    return dr / jnp.sum(dr, axis=2, keepdims=True)


def _three_interpolate(feat, idx, w):
    (g,) = _combined_gather_sc([feat], idx)
    return jnp.sum(g * w[..., None], axis=2)


def kernel(xyz, w0_self, w0_edge, w1_self, w1_edge, w2_self, w2_edge,
           up1_w, up1_b, cu1_self, cu1_edge, up0_w, up0_b,
           cu0_self, cu0_edge, out_w, out_b):
    return _forward_impl(
            xyz, w0_self, w0_edge, w1_self, w1_edge, w2_self, w2_edge,
            up1_w, up1_b, cu1_self, cu1_edge, up0_w, up0_b,
            cu0_self, cu0_edge, out_w, out_b)


def _forward_impl(xyz, w0_self, w0_edge, w1_self, w1_edge, w2_self, w2_edge,
                  up1_w, up1_b, cu1_self, cu1_edge, up0_w, up0_b,
                  cu0_self, cu0_edge, out_w, out_b):
    B, N, _ = xyz.shape
    _, idx0_t = _knn_pallas(xyz, xyz, _K)
    idx0 = jnp.transpose(idx0_t, (0, 2, 1))

    feat = jnp.concatenate(
        [jnp.ones((B, N, 3), jnp.float32),
         jnp.full((B, N, 1), float(_K), jnp.float32)], axis=-1)

    nx0 = jnp.broadcast_to(feat[:, :1, None, :], (B, N, _K, 4))
    (npos0,) = _combined_gather_sc([xyz], idx0)
    feat0 = _edge_conv(feat, xyz, idx0, w0_self, w0_edge, nx=nx0, npos=npos0)
    idx1 = _fps_pallas(xyz, N // 2)
    feat0_g, pos1 = _combined_gather_sc([feat0, xyz], idx1)
    _, knn1_t = _knn_pallas(pos1, pos1, _K)
    knn1 = jnp.transpose(knn1_t, (0, 2, 1))
    nx1, npos1 = _combined_gather_sc([feat0_g, pos1], knn1)
    feat1 = _edge_conv(feat0_g, pos1, knn1, w1_self, w1_edge,
                       nx=nx1, npos=npos1)

    idx2 = _fps_pallas(pos1, N // 4)
    feat1_g, pos2 = _combined_gather_sc([feat1, pos1], idx2)
    _, knn2_t = _knn_pallas(pos2, pos2, _K)
    knn2 = jnp.transpose(knn2_t, (0, 2, 1))
    nx2, npos2 = _combined_gather_sc([feat1_g, pos2], knn2)
    feat2 = _edge_conv(feat1_g, pos2, knn2, w2_self, w2_edge,
                       nx=nx2, npos=npos2)

    d31_t, i31_t = _knn_pallas(pos1, pos2, 3)
    d31 = jnp.transpose(d31_t, (0, 2, 1))
    i31 = jnp.transpose(i31_t, (0, 2, 1))
    interp2 = _three_interpolate(feat2, i31, _interp_weights(d31))
    cat1 = jnp.concatenate([interp2, feat1], axis=-1)
    up1 = jax.nn.leaky_relu(cat1 @ up1_w + up1_b, 0.2)
    feat_up1 = _edge_conv(up1, pos1, knn1, cu1_self, cu1_edge, npos=npos1)

    d30_t, i30_t = _knn_pallas(xyz, pos1, 3)
    d30 = jnp.transpose(d30_t, (0, 2, 1))
    i30 = jnp.transpose(i30_t, (0, 2, 1))
    interp1 = _three_interpolate(feat_up1, i30, _interp_weights(d30))
    cat0 = jnp.concatenate([interp1, feat0], axis=-1)
    up0 = jax.nn.leaky_relu(cat0 @ up0_w + up0_b, 0.2)
    feat_out = _edge_conv(up0, xyz, idx0, cu0_self, cu0_edge, npos=npos0)

    latent = feat_out @ out_w + out_b
    latent = latent / jnp.maximum(
        jnp.sqrt(jnp.sum(latent ** 2, axis=-1, keepdims=True)), 1e-08)
    latent_c = latent - jnp.mean(latent, axis=1, keepdims=True)

    return _adj_pallas(latent_c, idx0, idx0_t)

# --- scband reference (transcript-rebuilt; emitter-appended) ---
"""Pipeline reference for scband-shared-basis-75024488727155 (READ-ONLY COPY).

The authoritative reference and input builder live on the scoring server;
editing this copy changes nothing except your own understanding.
"""

import jax, jax.numpy as jnp
import numpy as np

K = 16

def gather_nd(a, i):
    return jax.vmap(lambda ab, ib: ab[ib])(a, i)

def knn_idx(query, ref, k):
    d = jnp.sum((query[:, :, None, :] - ref[:, None, :, :]) ** 2, axis=-1)
    _, idx = jax.lax.top_k(-d, k)
    return idx

def fps(pos, npoint):
    pos = jax.lax.stop_gradient(pos)
    def single(p):
        N = p.shape[0]
        def step(state, _):
            dists, far = state
            c = p[far]
            d = jnp.sum((p - c) ** 2, axis=-1)
            dists = jnp.minimum(dists, d)
            nxt = jnp.argmax(dists).astype(jnp.int32)
            return (dists, nxt), far
        _, idxs = jax.lax.scan(step, (jnp.full((N,), 1e10, dtype=jnp.float32), jnp.int32(0)), None, length=npoint)
        return idxs
    return jax.vmap(single)(pos)

def edge_conv(x, pos, idx, w_self, w_edge):
    term_self = x @ w_self
    nx = gather_nd(x, idx)
    npos = gather_nd(pos, idx)
    rel = pos[:, :, None, :] - npos
    dsq = jnp.sum(rel ** 2, axis=-1, keepdims=True)
    h = jnp.concatenate([nx, rel, dsq], axis=-1)
    tn = jnp.mean(h @ w_edge, axis=2)
    return jax.nn.leaky_relu(term_self + tn, 0.2)

def three_nn(unknown, known):
    d = jnp.sum((unknown[:, :, None, :] - known[:, None, :, :]) ** 2, axis=-1)
    negv, idx = jax.lax.top_k(-d, 3)
    return -negv, idx

def three_interpolate(feat, idx, weight):
    g = gather_nd(feat, idx)
    return jnp.sum(g * weight[..., None], axis=2)

def point_unet(x, pos, init_idx, p):
    feat0 = edge_conv(x, pos, init_idx, p['w0_self'], p['w0_edge'])
    pos0 = pos
    N = pos0.shape[1]
    idx1 = fps(pos0, N // 2)
    pos1 = gather_nd(pos0, idx1)
    feat0_g = gather_nd(feat0, idx1)
    knn1 = knn_idx(pos1, pos1, K)
    feat1 = edge_conv(feat0_g, pos1, knn1, p['w1_self'], p['w1_edge'])
    idx2 = fps(pos1, N // 4)
    pos2 = gather_nd(pos1, idx2)
    feat1_g = gather_nd(feat1, idx2)
    knn2 = knn_idx(pos2, pos2, K)
    feat2 = edge_conv(feat1_g, pos2, knn2, p['w2_self'], p['w2_edge'])
    dist, i3 = three_nn(pos1, pos2)
    dr = 1.0 / (dist + 1e-08)
    w = dr / jnp.sum(dr, axis=2, keepdims=True)
    interp2 = three_interpolate(feat2, i3, w)
    cat1 = jnp.concatenate([interp2, feat1], axis=-1)
    up1 = jax.nn.leaky_relu(cat1 @ p['up1_w'] + p['up1_b'], 0.2)
    feat_up1 = edge_conv(up1, pos1, knn1, p['cu1_self'], p['cu1_edge'])
    dist, i3 = three_nn(pos0, pos1)
    dr = 1.0 / (dist + 1e-08)
    w = dr / jnp.sum(dr, axis=2, keepdims=True)
    interp1 = three_interpolate(feat_up1, i3, w)
    cat0 = jnp.concatenate([interp1, feat0], axis=-1)
    up0 = jax.nn.leaky_relu(cat0 @ p['up0_w'] + p['up0_b'], 0.2)
    feat_out = edge_conv(up0, pos0, init_idx, p['cu0_self'], p['cu0_edge'])
    return feat_out @ p['out_w'] + p['out_b']

def _forward(xyz, p):
    B, N, _ = xyz.shape
    idx = knn_idx(xyz, xyz, K)
    feat = jnp.concatenate([jnp.ones((B, N, 3), jnp.float32), jnp.full((B, N, 1), float(K), jnp.float32)], axis=-1)
    latent = point_unet(feat, xyz, idx, p)
    latent = latent / jnp.maximum(jnp.sqrt(jnp.sum(latent ** 2, axis=-1, keepdims=True)), 1e-08)
    nf = gather_nd(latent, idx)
    diff_sq = jnp.sum((nf - latent[:, :, None, :]) ** 2, axis=-1)
    W_val = jax.nn.relu(diff_sq)
    b_idx = jnp.arange(B)[:, None, None]
    s_idx = jnp.arange(N)[None, :, None]
    A = jnp.zeros((B, N, N), jnp.float32).at[b_idx, s_idx, idx].set(W_val)
    return (A + jnp.transpose(A, (0, 2, 1))) / 2.0

def setup_inputs(seed: int = 0):
    key = jax.random.key(seed)
    ks = jax.random.split(key, 20)
    B, N = 4, 2048
    def w(k, i, o):
        return (jax.random.normal(k, (i, o), dtype=jnp.float32) / np.sqrt(i)).astype(jnp.float32)
    return {
        'xyz': jax.random.normal(ks[0], (B, N, 3), dtype=jnp.float32),
        'w0_self': w(ks[1], 4, 64), 'w0_edge': w(ks[2], 8, 64),
        'w1_self': w(ks[3], 64, 128), 'w1_edge': w(ks[4], 68, 128),
        'w2_self': w(ks[5], 128, 256), 'w2_edge': w(ks[6], 132, 256),
        'up1_w': w(ks[7], 384, 128), 'up1_b': jnp.zeros((128,), jnp.float32),
        'cu1_self': w(ks[8], 128, 128), 'cu1_edge': w(ks[9], 132, 128),
        'up0_w': w(ks[10], 192, 64), 'up0_b': jnp.zeros((64,), jnp.float32),
        'cu0_self': w(ks[11], 64, 64), 'cu0_edge': w(ks[12], 68, 64),
        'out_w': w(ks[13], 64, 128), 'out_b': jnp.zeros((128,), jnp.float32),
    }

def reference(xyz, w0_self, w0_edge, w1_self, w1_edge, w2_self, w2_edge, up1_w, up1_b, cu1_self, cu1_edge, up0_w, up0_b, cu0_self, cu0_edge, out_w, out_b):
    p = {'w0_self': w0_self, 'w0_edge': w0_edge, 'w1_self': w1_self, 'w1_edge': w1_edge, 'w2_self': w2_self, 'w2_edge': w2_edge, 'up1_w': up1_w, 'up1_b': up1_b, 'cu1_self': cu1_self, 'cu1_edge': cu1_edge, 'up0_w': up0_w, 'up0_b': up0_b, 'cu0_self': cu0_self, 'cu0_edge': cu0_edge, 'out_w': out_w, 'out_b': out_b}
    return _forward(xyz, p)

if __name__ == "__main__":
    import jax
    _d = setup_inputs()
    print(jax.jit(kernel)(*tuple(_d.values())))

</pallas_src>

<mosaic_0001>
#map = affine_map<(d0, d1) -> (0, 0)>
#map1 = affine_map<(d0, d1) -> (0, 0, 0)>
module attributes {stable_mosaic.version = 14 : i64} {
  func.func @_sc_gather_body(%arg0: i32, %arg1: i32, %arg2: memref<8192x128xf32, #tpu.memory_space<hbm>>, %arg3: memref<32x32x128xi32, #tpu.memory_space<hbm>>, %arg4: memref<131072x128xf32, #tpu.memory_space<hbm>>, %arg5: memref<32x128xi32, #tpu.memory_space<vmem>>, %arg6: memref<128x128xf32, #tpu.memory_space<vmem>>, %arg7: memref<128x128xf32, #tpu.memory_space<vmem>>, %arg8: memref<!tpu.dma_semaphore, #tpu.memory_space<semaphore_mem>>, %arg9: memref<!tpu.dma_semaphore, #tpu.memory_space<semaphore_mem>>) attributes {dimension_semantics = [#tpu.dimension_semantics<core_parallel>, #tpu.dimension_semantics<subcore_parallel>], iteration_bounds = array<i64: 2, 16>, scalar_prefetch = 0 : i64, scratch_operands = 5 : i64, tpu.core_type = #tpu.core_type<sc_vector_subcore>, window_params = [{transform_indices = #map}, {transform_indices = #map1}, {transform_indices = #map}]} {
    %mul3A = arith.constant 2 : i32
    %mul3A_0 = arith.muli %arg1, %mul3A : i32
    %add3A = arith.addi %mul3A_0, %arg0 : i32
    "tpu.region"() ({
      %run_scoped3A = tpu.sem_alloc : memref<!tpu.dma_semaphore, #tpu.memory_space<semaphore_mem>>
      %dma_start3A = arith.constant 0 : i32
      %dma_start3A_7 = arith.constant 0 : i32
      %dma_start3A_8 = tpu.memref_slice %arg3[%add3A, %dma_start3A, %dma_start3A_7] : memref<32x32x128xi32, #tpu.memory_space<hbm>> -> memref<1x32x128xi32, #tpu.memory_space<hbm>>
      %dma_start3A_9 = tpu.memref_squeeze %dma_start3A_8 : memref<1x32x128xi32, #tpu.memory_space<hbm>> -> memref<32x128xi32, #tpu.memory_space<hbm>>
      %dma_start3A_10 = arith.constant 0 : i32
      %dma_start3A_11 = arith.constant 0 : i32
      %dma_start3A_12 = tpu.memref_slice %arg3[%add3A, %dma_start3A_10, %dma_start3A_11] : memref<32x32x128xi32, #tpu.memory_space<hbm>> -> memref<1x32x128xi32, #tpu.memory_space<hbm>>
      %dma_start3A_13 = tpu.memref_squeeze %dma_start3A_12 : memref<1x32x128xi32, #tpu.memory_space<hbm>> -> memref<32x128xi32, #tpu.memory_space<hbm>>
      tpu.enqueue_dma source(%dma_start3A_13 : memref<32x128xi32, #tpu.memory_space<hbm>>) target(%arg5 : memref<32x128xi32, #tpu.memory_space<vmem>>) target_semaphore(%run_scoped3A : memref<!tpu.dma_semaphore, #tpu.memory_space<semaphore_mem>>)
      %dma_wait3A = arith.constant 0 : i32
      %dma_wait3A_14 = arith.constant 0 : i32
      %dma_wait3A_15 = tpu.memref_slice %arg3[%add3A, %dma_wait3A, %dma_wait3A_14] : memref<32x32x128xi32, #tpu.memory_space<hbm>> -> memref<1x32x128xi32, #tpu.memory_space<hbm>>
      %dma_wait3A_16 = tpu.memref_squeeze %dma_wait3A_15 : memref<1x32x128xi32, #tpu.memory_space<hbm>> -> memref<32x128xi32, #tpu.memory_space<hbm>>
      %dma_wait3A_17 = arith.constant 0 : i32
      %dma_wait3A_18 = arith.constant 0 : i32
      %dma_wait3A_19 = tpu.memref_slice %arg3[%add3A, %dma_wait3A_17, %dma_wait3A_18] : memref<32x32x128xi32, #tpu.memory_space<hbm>> -> memref<1x32x128xi32, #tpu.memory_space<hbm>>
      %dma_wait3A_20 = tpu.memref_squeeze %dma_wait3A_19 : memref<1x32x128xi32, #tpu.memory_space<hbm>> -> memref<32x128xi32, #tpu.memory_space<hbm>>
      tpu.wait_dma2 semaphore(%run_scoped3A : memref<!tpu.dma_semaphore, #tpu.memory_space<semaphore_mem>>) src(%dma_wait3A_20 : memref<32x128xi32, #tpu.memory_space<hbm>>) dst(%arg5 : memref<32x128xi32, #tpu.memory_space<vmem>>)
      tpu.yield
    }) : () -> ()
    %mul3A_1 = arith.constant 4096 : i32
    %mul3A_2 = arith.muli %add3A, %mul3A_1 : i32
    %multiple_of3A = tpu.assume_multiple %mul3A_2, 8 : i32
    %scan3A = arith.constant 0 : i32
    %scan3A_3 = arith.constant 16 : i32
    %scan3A_4 = arith.addi %scan3A, %scan3A_3 : i32
    %scan3A_5 = arith.constant 1 : i32
    scf.for %scan3A_7 = %scan3A to %scan3A_4 step %scan3A_5  : i32 {
      %mul3A_8 = arith.constant 1 : i32
      %mul3A_9 = arith.muli %scan3A_7, %mul3A_8 : i32
      %add3A_10 = arith.constant 0 : i32
      %add3A_11 = arith.addi %add3A_10, %mul3A_9 : i32
      %mul3A_12 = arith.constant 2 : i32
      %mul3A_13 = arith.muli %mul3A_12, %add3A_11 : i32
      %dma_start3A = arith.constant 0 : i32
      %dma_start3A_14 = tpu.memref_slice %arg5[%mul3A_13, %dma_start3A] : memref<32x128xi32, #tpu.memory_space<vmem>> -> memref<1x128xi32, #tpu.memory_space<vmem>>
      %dma_start3A_15 = tpu.memref_squeeze %dma_start3A_14 : memref<1x128xi32, #tpu.memory_space<vmem>> -> memref<128xi32, #tpu.memory_space<vmem>>
      %dma_start3A_16 = arith.constant 0 : i32
      %dma_start3A_17 = arith.constant 0 : i32
      %dma_start3A_18 = tpu.memref_slice %arg2[%dma_start3A_16, %dma_start3A_17] : memref<8192x128xf32, #tpu.memory_space<hbm>> -> memref<8192x128xf32, #tpu.memory_space<hbm>>
      tpu.enqueue_indirect_dma source(%dma_start3A_18 : memref<8192x128xf32, #tpu.memory_space<hbm>>) target(%arg6 : memref<128x128xf32, #tpu.memory_space<vmem>>) offsets(%dma_start3A_15 : memref<128xi32, #tpu.memory_space<vmem>>) semaphore(%arg8 : memref<!tpu.dma_semaphore, #tpu.memory_space<semaphore_mem>>)
      %add3A_19 = arith.constant 1 : i32
      %add3A_20 = arith.addi %mul3A_13, %add3A_19 : i32
      %dma_start3A_21 = arith.constant 0 : i32
      %dma_start3A_22 = tpu.memref_slice %arg5[%add3A_20, %dma_start3A_21] : memref<32x128xi32, #tpu.memory_space<vmem>> -> memref<1x128xi32, #tpu.memory_space<vmem>>
      %dma_start3A_23 = tpu.memref_squeeze %dma_start3A_22 : memref<1x128xi32, #tpu.memory_space<vmem>> -> memref<128xi32, #tpu.memory_space<vmem>>
      %dma_start3A_24 = arith.constant 0 : i32
      %dma_start3A_25 = arith.constant 0 : i32
      %dma_start3A_26 = tpu.memref_slice %arg2[%dma_start3A_24, %dma_start3A_25] : memref<8192x128xf32, #tpu.memory_space<hbm>> -> memref<8192x128xf32, #tpu.memory_space<hbm>>
      tpu.enqueue_indirect_dma source(%dma_start3A_26 : memref<8192x128xf32, #tpu.memory_space<hbm>>) target(%arg7 : memref<128x128xf32, #tpu.memory_space<vmem>>) offsets(%dma_start3A_23 : memref<128xi32, #tpu.memory_space<vmem>>) semaphore(%arg9 : memref<!tpu.dma_semaphore, #tpu.memory_space<semaphore_mem>>)
      %dma_wait3A = arith.constant 0 : i32
      %dma_wait3A_27 = tpu.memref_slice %arg5[%mul3A_13, %dma_wait3A] : memref<32x128xi32, #tpu.memory_space<vmem>> -> memref<1x128xi32, #tpu.memory_space<vmem>>
      %dma_wait3A_28 = tpu.memref_squeeze %dma_wait3A_27 : memref<1x128xi32, #tpu.memory_space<vmem>> -> memref<128xi32, #tpu.memory_space<vmem>>
      %dma_wait3A_29 = arith.constant 0 : i32
      %dma_wait3A_30 = arith.constant 0 : i32
      %dma_wait3A_31 = tpu.memref_slice %arg2[%dma_wait3A_29, %dma_wait3A_30] : memref<8192x128xf32, #tpu.memory_space<hbm>> -> memref<8192x128xf32, #tpu.memory_space<hbm>>
      tpu.wait_indirect_dma semaphore(%arg8 : memref<!tpu.dma_semaphore, #tpu.memory_space<semaphore_mem>>) src(%dma_wait3A_31 : memref<8192x128xf32, #tpu.memory_space<hbm>>) dst(%arg6 : memref<128x128xf32, #tpu.memory_space<vmem>>)
      %mul3A_32 = arith.constant 128 : i32
      %mul3A_33 = arith.muli %mul3A_13, %mul3A_32 : i32
      %add3A_34 = arith.addi %multiple_of3A, %mul3A_33 : i32
      %multiple_of3A_35 = tpu.assume_multiple %add3A_34, 8 : i32
      "tpu.region"() ({
        %run_scoped3A = tpu.sem_alloc : memref<!tpu.dma_semaphore, #tpu.memory_space<semaphore_mem>>
        %dma_start3A_48 = arith.constant 0 : i32
        %dma_start3A_49 = tpu.memref_slice %arg4[%multiple_of3A_35, %dma_start3A_48] : memref<131072x128xf32, #tpu.memory_space<hbm>> -> memref<128x128xf32, #tpu.memory_space<hbm>>
        %dma_start3A_50 = arith.constant 0 : i32
        %dma_start3A_51 = tpu.memref_slice %arg4[%multiple_of3A_35, %dma_start3A_50] : memref<131072x128xf32, #tpu.memory_space<hbm>> -> memref<128x128xf32, #tpu.memory_space<hbm>>
        tpu.enqueue_dma source(%arg6 : memref<128x128xf32, #tpu.memory_space<vmem>>) target(%dma_start3A_51 : memref<128x128xf32, #tpu.memory_space<hbm>>) target_semaphore(%run_scoped3A : memref<!tpu.dma_semaphore, #tpu.memory_space<semaphore_mem>>)
        %dma_wait3A_52 = arith.constant 0 : i32
        %dma_wait3A_53 = tpu.memref_slice %arg4[%multiple_of3A_35, %dma_wait3A_52] : memref<131072x128xf32, #tpu.memory_space<hbm>> -> memref<128x128xf32, #tpu.memory_space<hbm>>
        %dma_wait3A_54 = arith.constant 0 : i32
        %dma_wait3A_55 = tpu.memref_slice %arg4[%multiple_of3A_35, %dma_wait3A_54] : memref<131072x128xf32, #tpu.memory_space<hbm>> -> memref<128x128xf32, #tpu.memory_space<hbm>>
        tpu.wait_dma2 semaphore(%run_scoped3A : memref<!tpu.dma_semaphore, #tpu.memory_space<semaphore_mem>>) src(%arg6 : memref<128x128xf32, #tpu.memory_space<vmem>>) dst(%dma_wait3A_55 : memref<128x128xf32, #tpu.memory_space<hbm>>)
        tpu.yield
      }) : () -> ()
      %dma_wait3A_36 = arith.constant 0 : i32
      %dma_wait3A_37 = tpu.memref_slice %arg5[%add3A_20, %dma_wait3A_36] : memref<32x128xi32, #tpu.memory_space<vmem>> -> memref<1x128xi32, #tpu.memory_space<vmem>>
      %dma_wait3A_38 = tpu.memref_squeeze %dma_wait3A_37 : memref<1x128xi32, #tpu.memory_space<vmem>> -> memref<128xi32, #tpu.memory_space<vmem>>
      %dma_wait3A_39 = arith.constant 0 : i32
      %dma_wait3A_40 = arith.constant 0 : i32
      %dma_wait3A_41 = tpu.memref_slice %arg2[%dma_wait3A_39, %dma_wait3A_40] : memref<8192x128xf32, #tpu.memory_space<hbm>> -> memref<8192x128xf32, #tpu.memory_space<hbm>>
      tpu.wait_indirect_dma semaphore(%arg9 : memref<!tpu.dma_semaphore, #tpu.memory_space<semaphore_mem>>) src(%dma_wait3A_41 : memref<8192x128xf32, #tpu.memory_space<hbm>>) dst(%arg7 : memref<128x128xf32, #tpu.memory_space<vmem>>)
      %add3A_42 = arith.constant 1 : i32
      %add3A_43 = arith.addi %mul3A_13, %add3A_42 : i32
      %mul3A_44 = arith.constant 128 : i32
      %mul3A_45 = arith.muli %add3A_43, %mul3A_44 : i32
      %add3A_46 = arith.addi %multiple_of3A, %mul3A_45 : i32
      %multiple_of3A_47 = tpu.assume_multiple %add3A_46, 8 : i32
      "tpu.region"() ({
        %run_scoped3A = tpu.sem_alloc : memref<!tpu.dma_semaphore, #tpu.memory_space<semaphore_mem>>
        %dma_start3A_48 = arith.constant 0 : i32
        %dma_start3A_49 = tpu.memref_slice %arg4[%multiple_of3A_47, %dma_start3A_48] : memref<131072x128xf32, #tpu.memory_space<hbm>> -> memref<128x128xf32, #tpu.memory_space<hbm>>
        %dma_start3A_50 = arith.constant 0 : i32
        %dma_start3A_51 = tpu.memref_slice %arg4[%multiple_of3A_47, %dma_start3A_50] : memref<131072x128xf32, #tpu.memory_space<hbm>> -> memref<128x128xf32, #tpu.memory_space<hbm>>
        tpu.enqueue_dma source(%arg7 : memref<128x128xf32, #tpu.memory_space<vmem>>) target(%dma_start3A_51 : memref<128x128xf32, #tpu.memory_space<hbm>>) target_semaphore(%run_scoped3A : memref<!tpu.dma_semaphore, #tpu.memory_space<semaphore_mem>>)
        %dma_wait3A_52 = arith.constant 0 : i32
        %dma_wait3A_53 = tpu.memref_slice %arg4[%multiple_of3A_47, %dma_wait3A_52] : memref<131072x128xf32, #tpu.memory_space<hbm>> -> memref<128x128xf32, #tpu.memory_space<hbm>>
        %dma_wait3A_54 = arith.constant 0 : i32
        %dma_wait3A_55 = tpu.memref_slice %arg4[%multiple_of3A_47, %dma_wait3A_54] : memref<131072x128xf32, #tpu.memory_space<hbm>> -> memref<128x128xf32, #tpu.memory_space<hbm>>
        tpu.wait_dma2 semaphore(%run_scoped3A : memref<!tpu.dma_semaphore, #tpu.memory_space<semaphore_mem>>) src(%arg7 : memref<128x128xf32, #tpu.memory_space<vmem>>) dst(%dma_wait3A_55 : memref<128x128xf32, #tpu.memory_space<hbm>>)
        tpu.yield
      }) : () -> ()
    }
    %scan3A_6 = arith.constant 16 : i32
    return
  }
}

#map = affine_map<(d0, d1) -> (0, 0)>
#map1 = affine_map<(d0, d1) -> (0, 0, 0)>
module attributes {stable_mosaic.version = 14 : i64} {
  func.func @_sc_gather_body(%arg0: i32, %arg1: i32, %arg2: memref<4096x128xf32, #tpu.memory_space<hbm>>, %arg3: memref<32x16x128xi32, #tpu.memory_space<hbm>>, %arg4: memref<65536x128xf32, #tpu.memory_space<hbm>>, %arg5: memref<16x128xi32, #tpu.memory_space<vmem>>, %arg6: memref<128x128xf32, #tpu.memory_space<vmem>>, %arg7: memref<128x128xf32, #tpu.memory_space<vmem>>, %arg8: memref<!tpu.dma_semaphore, #tpu.memory_space<semaphore_mem>>, %arg9: memref<!tpu.dma_semaphore, #tpu.memory_space<semaphore_mem>>) attributes {dimension_semantics = [#tpu.dimension_semantics<core_parallel>, #tpu.dimension_semantics<subcore_parallel>], iteration_bounds = array<i64: 2, 16>, scalar_prefetch = 0 : i64, scratch_operands = 5 : i64, tpu.core_type = #tpu.core_type<sc_vector_subcore>, window_params = [{transform_indices = #map}, {transform_indices = #map1}, {transform_indices = #map}]} {
    %mul3A = arith.constant 2 : i32
    %mul3A_0 = arith.muli %arg1, %mul3A : i32
    %add3A = arith.addi %mul3A_0, %arg0 : i32
    "tpu.region"() ({
      %run_scoped3A = tpu.sem_alloc : memref<!tpu.dma_semaphore, #tpu.memory_space<semaphore_mem>>
      %dma_start3A = arith.constant 0 : i32
      %dma_start3A_7 = arith.constant 0 : i32
      %dma_start3A_8 = tpu.memref_slice %arg3[%add3A, %dma_start3A, %dma_start3A_7] : memref<32x16x128xi32, #tpu.memory_space<hbm>> -> memref<1x16x128xi32, #tpu.memory_space<hbm>>
      %dma_start3A_9 = tpu.memref_squeeze %dma_start3A_8 : memref<1x16x128xi32, #tpu.memory_space<hbm>> -> memref<16x128xi32, #tpu.memory_space<hbm>>
      %dma_start3A_10 = arith.constant 0 : i32
      %dma_start3A_11 = arith.constant 0 : i32
      %dma_start3A_12 = tpu.memref_slice %arg3[%add3A, %dma_start3A_10, %dma_start3A_11] : memref<32x16x128xi32, #tpu.memory_space<hbm>> -> memref<1x16x128xi32, #tpu.memory_space<hbm>>
      %dma_start3A_13 = tpu.memref_squeeze %dma_start3A_12 : memref<1x16x128xi32, #tpu.memory_space<hbm>> -> memref<16x128xi32, #tpu.memory_space<hbm>>
      tpu.enqueue_dma source(%dma_start3A_13 : memref<16x128xi32, #tpu.memory_space<hbm>>) target(%arg5 : memref<16x128xi32, #tpu.memory_space<vmem>>) target_semaphore(%run_scoped3A : memref<!tpu.dma_semaphore, #tpu.memory_space<semaphore_mem>>)
      %dma_wait3A = arith.constant 0 : i32
      %dma_wait3A_14 = arith.constant 0 : i32
      %dma_wait3A_15 = tpu.memref_slice %arg3[%add3A, %dma_wait3A, %dma_wait3A_14] : memref<32x16x128xi32, #tpu.memory_space<hbm>> -> memref<1x16x128xi32, #tpu.memory_space<hbm>>
      %dma_wait3A_16 = tpu.memref_squeeze %dma_wait3A_15 : memref<1x16x128xi32, #tpu.memory_space<hbm>> -> memref<16x128xi32, #tpu.memory_space<hbm>>
      %dma_wait3A_17 = arith.constant 0 : i32
      %dma_wait3A_18 = arith.constant 0 : i32
      %dma_wait3A_19 = tpu.memref_slice %arg3[%add3A, %dma_wait3A_17, %dma_wait3A_18] : memref<32x16x128xi32, #tpu.memory_space<hbm>> -> memref<1x16x128xi32, #tpu.memory_space<hbm>>
      %dma_wait3A_20 = tpu.memref_squeeze %dma_wait3A_19 : memref<1x16x128xi32, #tpu.memory_space<hbm>> -> memref<16x128xi32, #tpu.memory_space<hbm>>
      tpu.wait_dma2 semaphore(%run_scoped3A : memref<!tpu.dma_semaphore, #tpu.memory_space<semaphore_mem>>) src(%dma_wait3A_20 : memref<16x128xi32, #tpu.memory_space<hbm>>) dst(%arg5 : memref<16x128xi32, #tpu.memory_space<vmem>>)
      tpu.yield
    }) : () -> ()
    %mul3A_1 = arith.constant 2048 : i32
    %mul3A_2 = arith.muli %add3A, %mul3A_1 : i32
    %multiple_of3A = tpu.assume_multiple %mul3A_2, 8 : i32
    %scan3A = arith.constant 0 : i32
    %scan3A_3 = arith.constant 8 : i32
    %scan3A_4 = arith.addi %scan3A, %scan3A_3 : i32
    %scan3A_5 = arith.constant 1 : i32
    scf.for %scan3A_7 = %scan3A to %scan3A_4 step %scan3A_5  : i32 {
      %mul3A_8 = arith.constant 1 : i32
      %mul3A_9 = arith.muli %scan3A_7, %mul3A_8 : i32
      %add3A_10 = arith.constant 0 : i32
      %add3A_11 = arith.addi %add3A_10, %mul3A_9 : i32
      %mul3A_12 = arith.constant 2 : i32
      %mul3A_13 = arith.muli %mul3A_12, %add3A_11 : i32
      %dma_start3A = arith.constant 0 : i32
      %dma_start3A_14 = tpu.memref_slice %arg5[%mul3A_13, %dma_start3A] : memref<16x128xi32, #tpu.memory_space<vmem>> -> memref<1x128xi32, #tpu.memory_space<vmem>>
      %dma_start3A_15 = tpu.memref_squeeze %dma_start3A_14 : memref<1x128xi32, #tpu.memory_space<vmem>> -> memref<128xi32, #tpu.memory_space<vmem>>
      %dma_start3A_16 = arith.constant 0 : i32
      %dma_start3A_17 = arith.constant 0 : i32
      %dma_start3A_18 = tpu.memref_slice %arg2[%dma_start3A_16, %dma_start3A_17] : memref<4096x128xf32, #tpu.memory_space<hbm>> -> memref<4096x128xf32, #tpu.memory_space<hbm>>
      tpu.enqueue_indirect_dma source(%dma_start3A_18 : memref<4096x128xf32, #tpu.memory_space<hbm>>) target(%arg6 : memref<128x128xf32, #tpu.memory_space<vmem>>) offsets(%dma_start3A_15 : memref<128xi32, #tpu.memory_space<vmem>>) semaphore(%arg8 : memref<!tpu.dma_semaphore, #tpu.memory_space<semaphore_mem>>)
      %add3A_19 = arith.constant 1 : i32
      %add3A_20 = arith.addi %mul3A_13, %add3A_19 : i32
      %dma_start3A_21 = arith.constant 0 : i32
      %dma_start3A_22 = tpu.memref_slice %arg5[%add3A_20, %dma_start3A_21] : memref<16x128xi32, #tpu.memory_space<vmem>> -> memref<1x128xi32, #tpu.memory_space<vmem>>
      %dma_start3A_23 = tpu.memref_squeeze %dma_start3A_22 : memref<1x128xi32, #tpu.memory_space<vmem>> -> memref<128xi32, #tpu.memory_space<vmem>>
      %dma_start3A_24 = arith.constant 0 : i32
      %dma_start3A_25 = arith.constant 0 : i32
      %dma_start3A_26 = tpu.memref_slice %arg2[%dma_start3A_24, %dma_start3A_25] : memref<4096x128xf32, #tpu.memory_space<hbm>> -> memref<4096x128xf32, #tpu.memory_space<hbm>>
      tpu.enqueue_indirect_dma source(%dma_start3A_26 : memref<4096x128xf32, #tpu.memory_space<hbm>>) target(%arg7 : memref<128x128xf32, #tpu.memory_space<vmem>>) offsets(%dma_start3A_23 : memref<128xi32, #tpu.memory_space<vmem>>) semaphore(%arg9 : memref<!tpu.dma_semaphore, #tpu.memory_space<semaphore_mem>>)
      %dma_wait3A = arith.constant 0 : i32
      %dma_wait3A_27 = tpu.memref_slice %arg5[%mul3A_13, %dma_wait3A] : memref<16x128xi32, #tpu.memory_space<vmem>> -> memref<1x128xi32, #tpu.memory_space<vmem>>
      %dma_wait3A_28 = tpu.memref_squeeze %dma_wait3A_27 : memref<1x128xi32, #tpu.memory_space<vmem>> -> memref<128xi32, #tpu.memory_space<vmem>>
      %dma_wait3A_29 = arith.constant 0 : i32
      %dma_wait3A_30 = arith.constant 0 : i32
      %dma_wait3A_31 = tpu.memref_slice %arg2[%dma_wait3A_29, %dma_wait3A_30] : memref<4096x128xf32, #tpu.memory_space<hbm>> -> memref<4096x128xf32, #tpu.memory_space<hbm>>
      tpu.wait_indirect_dma semaphore(%arg8 : memref<!tpu.dma_semaphore, #tpu.memory_space<semaphore_mem>>) src(%dma_wait3A_31 : memref<4096x128xf32, #tpu.memory_space<hbm>>) dst(%arg6 : memref<128x128xf32, #tpu.memory_space<vmem>>)
      %mul3A_32 = arith.constant 128 : i32
      %mul3A_33 = arith.muli %mul3A_13, %mul3A_32 : i32
      %add3A_34 = arith.addi %multiple_of3A, %mul3A_33 : i32
      %multiple_of3A_35 = tpu.assume_multiple %add3A_34, 8 : i32
      "tpu.region"() ({
        %run_scoped3A = tpu.sem_alloc : memref<!tpu.dma_semaphore, #tpu.memory_space<semaphore_mem>>
        %dma_start3A_48 = arith.constant 0 : i32
        %dma_start3A_49 = tpu.memref_slice %arg4[%multiple_of3A_35, %dma_start3A_48] : memref<65536x128xf32, #tpu.memory_space<hbm>> -> memref<128x128xf32, #tpu.memory_space<hbm>>
        %dma_start3A_50 = arith.constant 0 : i32
        %dma_start3A_51 = tpu.memref_slice %arg4[%multiple_of3A_35, %dma_start3A_50] : memref<65536x128xf32, #tpu.memory_space<hbm>> -> memref<128x128xf32, #tpu.memory_space<hbm>>
        tpu.enqueue_dma source(%arg6 : memref<128x128xf32, #tpu.memory_space<vmem>>) target(%dma_start3A_51 : memref<128x128xf32, #tpu.memory_space<hbm>>) target_semaphore(%run_scoped3A : memref<!tpu.dma_semaphore, #tpu.memory_space<semaphore_mem>>)
        %dma_wait3A_52 = arith.constant 0 : i32
        %dma_wait3A_53 = tpu.memref_slice %arg4[%multiple_of3A_35, %dma_wait3A_52] : memref<65536x128xf32, #tpu.memory_space<hbm>> -> memref<128x128xf32, #tpu.memory_space<hbm>>
        %dma_wait3A_54 = arith.constant 0 : i32
        %dma_wait3A_55 = tpu.memref_slice %arg4[%multiple_of3A_35, %dma_wait3A_54] : memref<65536x128xf32, #tpu.memory_space<hbm>> -> memref<128x128xf32, #tpu.memory_space<hbm>>
        tpu.wait_dma2 semaphore(%run_scoped3A : memref<!tpu.dma_semaphore, #tpu.memory_space<semaphore_mem>>) src(%arg6 : memref<128x128xf32, #tpu.memory_space<vmem>>) dst(%dma_wait3A_55 : memref<128x128xf32, #tpu.memory_space<hbm>>)
        tpu.yield
      }) : () -> ()
      %dma_wait3A_36 = arith.constant 0 : i32
      %dma_wait3A_37 = tpu.memref_slice %arg5[%add3A_20, %dma_wait3A_36] : memref<16x128xi32, #tpu.memory_space<vmem>> -> memref<1x128xi32, #tpu.memory_space<vmem>>
      %dma_wait3A_38 = tpu.memref_squeeze %dma_wait3A_37 : memref<1x128xi32, #tpu.memory_space<vmem>> -> memref<128xi32, #tpu.memory_space<vmem>>
      %dma_wait3A_39 = arith.constant 0 : i32
      %dma_wait3A_40 = arith.constant 0 : i32
      %dma_wait3A_41 = tpu.memref_slice %arg2[%dma_wait3A_39, %dma_wait3A_40] : memref<4096x128xf32, #tpu.memory_space<hbm>> -> memref<4096x128xf32, #tpu.memory_space<hbm>>
      tpu.wait_indirect_dma semaphore(%arg9 : memref<!tpu.dma_semaphore, #tpu.memory_space<semaphore_mem>>) src(%dma_wait3A_41 : memref<4096x128xf32, #tpu.memory_space<hbm>>) dst(%arg7 : memref<128x128xf32, #tpu.memory_space<vmem>>)
      %add3A_42 = arith.constant 1 : i32
      %add3A_43 = arith.addi %mul3A_13, %add3A_42 : i32
      %mul3A_44 = arith.constant 128 : i32
      %mul3A_45 = arith.muli %add3A_43, %mul3A_44 : i32
      %add3A_46 = arith.addi %multiple_of3A, %mul3A_45 : i32
      %multiple_of3A_47 = tpu.assume_multiple %add3A_46, 8 : i32
      "tpu.region"() ({
        %run_scoped3A = tpu.sem_alloc : memref<!tpu.dma_semaphore, #tpu.memory_space<semaphore_mem>>
        %dma_start3A_48 = arith.constant 0 : i32
        %dma_start3A_49 = tpu.memref_slice %arg4[%multiple_of3A_47, %dma_start3A_48] : memref<65536x128xf32, #tpu.memory_space<hbm>> -> memref<128x128xf32, #tpu.memory_space<hbm>>
        %dma_start3A_50 = arith.constant 0 : i32
        %dma_start3A_51 = tpu.memref_slice %arg4[%multiple_of3A_47, %dma_start3A_50] : memref<65536x128xf32, #tpu.memory_space<hbm>> -> memref<128x128xf32, #tpu.memory_space<hbm>>
        tpu.enqueue_dma source(%arg7 : memref<128x128xf32, #tpu.memory_space<vmem>>) target(%dma_start3A_51 : memref<128x128xf32, #tpu.memory_space<hbm>>) target_semaphore(%run_scoped3A : memref<!tpu.dma_semaphore, #tpu.memory_space<semaphore_mem>>)
        %dma_wait3A_52 = arith.constant 0 : i32
        %dma_wait3A_53 = tpu.memref_slice %arg4[%multiple_of3A_47, %dma_wait3A_52] : memref<65536x128xf32, #tpu.memory_space<hbm>> -> memref<128x128xf32, #tpu.memory_space<hbm>>
        %dma_wait3A_54 = arith.constant 0 : i32
        %dma_wait3A_55 = tpu.memref_slice %arg4[%multiple_of3A_47, %dma_wait3A_54] : memref<65536x128xf32, #tpu.memory_space<hbm>> -> memref<128x128xf32, #tpu.memory_space<hbm>>
        tpu.wait_dma2 semaphore(%run_scoped3A : memref<!tpu.dma_semaphore, #tpu.memory_space<semaphore_mem>>) src(%arg7 : memref<128x128xf32, #tpu.memory_space<vmem>>) dst(%dma_wait3A_55 : memref<128x128xf32, #tpu.memory_space<hbm>>)
        tpu.yield
      }) : () -> ()
    }
    %scan3A_6 = arith.constant 8 : i32
    return
  }
}

#map = affine_map<(d0, d1) -> (0, 0)>
#map1 = affine_map<(d0, d1) -> (0, 0, 0)>
module attributes {stable_mosaic.version = 14 : i64} {
  func.func @_sc_gather_body(%arg0: i32, %arg1: i32, %arg2: memref<8192x128xf32, #tpu.memory_space<hbm>>, %arg3: memref<32x1x128xi32, #tpu.memory_space<hbm>>, %arg4: memref<4096x128xf32, #tpu.memory_space<hbm>>, %arg5: memref<1x128xi32, #tpu.memory_space<vmem>>, %arg6: memref<128x128xf32, #tpu.memory_space<vmem>>, %arg7: memref<128x128xf32, #tpu.memory_space<vmem>>, %arg8: memref<!tpu.dma_semaphore, #tpu.memory_space<semaphore_mem>>, %arg9: memref<!tpu.dma_semaphore, #tpu.memory_space<semaphore_mem>>) attributes {dimension_semantics = [#tpu.dimension_semantics<core_parallel>, #tpu.dimension_semantics<subcore_parallel>], iteration_bounds = array<i64: 2, 16>, scalar_prefetch = 0 : i64, scratch_operands = 5 : i64, tpu.core_type = #tpu.core_type<sc_vector_subcore>, window_params = [{transform_indices = #map}, {transform_indices = #map1}, {transform_indices = #map}]} {
    %mul3A = arith.constant 2 : i32
    %mul3A_0 = arith.muli %arg1, %mul3A : i32
    %add3A = arith.addi %mul3A_0, %arg0 : i32
    "tpu.region"() ({
      %run_scoped3A = tpu.sem_alloc : memref<!tpu.dma_semaphore, #tpu.memory_space<semaphore_mem>>
      %dma_start3A_15 = arith.constant 0 : i32
      %dma_start3A_16 = arith.constant 0 : i32
      %dma_start3A_17 = tpu.memref_slice %arg3[%add3A, %dma_start3A_15, %dma_start3A_16] : memref<32x1x128xi32, #tpu.memory_space<hbm>> -> memref<1x1x128xi32, #tpu.memory_space<hbm>>
      %dma_start3A_18 = tpu.memref_squeeze %dma_start3A_17 : memref<1x1x128xi32, #tpu.memory_space<hbm>> -> memref<1x128xi32, #tpu.memory_space<hbm>>
      %dma_start3A_19 = arith.constant 0 : i32
      %dma_start3A_20 = arith.constant 0 : i32
      %dma_start3A_21 = tpu.memref_slice %arg3[%add3A, %dma_start3A_19, %dma_start3A_20] : memref<32x1x128xi32, #tpu.memory_space<hbm>> -> memref<1x1x128xi32, #tpu.memory_space<hbm>>
      %dma_start3A_22 = tpu.memref_squeeze %dma_start3A_21 : memref<1x1x128xi32, #tpu.memory_space<hbm>> -> memref<1x128xi32, #tpu.memory_space<hbm>>
      tpu.enqueue_dma source(%dma_start3A_22 : memref<1x128xi32, #tpu.memory_space<hbm>>) target(%arg5 : memref<1x128xi32, #tpu.memory_space<vmem>>) target_semaphore(%run_scoped3A : memref<!tpu.dma_semaphore, #tpu.memory_space<semaphore_mem>>)
      %dma_wait3A_23 = arith.constant 0 : i32
      %dma_wait3A_24 = arith.constant 0 : i32
      %dma_wait3A_25 = tpu.memref_slice %arg3[%add3A, %dma_wait3A_23, %dma_wait3A_24] : memref<32x1x128xi32, #tpu.memory_space<hbm>> -> memref<1x1x128xi32, #tpu.memory_space<hbm>>
      %dma_wait3A_26 = tpu.memref_squeeze %dma_wait3A_25 : memref<1x1x128xi32, #tpu.memory_space<hbm>> -> memref<1x128xi32, #tpu.memory_space<hbm>>
      %dma_wait3A_27 = arith.constant 0 : i32
      %dma_wait3A_28 = arith.constant 0 : i32
      %dma_wait3A_29 = tpu.memref_slice %arg3[%add3A, %dma_wait3A_27, %dma_wait3A_28] : memref<32x1x128xi32, #tpu.memory_space<hbm>> -> memref<1x1x128xi32, #tpu.memory_space<hbm>>
      %dma_wait3A_30 = tpu.memref_squeeze %dma_wait3A_29 : memref<1x1x128xi32, #tpu.memory_space<hbm>> -> memref<1x128xi32, #tpu.memory_space<hbm>>
      tpu.wait_dma2 semaphore(%run_scoped3A : memref<!tpu.dma_semaphore, #tpu.memory_space<semaphore_mem>>) src(%dma_wait3A_30 : memref<1x128xi32, #tpu.memory_space<hbm>>) dst(%arg5 : memref<1x128xi32, #tpu.memory_space<vmem>>)
      tpu.yield
    }) : () -> ()
    %mul3A_1 = arith.constant 128 : i32
    %mul3A_2 = arith.muli %add3A, %mul3A_1 : i32
    %multiple_of3A = tpu.assume_multiple %mul3A_2, 8 : i32
    %dma_start3A = arith.constant 0 : i32
    %dma_start3A_3 = arith.constant 0 : i32
    %dma_start3A_4 = tpu.memref_slice %arg5[%dma_start3A, %dma_start3A_3] : memref<1x128xi32, #tpu.memory_space<vmem>> -> memref<1x128xi32, #tpu.memory_space<vmem>>
    %dma_start3A_5 = tpu.memref_squeeze %dma_start3A_4 : memref<1x128xi32, #tpu.memory_space<vmem>> -> memref<128xi32, #tpu.memory_space<vmem>>
    %dma_start3A_6 = arith.constant 0 : i32
    %dma_start3A_7 = arith.constant 0 : i32
    %dma_start3A_8 = tpu.memref_slice %arg2[%dma_start3A_6, %dma_start3A_7] : memref<8192x128xf32, #tpu.memory_space<hbm>> -> memref<8192x128xf32, #tpu.memory_space<hbm>>
    tpu.enqueue_indirect_dma source(%dma_start3A_8 : memref<8192x128xf32, #tpu.memory_space<hbm>>) target(%arg6 : memref<128x128xf32, #tpu.memory_space<vmem>>) offsets(%dma_start3A_5 : memref<128xi32, #tpu.memory_space<vmem>>) semaphore(%arg8 : memref<!tpu.dma_semaphore, #tpu.memory_space<semaphore_mem>>)
    %dma_wait3A = arith.constant 0 : i32
    %dma_wait3A_9 = arith.constant 0 : i32
    %dma_wait3A_10 = tpu.memref_slice %arg5[%dma_wait3A, %dma_wait3A_9] : memref<1x128xi32, #tpu.memory_space<vmem>> -> memref<1x128xi32, #tpu.memory_space<vmem>>
    %dma_wait3A_11 = tpu.memref_squeeze %dma_wait3A_10 : memref<1x128xi32, #tpu.memory_space<vmem>> -> memref<128xi32, #tpu.memory_space<vmem>>
    %dma_wait3A_12 = arith.constant 0 : i32
    %dma_wait3A_13 = arith.constant 0 : i32
    %dma_wait3A_14 = tpu.memref_slice %arg2[%dma_wait3A_12, %dma_wait3A_13] : memref<8192x128xf32, #tpu.memory_space<hbm>> -> memref<8192x128xf32, #tpu.memory_space<hbm>>
    tpu.wait_indirect_dma semaphore(%arg8 : memref<!tpu.dma_semaphore, #tpu.memory_space<semaphore_mem>>) src(%dma_wait3A_14 : memref<8192x128xf32, #tpu.memory_space<hbm>>) dst(%arg6 : memref<128x128xf32, #tpu.memory_space<vmem>>)
    "tpu.region"() ({
      %run_scoped3A = tpu.sem_alloc : memref<!tpu.dma_semaphore, #tpu.memory_space<semaphore_mem>>
      %dma_start3A_15 = arith.constant 0 : i32
      %dma_start3A_16 = tpu.memref_slice %arg4[%multiple_of3A, %dma_start3A_15] : memref<4096x128xf32, #tpu.memory_space<hbm>> -> memref<128x128xf32, #tpu.memory_space<hbm>>
      %dma_start3A_17 = arith.constant 0 : i32
      %dma_start3A_18 = tpu.memref_slice %arg4[%multiple_of3A, %dma_start3A_17] : memref<4096x128xf32, #tpu.memory_space<hbm>> -> memref<128x128xf32, #tpu.memory_space<hbm>>
      tpu.enqueue_dma source(%arg6 : memref<128x128xf32, #tpu.memory_space<vmem>>) target(%dma_start3A_18 : memref<128x128xf32, #tpu.memory_space<hbm>>) target_semaphore(%run_scoped3A : memref<!tpu.dma_semaphore, #tpu.memory_space<semaphore_mem>>)
      %dma_wait3A_19 = arith.constant 0 : i32
      %dma_wait3A_20 = tpu.memref_slice %arg4[%multiple_of3A, %dma_wait3A_19] : memref<4096x128xf32, #tpu.memory_space<hbm>> -> memref<128x128xf32, #tpu.memory_space<hbm>>
      %dma_wait3A_21 = arith.constant 0 : i32
      %dma_wait3A_22 = tpu.memref_slice %arg4[%multiple_of3A, %dma_wait3A_21] : memref<4096x128xf32, #tpu.memory_space<hbm>> -> memref<128x128xf32, #tpu.memory_space<hbm>>
      tpu.wait_dma2 semaphore(%run_scoped3A : memref<!tpu.dma_semaphore, #tpu.memory_space<semaphore_mem>>) src(%arg6 : memref<128x128xf32, #tpu.memory_space<vmem>>) dst(%dma_wait3A_22 : memref<128x128xf32, #tpu.memory_space<hbm>>)
      tpu.yield
    }) : () -> ()
    return
  }
}

#map = affine_map<(d0, d1) -> (0, 0)>
#map1 = affine_map<(d0, d1) -> (0, 0, 0)>
module attributes {stable_mosaic.version = 14 : i64} {
  func.func @_sc_gather_body(%arg0: i32, %arg1: i32, %arg2: memref<4096x256xf32, #tpu.memory_space<hbm>>, %arg3: memref<32x1x64xi32, #tpu.memory_space<hbm>>, %arg4: memref<2048x256xf32, #tpu.memory_space<hbm>>, %arg5: memref<1x64xi32, #tpu.memory_space<vmem>>, %arg6: memref<64x256xf32, #tpu.memory_space<vmem>>, %arg7: memref<64x256xf32, #tpu.memory_space<vmem>>, %arg8: memref<!tpu.dma_semaphore, #tpu.memory_space<semaphore_mem>>, %arg9: memref<!tpu.dma_semaphore, #tpu.memory_space<semaphore_mem>>) attributes {dimension_semantics = [#tpu.dimension_semantics<core_parallel>, #tpu.dimension_semantics<subcore_parallel>], iteration_bounds = array<i64: 2, 16>, scalar_prefetch = 0 : i64, scratch_operands = 5 : i64, tpu.core_type = #tpu.core_type<sc_vector_subcore>, window_params = [{transform_indices = #map}, {transform_indices = #map1}, {transform_indices = #map}]} {
    %mul3A = arith.constant 2 : i32
    %mul3A_0 = arith.muli %arg1, %mul3A : i32
    %add3A = arith.addi %mul3A_0, %arg0 : i32
    "tpu.region"() ({
      %run_scoped3A = tpu.sem_alloc : memref<!tpu.dma_semaphore, #tpu.memory_space<semaphore_mem>>
      %dma_start3A_15 = arith.constant 0 : i32
      %dma_start3A_16 = arith.constant 0 : i32
      %dma_start3A_17 = tpu.memref_slice %arg3[%add3A, %dma_start3A_15, %dma_start3A_16] : memref<32x1x64xi32, #tpu.memory_space<hbm>> -> memref<1x1x64xi32, #tpu.memory_space<hbm>>
      %dma_start3A_18 = tpu.memref_squeeze %dma_start3A_17 : memref<1x1x64xi32, #tpu.memory_space<hbm>> -> memref<1x64xi32, #tpu.memory_space<hbm>>
      %dma_start3A_19 = arith.constant 0 : i32
      %dma_start3A_20 = arith.constant 0 : i32
      %dma_start3A_21 = tpu.memref_slice %arg3[%add3A, %dma_start3A_19, %dma_start3A_20] : memref<32x1x64xi32, #tpu.memory_space<hbm>> -> memref<1x1x64xi32, #tpu.memory_space<hbm>>
      %dma_start3A_22 = tpu.memref_squeeze %dma_start3A_21 : memref<1x1x64xi32, #tpu.memory_space<hbm>> -> memref<1x64xi32, #tpu.memory_space<hbm>>
      tpu.enqueue_dma source(%dma_start3A_22 : memref<1x64xi32, #tpu.memory_space<hbm>>) target(%arg5 : memref<1x64xi32, #tpu.memory_space<vmem>>) target_semaphore(%run_scoped3A : memref<!tpu.dma_semaphore, #tpu.memory_space<semaphore_mem>>)
      %dma_wait3A_23 = arith.constant 0 : i32
      %dma_wait3A_24 = arith.constant 0 : i32
      %dma_wait3A_25 = tpu.memref_slice %arg3[%add3A, %dma_wait3A_23, %dma_wait3A_24] : memref<32x1x64xi32, #tpu.memory_space<hbm>> -> memref<1x1x64xi32, #tpu.memory_space<hbm>>
      %dma_wait3A_26 = tpu.memref_squeeze %dma_wait3A_25 : memref<1x1x64xi32, #tpu.memory_space<hbm>> -> memref<1x64xi32, #tpu.memory_space<hbm>>
      %dma_wait3A_27 = arith.constant 0 : i32
      %dma_wait3A_28 = arith.constant 0 : i32
      %dma_wait3A_29 = tpu.memref_slice %arg3[%add3A, %dma_wait3A_27, %dma_wait3A_28] : memref<32x1x64xi32, #tpu.memory_space<hbm>> -> memref<1x1x64xi32, #tpu.memory_space<hbm>>
      %dma_wait3A_30 = tpu.memref_squeeze %dma_wait3A_29 : memref<1x1x64xi32, #tpu.memory_space<hbm>> -> memref<1x64xi32, #tpu.memory_space<hbm>>
      tpu.wait_dma2 semaphore(%run_scoped3A : memref<!tpu.dma_semaphore, #tpu.memory_space<semaphore_mem>>) src(%dma_wait3A_30 : memref<1x64xi32, #tpu.memory_space<hbm>>) dst(%arg5 : memref<1x64xi32, #tpu.memory_space<vmem>>)
      tpu.yield
    }) : () -> ()
    %mul3A_1 = arith.constant 64 : i32
    %mul3A_2 = arith.muli %add3A, %mul3A_1 : i32
    %multiple_of3A = tpu.assume_multiple %mul3A_2, 8 : i32
    %dma_start3A = arith.constant 0 : i32
    %dma_start3A_3 = arith.constant 0 : i32
    %dma_start3A_4 = tpu.memref_slice %arg5[%dma_start3A, %dma_start3A_3] : memref<1x64xi32, #tpu.memory_space<vmem>> -> memref<1x64xi32, #tpu.memory_space<vmem>>
    %dma_start3A_5 = tpu.memref_squeeze %dma_start3A_4 : memref<1x64xi32, #tpu.memory_space<vmem>> -> memref<64xi32, #tpu.memory_space<vmem>>
    %dma_start3A_6 = arith.constant 0 : i32
    %dma_start3A_7 = arith.constant 0 : i32
    %dma_start3A_8 = tpu.memref_slice %arg2[%dma_start3A_6, %dma_start3A_7] : memref<4096x256xf32, #tpu.memory_space<hbm>> -> memref<4096x256xf32, #tpu.memory_space<hbm>>
    tpu.enqueue_indirect_dma source(%dma_start3A_8 : memref<4096x256xf32, #tpu.memory_space<hbm>>) target(%arg6 : memref<64x256xf32, #tpu.memory_space<vmem>>) offsets(%dma_start3A_5 : memref<64xi32, #tpu.memory_space<vmem>>) semaphore(%arg8 : memref<!tpu.dma_semaphore, #tpu.memory_space<semaphore_mem>>)
    %dma_wait3A = arith.constant 0 : i32
    %dma_wait3A_9 = arith.constant 0 : i32
    %dma_wait3A_10 = tpu.memref_slice %arg5[%dma_wait3A, %dma_wait3A_9] : memref<1x64xi32, #tpu.memory_space<vmem>> -> memref<1x64xi32, #tpu.memory_space<vmem>>
    %dma_wait3A_11 = tpu.memref_squeeze %dma_wait3A_10 : memref<1x64xi32, #tpu.memory_space<vmem>> -> memref<64xi32, #tpu.memory_space<vmem>>
    %dma_wait3A_12 = arith.constant 0 : i32
    %dma_wait3A_13 = arith.constant 0 : i32
    %dma_wait3A_14 = tpu.memref_slice %arg2[%dma_wait3A_12, %dma_wait3A_13] : memref<4096x256xf32, #tpu.memory_space<hbm>> -> memref<4096x256xf32, #tpu.memory_space<hbm>>
    tpu.wait_indirect_dma semaphore(%arg8 : memref<!tpu.dma_semaphore, #tpu.memory_space<semaphore_mem>>) src(%dma_wait3A_14 : memref<4096x256xf32, #tpu.memory_space<hbm>>) dst(%arg6 : memref<64x256xf32, #tpu.memory_space<vmem>>)
    "tpu.region"() ({
      %run_scoped3A = tpu.sem_alloc : memref<!tpu.dma_semaphore, #tpu.memory_space<semaphore_mem>>
      %dma_start3A_15 = arith.constant 0 : i32
      %dma_start3A_16 = tpu.memref_slice %arg4[%multiple_of3A, %dma_start3A_15] : memref<2048x256xf32, #tpu.memory_space<hbm>> -> memref<64x256xf32, #tpu.memory_space<hbm>>
      %dma_start3A_17 = arith.constant 0 : i32
      %dma_start3A_18 = tpu.memref_slice %arg4[%multiple_of3A, %dma_start3A_17] : memref<2048x256xf32, #tpu.memory_space<hbm>> -> memref<64x256xf32, #tpu.memory_space<hbm>>
      tpu.enqueue_dma source(%arg6 : memref<64x256xf32, #tpu.memory_space<vmem>>) target(%dma_start3A_18 : memref<64x256xf32, #tpu.memory_space<hbm>>) target_semaphore(%run_scoped3A : memref<!tpu.dma_semaphore, #tpu.memory_space<semaphore_mem>>)
      %dma_wait3A_19 = arith.constant 0 : i32
      %dma_wait3A_20 = tpu.memref_slice %arg4[%multiple_of3A, %dma_wait3A_19] : memref<2048x256xf32, #tpu.memory_space<hbm>> -> memref<64x256xf32, #tpu.memory_space<hbm>>
      %dma_wait3A_21 = arith.constant 0 : i32
      %dma_wait3A_22 = tpu.memref_slice %arg4[%multiple_of3A, %dma_wait3A_21] : memref<2048x256xf32, #tpu.memory_space<hbm>> -> memref<64x256xf32, #tpu.memory_space<hbm>>
      tpu.wait_dma2 semaphore(%run_scoped3A : memref<!tpu.dma_semaphore, #tpu.memory_space<semaphore_mem>>) src(%arg6 : memref<64x256xf32, #tpu.memory_space<vmem>>) dst(%dma_wait3A_22 : memref<64x256xf32, #tpu.memory_space<hbm>>)
      tpu.yield
    }) : () -> ()
    return
  }
}

#map = affine_map<(d0, d1) -> (0, 0)>
#map1 = affine_map<(d0, d1) -> (0, 0, 0)>
module attributes {stable_mosaic.version = 14 : i64} {
  func.func @_sc_gather_body(%arg0: i32, %arg1: i32, %arg2: memref<2048x256xf32, #tpu.memory_space<hbm>>, %arg3: memref<32x8x128xi32, #tpu.memory_space<hbm>>, %arg4: memref<32768x256xf32, #tpu.memory_space<hbm>>, %arg5: memref<8x128xi32, #tpu.memory_space<vmem>>, %arg6: memref<128x256xf32, #tpu.memory_space<vmem>>, %arg7: memref<128x256xf32, #tpu.memory_space<vmem>>, %arg8: memref<!tpu.dma_semaphore, #tpu.memory_space<semaphore_mem>>, %arg9: memref<!tpu.dma_semaphore, #tpu.memory_space<semaphore_mem>>) attributes {dimension_semantics = [#tpu.dimension_semantics<core_parallel>, #tpu.dimension_semantics<subcore_parallel>], iteration_bounds = array<i64: 2, 16>, scalar_prefetch = 0 : i64, scratch_operands = 5 : i64, tpu.core_type = #tpu.core_type<sc_vector_subcore>, window_params = [{transform_indices = #map}, {transform_indices = #map1}, {transform_indices = #map}]} {
    %mul3A = arith.constant 2 : i32
    %mul3A_0 = arith.muli %arg1, %mul3A : i32
    %add3A = arith.addi %mul3A_0, %arg0 : i32
    "tpu.region"() ({
      %run_scoped3A = tpu.sem_alloc : memref<!tpu.dma_semaphore, #tpu.memory_space<semaphore_mem>>
      %dma_start3A = arith.constant 0 : i32
      %dma_start3A_7 = arith.constant 0 : i32
      %dma_start3A_8 = tpu.memref_slice %arg3[%add3A, %dma_start3A, %dma_start3A_7] : memref<32x8x128xi32, #tpu.memory_space<hbm>> -> memref<1x8x128xi32, #tpu.memory_space<hbm>>
      %dma_start3A_9 = tpu.memref_squeeze %dma_start3A_8 : memref<1x8x128xi32, #tpu.memory_space<hbm>> -> memref<8x128xi32, #tpu.memory_space<hbm>>
      %dma_start3A_10 = arith.constant 0 : i32
      %dma_start3A_11 = arith.constant 0 : i32
      %dma_start3A_12 = tpu.memref_slice %arg3[%add3A, %dma_start3A_10, %dma_start3A_11] : memref<32x8x128xi32, #tpu.memory_space<hbm>> -> memref<1x8x128xi32, #tpu.memory_space<hbm>>
      %dma_start3A_13 = tpu.memref_squeeze %dma_start3A_12 : memref<1x8x128xi32, #tpu.memory_space<hbm>> -> memref<8x128xi32, #tpu.memory_space<hbm>>
      tpu.enqueue_dma source(%dma_start3A_13 : memref<8x128xi32, #tpu.memory_space<hbm>>) target(%arg5 : memref<8x128xi32, #tpu.memory_space<vmem>>) target_semaphore(%run_scoped3A : memref<!tpu.dma_semaphore, #tpu.memory_space<semaphore_mem>>)
      %dma_wait3A = arith.constant 0 : i32
      %dma_wait3A_14 = arith.constant 0 : i32
      %dma_wait3A_15 = tpu.memref_slice %arg3[%add3A, %dma_wait3A, %dma_wait3A_14] : memref<32x8x128xi32, #tpu.memory_space<hbm>> -> memref<1x8x128xi32, #tpu.memory_space<hbm>>
      %dma_wait3A_16 = tpu.memref_squeeze %dma_wait3A_15 : memref<1x8x128xi32, #tpu.memory_space<hbm>> -> memref<8x128xi32, #tpu.memory_space<hbm>>
      %dma_wait3A_17 = arith.constant 0 : i32
      %dma_wait3A_18 = arith.constant 0 : i32
      %dma_wait3A_19 = tpu.memref_slice %arg3[%add3A, %dma_wait3A_17, %dma_wait3A_18] : memref<32x8x128xi32, #tpu.memory_space<hbm>> -> memref<1x8x128xi32, #tpu.memory_space<hbm>>
      %dma_wait3A_20 = tpu.memref_squeeze %dma_wait3A_19 : memref<1x8x128xi32, #tpu.memory_space<hbm>> -> memref<8x128xi32, #tpu.memory_space<hbm>>
      tpu.wait_dma2 semaphore(%run_scoped3A : memref<!tpu.dma_semaphore, #tpu.memory_space<semaphore_mem>>) src(%dma_wait3A_20 : memref<8x128xi32, #tpu.memory_space<hbm>>) dst(%arg5 : memref<8x128xi32, #tpu.memory_space<vmem>>)
      tpu.yield
    }) : () -> ()
    %mul3A_1 = arith.constant 1024 : i32
    %mul3A_2 = arith.muli %add3A, %mul3A_1 : i32
    %multiple_of3A = tpu.assume_multiple %mul3A_2, 8 : i32
    %scan3A = arith.constant 0 : i32
    %scan3A_3 = arith.constant 4 : i32
    %scan3A_4 = arith.addi %scan3A, %scan3A_3 : i32
    %scan3A_5 = arith.constant 1 : i32
    scf.for %scan3A_7 = %scan3A to %scan3A_4 step %scan3A_5  : i32 {
      %mul3A_8 = arith.constant 1 : i32
      %mul3A_9 = arith.muli %scan3A_7, %mul3A_8 : i32
      %add3A_10 = arith.constant 0 : i32
      %add3A_11 = arith.addi %add3A_10, %mul3A_9 : i32
      %mul3A_12 = arith.constant 2 : i32
      %mul3A_13 = arith.muli %mul3A_12, %add3A_11 : i32
      %dma_start3A = arith.constant 0 : i32
      %dma_start3A_14 = tpu.memref_slice %arg5[%mul3A_13, %dma_start3A] : memref<8x128xi32, #tpu.memory_space<vmem>> -> memref<1x128xi32, #tpu.memory_space<vmem>>
      %dma_start3A_15 = tpu.memref_squeeze %dma_start3A_14 : memref<1x128xi32, #tpu.memory_space<vmem>> -> memref<128xi32, #tpu.memory_space<vmem>>
      %dma_start3A_16 = arith.constant 0 : i32
      %dma_start3A_17 = arith.constant 0 : i32
      %dma_start3A_18 = tpu.memref_slice %arg2[%dma_start3A_16, %dma_start3A_17] : memref<2048x256xf32, #tpu.memory_space<hbm>> -> memref<2048x256xf32, #tpu.memory_space<hbm>>
      tpu.enqueue_indirect_dma source(%dma_start3A_18 : memref<2048x256xf32, #tpu.memory_space<hbm>>) target(%arg6 : memref<128x256xf32, #tpu.memory_space<vmem>>) offsets(%dma_start3A_15 : memref<128xi32, #tpu.memory_space<vmem>>) semaphore(%arg8 : memref<!tpu.dma_semaphore, #tpu.memory_space<semaphore_mem>>)
      %add3A_19 = arith.constant 1 : i32
      %add3A_20 = arith.addi %mul3A_13, %add3A_19 : i32
      %dma_start3A_21 = arith.constant 0 : i32
      %dma_start3A_22 = tpu.memref_slice %arg5[%add3A_20, %dma_start3A_21] : memref<8x128xi32, #tpu.memory_space<vmem>> -> memref<1x128xi32, #tpu.memory_space<vmem>>
      %dma_start3A_23 = tpu.memref_squeeze %dma_start3A_22 : memref<1x128xi32, #tpu.memory_space<vmem>> -> memref<128xi32, #tpu.memory_space<vmem>>
      %dma_start3A_24 = arith.constant 0 : i32
      %dma_start3A_25 = arith.constant 0 : i32
      %dma_start3A_26 = tpu.memref_slice %arg2[%dma_start3A_24, %dma_start3A_25] : memref<2048x256xf32, #tpu.memory_space<hbm>> -> memref<2048x256xf32, #tpu.memory_space<hbm>>
      tpu.enqueue_indirect_dma source(%dma_start3A_26 : memref<2048x256xf32, #tpu.memory_space<hbm>>) target(%arg7 : memref<128x256xf32, #tpu.memory_space<vmem>>) offsets(%dma_start3A_23 : memref<128xi32, #tpu.memory_space<vmem>>) semaphore(%arg9 : memref<!tpu.dma_semaphore, #tpu.memory_space<semaphore_mem>>)
      %dma_wait3A = arith.constant 0 : i32
      %dma_wait3A_27 = tpu.memref_slice %arg5[%mul3A_13, %dma_wait3A] : memref<8x128xi32, #tpu.memory_space<vmem>> -> memref<1x128xi32, #tpu.memory_space<vmem>>
      %dma_wait3A_28 = tpu.memref_squeeze %dma_wait3A_27 : memref<1x128xi32, #tpu.memory_space<vmem>> -> memref<128xi32, #tpu.memory_space<vmem>>
      %dma_wait3A_29 = arith.constant 0 : i32
      %dma_wait3A_30 = arith.constant 0 : i32
      %dma_wait3A_31 = tpu.memref_slice %arg2[%dma_wait3A_29, %dma_wait3A_30] : memref<2048x256xf32, #tpu.memory_space<hbm>> -> memref<2048x256xf32, #tpu.memory_space<hbm>>
      tpu.wait_indirect_dma semaphore(%arg8 : memref<!tpu.dma_semaphore, #tpu.memory_space<semaphore_mem>>) src(%dma_wait3A_31 : memref<2048x256xf32, #tpu.memory_space<hbm>>) dst(%arg6 : memref<128x256xf32, #tpu.memory_space<vmem>>)
      %mul3A_32 = arith.constant 128 : i32
      %mul3A_33 = arith.muli %mul3A_13, %mul3A_32 : i32
      %add3A_34 = arith.addi %multiple_of3A, %mul3A_33 : i32
      %multiple_of3A_35 = tpu.assume_multiple %add3A_34, 8 : i32
      "tpu.region"() ({
        %run_scoped3A = tpu.sem_alloc : memref<!tpu.dma_semaphore, #tpu.memory_space<semaphore_mem>>
        %dma_start3A_48 = arith.constant 0 : i32
        %dma_start3A_49 = tpu.memref_slice %arg4[%multiple_of3A_35, %dma_start3A_48] : memref<32768x256xf32, #tpu.memory_space<hbm>> -> memref<128x256xf32, #tpu.memory_space<hbm>>
        %dma_start3A_50 = arith.constant 0 : i32
        %dma_start3A_51 = tpu.memref_slice %arg4[%multiple_of3A_35, %dma_start3A_50] : memref<32768x256xf32, #tpu.memory_space<hbm>> -> memref<128x256xf32, #tpu.memory_space<hbm>>
        tpu.enqueue_dma source(%arg6 : memref<128x256xf32, #tpu.memory_space<vmem>>) target(%dma_start3A_51 : memref<128x256xf32, #tpu.memory_space<hbm>>) target_semaphore(%run_scoped3A : memref<!tpu.dma_semaphore, #tpu.memory_space<semaphore_mem>>)
        %dma_wait3A_52 = arith.constant 0 : i32
        %dma_wait3A_53 = tpu.memref_slice %arg4[%multiple_of3A_35, %dma_wait3A_52] : memref<32768x256xf32, #tpu.memory_space<hbm>> -> memref<128x256xf32, #tpu.memory_space<hbm>>
        %dma_wait3A_54 = arith.constant 0 : i32
        %dma_wait3A_55 = tpu.memref_slice %arg4[%multiple_of3A_35, %dma_wait3A_54] : memref<32768x256xf32, #tpu.memory_space<hbm>> -> memref<128x256xf32, #tpu.memory_space<hbm>>
        tpu.wait_dma2 semaphore(%run_scoped3A : memref<!tpu.dma_semaphore, #tpu.memory_space<semaphore_mem>>) src(%arg6 : memref<128x256xf32, #tpu.memory_space<vmem>>) dst(%dma_wait3A_55 : memref<128x256xf32, #tpu.memory_space<hbm>>)
        tpu.yield
      }) : () -> ()
      %dma_wait3A_36 = arith.constant 0 : i32
      %dma_wait3A_37 = tpu.memref_slice %arg5[%add3A_20, %dma_wait3A_36] : memref<8x128xi32, #tpu.memory_space<vmem>> -> memref<1x128xi32, #tpu.memory_space<vmem>>
      %dma_wait3A_38 = tpu.memref_squeeze %dma_wait3A_37 : memref<1x128xi32, #tpu.memory_space<vmem>> -> memref<128xi32, #tpu.memory_space<vmem>>
      %dma_wait3A_39 = arith.constant 0 : i32
      %dma_wait3A_40 = arith.constant 0 : i32
      %dma_wait3A_41 = tpu.memref_slice %arg2[%dma_wait3A_39, %dma_wait3A_40] : memref<2048x256xf32, #tpu.memory_space<hbm>> -> memref<2048x256xf32, #tpu.memory_space<hbm>>
      tpu.wait_indirect_dma semaphore(%arg9 : memref<!tpu.dma_semaphore, #tpu.memory_space<semaphore_mem>>) src(%dma_wait3A_41 : memref<2048x256xf32, #tpu.memory_space<hbm>>) dst(%arg7 : memref<128x256xf32, #tpu.memory_space<vmem>>)
      %add3A_42 = arith.constant 1 : i32
      %add3A_43 = arith.addi %mul3A_13, %add3A_42 : i32
      %mul3A_44 = arith.constant 128 : i32
      %mul3A_45 = arith.muli %add3A_43, %mul3A_44 : i32
      %add3A_46 = arith.addi %multiple_of3A, %mul3A_45 : i32
      %multiple_of3A_47 = tpu.assume_multiple %add3A_46, 8 : i32
      "tpu.region"() ({
        %run_scoped3A = tpu.sem_alloc : memref<!tpu.dma_semaphore, #tpu.memory_space<semaphore_mem>>
        %dma_start3A_48 = arith.constant 0 : i32
        %dma_start3A_49 = tpu.memref_slice %arg4[%multiple_of3A_47, %dma_start3A_48] : memref<32768x256xf32, #tpu.memory_space<hbm>> -> memref<128x256xf32, #tpu.memory_space<hbm>>
        %dma_start3A_50 = arith.constant 0 : i32
        %dma_start3A_51 = tpu.memref_slice %arg4[%multiple_of3A_47, %dma_start3A_50] : memref<32768x256xf32, #tpu.memory_space<hbm>> -> memref<128x256xf32, #tpu.memory_space<hbm>>
        tpu.enqueue_dma source(%arg7 : memref<128x256xf32, #tpu.memory_space<vmem>>) target(%dma_start3A_51 : memref<128x256xf32, #tpu.memory_space<hbm>>) target_semaphore(%run_scoped3A : memref<!tpu.dma_semaphore, #tpu.memory_space<semaphore_mem>>)
        %dma_wait3A_52 = arith.constant 0 : i32
        %dma_wait3A_53 = tpu.memref_slice %arg4[%multiple_of3A_47, %dma_wait3A_52] : memref<32768x256xf32, #tpu.memory_space<hbm>> -> memref<128x256xf32, #tpu.memory_space<hbm>>
        %dma_wait3A_54 = arith.constant 0 : i32
        %dma_wait3A_55 = tpu.memref_slice %arg4[%multiple_of3A_47, %dma_wait3A_54] : memref<32768x256xf32, #tpu.memory_space<hbm>> -> memref<128x256xf32, #tpu.memory_space<hbm>>
        tpu.wait_dma2 semaphore(%run_scoped3A : memref<!tpu.dma_semaphore, #tpu.memory_space<semaphore_mem>>) src(%arg7 : memref<128x256xf32, #tpu.memory_space<vmem>>) dst(%dma_wait3A_55 : memref<128x256xf32, #tpu.memory_space<hbm>>)
        tpu.yield
      }) : () -> ()
    }
    %scan3A_6 = arith.constant 4 : i32
    return
  }
}

#map = affine_map<(d0, d1) -> (0, 0)>
#map1 = affine_map<(d0, d1) -> (0, 0, 0)>
module attributes {stable_mosaic.version = 14 : i64} {
  func.func @_sc_gather_body(%arg0: i32, %arg1: i32, %arg2: memref<2048x256xf32, #tpu.memory_space<hbm>>, %arg3: memref<32x4x96xi32, #tpu.memory_space<hbm>>, %arg4: memref<12288x256xf32, #tpu.memory_space<hbm>>, %arg5: memref<4x96xi32, #tpu.memory_space<vmem>>, %arg6: memref<96x256xf32, #tpu.memory_space<vmem>>, %arg7: memref<96x256xf32, #tpu.memory_space<vmem>>, %arg8: memref<!tpu.dma_semaphore, #tpu.memory_space<semaphore_mem>>, %arg9: memref<!tpu.dma_semaphore, #tpu.memory_space<semaphore_mem>>) attributes {dimension_semantics = [#tpu.dimension_semantics<core_parallel>, #tpu.dimension_semantics<subcore_parallel>], iteration_bounds = array<i64: 2, 16>, scalar_prefetch = 0 : i64, scratch_operands = 5 : i64, tpu.core_type = #tpu.core_type<sc_vector_subcore>, window_params = [{transform_indices = #map}, {transform_indices = #map1}, {transform_indices = #map}]} {
    %mul3A = arith.constant 2 : i32
    %mul3A_0 = arith.muli %arg1, %mul3A : i32
    %add3A = arith.addi %mul3A_0, %arg0 : i32
    "tpu.region"() ({
      %run_scoped3A = tpu.sem_alloc : memref<!tpu.dma_semaphore, #tpu.memory_space<semaphore_mem>>
      %dma_start3A = arith.constant 0 : i32
      %dma_start3A_7 = arith.constant 0 : i32
      %dma_start3A_8 = tpu.memref_slice %arg3[%add3A, %dma_start3A, %dma_start3A_7] : memref<32x4x96xi32, #tpu.memory_space<hbm>> -> memref<1x4x96xi32, #tpu.memory_space<hbm>>
      %dma_start3A_9 = tpu.memref_squeeze %dma_start3A_8 : memref<1x4x96xi32, #tpu.memory_space<hbm>> -> memref<4x96xi32, #tpu.memory_space<hbm>>
      %dma_start3A_10 = arith.constant 0 : i32
      %dma_start3A_11 = arith.constant 0 : i32
      %dma_start3A_12 = tpu.memref_slice %arg3[%add3A, %dma_start3A_10, %dma_start3A_11] : memref<32x4x96xi32, #tpu.memory_space<hbm>> -> memref<1x4x96xi32, #tpu.memory_space<hbm>>
      %dma_start3A_13 = tpu.memref_squeeze %dma_start3A_12 : memref<1x4x96xi32, #tpu.memory_space<hbm>> -> memref<4x96xi32, #tpu.memory_space<hbm>>
      tpu.enqueue_dma source(%dma_start3A_13 : memref<4x96xi32, #tpu.memory_space<hbm>>) target(%arg5 : memref<4x96xi32, #tpu.memory_space<vmem>>) target_semaphore(%run_scoped3A : memref<!tpu.dma_semaphore, #tpu.memory_space<semaphore_mem>>)
      %dma_wait3A = arith.constant 0 : i32
      %dma_wait3A_14 = arith.constant 0 : i32
      %dma_wait3A_15 = tpu.memref_slice %arg3[%add3A, %dma_wait3A, %dma_wait3A_14] : memref<32x4x96xi32, #tpu.memory_space<hbm>> -> memref<1x4x96xi32, #tpu.memory_space<hbm>>
      %dma_wait3A_16 = tpu.memref_squeeze %dma_wait3A_15 : memref<1x4x96xi32, #tpu.memory_space<hbm>> -> memref<4x96xi32, #tpu.memory_space<hbm>>
      %dma_wait3A_17 = arith.constant 0 : i32
      %dma_wait3A_18 = arith.constant 0 : i32
      %dma_wait3A_19 = tpu.memref_slice %arg3[%add3A, %dma_wait3A_17, %dma_wait3A_18] : memref<32x4x96xi32, #tpu.memory_space<hbm>> -> memref<1x4x96xi32, #tpu.memory_space<hbm>>
      %dma_wait3A_20 = tpu.memref_squeeze %dma_wait3A_19 : memref<1x4x96xi32, #tpu.memory_space<hbm>> -> memref<4x96xi32, #tpu.memory_space<hbm>>
      tpu.wait_dma2 semaphore(%run_scoped3A : memref<!tpu.dma_semaphore, #tpu.memory_space<semaphore_mem>>) src(%dma_wait3A_20 : memref<4x96xi32, #tpu.memory_space<hbm>>) dst(%arg5 : memref<4x96xi32, #tpu.memory_space<vmem>>)
      tpu.yield
    }) : () -> ()
    %mul3A_1 = arith.constant 384 : i32
    %mul3A_2 = arith.muli %add3A, %mul3A_1 : i32
    %multiple_of3A = tpu.assume_multiple %mul3A_2, 8 : i32
    %scan3A = arith.constant 0 : i32
    %scan3A_3 = arith.constant 2 : i32
    %scan3A_4 = arith.addi %scan3A, %scan3A_3 : i32
    %scan3A_5 = arith.constant 1 : i32
    scf.for %scan3A_7 = %scan3A to %scan3A_4 step %scan3A_5  : i32 {
      %mul3A_8 = arith.constant 1 : i32
      %mul3A_9 = arith.muli %scan3A_7, %mul3A_8 : i32
      %add3A_10 = arith.constant 0 : i32
      %add3A_11 = arith.addi %add3A_10, %mul3A_9 : i32
      %mul3A_12 = arith.constant 2 : i32
      %mul3A_13 = arith.muli %mul3A_12, %add3A_11 : i32
      %dma_start3A = arith.constant 0 : i32
      %dma_start3A_14 = tpu.memref_slice %arg5[%mul3A_13, %dma_start3A] : memref<4x96xi32, #tpu.memory_space<vmem>> -> memref<1x96xi32, #tpu.memory_space<vmem>>
      %dma_start3A_15 = tpu.memref_squeeze %dma_start3A_14 : memref<1x96xi32, #tpu.memory_space<vmem>> -> memref<96xi32, #tpu.memory_space<vmem>>
      %dma_start3A_16 = arith.constant 0 : i32
      %dma_start3A_17 = arith.constant 0 : i32
      %dma_start3A_18 = tpu.memref_slice %arg2[%dma_start3A_16, %dma_start3A_17] : memref<2048x256xf32, #tpu.memory_space<hbm>> -> memref<2048x256xf32, #tpu.memory_space<hbm>>
      tpu.enqueue_indirect_dma source(%dma_start3A_18 : memref<2048x256xf32, #tpu.memory_space<hbm>>) target(%arg6 : memref<96x256xf32, #tpu.memory_space<vmem>>) offsets(%dma_start3A_15 : memref<96xi32, #tpu.memory_space<vmem>>) semaphore(%arg8 : memref<!tpu.dma_semaphore, #tpu.memory_space<semaphore_mem>>)
      %add3A_19 = arith.constant 1 : i32
      %add3A_20 = arith.addi %mul3A_13, %add3A_19 : i32
      %dma_start3A_21 = arith.constant 0 : i32
      %dma_start3A_22 = tpu.memref_slice %arg5[%add3A_20, %dma_start3A_21] : memref<4x96xi32, #tpu.memory_space<vmem>> -> memref<1x96xi32, #tpu.memory_space<vmem>>
      %dma_start3A_23 = tpu.memref_squeeze %dma_start3A_22 : memref<1x96xi32, #tpu.memory_space<vmem>> -> memref<96xi32, #tpu.memory_space<vmem>>
      %dma_start3A_24 = arith.constant 0 : i32
      %dma_start3A_25 = arith.constant 0 : i32
      %dma_start3A_26 = tpu.memref_slice %arg2[%dma_start3A_24, %dma_start3A_25] : memref<2048x256xf32, #tpu.memory_space<hbm>> -> memref<2048x256xf32, #tpu.memory_space<hbm>>
      tpu.enqueue_indirect_dma source(%dma_start3A_26 : memref<2048x256xf32, #tpu.memory_space<hbm>>) target(%arg7 : memref<96x256xf32, #tpu.memory_space<vmem>>) offsets(%dma_start3A_23 : memref<96xi32, #tpu.memory_space<vmem>>) semaphore(%arg9 : memref<!tpu.dma_semaphore, #tpu.memory_space<semaphore_mem>>)
      %dma_wait3A = arith.constant 0 : i32
      %dma_wait3A_27 = tpu.memref_slice %arg5[%mul3A_13, %dma_wait3A] : memref<4x96xi32, #tpu.memory_space<vmem>> -> memref<1x96xi32, #tpu.memory_space<vmem>>
      %dma_wait3A_28 = tpu.memref_squeeze %dma_wait3A_27 : memref<1x96xi32, #tpu.memory_space<vmem>> -> memref<96xi32, #tpu.memory_space<vmem>>
      %dma_wait3A_29 = arith.constant 0 : i32
      %dma_wait3A_30 = arith.constant 0 : i32
      %dma_wait3A_31 = tpu.memref_slice %arg2[%dma_wait3A_29, %dma_wait3A_30] : memref<2048x256xf32, #tpu.memory_space<hbm>> -> memref<2048x256xf32, #tpu.memory_space<hbm>>
      tpu.wait_indirect_dma semaphore(%arg8 : memref<!tpu.dma_semaphore, #tpu.memory_space<semaphore_mem>>) src(%dma_wait3A_31 : memref<2048x256xf32, #tpu.memory_space<hbm>>) dst(%arg6 : memref<96x256xf32, #tpu.memory_space<vmem>>)
      %mul3A_32 = arith.constant 96 : i32
      %mul3A_33 = arith.muli %mul3A_13, %mul3A_32 : i32
      %add3A_34 = arith.addi %multiple_of3A, %mul3A_33 : i32
      %multiple_of3A_35 = tpu.assume_multiple %add3A_34, 8 : i32
      "tpu.region"() ({
        %run_scoped3A = tpu.sem_alloc : memref<!tpu.dma_semaphore, #tpu.memory_space<semaphore_mem>>
        %dma_start3A_48 = arith.constant 0 : i32
        %dma_start3A_49 = tpu.memref_slice %arg4[%multiple_of3A_35, %dma_start3A_48] : memref<12288x256xf32, #tpu.memory_space<hbm>> -> memref<96x256xf32, #tpu.memory_space<hbm>>
        %dma_start3A_50 = arith.constant 0 : i32
        %dma_start3A_51 = tpu.memref_slice %arg4[%multiple_of3A_35, %dma_start3A_50] : memref<12288x256xf32, #tpu.memory_space<hbm>> -> memref<96x256xf32, #tpu.memory_space<hbm>>
        tpu.enqueue_dma source(%arg6 : memref<96x256xf32, #tpu.memory_space<vmem>>) target(%dma_start3A_51 : memref<96x256xf32, #tpu.memory_space<hbm>>) target_semaphore(%run_scoped3A : memref<!tpu.dma_semaphore, #tpu.memory_space<semaphore_mem>>)
        %dma_wait3A_52 = arith.constant 0 : i32
        %dma_wait3A_53 = tpu.memref_slice %arg4[%multiple_of3A_35, %dma_wait3A_52] : memref<12288x256xf32, #tpu.memory_space<hbm>> -> memref<96x256xf32, #tpu.memory_space<hbm>>
        %dma_wait3A_54 = arith.constant 0 : i32
        %dma_wait3A_55 = tpu.memref_slice %arg4[%multiple_of3A_35, %dma_wait3A_54] : memref<12288x256xf32, #tpu.memory_space<hbm>> -> memref<96x256xf32, #tpu.memory_space<hbm>>
        tpu.wait_dma2 semaphore(%run_scoped3A : memref<!tpu.dma_semaphore, #tpu.memory_space<semaphore_mem>>) src(%arg6 : memref<96x256xf32, #tpu.memory_space<vmem>>) dst(%dma_wait3A_55 : memref<96x256xf32, #tpu.memory_space<hbm>>)
        tpu.yield
      }) : () -> ()
      %dma_wait3A_36 = arith.constant 0 : i32
      %dma_wait3A_37 = tpu.memref_slice %arg5[%add3A_20, %dma_wait3A_36] : memref<4x96xi32, #tpu.memory_space<vmem>> -> memref<1x96xi32, #tpu.memory_space<vmem>>
      %dma_wait3A_38 = tpu.memref_squeeze %dma_wait3A_37 : memref<1x96xi32, #tpu.memory_space<vmem>> -> memref<96xi32, #tpu.memory_space<vmem>>
      %dma_wait3A_39 = arith.constant 0 : i32
      %dma_wait3A_40 = arith.constant 0 : i32
      %dma_wait3A_41 = tpu.memref_slice %arg2[%dma_wait3A_39, %dma_wait3A_40] : memref<2048x256xf32, #tpu.memory_space<hbm>> -> memref<2048x256xf32, #tpu.memory_space<hbm>>
      tpu.wait_indirect_dma semaphore(%arg9 : memref<!tpu.dma_semaphore, #tpu.memory_space<semaphore_mem>>) src(%dma_wait3A_41 : memref<2048x256xf32, #tpu.memory_space<hbm>>) dst(%arg7 : memref<96x256xf32, #tpu.memory_space<vmem>>)
      %add3A_42 = arith.constant 1 : i32
      %add3A_43 = arith.addi %mul3A_13, %add3A_42 : i32
      %mul3A_44 = arith.constant 96 : i32
      %mul3A_45 = arith.muli %add3A_43, %mul3A_44 : i32
      %add3A_46 = arith.addi %multiple_of3A, %mul3A_45 : i32
      %multiple_of3A_47 = tpu.assume_multiple %add3A_46, 8 : i32
      "tpu.region"() ({
        %run_scoped3A = tpu.sem_alloc : memref<!tpu.dma_semaphore, #tpu.memory_space<semaphore_mem>>
        %dma_start3A_48 = arith.constant 0 : i32
        %dma_start3A_49 = tpu.memref_slice %arg4[%multiple_of3A_47, %dma_start3A_48] : memref<12288x256xf32, #tpu.memory_space<hbm>> -> memref<96x256xf32, #tpu.memory_space<hbm>>
        %dma_start3A_50 = arith.constant 0 : i32
        %dma_start3A_51 = tpu.memref_slice %arg4[%multiple_of3A_47, %dma_start3A_50] : memref<12288x256xf32, #tpu.memory_space<hbm>> -> memref<96x256xf32, #tpu.memory_space<hbm>>
        tpu.enqueue_dma source(%arg7 : memref<96x256xf32, #tpu.memory_space<vmem>>) target(%dma_start3A_51 : memref<96x256xf32, #tpu.memory_space<hbm>>) target_semaphore(%run_scoped3A : memref<!tpu.dma_semaphore, #tpu.memory_space<semaphore_mem>>)
        %dma_wait3A_52 = arith.constant 0 : i32
        %dma_wait3A_53 = tpu.memref_slice %arg4[%multiple_of3A_47, %dma_wait3A_52] : memref<12288x256xf32, #tpu.memory_space<hbm>> -> memref<96x256xf32, #tpu.memory_space<hbm>>
        %dma_wait3A_54 = arith.constant 0 : i32
        %dma_wait3A_55 = tpu.memref_slice %arg4[%multiple_of3A_47, %dma_wait3A_54] : memref<12288x256xf32, #tpu.memory_space<hbm>> -> memref<96x256xf32, #tpu.memory_space<hbm>>
        tpu.wait_dma2 semaphore(%run_scoped3A : memref<!tpu.dma_semaphore, #tpu.memory_space<semaphore_mem>>) src(%arg7 : memref<96x256xf32, #tpu.memory_space<vmem>>) dst(%dma_wait3A_55 : memref<96x256xf32, #tpu.memory_space<hbm>>)
        tpu.yield
      }) : () -> ()
    }
    %scan3A_6 = arith.constant 2 : i32
    return
  }
}

#map = affine_map<(d0, d1) -> (0, 0)>
#map1 = affine_map<(d0, d1) -> (0, 0, 0)>
module attributes {stable_mosaic.version = 14 : i64} {
  func.func @_sc_gather_body(%arg0: i32, %arg1: i32, %arg2: memref<4096x128xf32, #tpu.memory_space<hbm>>, %arg3: memref<32x16x128xi32, #tpu.memory_space<hbm>>, %arg4: memref<65536x128xf32, #tpu.memory_space<hbm>>, %arg5: memref<16x128xi32, #tpu.memory_space<vmem>>, %arg6: memref<128x128xf32, #tpu.memory_space<vmem>>, %arg7: memref<128x128xf32, #tpu.memory_space<vmem>>, %arg8: memref<!tpu.dma_semaphore, #tpu.memory_space<semaphore_mem>>, %arg9: memref<!tpu.dma_semaphore, #tpu.memory_space<semaphore_mem>>) attributes {dimension_semantics = [#tpu.dimension_semantics<core_parallel>, #tpu.dimension_semantics<subcore_parallel>], iteration_bounds = array<i64: 2, 16>, scalar_prefetch = 0 : i64, scratch_operands = 5 : i64, tpu.core_type = #tpu.core_type<sc_vector_subcore>, window_params = [{transform_indices = #map}, {transform_indices = #map1}, {transform_indices = #map}]} {
    %mul3A = arith.constant 2 : i32
    %mul3A_0 = arith.muli %arg1, %mul3A : i32
    %add3A = arith.addi %mul3A_0, %arg0 : i32
    "tpu.region"() ({
      %run_scoped3A = tpu.sem_alloc : memref<!tpu.dma_semaphore, #tpu.memory_space<semaphore_mem>>
      %dma_start3A = arith.constant 0 : i32
      %dma_start3A_7 = arith.constant 0 : i32
      %dma_start3A_8 = tpu.memref_slice %arg3[%add3A, %dma_start3A, %dma_start3A_7] : memref<32x16x128xi32, #tpu.memory_space<hbm>> -> memref<1x16x128xi32, #tpu.memory_space<hbm>>
      %dma_start3A_9 = tpu.memref_squeeze %dma_start3A_8 : memref<1x16x128xi32, #tpu.memory_space<hbm>> -> memref<16x128xi32, #tpu.memory_space<hbm>>
      %dma_start3A_10 = arith.constant 0 : i32
      %dma_start3A_11 = arith.constant 0 : i32
      %dma_start3A_12 = tpu.memref_slice %arg3[%add3A, %dma_start3A_10, %dma_start3A_11] : memref<32x16x128xi32, #tpu.memory_space<hbm>> -> memref<1x16x128xi32, #tpu.memory_space<hbm>>
      %dma_start3A_13 = tpu.memref_squeeze %dma_start3A_12 : memref<1x16x128xi32, #tpu.memory_space<hbm>> -> memref<16x128xi32, #tpu.memory_space<hbm>>
      tpu.enqueue_dma source(%dma_start3A_13 : memref<16x128xi32, #tpu.memory_space<hbm>>) target(%arg5 : memref<16x128xi32, #tpu.memory_space<vmem>>) target_semaphore(%run_scoped3A : memref<!tpu.dma_semaphore, #tpu.memory_space<semaphore_mem>>)
      %dma_wait3A = arith.constant 0 : i32
      %dma_wait3A_14 = arith.constant 0 : i32
      %dma_wait3A_15 = tpu.memref_slice %arg3[%add3A, %dma_wait3A, %dma_wait3A_14] : memref<32x16x128xi32, #tpu.memory_space<hbm>> -> memref<1x16x128xi32, #tpu.memory_space<hbm>>
      %dma_wait3A_16 = tpu.memref_squeeze %dma_wait3A_15 : memref<1x16x128xi32, #tpu.memory_space<hbm>> -> memref<16x128xi32, #tpu.memory_space<hbm>>
      %dma_wait3A_17 = arith.constant 0 : i32
      %dma_wait3A_18 = arith.constant 0 : i32
      %dma_wait3A_19 = tpu.memref_slice %arg3[%add3A, %dma_wait3A_17, %dma_wait3A_18] : memref<32x16x128xi32, #tpu.memory_space<hbm>> -> memref<1x16x128xi32, #tpu.memory_space<hbm>>
      %dma_wait3A_20 = tpu.memref_squeeze %dma_wait3A_19 : memref<1x16x128xi32, #tpu.memory_space<hbm>> -> memref<16x128xi32, #tpu.memory_space<hbm>>
      tpu.wait_dma2 semaphore(%run_scoped3A : memref<!tpu.dma_semaphore, #tpu.memory_space<semaphore_mem>>) src(%dma_wait3A_20 : memref<16x128xi32, #tpu.memory_space<hbm>>) dst(%arg5 : memref<16x128xi32, #tpu.memory_space<vmem>>)
      tpu.yield
    }) : () -> ()
    %mul3A_1 = arith.constant 2048 : i32
    %mul3A_2 = arith.muli %add3A, %mul3A_1 : i32
    %multiple_of3A = tpu.assume_multiple %mul3A_2, 8 : i32
    %scan3A = arith.constant 0 : i32
    %scan3A_3 = arith.constant 8 : i32
    %scan3A_4 = arith.addi %scan3A, %scan3A_3 : i32
    %scan3A_5 = arith.constant 1 : i32
    scf.for %scan3A_7 = %scan3A to %scan3A_4 step %scan3A_5  : i32 {
      %mul3A_8 = arith.constant 1 : i32
      %mul3A_9 = arith.muli %scan3A_7, %mul3A_8 : i32
      %add3A_10 = arith.constant 0 : i32
      %add3A_11 = arith.addi %add3A_10, %mul3A_9 : i32
      %mul3A_12 = arith.constant 2 : i32
      %mul3A_13 = arith.muli %mul3A_12, %add3A_11 : i32
      %dma_start3A = arith.constant 0 : i32
      %dma_start3A_14 = tpu.memref_slice %arg5[%mul3A_13, %dma_start3A] : memref<16x128xi32, #tpu.memory_space<vmem>> -> memref<1x128xi32, #tpu.memory_space<vmem>>
      %dma_start3A_15 = tpu.memref_squeeze %dma_start3A_14 : memref<1x128xi32, #tpu.memory_space<vmem>> -> memref<128xi32, #tpu.memory_space<vmem>>
      %dma_start3A_16 = arith.constant 0 : i32
      %dma_start3A_17 = arith.constant 0 : i32
      %dma_start3A_18 = tpu.memref_slice %arg2[%dma_start3A_16, %dma_start3A_17] : memref<4096x128xf32, #tpu.memory_space<hbm>> -> memref<4096x128xf32, #tpu.memory_space<hbm>>
      tpu.enqueue_indirect_dma source(%dma_start3A_18 : memref<4096x128xf32, #tpu.memory_space<hbm>>) target(%arg6 : memref<128x128xf32, #tpu.memory_space<vmem>>) offsets(%dma_start3A_15 : memref<128xi32, #tpu.memory_space<vmem>>) semaphore(%arg8 : memref<!tpu.dma_semaphore, #tpu.memory_space<semaphore_mem>>)
      %add3A_19 = arith.constant 1 : i32
      %add3A_20 = arith.addi %mul3A_13, %add3A_19 : i32
      %dma_start3A_21 = arith.constant 0 : i32
      %dma_start3A_22 = tpu.memref_slice %arg5[%add3A_20, %dma_start3A_21] : memref<16x128xi32, #tpu.memory_space<vmem>> -> memref<1x128xi32, #tpu.memory_space<vmem>>
      %dma_start3A_23 = tpu.memref_squeeze %dma_start3A_22 : memref<1x128xi32, #tpu.memory_space<vmem>> -> memref<128xi32, #tpu.memory_space<vmem>>
      %dma_start3A_24 = arith.constant 0 : i32
      %dma_start3A_25 = arith.constant 0 : i32
      %dma_start3A_26 = tpu.memref_slice %arg2[%dma_start3A_24, %dma_start3A_25] : memref<4096x128xf32, #tpu.memory_space<hbm>> -> memref<4096x128xf32, #tpu.memory_space<hbm>>
      tpu.enqueue_indirect_dma source(%dma_start3A_26 : memref<4096x128xf32, #tpu.memory_space<hbm>>) target(%arg7 : memref<128x128xf32, #tpu.memory_space<vmem>>) offsets(%dma_start3A_23 : memref<128xi32, #tpu.memory_space<vmem>>) semaphore(%arg9 : memref<!tpu.dma_semaphore, #tpu.memory_space<semaphore_mem>>)
      %dma_wait3A = arith.constant 0 : i32
      %dma_wait3A_27 = tpu.memref_slice %arg5[%mul3A_13, %dma_wait3A] : memref<16x128xi32, #tpu.memory_space<vmem>> -> memref<1x128xi32, #tpu.memory_space<vmem>>
      %dma_wait3A_28 = tpu.memref_squeeze %dma_wait3A_27 : memref<1x128xi32, #tpu.memory_space<vmem>> -> memref<128xi32, #tpu.memory_space<vmem>>
      %dma_wait3A_29 = arith.constant 0 : i32
      %dma_wait3A_30 = arith.constant 0 : i32
      %dma_wait3A_31 = tpu.memref_slice %arg2[%dma_wait3A_29, %dma_wait3A_30] : memref<4096x128xf32, #tpu.memory_space<hbm>> -> memref<4096x128xf32, #tpu.memory_space<hbm>>
      tpu.wait_indirect_dma semaphore(%arg8 : memref<!tpu.dma_semaphore, #tpu.memory_space<semaphore_mem>>) src(%dma_wait3A_31 : memref<4096x128xf32, #tpu.memory_space<hbm>>) dst(%arg6 : memref<128x128xf32, #tpu.memory_space<vmem>>)
      %mul3A_32 = arith.constant 128 : i32
      %mul3A_33 = arith.muli %mul3A_13, %mul3A_32 : i32
      %add3A_34 = arith.addi %multiple_of3A, %mul3A_33 : i32
      %multiple_of3A_35 = tpu.assume_multiple %add3A_34, 8 : i32
      "tpu.region"() ({
        %run_scoped3A = tpu.sem_alloc : memref<!tpu.dma_semaphore, #tpu.memory_space<semaphore_mem>>
        %dma_start3A_48 = arith.constant 0 : i32
        %dma_start3A_49 = tpu.memref_slice %arg4[%multiple_of3A_35, %dma_start3A_48] : memref<65536x128xf32, #tpu.memory_space<hbm>> -> memref<128x128xf32, #tpu.memory_space<hbm>>
        %dma_start3A_50 = arith.constant 0 : i32
        %dma_start3A_51 = tpu.memref_slice %arg4[%multiple_of3A_35, %dma_start3A_50] : memref<65536x128xf32, #tpu.memory_space<hbm>> -> memref<128x128xf32, #tpu.memory_space<hbm>>
        tpu.enqueue_dma source(%arg6 : memref<128x128xf32, #tpu.memory_space<vmem>>) target(%dma_start3A_51 : memref<128x128xf32, #tpu.memory_space<hbm>>) target_semaphore(%run_scoped3A : memref<!tpu.dma_semaphore, #tpu.memory_space<semaphore_mem>>)
        %dma_wait3A_52 = arith.constant 0 : i32
        %dma_wait3A_53 = tpu.memref_slice %arg4[%multiple_of3A_35, %dma_wait3A_52] : memref<65536x128xf32, #tpu.memory_space<hbm>> -> memref<128x128xf32, #tpu.memory_space<hbm>>
        %dma_wait3A_54 = arith.constant 0 : i32
        %dma_wait3A_55 = tpu.memref_slice %arg4[%multiple_of3A_35, %dma_wait3A_54] : memref<65536x128xf32, #tpu.memory_space<hbm>> -> memref<128x128xf32, #tpu.memory_space<hbm>>
        tpu.wait_dma2 semaphore(%run_scoped3A : memref<!tpu.dma_semaphore, #tpu.memory_space<semaphore_mem>>) src(%arg6 : memref<128x128xf32, #tpu.memory_space<vmem>>) dst(%dma_wait3A_55 : memref<128x128xf32, #tpu.memory_space<hbm>>)
        tpu.yield
      }) : () -> ()
      %dma_wait3A_36 = arith.constant 0 : i32
      %dma_wait3A_37 = tpu.memref_slice %arg5[%add3A_20, %dma_wait3A_36] : memref<16x128xi32, #tpu.memory_space<vmem>> -> memref<1x128xi32, #tpu.memory_space<vmem>>
      %dma_wait3A_38 = tpu.memref_squeeze %dma_wait3A_37 : memref<1x128xi32, #tpu.memory_space<vmem>> -> memref<128xi32, #tpu.memory_space<vmem>>
      %dma_wait3A_39 = arith.constant 0 : i32
      %dma_wait3A_40 = arith.constant 0 : i32
      %dma_wait3A_41 = tpu.memref_slice %arg2[%dma_wait3A_39, %dma_wait3A_40] : memref<4096x128xf32, #tpu.memory_space<hbm>> -> memref<4096x128xf32, #tpu.memory_space<hbm>>
      tpu.wait_indirect_dma semaphore(%arg9 : memref<!tpu.dma_semaphore, #tpu.memory_space<semaphore_mem>>) src(%dma_wait3A_41 : memref<4096x128xf32, #tpu.memory_space<hbm>>) dst(%arg7 : memref<128x128xf32, #tpu.memory_space<vmem>>)
      %add3A_42 = arith.constant 1 : i32
      %add3A_43 = arith.addi %mul3A_13, %add3A_42 : i32
      %mul3A_44 = arith.constant 128 : i32
      %mul3A_45 = arith.muli %add3A_43, %mul3A_44 : i32
      %add3A_46 = arith.addi %multiple_of3A, %mul3A_45 : i32
      %multiple_of3A_47 = tpu.assume_multiple %add3A_46, 8 : i32
      "tpu.region"() ({
        %run_scoped3A = tpu.sem_alloc : memref<!tpu.dma_semaphore, #tpu.memory_space<semaphore_mem>>
        %dma_start3A_48 = arith.constant 0 : i32
        %dma_start3A_49 = tpu.memref_slice %arg4[%multiple_of3A_47, %dma_start3A_48] : memref<65536x128xf32, #tpu.memory_space<hbm>> -> memref<128x128xf32, #tpu.memory_space<hbm>>
        %dma_start3A_50 = arith.constant 0 : i32
        %dma_start3A_51 = tpu.memref_slice %arg4[%multiple_of3A_47, %dma_start3A_50] : memref<65536x128xf32, #tpu.memory_space<hbm>> -> memref<128x128xf32, #tpu.memory_space<hbm>>
        tpu.enqueue_dma source(%arg7 : memref<128x128xf32, #tpu.memory_space<vmem>>) target(%dma_start3A_51 : memref<128x128xf32, #tpu.memory_space<hbm>>) target_semaphore(%run_scoped3A : memref<!tpu.dma_semaphore, #tpu.memory_space<semaphore_mem>>)
        %dma_wait3A_52 = arith.constant 0 : i32
        %dma_wait3A_53 = tpu.memref_slice %arg4[%multiple_of3A_47, %dma_wait3A_52] : memref<65536x128xf32, #tpu.memory_space<hbm>> -> memref<128x128xf32, #tpu.memory_space<hbm>>
        %dma_wait3A_54 = arith.constant 0 : i32
        %dma_wait3A_55 = tpu.memref_slice %arg4[%multiple_of3A_47, %dma_wait3A_54] : memref<65536x128xf32, #tpu.memory_space<hbm>> -> memref<128x128xf32, #tpu.memory_space<hbm>>
        tpu.wait_dma2 semaphore(%run_scoped3A : memref<!tpu.dma_semaphore, #tpu.memory_space<semaphore_mem>>) src(%arg7 : memref<128x128xf32, #tpu.memory_space<vmem>>) dst(%dma_wait3A_55 : memref<128x128xf32, #tpu.memory_space<hbm>>)
        tpu.yield
      }) : () -> ()
    }
    %scan3A_6 = arith.constant 8 : i32
    return
  }
}

#map = affine_map<(d0, d1) -> (0, 0)>
#map1 = affine_map<(d0, d1) -> (0, 0, 0)>
module attributes {stable_mosaic.version = 14 : i64} {
  func.func @_sc_gather_body(%arg0: i32, %arg1: i32, %arg2: memref<4096x128xf32, #tpu.memory_space<hbm>>, %arg3: memref<32x6x128xi32, #tpu.memory_space<hbm>>, %arg4: memref<24576x128xf32, #tpu.memory_space<hbm>>, %arg5: memref<6x128xi32, #tpu.memory_space<vmem>>, %arg6: memref<128x128xf32, #tpu.memory_space<vmem>>, %arg7: memref<128x128xf32, #tpu.memory_space<vmem>>, %arg8: memref<!tpu.dma_semaphore, #tpu.memory_space<semaphore_mem>>, %arg9: memref<!tpu.dma_semaphore, #tpu.memory_space<semaphore_mem>>) attributes {dimension_semantics = [#tpu.dimension_semantics<core_parallel>, #tpu.dimension_semantics<subcore_parallel>], iteration_bounds = array<i64: 2, 16>, scalar_prefetch = 0 : i64, scratch_operands = 5 : i64, tpu.core_type = #tpu.core_type<sc_vector_subcore>, window_params = [{transform_indices = #map}, {transform_indices = #map1}, {transform_indices = #map}]} {
    %mul3A = arith.constant 2 : i32
    %mul3A_0 = arith.muli %arg1, %mul3A : i32
    %add3A = arith.addi %mul3A_0, %arg0 : i32
    "tpu.region"() ({
      %run_scoped3A = tpu.sem_alloc : memref<!tpu.dma_semaphore, #tpu.memory_space<semaphore_mem>>
      %dma_start3A = arith.constant 0 : i32
      %dma_start3A_7 = arith.constant 0 : i32
      %dma_start3A_8 = tpu.memref_slice %arg3[%add3A, %dma_start3A, %dma_start3A_7] : memref<32x6x128xi32, #tpu.memory_space<hbm>> -> memref<1x6x128xi32, #tpu.memory_space<hbm>>
      %dma_start3A_9 = tpu.memref_squeeze %dma_start3A_8 : memref<1x6x128xi32, #tpu.memory_space<hbm>> -> memref<6x128xi32, #tpu.memory_space<hbm>>
      %dma_start3A_10 = arith.constant 0 : i32
      %dma_start3A_11 = arith.constant 0 : i32
      %dma_start3A_12 = tpu.memref_slice %arg3[%add3A, %dma_start3A_10, %dma_start3A_11] : memref<32x6x128xi32, #tpu.memory_space<hbm>> -> memref<1x6x128xi32, #tpu.memory_space<hbm>>
      %dma_start3A_13 = tpu.memref_squeeze %dma_start3A_12 : memref<1x6x128xi32, #tpu.memory_space<hbm>> -> memref<6x128xi32, #tpu.memory_space<hbm>>
      tpu.enqueue_dma source(%dma_start3A_13 : memref<6x128xi32, #tpu.memory_space<hbm>>) target(%arg5 : memref<6x128xi32, #tpu.memory_space<vmem>>) target_semaphore(%run_scoped3A : memref<!tpu.dma_semaphore, #tpu.memory_space<semaphore_mem>>)
      %dma_wait3A = arith.constant 0 : i32
      %dma_wait3A_14 = arith.constant 0 : i32
      %dma_wait3A_15 = tpu.memref_slice %arg3[%add3A, %dma_wait3A, %dma_wait3A_14] : memref<32x6x128xi32, #tpu.memory_space<hbm>> -> memref<1x6x128xi32, #tpu.memory_space<hbm>>
      %dma_wait3A_16 = tpu.memref_squeeze %dma_wait3A_15 : memref<1x6x128xi32, #tpu.memory_space<hbm>> -> memref<6x128xi32, #tpu.memory_space<hbm>>
      %dma_wait3A_17 = arith.constant 0 : i32
      %dma_wait3A_18 = arith.constant 0 : i32
      %dma_wait3A_19 = tpu.memref_slice %arg3[%add3A, %dma_wait3A_17, %dma_wait3A_18] : memref<32x6x128xi32, #tpu.memory_space<hbm>> -> memref<1x6x128xi32, #tpu.memory_space<hbm>>
      %dma_wait3A_20 = tpu.memref_squeeze %dma_wait3A_19 : memref<1x6x128xi32, #tpu.memory_space<hbm>> -> memref<6x128xi32, #tpu.memory_space<hbm>>
      tpu.wait_dma2 semaphore(%run_scoped3A : memref<!tpu.dma_semaphore, #tpu.memory_space<semaphore_mem>>) src(%dma_wait3A_20 : memref<6x128xi32, #tpu.memory_space<hbm>>) dst(%arg5 : memref<6x128xi32, #tpu.memory_space<vmem>>)
      tpu.yield
    }) : () -> ()
    %mul3A_1 = arith.constant 768 : i32
    %mul3A_2 = arith.muli %add3A, %mul3A_1 : i32
    %multiple_of3A = tpu.assume_multiple %mul3A_2, 8 : i32
    %scan3A = arith.constant 0 : i32
    %scan3A_3 = arith.constant 3 : i32
    %scan3A_4 = arith.addi %scan3A, %scan3A_3 : i32
    %scan3A_5 = arith.constant 1 : i32
    scf.for %scan3A_7 = %scan3A to %scan3A_4 step %scan3A_5  : i32 {
      %mul3A_8 = arith.constant 1 : i32
      %mul3A_9 = arith.muli %scan3A_7, %mul3A_8 : i32
      %add3A_10 = arith.constant 0 : i32
      %add3A_11 = arith.addi %add3A_10, %mul3A_9 : i32
      %mul3A_12 = arith.constant 2 : i32
      %mul3A_13 = arith.muli %mul3A_12, %add3A_11 : i32
      %dma_start3A = arith.constant 0 : i32
      %dma_start3A_14 = tpu.memref_slice %arg5[%mul3A_13, %dma_start3A] : memref<6x128xi32, #tpu.memory_space<vmem>> -> memref<1x128xi32, #tpu.memory_space<vmem>>
      %dma_start3A_15 = tpu.memref_squeeze %dma_start3A_14 : memref<1x128xi32, #tpu.memory_space<vmem>> -> memref<128xi32, #tpu.memory_space<vmem>>
      %dma_start3A_16 = arith.constant 0 : i32
      %dma_start3A_17 = arith.constant 0 : i32
      %dma_start3A_18 = tpu.memref_slice %arg2[%dma_start3A_16, %dma_start3A_17] : memref<4096x128xf32, #tpu.memory_space<hbm>> -> memref<4096x128xf32, #tpu.memory_space<hbm>>
      tpu.enqueue_indirect_dma source(%dma_start3A_18 : memref<4096x128xf32, #tpu.memory_space<hbm>>) target(%arg6 : memref<128x128xf32, #tpu.memory_space<vmem>>) offsets(%dma_start3A_15 : memref<128xi32, #tpu.memory_space<vmem>>) semaphore(%arg8 : memref<!tpu.dma_semaphore, #tpu.memory_space<semaphore_mem>>)
      %add3A_19 = arith.constant 1 : i32
      %add3A_20 = arith.addi %mul3A_13, %add3A_19 : i32
      %dma_start3A_21 = arith.constant 0 : i32
      %dma_start3A_22 = tpu.memref_slice %arg5[%add3A_20, %dma_start3A_21] : memref<6x128xi32, #tpu.memory_space<vmem>> -> memref<1x128xi32, #tpu.memory_space<vmem>>
      %dma_start3A_23 = tpu.memref_squeeze %dma_start3A_22 : memref<1x128xi32, #tpu.memory_space<vmem>> -> memref<128xi32, #tpu.memory_space<vmem>>
      %dma_start3A_24 = arith.constant 0 : i32
      %dma_start3A_25 = arith.constant 0 : i32
      %dma_start3A_26 = tpu.memref_slice %arg2[%dma_start3A_24, %dma_start3A_25] : memref<4096x128xf32, #tpu.memory_space<hbm>> -> memref<4096x128xf32, #tpu.memory_space<hbm>>
      tpu.enqueue_indirect_dma source(%dma_start3A_26 : memref<4096x128xf32, #tpu.memory_space<hbm>>) target(%arg7 : memref<128x128xf32, #tpu.memory_space<vmem>>) offsets(%dma_start3A_23 : memref<128xi32, #tpu.memory_space<vmem>>) semaphore(%arg9 : memref<!tpu.dma_semaphore, #tpu.memory_space<semaphore_mem>>)
      %dma_wait3A = arith.constant 0 : i32
      %dma_wait3A_27 = tpu.memref_slice %arg5[%mul3A_13, %dma_wait3A] : memref<6x128xi32, #tpu.memory_space<vmem>> -> memref<1x128xi32, #tpu.memory_space<vmem>>
      %dma_wait3A_28 = tpu.memref_squeeze %dma_wait3A_27 : memref<1x128xi32, #tpu.memory_space<vmem>> -> memref<128xi32, #tpu.memory_space<vmem>>
      %dma_wait3A_29 = arith.constant 0 : i32
      %dma_wait3A_30 = arith.constant 0 : i32
      %dma_wait3A_31 = tpu.memref_slice %arg2[%dma_wait3A_29, %dma_wait3A_30] : memref<4096x128xf32, #tpu.memory_space<hbm>> -> memref<4096x128xf32, #tpu.memory_space<hbm>>
      tpu.wait_indirect_dma semaphore(%arg8 : memref<!tpu.dma_semaphore, #tpu.memory_space<semaphore_mem>>) src(%dma_wait3A_31 : memref<4096x128xf32, #tpu.memory_space<hbm>>) dst(%arg6 : memref<128x128xf32, #tpu.memory_space<vmem>>)
      %mul3A_32 = arith.constant 128 : i32
      %mul3A_33 = arith.muli %mul3A_13, %mul3A_32 : i32
      %add3A_34 = arith.addi %multiple_of3A, %mul3A_33 : i32
      %multiple_of3A_35 = tpu.assume_multiple %add3A_34, 8 : i32
      "tpu.region"() ({
        %run_scoped3A = tpu.sem_alloc : memref<!tpu.dma_semaphore, #tpu.memory_space<semaphore_mem>>
        %dma_start3A_48 = arith.constant 0 : i32
        %dma_start3A_49 = tpu.memref_slice %arg4[%multiple_of3A_35, %dma_start3A_48] : memref<24576x128xf32, #tpu.memory_space<hbm>> -> memref<128x128xf32, #tpu.memory_space<hbm>>
        %dma_start3A_50 = arith.constant 0 : i32
        %dma_start3A_51 = tpu.memref_slice %arg4[%multiple_of3A_35, %dma_start3A_50] : memref<24576x128xf32, #tpu.memory_space<hbm>> -> memref<128x128xf32, #tpu.memory_space<hbm>>
        tpu.enqueue_dma source(%arg6 : memref<128x128xf32, #tpu.memory_space<vmem>>) target(%dma_start3A_51 : memref<128x128xf32, #tpu.memory_space<hbm>>) target_semaphore(%run_scoped3A : memref<!tpu.dma_semaphore, #tpu.memory_space<semaphore_mem>>)
        %dma_wait3A_52 = arith.constant 0 : i32
        %dma_wait3A_53 = tpu.memref_slice %arg4[%multiple_of3A_35, %dma_wait3A_52] : memref<24576x128xf32, #tpu.memory_space<hbm>> -> memref<128x128xf32, #tpu.memory_space<hbm>>
        %dma_wait3A_54 = arith.constant 0 : i32
        %dma_wait3A_55 = tpu.memref_slice %arg4[%multiple_of3A_35, %dma_wait3A_54] : memref<24576x128xf32, #tpu.memory_space<hbm>> -> memref<128x128xf32, #tpu.memory_space<hbm>>
        tpu.wait_dma2 semaphore(%run_scoped3A : memref<!tpu.dma_semaphore, #tpu.memory_space<semaphore_mem>>) src(%arg6 : memref<128x128xf32, #tpu.memory_space<vmem>>) dst(%dma_wait3A_55 : memref<128x128xf32, #tpu.memory_space<hbm>>)
        tpu.yield
      }) : () -> ()
      %dma_wait3A_36 = arith.constant 0 : i32
      %dma_wait3A_37 = tpu.memref_slice %arg5[%add3A_20, %dma_wait3A_36] : memref<6x128xi32, #tpu.memory_space<vmem>> -> memref<1x128xi32, #tpu.memory_space<vmem>>
      %dma_wait3A_38 = tpu.memref_squeeze %dma_wait3A_37 : memref<1x128xi32, #tpu.memory_space<vmem>> -> memref<128xi32, #tpu.memory_space<vmem>>
      %dma_wait3A_39 = arith.constant 0 : i32
      %dma_wait3A_40 = arith.constant 0 : i32
      %dma_wait3A_41 = tpu.memref_slice %arg2[%dma_wait3A_39, %dma_wait3A_40] : memref<4096x128xf32, #tpu.memory_space<hbm>> -> memref<4096x128xf32, #tpu.memory_space<hbm>>
      tpu.wait_indirect_dma semaphore(%arg9 : memref<!tpu.dma_semaphore, #tpu.memory_space<semaphore_mem>>) src(%dma_wait3A_41 : memref<4096x128xf32, #tpu.memory_space<hbm>>) dst(%arg7 : memref<128x128xf32, #tpu.memory_space<vmem>>)
      %add3A_42 = arith.constant 1 : i32
      %add3A_43 = arith.addi %mul3A_13, %add3A_42 : i32
      %mul3A_44 = arith.constant 128 : i32
      %mul3A_45 = arith.muli %add3A_43, %mul3A_44 : i32
      %add3A_46 = arith.addi %multiple_of3A, %mul3A_45 : i32
      %multiple_of3A_47 = tpu.assume_multiple %add3A_46, 8 : i32
      "tpu.region"() ({
        %run_scoped3A = tpu.sem_alloc : memref<!tpu.dma_semaphore, #tpu.memory_space<semaphore_mem>>
        %dma_start3A_48 = arith.constant 0 : i32
        %dma_start3A_49 = tpu.memref_slice %arg4[%multiple_of3A_47, %dma_start3A_48] : memref<24576x128xf32, #tpu.memory_space<hbm>> -> memref<128x128xf32, #tpu.memory_space<hbm>>
        %dma_start3A_50 = arith.constant 0 : i32
        %dma_start3A_51 = tpu.memref_slice %arg4[%multiple_of3A_47, %dma_start3A_50] : memref<24576x128xf32, #tpu.memory_space<hbm>> -> memref<128x128xf32, #tpu.memory_space<hbm>>
        tpu.enqueue_dma source(%arg7 : memref<128x128xf32, #tpu.memory_space<vmem>>) target(%dma_start3A_51 : memref<128x128xf32, #tpu.memory_space<hbm>>) target_semaphore(%run_scoped3A : memref<!tpu.dma_semaphore, #tpu.memory_space<semaphore_mem>>)
        %dma_wait3A_52 = arith.constant 0 : i32
        %dma_wait3A_53 = tpu.memref_slice %arg4[%multiple_of3A_47, %dma_wait3A_52] : memref<24576x128xf32, #tpu.memory_space<hbm>> -> memref<128x128xf32, #tpu.memory_space<hbm>>
        %dma_wait3A_54 = arith.constant 0 : i32
        %dma_wait3A_55 = tpu.memref_slice %arg4[%multiple_of3A_47, %dma_wait3A_54] : memref<24576x128xf32, #tpu.memory_space<hbm>> -> memref<128x128xf32, #tpu.memory_space<hbm>>
        tpu.wait_dma2 semaphore(%run_scoped3A : memref<!tpu.dma_semaphore, #tpu.memory_space<semaphore_mem>>) src(%arg7 : memref<128x128xf32, #tpu.memory_space<vmem>>) dst(%dma_wait3A_55 : memref<128x128xf32, #tpu.memory_space<hbm>>)
        tpu.yield
      }) : () -> ()
    }
    %scan3A_6 = arith.constant 3 : i32
    return
  }
}

#map = affine_map<(d0, d1) -> (0, 0)>
#map1 = affine_map<(d0, d1) -> (0, 0, 0)>
module attributes {stable_mosaic.version = 14 : i64} {
  func.func @_sc_gather_body(%arg0: i32, %arg1: i32, %arg2: memref<8192x128xf32, #tpu.memory_space<hbm>>, %arg3: memref<32x32x128xi32, #tpu.memory_space<hbm>>, %arg4: memref<131072x128xf32, #tpu.memory_space<hbm>>, %arg5: memref<32x128xi32, #tpu.memory_space<vmem>>, %arg6: memref<128x128xf32, #tpu.memory_space<vmem>>, %arg7: memref<128x128xf32, #tpu.memory_space<vmem>>, %arg8: memref<!tpu.dma_semaphore, #tpu.memory_space<semaphore_mem>>, %arg9: memref<!tpu.dma_semaphore, #tpu.memory_space<semaphore_mem>>) attributes {dimension_semantics = [#tpu.dimension_semantics<core_parallel>, #tpu.dimension_semantics<subcore_parallel>], iteration_bounds = array<i64: 2, 16>, scalar_prefetch = 0 : i64, scratch_operands = 5 : i64, tpu.core_type = #tpu.core_type<sc_vector_subcore>, window_params = [{transform_indices = #map}, {transform_indices = #map1}, {transform_indices = #map}]} {
    %mul3A = arith.constant 2 : i32
    %mul3A_0 = arith.muli %arg1, %mul3A : i32
    %add3A = arith.addi %mul3A_0, %arg0 : i32
    "tpu.region"() ({
      %run_scoped3A = tpu.sem_alloc : memref<!tpu.dma_semaphore, #tpu.memory_space<semaphore_mem>>
      %dma_start3A = arith.constant 0 : i32
      %dma_start3A_7 = arith.constant 0 : i32
      %dma_start3A_8 = tpu.memref_slice %arg3[%add3A, %dma_start3A, %dma_start3A_7] : memref<32x32x128xi32, #tpu.memory_space<hbm>> -> memref<1x32x128xi32, #tpu.memory_space<hbm>>
      %dma_start3A_9 = tpu.memref_squeeze %dma_start3A_8 : memref<1x32x128xi32, #tpu.memory_space<hbm>> -> memref<32x128xi32, #tpu.memory_space<hbm>>
      %dma_start3A_10 = arith.constant 0 : i32
      %dma_start3A_11 = arith.constant 0 : i32
      %dma_start3A_12 = tpu.memref_slice %arg3[%add3A, %dma_start3A_10, %dma_start3A_11] : memref<32x32x128xi32, #tpu.memory_space<hbm>> -> memref<1x32x128xi32, #tpu.memory_space<hbm>>
      %dma_start3A_13 = tpu.memref_squeeze %dma_start3A_12 : memref<1x32x128xi32, #tpu.memory_space<hbm>> -> memref<32x128xi32, #tpu.memory_space<hbm>>
      tpu.enqueue_dma source(%dma_start3A_13 : memref<32x128xi32, #tpu.memory_space<hbm>>) target(%arg5 : memref<32x128xi32, #tpu.memory_space<vmem>>) target_semaphore(%run_scoped3A : memref<!tpu.dma_semaphore, #tpu.memory_space<semaphore_mem>>)
      %dma_wait3A = arith.constant 0 : i32
      %dma_wait3A_14 = arith.constant 0 : i32
      %dma_wait3A_15 = tpu.memref_slice %arg3[%add3A, %dma_wait3A, %dma_wait3A_14] : memref<32x32x128xi32, #tpu.memory_space<hbm>> -> memref<1x32x128xi32, #tpu.memory_space<hbm>>
      %dma_wait3A_16 = tpu.memref_squeeze %dma_wait3A_15 : memref<1x32x128xi32, #tpu.memory_space<hbm>> -> memref<32x128xi32, #tpu.memory_space<hbm>>
      %dma_wait3A_17 = arith.constant 0 : i32
      %dma_wait3A_18 = arith.constant 0 : i32
      %dma_wait3A_19 = tpu.memref_slice %arg3[%add3A, %dma_wait3A_17, %dma_wait3A_18] : memref<32x32x128xi32, #tpu.memory_space<hbm>> -> memref<1x32x128xi32, #tpu.memory_space<hbm>>
      %dma_wait3A_20 = tpu.memref_squeeze %dma_wait3A_19 : memref<1x32x128xi32, #tpu.memory_space<hbm>> -> memref<32x128xi32, #tpu.memory_space<hbm>>
      tpu.wait_dma2 semaphore(%run_scoped3A : memref<!tpu.dma_semaphore, #tpu.memory_space<semaphore_mem>>) src(%dma_wait3A_20 : memref<32x128xi32, #tpu.memory_space<hbm>>) dst(%arg5 : memref<32x128xi32, #tpu.memory_space<vmem>>)
      tpu.yield
    }) : () -> ()
    %mul3A_1 = arith.constant 4096 : i32
    %mul3A_2 = arith.muli %add3A, %mul3A_1 : i32
    %multiple_of3A = tpu.assume_multiple %mul3A_2, 8 : i32
    %scan3A = arith.constant 0 : i32
    %scan3A_3 = arith.constant 16 : i32
    %scan3A_4 = arith.addi %scan3A, %scan3A_3 : i32
    %scan3A_5 = arith.constant 1 : i32
    scf.for %scan3A_7 = %scan3A to %scan3A_4 step %scan3A_5  : i32 {
      %mul3A_8 = arith.constant 1 : i32
      %mul3A_9 = arith.muli %scan3A_7, %mul3A_8 : i32
      %add3A_10 = arith.constant 0 : i32
      %add3A_11 = arith.addi %add3A_10, %mul3A_9 : i32
      %mul3A_12 = arith.constant 2 : i32
      %mul3A_13 = arith.muli %mul3A_12, %add3A_11 : i32
      %dma_start3A = arith.constant 0 : i32
      %dma_start3A_14 = tpu.memref_slice %arg5[%mul3A_13, %dma_start3A] : memref<32x128xi32, #tpu.memory_space<vmem>> -> memref<1x128xi32, #tpu.memory_space<vmem>>
      %dma_start3A_15 = tpu.memref_squeeze %dma_start3A_14 : memref<1x128xi32, #tpu.memory_space<vmem>> -> memref<128xi32, #tpu.memory_space<vmem>>
      %dma_start3A_16 = arith.constant 0 : i32
      %dma_start3A_17 = arith.constant 0 : i32
      %dma_start3A_18 = tpu.memref_slice %arg2[%dma_start3A_16, %dma_start3A_17] : memref<8192x128xf32, #tpu.memory_space<hbm>> -> memref<8192x128xf32, #tpu.memory_space<hbm>>
      tpu.enqueue_indirect_dma source(%dma_start3A_18 : memref<8192x128xf32, #tpu.memory_space<hbm>>) target(%arg6 : memref<128x128xf32, #tpu.memory_space<vmem>>) offsets(%dma_start3A_15 : memref<128xi32, #tpu.memory_space<vmem>>) semaphore(%arg8 : memref<!tpu.dma_semaphore, #tpu.memory_space<semaphore_mem>>)
      %add3A_19 = arith.constant 1 : i32
      %add3A_20 = arith.addi %mul3A_13, %add3A_19 : i32
      %dma_start3A_21 = arith.constant 0 : i32
      %dma_start3A_22 = tpu.memref_slice %arg5[%add3A_20, %dma_start3A_21] : memref<32x128xi32, #tpu.memory_space<vmem>> -> memref<1x128xi32, #tpu.memory_space<vmem>>
      %dma_start3A_23 = tpu.memref_squeeze %dma_start3A_22 : memref<1x128xi32, #tpu.memory_space<vmem>> -> memref<128xi32, #tpu.memory_space<vmem>>
      %dma_start3A_24 = arith.constant 0 : i32
      %dma_start3A_25 = arith.constant 0 : i32
      %dma_start3A_26 = tpu.memref_slice %arg2[%dma_start3A_24, %dma_start3A_25] : memref<8192x128xf32, #tpu.memory_space<hbm>> -> memref<8192x128xf32, #tpu.memory_space<hbm>>
      tpu.enqueue_indirect_dma source(%dma_start3A_26 : memref<8192x128xf32, #tpu.memory_space<hbm>>) target(%arg7 : memref<128x128xf32, #tpu.memory_space<vmem>>) offsets(%dma_start3A_23 : memref<128xi32, #tpu.memory_space<vmem>>) semaphore(%arg9 : memref<!tpu.dma_semaphore, #tpu.memory_space<semaphore_mem>>)
      %dma_wait3A = arith.constant 0 : i32
      %dma_wait3A_27 = tpu.memref_slice %arg5[%mul3A_13, %dma_wait3A] : memref<32x128xi32, #tpu.memory_space<vmem>> -> memref<1x128xi32, #tpu.memory_space<vmem>>
      %dma_wait3A_28 = tpu.memref_squeeze %dma_wait3A_27 : memref<1x128xi32, #tpu.memory_space<vmem>> -> memref<128xi32, #tpu.memory_space<vmem>>
      %dma_wait3A_29 = arith.constant 0 : i32
      %dma_wait3A_30 = arith.constant 0 : i32
      %dma_wait3A_31 = tpu.memref_slice %arg2[%dma_wait3A_29, %dma_wait3A_30] : memref<8192x128xf32, #tpu.memory_space<hbm>> -> memref<8192x128xf32, #tpu.memory_space<hbm>>
      tpu.wait_indirect_dma semaphore(%arg8 : memref<!tpu.dma_semaphore, #tpu.memory_space<semaphore_mem>>) src(%dma_wait3A_31 : memref<8192x128xf32, #tpu.memory_space<hbm>>) dst(%arg6 : memref<128x128xf32, #tpu.memory_space<vmem>>)
      %mul3A_32 = arith.constant 128 : i32
      %mul3A_33 = arith.muli %mul3A_13, %mul3A_32 : i32
      %add3A_34 = arith.addi %multiple_of3A, %mul3A_33 : i32
      %multiple_of3A_35 = tpu.assume_multiple %add3A_34, 8 : i32
      "tpu.region"() ({
        %run_scoped3A = tpu.sem_alloc : memref<!tpu.dma_semaphore, #tpu.memory_space<semaphore_mem>>
        %dma_start3A_48 = arith.constant 0 : i32
        %dma_start3A_49 = tpu.memref_slice %arg4[%multiple_of3A_35, %dma_start3A_48] : memref<131072x128xf32, #tpu.memory_space<hbm>> -> memref<128x128xf32, #tpu.memory_space<hbm>>
        %dma_start3A_50 = arith.constant 0 : i32
        %dma_start3A_51 = tpu.memref_slice %arg4[%multiple_of3A_35, %dma_start3A_50] : memref<131072x128xf32, #tpu.memory_space<hbm>> -> memref<128x128xf32, #tpu.memory_space<hbm>>
        tpu.enqueue_dma source(%arg6 : memref<128x128xf32, #tpu.memory_space<vmem>>) target(%dma_start3A_51 : memref<128x128xf32, #tpu.memory_space<hbm>>) target_semaphore(%run_scoped3A : memref<!tpu.dma_semaphore, #tpu.memory_space<semaphore_mem>>)
        %dma_wait3A_52 = arith.constant 0 : i32
        %dma_wait3A_53 = tpu.memref_slice %arg4[%multiple_of3A_35, %dma_wait3A_52] : memref<131072x128xf32, #tpu.memory_space<hbm>> -> memref<128x128xf32, #tpu.memory_space<hbm>>
        %dma_wait3A_54 = arith.constant 0 : i32
        %dma_wait3A_55 = tpu.memref_slice %arg4[%multiple_of3A_35, %dma_wait3A_54] : memref<131072x128xf32, #tpu.memory_space<hbm>> -> memref<128x128xf32, #tpu.memory_space<hbm>>
        tpu.wait_dma2 semaphore(%run_scoped3A : memref<!tpu.dma_semaphore, #tpu.memory_space<semaphore_mem>>) src(%arg6 : memref<128x128xf32, #tpu.memory_space<vmem>>) dst(%dma_wait3A_55 : memref<128x128xf32, #tpu.memory_space<hbm>>)
        tpu.yield
      }) : () -> ()
      %dma_wait3A_36 = arith.constant 0 : i32
      %dma_wait3A_37 = tpu.memref_slice %arg5[%add3A_20, %dma_wait3A_36] : memref<32x128xi32, #tpu.memory_space<vmem>> -> memref<1x128xi32, #tpu.memory_space<vmem>>
      %dma_wait3A_38 = tpu.memref_squeeze %dma_wait3A_37 : memref<1x128xi32, #tpu.memory_space<vmem>> -> memref<128xi32, #tpu.memory_space<vmem>>
      %dma_wait3A_39 = arith.constant 0 : i32
      %dma_wait3A_40 = arith.constant 0 : i32
      %dma_wait3A_41 = tpu.memref_slice %arg2[%dma_wait3A_39, %dma_wait3A_40] : memref<8192x128xf32, #tpu.memory_space<hbm>> -> memref<8192x128xf32, #tpu.memory_space<hbm>>
      tpu.wait_indirect_dma semaphore(%arg9 : memref<!tpu.dma_semaphore, #tpu.memory_space<semaphore_mem>>) src(%dma_wait3A_41 : memref<8192x128xf32, #tpu.memory_space<hbm>>) dst(%arg7 : memref<128x128xf32, #tpu.memory_space<vmem>>)
      %add3A_42 = arith.constant 1 : i32
      %add3A_43 = arith.addi %mul3A_13, %add3A_42 : i32
      %mul3A_44 = arith.constant 128 : i32
      %mul3A_45 = arith.muli %add3A_43, %mul3A_44 : i32
      %add3A_46 = arith.addi %multiple_of3A, %mul3A_45 : i32
      %multiple_of3A_47 = tpu.assume_multiple %add3A_46, 8 : i32
      "tpu.region"() ({
        %run_scoped3A = tpu.sem_alloc : memref<!tpu.dma_semaphore, #tpu.memory_space<semaphore_mem>>
        %dma_start3A_48 = arith.constant 0 : i32
        %dma_start3A_49 = tpu.memref_slice %arg4[%multiple_of3A_47, %dma_start3A_48] : memref<131072x128xf32, #tpu.memory_space<hbm>> -> memref<128x128xf32, #tpu.memory_space<hbm>>
        %dma_start3A_50 = arith.constant 0 : i32
        %dma_start3A_51 = tpu.memref_slice %arg4[%multiple_of3A_47, %dma_start3A_50] : memref<131072x128xf32, #tpu.memory_space<hbm>> -> memref<128x128xf32, #tpu.memory_space<hbm>>
        tpu.enqueue_dma source(%arg7 : memref<128x128xf32, #tpu.memory_space<vmem>>) target(%dma_start3A_51 : memref<128x128xf32, #tpu.memory_space<hbm>>) target_semaphore(%run_scoped3A : memref<!tpu.dma_semaphore, #tpu.memory_space<semaphore_mem>>)
        %dma_wait3A_52 = arith.constant 0 : i32
        %dma_wait3A_53 = tpu.memref_slice %arg4[%multiple_of3A_47, %dma_wait3A_52] : memref<131072x128xf32, #tpu.memory_space<hbm>> -> memref<128x128xf32, #tpu.memory_space<hbm>>
        %dma_wait3A_54 = arith.constant 0 : i32
        %dma_wait3A_55 = tpu.memref_slice %arg4[%multiple_of3A_47, %dma_wait3A_54] : memref<131072x128xf32, #tpu.memory_space<hbm>> -> memref<128x128xf32, #tpu.memory_space<hbm>>
        tpu.wait_dma2 semaphore(%run_scoped3A : memref<!tpu.dma_semaphore, #tpu.memory_space<semaphore_mem>>) src(%arg7 : memref<128x128xf32, #tpu.memory_space<vmem>>) dst(%dma_wait3A_55 : memref<128x128xf32, #tpu.memory_space<hbm>>)
        tpu.yield
      }) : () -> ()
    }
    %scan3A_6 = arith.constant 16 : i32
    return
  }
}

module attributes {stable_mosaic.version = 14 : i64} {
  func.func @_knn_body(%arg0: i32, %arg1: i32, %arg2: memref<1x256x3xf32, #tpu.memory_space<vmem>>, %arg3: memref<1x2048x3xf32, #tpu.memory_space<vmem>>, %arg4: memref<1x16x256xf32, #tpu.memory_space<vmem>>, %arg5: memref<1x16x256xi32, #tpu.memory_space<vmem>>) attributes {dimension_semantics = [#tpu.dimension_semantics<arbitrary>, #tpu.dimension_semantics<arbitrary>], iteration_bounds = array<i64: 4, 8>, scalar_prefetch = 0 : i64, scratch_operands = 0 : i64, tpu.core_type = #tpu.core_type<tc>, window_params = [{transform_indices = @transform_0, window_bounds = array<i64: 1, 256, 3>}, {transform_indices = @transform_1, window_bounds = array<i64: 1, 2048, 3>}, {transform_indices = @transform_2, window_bounds = array<i64: 1, 16, 256>}, {transform_indices = @transform_3, window_bounds = array<i64: 1, 16, 256>}]} {
    %get3A = arith.constant 0 : index
    %get3A_0 = arith.constant 0 : index
    %get3A_1 = arith.constant 0 : index
    %get3A_2 = vector.load %arg2[%get3A, %get3A_0, %get3A_1] : memref<1x256x3xf32, #tpu.memory_space<vmem>>, vector<1x256x3xf32>
    %get3A_3 = vector.shape_cast %get3A_2 : vector<1x256x3xf32> to vector<256x3xf32>
    %get3A_4 = arith.constant 0 : index
    %get3A_5 = arith.constant 0 : index
    %get3A_6 = arith.constant 0 : index
    %get3A_7 = vector.load %arg3[%get3A_4, %get3A_5, %get3A_6] : memref<1x2048x3xf32, #tpu.memory_space<vmem>>, vector<1x2048x3xf32>
    %get3A_8 = vector.shape_cast %get3A_7 : vector<1x2048x3xf32> to vector<2048x3xf32>
    %slice3A = vector.extract_strided_slice %get3A_3 {offsets = [0, 0], sizes = [256, 1], strides = [1, 1]} : vector<256x3xf32> to vector<256x1xf32>
    %slice3A_9 = vector.extract_strided_slice %get3A_8 {offsets = [0, 0], sizes = [2048, 1], strides = [1, 1]} : vector<2048x3xf32> to vector<2048x1xf32>
    %squeeze3A = vector.shape_cast %slice3A_9 : vector<2048x1xf32> to vector<2048xf32>
    %broadcast_in_dim3A = vector.shape_cast %squeeze3A : vector<2048xf32> to vector<1x2048xf32>
    %sub3A = vector.broadcast %slice3A : vector<256x1xf32> to vector<256x2048xf32>
    %sub3A_10 = vector.broadcast %broadcast_in_dim3A : vector<1x2048xf32> to vector<256x2048xf32>
    %sub3A_11 = arith.subf %sub3A, %sub3A_10 : vector<256x2048xf32>
    %slice3A_12 = vector.extract_strided_slice %get3A_3 {offsets = [0, 1], sizes = [256, 1], strides = [1, 1]} : vector<256x3xf32> to vector<256x1xf32>
    %slice3A_13 = vector.extract_strided_slice %get3A_8 {offsets = [0, 1], sizes = [2048, 1], strides = [1, 1]} : vector<2048x3xf32> to vector<2048x1xf32>
    %squeeze3A_14 = vector.shape_cast %slice3A_13 : vector<2048x1xf32> to vector<2048xf32>
    %broadcast_in_dim3A_15 = vector.shape_cast %squeeze3A_14 : vector<2048xf32> to vector<1x2048xf32>
    %sub3A_16 = vector.broadcast %slice3A_12 : vector<256x1xf32> to vector<256x2048xf32>
    %sub3A_17 = vector.broadcast %broadcast_in_dim3A_15 : vector<1x2048xf32> to vector<256x2048xf32>
    %sub3A_18 = arith.subf %sub3A_16, %sub3A_17 : vector<256x2048xf32>
    %slice3A_19 = vector.extract_strided_slice %get3A_3 {offsets = [0, 2], sizes = [256, 1], strides = [1, 1]} : vector<256x3xf32> to vector<256x1xf32>
    %slice3A_20 = vector.extract_strided_slice %get3A_8 {offsets = [0, 2], sizes = [2048, 1], strides = [1, 1]} : vector<2048x3xf32> to vector<2048x1xf32>
    %squeeze3A_21 = vector.shape_cast %slice3A_20 : vector<2048x1xf32> to vector<2048xf32>
    %broadcast_in_dim3A_22 = vector.shape_cast %squeeze3A_21 : vector<2048xf32> to vector<1x2048xf32>
    %sub3A_23 = vector.broadcast %slice3A_19 : vector<256x1xf32> to vector<256x2048xf32>
    %sub3A_24 = vector.broadcast %broadcast_in_dim3A_22 : vector<1x2048xf32> to vector<256x2048xf32>
    %sub3A_25 = arith.subf %sub3A_23, %sub3A_24 : vector<256x2048xf32>
    %mul3A = arith.mulf %sub3A_11, %sub3A_11 : vector<256x2048xf32>
    %mul3A_26 = arith.mulf %sub3A_18, %sub3A_18 : vector<256x2048xf32>
    %add3A = arith.addf %mul3A, %mul3A_26 : vector<256x2048xf32>
    %mul3A_27 = arith.mulf %sub3A_25, %sub3A_25 : vector<256x2048xf32>
    %add3A_28 = arith.addf %add3A, %mul3A_27 : vector<256x2048xf32>
    %iota3A = tpu.iota {dimensions = array<i32: 1>} : vector<256x2048xi32>
    %scan3A = arith.constant 0 : i32
    %scan3A_29 = arith.constant 16 : i32
    %scan3A_30 = arith.addi %scan3A, %scan3A_29 : i32
    %scan3A_31 = arith.constant 1 : i32
    %scan3A_32 = scf.for %scan3A_34 = %scan3A to %scan3A_30 step %scan3A_31 iter_args(%scan3A_35 = %add3A_28) -> (vector<256x2048xf32>)  : i32 {
      %reduce_min3A = arith.constant dense<0x7F800000> : vector<256xf32>
      %reduce_min3A_36 = vector.multi_reduction <minimumf>, %scan3A_35, %reduce_min3A [1] : vector<256x2048xf32> to vector<256xf32>
      %broadcast_in_dim3A_37 = vector.shape_cast %reduce_min3A_36 : vector<256xf32> to vector<256x1xf32>
      %eq3A = vector.broadcast %broadcast_in_dim3A_37 : vector<256x1xf32> to vector<256x2048xf32>
      %eq3A_38 = arith.cmpf oeq, %scan3A_35, %eq3A : vector<256x2048xf32>
      %jit3A = arith.constant 2048 : i32
      %broadcast_in_dim3A_39 = vector.broadcast %jit3A : i32 to vector<256x2048xi32>
      %select_n3A = arith.select %eq3A_38, %iota3A, %broadcast_in_dim3A_39 : vector<256x2048xi1>, vector<256x2048xi32>
      %reduce_min3A_40 = arith.constant dense<2147483647> : vector<256xi32>
      %reduce_min3A_41 = vector.multi_reduction <minsi>, %select_n3A, %reduce_min3A_40 [1] : vector<256x2048xi32> to vector<256xi32>
      %broadcast_in_dim3A_42 = vector.shape_cast %reduce_min3A_36 : vector<256xf32> to vector<1x256xf32>
      %swap3A = arith.constant 0 : index
      %swap3A_43 = arith.index_cast %scan3A_34 : i32 to index
      %swap3A_44 = arith.constant 0 : index
      %swap3A_45 = vector.load %arg4[%swap3A, %swap3A_43, %swap3A_44] : memref<1x16x256xf32, #tpu.memory_space<vmem>>, vector<1x1x256xf32>
      %swap3A_46 = vector.shape_cast %swap3A_45 : vector<1x1x256xf32> to vector<1x256xf32>
      %swap3A_47 = vector.shape_cast %broadcast_in_dim3A_42 : vector<1x256xf32> to vector<1x1x256xf32>
      tpu.vector_store %arg4[%swap3A, %swap3A_43, %swap3A_44], %swap3A_47 {strides = array<i32>} : memref<1x16x256xf32, #tpu.memory_space<vmem>>, vector<1x1x256xf32>,
      %broadcast_in_dim3A_48 = vector.shape_cast %reduce_min3A_41 : vector<256xi32> to vector<1x256xi32>
      %swap3A_49 = arith.constant 0 : index
      %swap3A_50 = arith.index_cast %scan3A_34 : i32 to index
      %swap3A_51 = arith.constant 0 : index
      %swap3A_52 = vector.load %arg5[%swap3A_49, %swap3A_50, %swap3A_51] : memref<1x16x256xi32, #tpu.memory_space<vmem>>, vector<1x1x256xi32>
      %swap3A_53 = vector.shape_cast %swap3A_52 : vector<1x1x256xi32> to vector<1x256xi32>
      %swap3A_54 = vector.shape_cast %broadcast_in_dim3A_48 : vector<1x256xi32> to vector<1x1x256xi32>
      tpu.vector_store %arg5[%swap3A_49, %swap3A_50, %swap3A_51], %swap3A_54 {strides = array<i32>} : memref<1x16x256xi32, #tpu.memory_space<vmem>>, vector<1x1x256xi32>,
      %broadcast_in_dim3A_55 = vector.shape_cast %reduce_min3A_41 : vector<256xi32> to vector<256x1xi32>
      %eq3A_56 = vector.broadcast %broadcast_in_dim3A_55 : vector<256x1xi32> to vector<256x2048xi32>
      %eq3A_57 = arith.cmpi eq, %iota3A, %eq3A_56 : vector<256x2048xi32>
      %jit3A_58 = arith.constant 0x7F800000 : f32
      %broadcast_in_dim3A_59 = vector.broadcast %jit3A_58 : f32 to vector<256x2048xf32>
      %select_n3A_60 = arith.select %eq3A_57, %broadcast_in_dim3A_59, %scan3A_35 : vector<256x2048xi1>, vector<256x2048xf32>
      scf.yield %select_n3A_60 : vector<256x2048xf32>
    }
    %scan3A_33 = arith.constant 16 : i32
    return
  }
  func.func @transform_0(%arg0: i32, %arg1: i32) -> (i32, i32, i32) {
    %c0_i32 = arith.constant 0 : i32
    %c0_i32_0 = arith.constant 0 : i32
    return %arg0, %arg1, %c0_i32 : i32, i32, i32
  }
  func.func @transform_1(%arg0: i32, %arg1: i32) -> (i32, i32, i32) {
    %c0_i32 = arith.constant 0 : i32
    %c0_i32_0 = arith.constant 0 : i32
    %c0_i32_1 = arith.constant 0 : i32
    return %arg0, %c0_i32, %c0_i32_0 : i32, i32, i32
  }
  func.func @transform_2(%arg0: i32, %arg1: i32) -> (i32, i32, i32) {
    %c0_i32 = arith.constant 0 : i32
    %c0_i32_0 = arith.constant 0 : i32
    return %arg0, %c0_i32, %arg1 : i32, i32, i32
  }
  func.func @transform_3(%arg0: i32, %arg1: i32) -> (i32, i32, i32) {
    %c0_i32 = arith.constant 0 : i32
    %c0_i32_0 = arith.constant 0 : i32
    return %arg0, %c0_i32, %arg1 : i32, i32, i32
  }
}

module attributes {stable_mosaic.version = 14 : i64} {
  func.func @_fps_body(%arg0: memref<3x4x2048xf32, #tpu.memory_space<vmem>>, %arg1: memref<1024x4xi32, #tpu.memory_space<vmem>>) attributes {dimension_semantics = [], scalar_prefetch = 0 : i64, scratch_operands = 0 : i64, tpu.core_type = #tpu.core_type<tc>} {
    %get3A = arith.constant 0 : index
    %get3A_0 = arith.constant 0 : index
    %get3A_1 = arith.constant 0 : index
    %get3A_2 = vector.load %arg0[%get3A, %get3A_0, %get3A_1] : memref<3x4x2048xf32, #tpu.memory_space<vmem>>, vector<3x4x2048xf32>
    %slice3A = vector.extract_strided_slice %get3A_2 {offsets = [0, 0, 0], sizes = [1, 4, 2048], strides = [1, 1, 1]} : vector<3x4x2048xf32> to vector<1x4x2048xf32>
    %squeeze3A = vector.shape_cast %slice3A : vector<1x4x2048xf32> to vector<4x2048xf32>
    %slice3A_3 = vector.extract_strided_slice %get3A_2 {offsets = [1, 0, 0], sizes = [1, 4, 2048], strides = [1, 1, 1]} : vector<3x4x2048xf32> to vector<1x4x2048xf32>
    %squeeze3A_4 = vector.shape_cast %slice3A_3 : vector<1x4x2048xf32> to vector<4x2048xf32>
    %slice3A_5 = vector.extract_strided_slice %get3A_2 {offsets = [2, 0, 0], sizes = [1, 4, 2048], strides = [1, 1, 1]} : vector<3x4x2048xf32> to vector<1x4x2048xf32>
    %squeeze3A_6 = vector.shape_cast %slice3A_5 : vector<1x4x2048xf32> to vector<4x2048xf32>
    %iota3A = tpu.iota {dimensions = array<i32: 1>} : vector<4x2048xi32>
    %reshape3A = vector.shape_cast %get3A_2 : vector<3x4x2048xf32> to vector<12x2048xf32>
    %broadcast_in_dim3A = arith.constant 1.000000e+10 : f32
    %broadcast_in_dim3A_7 = vector.broadcast %broadcast_in_dim3A : f32 to vector<4x2048xf32>
    %broadcast_in_dim3A_8 = arith.constant 0 : i32
    %broadcast_in_dim3A_9 = vector.broadcast %broadcast_in_dim3A_8 : i32 to vector<4xi32>
    %scan3A = arith.constant 0 : i32
    %scan3A_10 = arith.constant 1024 : i32
    %scan3A_11 = arith.addi %scan3A, %scan3A_10 : i32
    %scan3A_12 = arith.constant 1 : i32
    %scan3A_13:2 = scf.for %scan3A_15 = %scan3A to %scan3A_11 step %scan3A_12 iter_args(%scan3A_16 = %broadcast_in_dim3A_7, %scan3A_17 = %broadcast_in_dim3A_9) -> (vector<4x2048xf32>, vector<4xi32>)  : i32 {
      %broadcast_in_dim3A_18 = vector.shape_cast %scan3A_17 : vector<4xi32> to vector<1x4xi32>
      %swap3A = arith.index_cast %scan3A_15 : i32 to index
      %swap3A_19 = arith.constant 0 : index
      %swap3A_20 = vector.load %arg1[%swap3A, %swap3A_19] : memref<1024x4xi32, #tpu.memory_space<vmem>>, vector<1x4xi32>
      tpu.vector_store %arg1[%swap3A, %swap3A_19], %broadcast_in_dim3A_18 {strides = array<i32>} : memref<1024x4xi32, #tpu.memory_space<vmem>>, vector<1x4xi32>,
      %broadcast_in_dim3A_21 = vector.shape_cast %scan3A_17 : vector<4xi32> to vector<4x1xi32>
      %eq3A = vector.broadcast %broadcast_in_dim3A_21 : vector<4x1xi32> to vector<4x2048xi32>
      %eq3A_22 = arith.cmpi eq, %iota3A, %eq3A : vector<4x2048xi32>
      %convert_element_type3A = arith.extui %eq3A_22 : vector<4x2048xi1> to vector<4x2048xi32>
      %convert_element_type3A_23 = arith.sitofp %convert_element_type3A : vector<4x2048xi32> to vector<4x2048xf32>
      %broadcast_in_dim3A_24 = vector.shape_cast %convert_element_type3A_23 : vector<4x2048xf32> to vector<1x4x2048xf32>
      %broadcast_in_dim3A_25 = vector.shape_cast %broadcast_in_dim3A_24 : vector<1x4x2048xf32> to vector<1x4x2048xf32>
      %broadcast_in_dim3A_26 = vector.broadcast %broadcast_in_dim3A_25 : vector<1x4x2048xf32> to vector<3x4x2048xf32>
      %reshape3A_27 = vector.shape_cast %broadcast_in_dim3A_26 : vector<3x4x2048xf32> to vector<12x2048xf32>
      %mul3A = arith.mulf %reshape3A, %reshape3A_27 : vector<12x2048xf32>
      %reduce_sum3A = arith.constant dense<0.000000e+00> : vector<12xf32>
      %reduce_sum3A_28 = vector.multi_reduction <add>, %mul3A, %reduce_sum3A [1] : vector<12x2048xf32> to vector<12xf32>
      %broadcast_in_dim3A_29 = vector.shape_cast %reduce_sum3A_28 : vector<12xf32> to vector<12x1xf32>
      %slice3A_30 = vector.extract_strided_slice %broadcast_in_dim3A_29 {offsets = [0, 0], sizes = [4, 1], strides = [1, 1]} : vector<12x1xf32> to vector<4x1xf32>
      %sub3A = vector.broadcast %slice3A_30 : vector<4x1xf32> to vector<4x2048xf32>
      %sub3A_31 = arith.subf %squeeze3A, %sub3A : vector<4x2048xf32>
      %slice3A_32 = vector.extract_strided_slice %broadcast_in_dim3A_29 {offsets = [4, 0], sizes = [4, 1], strides = [1, 1]} : vector<12x1xf32> to vector<4x1xf32>
      %sub3A_33 = vector.broadcast %slice3A_32 : vector<4x1xf32> to vector<4x2048xf32>
      %sub3A_34 = arith.subf %squeeze3A_4, %sub3A_33 : vector<4x2048xf32>
      %slice3A_35 = vector.extract_strided_slice %broadcast_in_dim3A_29 {offsets = [8, 0], sizes = [4, 1], strides = [1, 1]} : vector<12x1xf32> to vector<4x1xf32>
      %sub3A_36 = vector.broadcast %slice3A_35 : vector<4x1xf32> to vector<4x2048xf32>
      %sub3A_37 = arith.subf %squeeze3A_6, %sub3A_36 : vector<4x2048xf32>
      %mul3A_38 = arith.mulf %sub3A_31, %sub3A_31 : vector<4x2048xf32>
      %mul3A_39 = arith.mulf %sub3A_34, %sub3A_34 : vector<4x2048xf32>
      %add3A = arith.addf %mul3A_38, %mul3A_39 : vector<4x2048xf32>
      %mul3A_40 = arith.mulf %sub3A_37, %sub3A_37 : vector<4x2048xf32>
      %add3A_41 = arith.addf %add3A, %mul3A_40 : vector<4x2048xf32>
      %min3A = arith.minimumf %scan3A_16, %add3A_41 : vector<4x2048xf32>
      %reduce_max3A = arith.constant dense<0xFF800000> : vector<4xf32>
      %reduce_max3A_42 = vector.multi_reduction <maximumf>, %min3A, %reduce_max3A [1] : vector<4x2048xf32> to vector<4xf32>
      %broadcast_in_dim3A_43 = vector.shape_cast %reduce_max3A_42 : vector<4xf32> to vector<4x1xf32>
      %eq3A_44 = vector.broadcast %broadcast_in_dim3A_43 : vector<4x1xf32> to vector<4x2048xf32>
      %eq3A_45 = arith.cmpf oeq, %min3A, %eq3A_44 : vector<4x2048xf32>
      %jit3A = arith.constant 2048 : i32
      %broadcast_in_dim3A_46 = vector.broadcast %jit3A : i32 to vector<4x2048xi32>
      %select_n3A = arith.select %eq3A_45, %iota3A, %broadcast_in_dim3A_46 : vector<4x2048xi1>, vector<4x2048xi32>
      %reduce_min3A = arith.constant dense<2147483647> : vector<4xi32>
      %reduce_min3A_47 = vector.multi_reduction <minsi>, %select_n3A, %reduce_min3A [1] : vector<4x2048xi32> to vector<4xi32>
      scf.yield %min3A, %reduce_min3A_47 : vector<4x2048xf32>, vector<4xi32>
    }
    %scan3A_14 = arith.constant 1024 : i32
    return
  }
}

module attributes {stable_mosaic.version = 14 : i64} {
  func.func @_knn_body(%arg0: i32, %arg1: i32, %arg2: memref<1x256x3xf32, #tpu.memory_space<vmem>>, %arg3: memref<1x1024x3xf32, #tpu.memory_space<vmem>>, %arg4: memref<1x16x256xf32, #tpu.memory_space<vmem>>, %arg5: memref<1x16x256xi32, #tpu.memory_space<vmem>>) attributes {dimension_semantics = [#tpu.dimension_semantics<arbitrary>, #tpu.dimension_semantics<arbitrary>], iteration_bounds = array<i64: 4, 4>, scalar_prefetch = 0 : i64, scratch_operands = 0 : i64, tpu.core_type = #tpu.core_type<tc>, window_params = [{transform_indices = @transform_0, window_bounds = array<i64: 1, 256, 3>}, {transform_indices = @transform_1, window_bounds = array<i64: 1, 1024, 3>}, {transform_indices = @transform_2, window_bounds = array<i64: 1, 16, 256>}, {transform_indices = @transform_3, window_bounds = array<i64: 1, 16, 256>}]} {
    %get3A = arith.constant 0 : index
    %get3A_0 = arith.constant 0 : index
    %get3A_1 = arith.constant 0 : index
    %get3A_2 = vector.load %arg2[%get3A, %get3A_0, %get3A_1] : memref<1x256x3xf32, #tpu.memory_space<vmem>>, vector<1x256x3xf32>
    %get3A_3 = vector.shape_cast %get3A_2 : vector<1x256x3xf32> to vector<256x3xf32>
    %get3A_4 = arith.constant 0 : index
    %get3A_5 = arith.constant 0 : index
    %get3A_6 = arith.constant 0 : index
    %get3A_7 = vector.load %arg3[%get3A_4, %get3A_5, %get3A_6] : memref<1x1024x3xf32, #tpu.memory_space<vmem>>, vector<1x1024x3xf32>
    %get3A_8 = vector.shape_cast %get3A_7 : vector<1x1024x3xf32> to vector<1024x3xf32>
    %slice3A = vector.extract_strided_slice %get3A_3 {offsets = [0, 0], sizes = [256, 1], strides = [1, 1]} : vector<256x3xf32> to vector<256x1xf32>
    %slice3A_9 = vector.extract_strided_slice %get3A_8 {offsets = [0, 0], sizes = [1024, 1], strides = [1, 1]} : vector<1024x3xf32> to vector<1024x1xf32>
    %squeeze3A = vector.shape_cast %slice3A_9 : vector<1024x1xf32> to vector<1024xf32>
    %broadcast_in_dim3A = vector.shape_cast %squeeze3A : vector<1024xf32> to vector<1x1024xf32>
    %sub3A = vector.broadcast %slice3A : vector<256x1xf32> to vector<256x1024xf32>
    %sub3A_10 = vector.broadcast %broadcast_in_dim3A : vector<1x1024xf32> to vector<256x1024xf32>
    %sub3A_11 = arith.subf %sub3A, %sub3A_10 : vector<256x1024xf32>
    %slice3A_12 = vector.extract_strided_slice %get3A_3 {offsets = [0, 1], sizes = [256, 1], strides = [1, 1]} : vector<256x3xf32> to vector<256x1xf32>
    %slice3A_13 = vector.extract_strided_slice %get3A_8 {offsets = [0, 1], sizes = [1024, 1], strides = [1, 1]} : vector<1024x3xf32> to vector<1024x1xf32>
    %squeeze3A_14 = vector.shape_cast %slice3A_13 : vector<1024x1xf32> to vector<1024xf32>
    %broadcast_in_dim3A_15 = vector.shape_cast %squeeze3A_14 : vector<1024xf32> to vector<1x1024xf32>
    %sub3A_16 = vector.broadcast %slice3A_12 : vector<256x1xf32> to vector<256x1024xf32>
    %sub3A_17 = vector.broadcast %broadcast_in_dim3A_15 : vector<1x1024xf32> to vector<256x1024xf32>
    %sub3A_18 = arith.subf %sub3A_16, %sub3A_17 : vector<256x1024xf32>
    %slice3A_19 = vector.extract_strided_slice %get3A_3 {offsets = [0, 2], sizes = [256, 1], strides = [1, 1]} : vector<256x3xf32> to vector<256x1xf32>
    %slice3A_20 = vector.extract_strided_slice %get3A_8 {offsets = [0, 2], sizes = [1024, 1], strides = [1, 1]} : vector<1024x3xf32> to vector<1024x1xf32>
    %squeeze3A_21 = vector.shape_cast %slice3A_20 : vector<1024x1xf32> to vector<1024xf32>
    %broadcast_in_dim3A_22 = vector.shape_cast %squeeze3A_21 : vector<1024xf32> to vector<1x1024xf32>
    %sub3A_23 = vector.broadcast %slice3A_19 : vector<256x1xf32> to vector<256x1024xf32>
    %sub3A_24 = vector.broadcast %broadcast_in_dim3A_22 : vector<1x1024xf32> to vector<256x1024xf32>
    %sub3A_25 = arith.subf %sub3A_23, %sub3A_24 : vector<256x1024xf32>
    %mul3A = arith.mulf %sub3A_11, %sub3A_11 : vector<256x1024xf32>
    %mul3A_26 = arith.mulf %sub3A_18, %sub3A_18 : vector<256x1024xf32>
    %add3A = arith.addf %mul3A, %mul3A_26 : vector<256x1024xf32>
    %mul3A_27 = arith.mulf %sub3A_25, %sub3A_25 : vector<256x1024xf32>
    %add3A_28 = arith.addf %add3A, %mul3A_27 : vector<256x1024xf32>
    %iota3A = tpu.iota {dimensions = array<i32: 1>} : vector<256x1024xi32>
    %scan3A = arith.constant 0 : i32
    %scan3A_29 = arith.constant 16 : i32
    %scan3A_30 = arith.addi %scan3A, %scan3A_29 : i32
    %scan3A_31 = arith.constant 1 : i32
    %scan3A_32 = scf.for %scan3A_34 = %scan3A to %scan3A_30 step %scan3A_31 iter_args(%scan3A_35 = %add3A_28) -> (vector<256x1024xf32>)  : i32 {
      %reduce_min3A = arith.constant dense<0x7F800000> : vector<256xf32>
      %reduce_min3A_36 = vector.multi_reduction <minimumf>, %scan3A_35, %reduce_min3A [1] : vector<256x1024xf32> to vector<256xf32>
      %broadcast_in_dim3A_37 = vector.shape_cast %reduce_min3A_36 : vector<256xf32> to vector<256x1xf32>
      %eq3A = vector.broadcast %broadcast_in_dim3A_37 : vector<256x1xf32> to vector<256x1024xf32>
      %eq3A_38 = arith.cmpf oeq, %scan3A_35, %eq3A : vector<256x1024xf32>
      %jit3A = arith.constant 1024 : i32
      %broadcast_in_dim3A_39 = vector.broadcast %jit3A : i32 to vector<256x1024xi32>
      %select_n3A = arith.select %eq3A_38, %iota3A, %broadcast_in_dim3A_39 : vector<256x1024xi1>, vector<256x1024xi32>
      %reduce_min3A_40 = arith.constant dense<2147483647> : vector<256xi32>
      %reduce_min3A_41 = vector.multi_reduction <minsi>, %select_n3A, %reduce_min3A_40 [1] : vector<256x1024xi32> to vector<256xi32>
      %broadcast_in_dim3A_42 = vector.shape_cast %reduce_min3A_36 : vector<256xf32> to vector<1x256xf32>
      %swap3A = arith.constant 0 : index
      %swap3A_43 = arith.index_cast %scan3A_34 : i32 to index
      %swap3A_44 = arith.constant 0 : index
      %swap3A_45 = vector.load %arg4[%swap3A, %swap3A_43, %swap3A_44] : memref<1x16x256xf32, #tpu.memory_space<vmem>>, vector<1x1x256xf32>
      %swap3A_46 = vector.shape_cast %swap3A_45 : vector<1x1x256xf32> to vector<1x256xf32>
      %swap3A_47 = vector.shape_cast %broadcast_in_dim3A_42 : vector<1x256xf32> to vector<1x1x256xf32>
      tpu.vector_store %arg4[%swap3A, %swap3A_43, %swap3A_44], %swap3A_47 {strides = array<i32>} : memref<1x16x256xf32, #tpu.memory_space<vmem>>, vector<1x1x256xf32>,
      %broadcast_in_dim3A_48 = vector.shape_cast %reduce_min3A_41 : vector<256xi32> to vector<1x256xi32>
      %swap3A_49 = arith.constant 0 : index
      %swap3A_50 = arith.index_cast %scan3A_34 : i32 to index
      %swap3A_51 = arith.constant 0 : index
      %swap3A_52 = vector.load %arg5[%swap3A_49, %swap3A_50, %swap3A_51] : memref<1x16x256xi32, #tpu.memory_space<vmem>>, vector<1x1x256xi32>
      %swap3A_53 = vector.shape_cast %swap3A_52 : vector<1x1x256xi32> to vector<1x256xi32>
      %swap3A_54 = vector.shape_cast %broadcast_in_dim3A_48 : vector<1x256xi32> to vector<1x1x256xi32>
      tpu.vector_store %arg5[%swap3A_49, %swap3A_50, %swap3A_51], %swap3A_54 {strides = array<i32>} : memref<1x16x256xi32, #tpu.memory_space<vmem>>, vector<1x1x256xi32>,
      %broadcast_in_dim3A_55 = vector.shape_cast %reduce_min3A_41 : vector<256xi32> to vector<256x1xi32>
      %eq3A_56 = vector.broadcast %broadcast_in_dim3A_55 : vector<256x1xi32> to vector<256x1024xi32>
      %eq3A_57 = arith.cmpi eq, %iota3A, %eq3A_56 : vector<256x1024xi32>
      %jit3A_58 = arith.constant 0x7F800000 : f32
      %broadcast_in_dim3A_59 = vector.broadcast %jit3A_58 : f32 to vector<256x1024xf32>
      %select_n3A_60 = arith.select %eq3A_57, %broadcast_in_dim3A_59, %scan3A_35 : vector<256x1024xi1>, vector<256x1024xf32>
      scf.yield %select_n3A_60 : vector<256x1024xf32>
    }
    %scan3A_33 = arith.constant 16 : i32
    return
  }
  func.func @transform_0(%arg0: i32, %arg1: i32) -> (i32, i32, i32) {
    %c0_i32 = arith.constant 0 : i32
    %c0_i32_0 = arith.constant 0 : i32
    return %arg0, %arg1, %c0_i32 : i32, i32, i32
  }
  func.func @transform_1(%arg0: i32, %arg1: i32) -> (i32, i32, i32) {
    %c0_i32 = arith.constant 0 : i32
    %c0_i32_0 = arith.constant 0 : i32
    %c0_i32_1 = arith.constant 0 : i32
    return %arg0, %c0_i32, %c0_i32_0 : i32, i32, i32
  }
  func.func @transform_2(%arg0: i32, %arg1: i32) -> (i32, i32, i32) {
    %c0_i32 = arith.constant 0 : i32
    %c0_i32_0 = arith.constant 0 : i32
    return %arg0, %c0_i32, %arg1 : i32, i32, i32
  }
  func.func @transform_3(%arg0: i32, %arg1: i32) -> (i32, i32, i32) {
    %c0_i32 = arith.constant 0 : i32
    %c0_i32_0 = arith.constant 0 : i32
    return %arg0, %c0_i32, %arg1 : i32, i32, i32
  }
}

module attributes {stable_mosaic.version = 14 : i64} {
  func.func @_fps_body(%arg0: memref<3x4x1024xf32, #tpu.memory_space<vmem>>, %arg1: memref<512x4xi32, #tpu.memory_space<vmem>>) attributes {dimension_semantics = [], scalar_prefetch = 0 : i64, scratch_operands = 0 : i64, tpu.core_type = #tpu.core_type<tc>} {
    %get3A = arith.constant 0 : index
    %get3A_0 = arith.constant 0 : index
    %get3A_1 = arith.constant 0 : index
    %get3A_2 = vector.load %arg0[%get3A, %get3A_0, %get3A_1] : memref<3x4x1024xf32, #tpu.memory_space<vmem>>, vector<3x4x1024xf32>
    %slice3A = vector.extract_strided_slice %get3A_2 {offsets = [0, 0, 0], sizes = [1, 4, 1024], strides = [1, 1, 1]} : vector<3x4x1024xf32> to vector<1x4x1024xf32>
    %squeeze3A = vector.shape_cast %slice3A : vector<1x4x1024xf32> to vector<4x1024xf32>
    %slice3A_3 = vector.extract_strided_slice %get3A_2 {offsets = [1, 0, 0], sizes = [1, 4, 1024], strides = [1, 1, 1]} : vector<3x4x1024xf32> to vector<1x4x1024xf32>
    %squeeze3A_4 = vector.shape_cast %slice3A_3 : vector<1x4x1024xf32> to vector<4x1024xf32>
    %slice3A_5 = vector.extract_strided_slice %get3A_2 {offsets = [2, 0, 0], sizes = [1, 4, 1024], strides = [1, 1, 1]} : vector<3x4x1024xf32> to vector<1x4x1024xf32>
    %squeeze3A_6 = vector.shape_cast %slice3A_5 : vector<1x4x1024xf32> to vector<4x1024xf32>
    %iota3A = tpu.iota {dimensions = array<i32: 1>} : vector<4x1024xi32>
    %reshape3A = vector.shape_cast %get3A_2 : vector<3x4x1024xf32> to vector<12x1024xf32>
    %broadcast_in_dim3A = arith.constant 1.000000e+10 : f32
    %broadcast_in_dim3A_7 = vector.broadcast %broadcast_in_dim3A : f32 to vector<4x1024xf32>
    %broadcast_in_dim3A_8 = arith.constant 0 : i32
    %broadcast_in_dim3A_9 = vector.broadcast %broadcast_in_dim3A_8 : i32 to vector<4xi32>
    %scan3A = arith.constant 0 : i32
    %scan3A_10 = arith.constant 512 : i32
    %scan3A_11 = arith.addi %scan3A, %scan3A_10 : i32
    %scan3A_12 = arith.constant 1 : i32
    %scan3A_13:2 = scf.for %scan3A_15 = %scan3A to %scan3A_11 step %scan3A_12 iter_args(%scan3A_16 = %broadcast_in_dim3A_7, %scan3A_17 = %broadcast_in_dim3A_9) -> (vector<4x1024xf32>, vector<4xi32>)  : i32 {
      %broadcast_in_dim3A_18 = vector.shape_cast %scan3A_17 : vector<4xi32> to vector<1x4xi32>
      %swap3A = arith.index_cast %scan3A_15 : i32 to index
      %swap3A_19 = arith.constant 0 : index
      %swap3A_20 = vector.load %arg1[%swap3A, %swap3A_19] : memref<512x4xi32, #tpu.memory_space<vmem>>, vector<1x4xi32>
      tpu.vector_store %arg1[%swap3A, %swap3A_19], %broadcast_in_dim3A_18 {strides = array<i32>} : memref<512x4xi32, #tpu.memory_space<vmem>>, vector<1x4xi32>,
      %broadcast_in_dim3A_21 = vector.shape_cast %scan3A_17 : vector<4xi32> to vector<4x1xi32>
      %eq3A = vector.broadcast %broadcast_in_dim3A_21 : vector<4x1xi32> to vector<4x1024xi32>
      %eq3A_22 = arith.cmpi eq, %iota3A, %eq3A : vector<4x1024xi32>
      %convert_element_type3A = arith.extui %eq3A_22 : vector<4x1024xi1> to vector<4x1024xi32>
      %convert_element_type3A_23 = arith.sitofp %convert_element_type3A : vector<4x1024xi32> to vector<4x1024xf32>
      %broadcast_in_dim3A_24 = vector.shape_cast %convert_element_type3A_23 : vector<4x1024xf32> to vector<1x4x1024xf32>
      %broadcast_in_dim3A_25 = vector.shape_cast %broadcast_in_dim3A_24 : vector<1x4x1024xf32> to vector<1x4x1024xf32>
      %broadcast_in_dim3A_26 = vector.broadcast %broadcast_in_dim3A_25 : vector<1x4x1024xf32> to vector<3x4x1024xf32>
      %reshape3A_27 = vector.shape_cast %broadcast_in_dim3A_26 : vector<3x4x1024xf32> to vector<12x1024xf32>
      %mul3A = arith.mulf %reshape3A, %reshape3A_27 : vector<12x1024xf32>
      %reduce_sum3A = arith.constant dense<0.000000e+00> : vector<12xf32>
      %reduce_sum3A_28 = vector.multi_reduction <add>, %mul3A, %reduce_sum3A [1] : vector<12x1024xf32> to vector<12xf32>
      %broadcast_in_dim3A_29 = vector.shape_cast %reduce_sum3A_28 : vector<12xf32> to vector<12x1xf32>
      %slice3A_30 = vector.extract_strided_slice %broadcast_in_dim3A_29 {offsets = [0, 0], sizes = [4, 1], strides = [1, 1]} : vector<12x1xf32> to vector<4x1xf32>
      %sub3A = vector.broadcast %slice3A_30 : vector<4x1xf32> to vector<4x1024xf32>
      %sub3A_31 = arith.subf %squeeze3A, %sub3A : vector<4x1024xf32>
      %slice3A_32 = vector.extract_strided_slice %broadcast_in_dim3A_29 {offsets = [4, 0], sizes = [4, 1], strides = [1, 1]} : vector<12x1xf32> to vector<4x1xf32>
      %sub3A_33 = vector.broadcast %slice3A_32 : vector<4x1xf32> to vector<4x1024xf32>
      %sub3A_34 = arith.subf %squeeze3A_4, %sub3A_33 : vector<4x1024xf32>
      %slice3A_35 = vector.extract_strided_slice %broadcast_in_dim3A_29 {offsets = [8, 0], sizes = [4, 1], strides = [1, 1]} : vector<12x1xf32> to vector<4x1xf32>
      %sub3A_36 = vector.broadcast %slice3A_35 : vector<4x1xf32> to vector<4x1024xf32>
      %sub3A_37 = arith.subf %squeeze3A_6, %sub3A_36 : vector<4x1024xf32>
      %mul3A_38 = arith.mulf %sub3A_31, %sub3A_31 : vector<4x1024xf32>
      %mul3A_39 = arith.mulf %sub3A_34, %sub3A_34 : vector<4x1024xf32>
      %add3A = arith.addf %mul3A_38, %mul3A_39 : vector<4x1024xf32>
      %mul3A_40 = arith.mulf %sub3A_37, %sub3A_37 : vector<4x1024xf32>
      %add3A_41 = arith.addf %add3A, %mul3A_40 : vector<4x1024xf32>
      %min3A = arith.minimumf %scan3A_16, %add3A_41 : vector<4x1024xf32>
      %reduce_max3A = arith.constant dense<0xFF800000> : vector<4xf32>
      %reduce_max3A_42 = vector.multi_reduction <maximumf>, %min3A, %reduce_max3A [1] : vector<4x1024xf32> to vector<4xf32>
      %broadcast_in_dim3A_43 = vector.shape_cast %reduce_max3A_42 : vector<4xf32> to vector<4x1xf32>
      %eq3A_44 = vector.broadcast %broadcast_in_dim3A_43 : vector<4x1xf32> to vector<4x1024xf32>
      %eq3A_45 = arith.cmpf oeq, %min3A, %eq3A_44 : vector<4x1024xf32>
      %jit3A = arith.constant 1024 : i32
      %broadcast_in_dim3A_46 = vector.broadcast %jit3A : i32 to vector<4x1024xi32>
      %select_n3A = arith.select %eq3A_45, %iota3A, %broadcast_in_dim3A_46 : vector<4x1024xi1>, vector<4x1024xi32>
      %reduce_min3A = arith.constant dense<2147483647> : vector<4xi32>
      %reduce_min3A_47 = vector.multi_reduction <minsi>, %select_n3A, %reduce_min3A [1] : vector<4x1024xi32> to vector<4xi32>
      scf.yield %min3A, %reduce_min3A_47 : vector<4x1024xf32>, vector<4xi32>
    }
    %scan3A_14 = arith.constant 512 : i32
    return
  }
}

module attributes {stable_mosaic.version = 14 : i64} {
  func.func @_knn_body(%arg0: i32, %arg1: i32, %arg2: memref<1x256x3xf32, #tpu.memory_space<vmem>>, %arg3: memref<1x512x3xf32, #tpu.memory_space<vmem>>, %arg4: memref<1x16x256xf32, #tpu.memory_space<vmem>>, %arg5: memref<1x16x256xi32, #tpu.memory_space<vmem>>) attributes {dimension_semantics = [#tpu.dimension_semantics<arbitrary>, #tpu.dimension_semantics<arbitrary>], iteration_bounds = array<i64: 4, 2>, scalar_prefetch = 0 : i64, scratch_operands = 0 : i64, tpu.core_type = #tpu.core_type<tc>, window_params = [{transform_indices = @transform_0, window_bounds = array<i64: 1, 256, 3>}, {transform_indices = @transform_1, window_bounds = array<i64: 1, 512, 3>}, {transform_indices = @transform_2, window_bounds = array<i64: 1, 16, 256>}, {transform_indices = @transform_3, window_bounds = array<i64: 1, 16, 256>}]} {
    %get3A = arith.constant 0 : index
    %get3A_0 = arith.constant 0 : index
    %get3A_1 = arith.constant 0 : index
    %get3A_2 = vector.load %arg2[%get3A, %get3A_0, %get3A_1] : memref<1x256x3xf32, #tpu.memory_space<vmem>>, vector<1x256x3xf32>
    %get3A_3 = vector.shape_cast %get3A_2 : vector<1x256x3xf32> to vector<256x3xf32>
    %get3A_4 = arith.constant 0 : index
    %get3A_5 = arith.constant 0 : index
    %get3A_6 = arith.constant 0 : index
    %get3A_7 = vector.load %arg3[%get3A_4, %get3A_5, %get3A_6] : memref<1x512x3xf32, #tpu.memory_space<vmem>>, vector<1x512x3xf32>
    %get3A_8 = vector.shape_cast %get3A_7 : vector<1x512x3xf32> to vector<512x3xf32>
    %slice3A = vector.extract_strided_slice %get3A_3 {offsets = [0, 0], sizes = [256, 1], strides = [1, 1]} : vector<256x3xf32> to vector<256x1xf32>
    %slice3A_9 = vector.extract_strided_slice %get3A_8 {offsets = [0, 0], sizes = [512, 1], strides = [1, 1]} : vector<512x3xf32> to vector<512x1xf32>
    %squeeze3A = vector.shape_cast %slice3A_9 : vector<512x1xf32> to vector<512xf32>
    %broadcast_in_dim3A = vector.shape_cast %squeeze3A : vector<512xf32> to vector<1x512xf32>
    %sub3A = vector.broadcast %slice3A : vector<256x1xf32> to vector<256x512xf32>
    %sub3A_10 = vector.broadcast %broadcast_in_dim3A : vector<1x512xf32> to vector<256x512xf32>
    %sub3A_11 = arith.subf %sub3A, %sub3A_10 : vector<256x512xf32>
    %slice3A_12 = vector.extract_strided_slice %get3A_3 {offsets = [0, 1], sizes = [256, 1], strides = [1, 1]} : vector<256x3xf32> to vector<256x1xf32>
    %slice3A_13 = vector.extract_strided_slice %get3A_8 {offsets = [0, 1], sizes = [512, 1], strides = [1, 1]} : vector<512x3xf32> to vector<512x1xf32>
    %squeeze3A_14 = vector.shape_cast %slice3A_13 : vector<512x1xf32> to vector<512xf32>
    %broadcast_in_dim3A_15 = vector.shape_cast %squeeze3A_14 : vector<512xf32> to vector<1x512xf32>
    %sub3A_16 = vector.broadcast %slice3A_12 : vector<256x1xf32> to vector<256x512xf32>
    %sub3A_17 = vector.broadcast %broadcast_in_dim3A_15 : vector<1x512xf32> to vector<256x512xf32>
    %sub3A_18 = arith.subf %sub3A_16, %sub3A_17 : vector<256x512xf32>
    %slice3A_19 = vector.extract_strided_slice %get3A_3 {offsets = [0, 2], sizes = [256, 1], strides = [1, 1]} : vector<256x3xf32> to vector<256x1xf32>
    %slice3A_20 = vector.extract_strided_slice %get3A_8 {offsets = [0, 2], sizes = [512, 1], strides = [1, 1]} : vector<512x3xf32> to vector<512x1xf32>
    %squeeze3A_21 = vector.shape_cast %slice3A_20 : vector<512x1xf32> to vector<512xf32>
    %broadcast_in_dim3A_22 = vector.shape_cast %squeeze3A_21 : vector<512xf32> to vector<1x512xf32>
    %sub3A_23 = vector.broadcast %slice3A_19 : vector<256x1xf32> to vector<256x512xf32>
    %sub3A_24 = vector.broadcast %broadcast_in_dim3A_22 : vector<1x512xf32> to vector<256x512xf32>
    %sub3A_25 = arith.subf %sub3A_23, %sub3A_24 : vector<256x512xf32>
    %mul3A = arith.mulf %sub3A_11, %sub3A_11 : vector<256x512xf32>
    %mul3A_26 = arith.mulf %sub3A_18, %sub3A_18 : vector<256x512xf32>
    %add3A = arith.addf %mul3A, %mul3A_26 : vector<256x512xf32>
    %mul3A_27 = arith.mulf %sub3A_25, %sub3A_25 : vector<256x512xf32>
    %add3A_28 = arith.addf %add3A, %mul3A_27 : vector<256x512xf32>
    %iota3A = tpu.iota {dimensions = array<i32: 1>} : vector<256x512xi32>
    %scan3A = arith.constant 0 : i32
    %scan3A_29 = arith.constant 16 : i32
    %scan3A_30 = arith.addi %scan3A, %scan3A_29 : i32
    %scan3A_31 = arith.constant 1 : i32
    %scan3A_32 = scf.for %scan3A_34 = %scan3A to %scan3A_30 step %scan3A_31 iter_args(%scan3A_35 = %add3A_28) -> (vector<256x512xf32>)  : i32 {
      %reduce_min3A = arith.constant dense<0x7F800000> : vector<256xf32>
      %reduce_min3A_36 = vector.multi_reduction <minimumf>, %scan3A_35, %reduce_min3A [1] : vector<256x512xf32> to vector<256xf32>
      %broadcast_in_dim3A_37 = vector.shape_cast %reduce_min3A_36 : vector<256xf32> to vector<256x1xf32>
      %eq3A = vector.broadcast %broadcast_in_dim3A_37 : vector<256x1xf32> to vector<256x512xf32>
      %eq3A_38 = arith.cmpf oeq, %scan3A_35, %eq3A : vector<256x512xf32>
      %jit3A = arith.constant 512 : i32
      %broadcast_in_dim3A_39 = vector.broadcast %jit3A : i32 to vector<256x512xi32>
      %select_n3A = arith.select %eq3A_38, %iota3A, %broadcast_in_dim3A_39 : vector<256x512xi1>, vector<256x512xi32>
      %reduce_min3A_40 = arith.constant dense<2147483647> : vector<256xi32>
      %reduce_min3A_41 = vector.multi_reduction <minsi>, %select_n3A, %reduce_min3A_40 [1] : vector<256x512xi32> to vector<256xi32>
      %broadcast_in_dim3A_42 = vector.shape_cast %reduce_min3A_36 : vector<256xf32> to vector<1x256xf32>
      %swap3A = arith.constant 0 : index
      %swap3A_43 = arith.index_cast %scan3A_34 : i32 to index
      %swap3A_44 = arith.constant 0 : index
      %swap3A_45 = vector.load %arg4[%swap3A, %swap3A_43, %swap3A_44] : memref<1x16x256xf32, #tpu.memory_space<vmem>>, vector<1x1x256xf32>
      %swap3A_46 = vector.shape_cast %swap3A_45 : vector<1x1x256xf32> to vector<1x256xf32>
      %swap3A_47 = vector.shape_cast %broadcast_in_dim3A_42 : vector<1x256xf32> to vector<1x1x256xf32>
      tpu.vector_store %arg4[%swap3A, %swap3A_43, %swap3A_44], %swap3A_47 {strides = array<i32>} : memref<1x16x256xf32, #tpu.memory_space<vmem>>, vector<1x1x256xf32>,
      %broadcast_in_dim3A_48 = vector.shape_cast %reduce_min3A_41 : vector<256xi32> to vector<1x256xi32>
      %swap3A_49 = arith.constant 0 : index
      %swap3A_50 = arith.index_cast %scan3A_34 : i32 to index
      %swap3A_51 = arith.constant 0 : index
      %swap3A_52 = vector.load %arg5[%swap3A_49, %swap3A_50, %swap3A_51] : memref<1x16x256xi32, #tpu.memory_space<vmem>>, vector<1x1x256xi32>
      %swap3A_53 = vector.shape_cast %swap3A_52 : vector<1x1x256xi32> to vector<1x256xi32>
      %swap3A_54 = vector.shape_cast %broadcast_in_dim3A_48 : vector<1x256xi32> to vector<1x1x256xi32>
      tpu.vector_store %arg5[%swap3A_49, %swap3A_50, %swap3A_51], %swap3A_54 {strides = array<i32>} : memref<1x16x256xi32, #tpu.memory_space<vmem>>, vector<1x1x256xi32>,
      %broadcast_in_dim3A_55 = vector.shape_cast %reduce_min3A_41 : vector<256xi32> to vector<256x1xi32>
      %eq3A_56 = vector.broadcast %broadcast_in_dim3A_55 : vector<256x1xi32> to vector<256x512xi32>
      %eq3A_57 = arith.cmpi eq, %iota3A, %eq3A_56 : vector<256x512xi32>
      %jit3A_58 = arith.constant 0x7F800000 : f32
      %broadcast_in_dim3A_59 = vector.broadcast %jit3A_58 : f32 to vector<256x512xf32>
      %select_n3A_60 = arith.select %eq3A_57, %broadcast_in_dim3A_59, %scan3A_35 : vector<256x512xi1>, vector<256x512xf32>
      scf.yield %select_n3A_60 : vector<256x512xf32>
    }
    %scan3A_33 = arith.constant 16 : i32
    return
  }
  func.func @transform_0(%arg0: i32, %arg1: i32) -> (i32, i32, i32) {
    %c0_i32 = arith.constant 0 : i32
    %c0_i32_0 = arith.constant 0 : i32
    return %arg0, %arg1, %c0_i32 : i32, i32, i32
  }
  func.func @transform_1(%arg0: i32, %arg1: i32) -> (i32, i32, i32) {
    %c0_i32 = arith.constant 0 : i32
    %c0_i32_0 = arith.constant 0 : i32
    %c0_i32_1 = arith.constant 0 : i32
    return %arg0, %c0_i32, %c0_i32_0 : i32, i32, i32
  }
  func.func @transform_2(%arg0: i32, %arg1: i32) -> (i32, i32, i32) {
    %c0_i32 = arith.constant 0 : i32
    %c0_i32_0 = arith.constant 0 : i32
    return %arg0, %c0_i32, %arg1 : i32, i32, i32
  }
  func.func @transform_3(%arg0: i32, %arg1: i32) -> (i32, i32, i32) {
    %c0_i32 = arith.constant 0 : i32
    %c0_i32_0 = arith.constant 0 : i32
    return %arg0, %c0_i32, %arg1 : i32, i32, i32
  }
}

module attributes {stable_mosaic.version = 14 : i64} {
  func.func @_knn_body(%arg0: i32, %arg1: i32, %arg2: memref<1x256x3xf32, #tpu.memory_space<vmem>>, %arg3: memref<1x512x3xf32, #tpu.memory_space<vmem>>, %arg4: memref<1x3x256xf32, #tpu.memory_space<vmem>>, %arg5: memref<1x3x256xi32, #tpu.memory_space<vmem>>) attributes {dimension_semantics = [#tpu.dimension_semantics<arbitrary>, #tpu.dimension_semantics<arbitrary>], iteration_bounds = array<i64: 4, 4>, scalar_prefetch = 0 : i64, scratch_operands = 0 : i64, tpu.core_type = #tpu.core_type<tc>, window_params = [{transform_indices = @transform_0, window_bounds = array<i64: 1, 256, 3>}, {transform_indices = @transform_1, window_bounds = array<i64: 1, 512, 3>}, {transform_indices = @transform_2, window_bounds = array<i64: 1, 3, 256>}, {transform_indices = @transform_3, window_bounds = array<i64: 1, 3, 256>}]} {
    %get3A = arith.constant 0 : index
    %get3A_0 = arith.constant 0 : index
    %get3A_1 = arith.constant 0 : index
    %get3A_2 = vector.load %arg2[%get3A, %get3A_0, %get3A_1] : memref<1x256x3xf32, #tpu.memory_space<vmem>>, vector<1x256x3xf32>
    %get3A_3 = vector.shape_cast %get3A_2 : vector<1x256x3xf32> to vector<256x3xf32>
    %get3A_4 = arith.constant 0 : index
    %get3A_5 = arith.constant 0 : index
    %get3A_6 = arith.constant 0 : index
    %get3A_7 = vector.load %arg3[%get3A_4, %get3A_5, %get3A_6] : memref<1x512x3xf32, #tpu.memory_space<vmem>>, vector<1x512x3xf32>
    %get3A_8 = vector.shape_cast %get3A_7 : vector<1x512x3xf32> to vector<512x3xf32>
    %slice3A = vector.extract_strided_slice %get3A_3 {offsets = [0, 0], sizes = [256, 1], strides = [1, 1]} : vector<256x3xf32> to vector<256x1xf32>
    %slice3A_9 = vector.extract_strided_slice %get3A_8 {offsets = [0, 0], sizes = [512, 1], strides = [1, 1]} : vector<512x3xf32> to vector<512x1xf32>
    %squeeze3A = vector.shape_cast %slice3A_9 : vector<512x1xf32> to vector<512xf32>
    %broadcast_in_dim3A = vector.shape_cast %squeeze3A : vector<512xf32> to vector<1x512xf32>
    %sub3A = vector.broadcast %slice3A : vector<256x1xf32> to vector<256x512xf32>
    %sub3A_10 = vector.broadcast %broadcast_in_dim3A : vector<1x512xf32> to vector<256x512xf32>
    %sub3A_11 = arith.subf %sub3A, %sub3A_10 : vector<256x512xf32>
    %slice3A_12 = vector.extract_strided_slice %get3A_3 {offsets = [0, 1], sizes = [256, 1], strides = [1, 1]} : vector<256x3xf32> to vector<256x1xf32>
    %slice3A_13 = vector.extract_strided_slice %get3A_8 {offsets = [0, 1], sizes = [512, 1], strides = [1, 1]} : vector<512x3xf32> to vector<512x1xf32>
    %squeeze3A_14 = vector.shape_cast %slice3A_13 : vector<512x1xf32> to vector<512xf32>
    %broadcast_in_dim3A_15 = vector.shape_cast %squeeze3A_14 : vector<512xf32> to vector<1x512xf32>
    %sub3A_16 = vector.broadcast %slice3A_12 : vector<256x1xf32> to vector<256x512xf32>
    %sub3A_17 = vector.broadcast %broadcast_in_dim3A_15 : vector<1x512xf32> to vector<256x512xf32>
    %sub3A_18 = arith.subf %sub3A_16, %sub3A_17 : vector<256x512xf32>
    %slice3A_19 = vector.extract_strided_slice %get3A_3 {offsets = [0, 2], sizes = [256, 1], strides = [1, 1]} : vector<256x3xf32> to vector<256x1xf32>
    %slice3A_20 = vector.extract_strided_slice %get3A_8 {offsets = [0, 2], sizes = [512, 1], strides = [1, 1]} : vector<512x3xf32> to vector<512x1xf32>
    %squeeze3A_21 = vector.shape_cast %slice3A_20 : vector<512x1xf32> to vector<512xf32>
    %broadcast_in_dim3A_22 = vector.shape_cast %squeeze3A_21 : vector<512xf32> to vector<1x512xf32>
    %sub3A_23 = vector.broadcast %slice3A_19 : vector<256x1xf32> to vector<256x512xf32>
    %sub3A_24 = vector.broadcast %broadcast_in_dim3A_22 : vector<1x512xf32> to vector<256x512xf32>
    %sub3A_25 = arith.subf %sub3A_23, %sub3A_24 : vector<256x512xf32>
    %mul3A = arith.mulf %sub3A_11, %sub3A_11 : vector<256x512xf32>
    %mul3A_26 = arith.mulf %sub3A_18, %sub3A_18 : vector<256x512xf32>
    %add3A = arith.addf %mul3A, %mul3A_26 : vector<256x512xf32>
    %mul3A_27 = arith.mulf %sub3A_25, %sub3A_25 : vector<256x512xf32>
    %add3A_28 = arith.addf %add3A, %mul3A_27 : vector<256x512xf32>
    %iota3A = tpu.iota {dimensions = array<i32: 1>} : vector<256x512xi32>
    %scan3A = arith.constant 0 : i32
    %scan3A_29 = arith.constant 3 : i32
    %scan3A_30 = arith.addi %scan3A, %scan3A_29 : i32
    %scan3A_31 = arith.constant 1 : i32
    %scan3A_32 = scf.for %scan3A_34 = %scan3A to %scan3A_30 step %scan3A_31 iter_args(%scan3A_35 = %add3A_28) -> (vector<256x512xf32>)  : i32 {
      %reduce_min3A = arith.constant dense<0x7F800000> : vector<256xf32>
      %reduce_min3A_36 = vector.multi_reduction <minimumf>, %scan3A_35, %reduce_min3A [1] : vector<256x512xf32> to vector<256xf32>
      %broadcast_in_dim3A_37 = vector.shape_cast %reduce_min3A_36 : vector<256xf32> to vector<256x1xf32>
      %eq3A = vector.broadcast %broadcast_in_dim3A_37 : vector<256x1xf32> to vector<256x512xf32>
      %eq3A_38 = arith.cmpf oeq, %scan3A_35, %eq3A : vector<256x512xf32>
      %jit3A = arith.constant 512 : i32
      %broadcast_in_dim3A_39 = vector.broadcast %jit3A : i32 to vector<256x512xi32>
      %select_n3A = arith.select %eq3A_38, %iota3A, %broadcast_in_dim3A_39 : vector<256x512xi1>, vector<256x512xi32>
      %reduce_min3A_40 = arith.constant dense<2147483647> : vector<256xi32>
      %reduce_min3A_41 = vector.multi_reduction <minsi>, %select_n3A, %reduce_min3A_40 [1] : vector<256x512xi32> to vector<256xi32>
      %broadcast_in_dim3A_42 = vector.shape_cast %reduce_min3A_36 : vector<256xf32> to vector<1x256xf32>
      %swap3A = arith.constant 0 : index
      %swap3A_43 = arith.index_cast %scan3A_34 : i32 to index
      %swap3A_44 = arith.constant 0 : index
      %swap3A_45 = vector.load %arg4[%swap3A, %swap3A_43, %swap3A_44] : memref<1x3x256xf32, #tpu.memory_space<vmem>>, vector<1x1x256xf32>
      %swap3A_46 = vector.shape_cast %swap3A_45 : vector<1x1x256xf32> to vector<1x256xf32>
      %swap3A_47 = vector.shape_cast %broadcast_in_dim3A_42 : vector<1x256xf32> to vector<1x1x256xf32>
      tpu.vector_store %arg4[%swap3A, %swap3A_43, %swap3A_44], %swap3A_47 {strides = array<i32>} : memref<1x3x256xf32, #tpu.memory_space<vmem>>, vector<1x1x256xf32>,
      %broadcast_in_dim3A_48 = vector.shape_cast %reduce_min3A_41 : vector<256xi32> to vector<1x256xi32>
      %swap3A_49 = arith.constant 0 : index
      %swap3A_50 = arith.index_cast %scan3A_34 : i32 to index
      %swap3A_51 = arith.constant 0 : index
      %swap3A_52 = vector.load %arg5[%swap3A_49, %swap3A_50, %swap3A_51] : memref<1x3x256xi32, #tpu.memory_space<vmem>>, vector<1x1x256xi32>
      %swap3A_53 = vector.shape_cast %swap3A_52 : vector<1x1x256xi32> to vector<1x256xi32>
      %swap3A_54 = vector.shape_cast %broadcast_in_dim3A_48 : vector<1x256xi32> to vector<1x1x256xi32>
      tpu.vector_store %arg5[%swap3A_49, %swap3A_50, %swap3A_51], %swap3A_54 {strides = array<i32>} : memref<1x3x256xi32, #tpu.memory_space<vmem>>, vector<1x1x256xi32>,
      %broadcast_in_dim3A_55 = vector.shape_cast %reduce_min3A_41 : vector<256xi32> to vector<256x1xi32>
      %eq3A_56 = vector.broadcast %broadcast_in_dim3A_55 : vector<256x1xi32> to vector<256x512xi32>
      %eq3A_57 = arith.cmpi eq, %iota3A, %eq3A_56 : vector<256x512xi32>
      %jit3A_58 = arith.constant 0x7F800000 : f32
      %broadcast_in_dim3A_59 = vector.broadcast %jit3A_58 : f32 to vector<256x512xf32>
      %select_n3A_60 = arith.select %eq3A_57, %broadcast_in_dim3A_59, %scan3A_35 : vector<256x512xi1>, vector<256x512xf32>
      scf.yield %select_n3A_60 : vector<256x512xf32>
    }
    %scan3A_33 = arith.constant 3 : i32
    return
  }
  func.func @transform_0(%arg0: i32, %arg1: i32) -> (i32, i32, i32) {
    %c0_i32 = arith.constant 0 : i32
    %c0_i32_0 = arith.constant 0 : i32
    return %arg0, %arg1, %c0_i32 : i32, i32, i32
  }
  func.func @transform_1(%arg0: i32, %arg1: i32) -> (i32, i32, i32) {
    %c0_i32 = arith.constant 0 : i32
    %c0_i32_0 = arith.constant 0 : i32
    %c0_i32_1 = arith.constant 0 : i32
    return %arg0, %c0_i32, %c0_i32_0 : i32, i32, i32
  }
  func.func @transform_2(%arg0: i32, %arg1: i32) -> (i32, i32, i32) {
    %c0_i32 = arith.constant 0 : i32
    %c0_i32_0 = arith.constant 0 : i32
    return %arg0, %c0_i32, %arg1 : i32, i32, i32
  }
  func.func @transform_3(%arg0: i32, %arg1: i32) -> (i32, i32, i32) {
    %c0_i32 = arith.constant 0 : i32
    %c0_i32_0 = arith.constant 0 : i32
    return %arg0, %c0_i32, %arg1 : i32, i32, i32
  }
}

module attributes {stable_mosaic.version = 14 : i64} {
  func.func @_knn_body(%arg0: i32, %arg1: i32, %arg2: memref<1x256x3xf32, #tpu.memory_space<vmem>>, %arg3: memref<1x1024x3xf32, #tpu.memory_space<vmem>>, %arg4: memref<1x3x256xf32, #tpu.memory_space<vmem>>, %arg5: memref<1x3x256xi32, #tpu.memory_space<vmem>>) attributes {dimension_semantics = [#tpu.dimension_semantics<arbitrary>, #tpu.dimension_semantics<arbitrary>], iteration_bounds = array<i64: 4, 8>, scalar_prefetch = 0 : i64, scratch_operands = 0 : i64, tpu.core_type = #tpu.core_type<tc>, window_params = [{transform_indices = @transform_0, window_bounds = array<i64: 1, 256, 3>}, {transform_indices = @transform_1, window_bounds = array<i64: 1, 1024, 3>}, {transform_indices = @transform_2, window_bounds = array<i64: 1, 3, 256>}, {transform_indices = @transform_3, window_bounds = array<i64: 1, 3, 256>}]} {
    %get3A = arith.constant 0 : index
    %get3A_0 = arith.constant 0 : index
    %get3A_1 = arith.constant 0 : index
    %get3A_2 = vector.load %arg2[%get3A, %get3A_0, %get3A_1] : memref<1x256x3xf32, #tpu.memory_space<vmem>>, vector<1x256x3xf32>
    %get3A_3 = vector.shape_cast %get3A_2 : vector<1x256x3xf32> to vector<256x3xf32>
    %get3A_4 = arith.constant 0 : index
    %get3A_5 = arith.constant 0 : index
    %get3A_6 = arith.constant 0 : index
    %get3A_7 = vector.load %arg3[%get3A_4, %get3A_5, %get3A_6] : memref<1x1024x3xf32, #tpu.memory_space<vmem>>, vector<1x1024x3xf32>
    %get3A_8 = vector.shape_cast %get3A_7 : vector<1x1024x3xf32> to vector<1024x3xf32>
    %slice3A = vector.extract_strided_slice %get3A_3 {offsets = [0, 0], sizes = [256, 1], strides = [1, 1]} : vector<256x3xf32> to vector<256x1xf32>
    %slice3A_9 = vector.extract_strided_slice %get3A_8 {offsets = [0, 0], sizes = [1024, 1], strides = [1, 1]} : vector<1024x3xf32> to vector<1024x1xf32>
    %squeeze3A = vector.shape_cast %slice3A_9 : vector<1024x1xf32> to vector<1024xf32>
    %broadcast_in_dim3A = vector.shape_cast %squeeze3A : vector<1024xf32> to vector<1x1024xf32>
    %sub3A = vector.broadcast %slice3A : vector<256x1xf32> to vector<256x1024xf32>
    %sub3A_10 = vector.broadcast %broadcast_in_dim3A : vector<1x1024xf32> to vector<256x1024xf32>
    %sub3A_11 = arith.subf %sub3A, %sub3A_10 : vector<256x1024xf32>
    %slice3A_12 = vector.extract_strided_slice %get3A_3 {offsets = [0, 1], sizes = [256, 1], strides = [1, 1]} : vector<256x3xf32> to vector<256x1xf32>
    %slice3A_13 = vector.extract_strided_slice %get3A_8 {offsets = [0, 1], sizes = [1024, 1], strides = [1, 1]} : vector<1024x3xf32> to vector<1024x1xf32>
    %squeeze3A_14 = vector.shape_cast %slice3A_13 : vector<1024x1xf32> to vector<1024xf32>
    %broadcast_in_dim3A_15 = vector.shape_cast %squeeze3A_14 : vector<1024xf32> to vector<1x1024xf32>
    %sub3A_16 = vector.broadcast %slice3A_12 : vector<256x1xf32> to vector<256x1024xf32>
    %sub3A_17 = vector.broadcast %broadcast_in_dim3A_15 : vector<1x1024xf32> to vector<256x1024xf32>
    %sub3A_18 = arith.subf %sub3A_16, %sub3A_17 : vector<256x1024xf32>
    %slice3A_19 = vector.extract_strided_slice %get3A_3 {offsets = [0, 2], sizes = [256, 1], strides = [1, 1]} : vector<256x3xf32> to vector<256x1xf32>
    %slice3A_20 = vector.extract_strided_slice %get3A_8 {offsets = [0, 2], sizes = [1024, 1], strides = [1, 1]} : vector<1024x3xf32> to vector<1024x1xf32>
    %squeeze3A_21 = vector.shape_cast %slice3A_20 : vector<1024x1xf32> to vector<1024xf32>
    %broadcast_in_dim3A_22 = vector.shape_cast %squeeze3A_21 : vector<1024xf32> to vector<1x1024xf32>
    %sub3A_23 = vector.broadcast %slice3A_19 : vector<256x1xf32> to vector<256x1024xf32>
    %sub3A_24 = vector.broadcast %broadcast_in_dim3A_22 : vector<1x1024xf32> to vector<256x1024xf32>
    %sub3A_25 = arith.subf %sub3A_23, %sub3A_24 : vector<256x1024xf32>
    %mul3A = arith.mulf %sub3A_11, %sub3A_11 : vector<256x1024xf32>
    %mul3A_26 = arith.mulf %sub3A_18, %sub3A_18 : vector<256x1024xf32>
    %add3A = arith.addf %mul3A, %mul3A_26 : vector<256x1024xf32>
    %mul3A_27 = arith.mulf %sub3A_25, %sub3A_25 : vector<256x1024xf32>
    %add3A_28 = arith.addf %add3A, %mul3A_27 : vector<256x1024xf32>
    %iota3A = tpu.iota {dimensions = array<i32: 1>} : vector<256x1024xi32>
    %scan3A = arith.constant 0 : i32
    %scan3A_29 = arith.constant 3 : i32
    %scan3A_30 = arith.addi %scan3A, %scan3A_29 : i32
    %scan3A_31 = arith.constant 1 : i32
    %scan3A_32 = scf.for %scan3A_34 = %scan3A to %scan3A_30 step %scan3A_31 iter_args(%scan3A_35 = %add3A_28) -> (vector<256x1024xf32>)  : i32 {
      %reduce_min3A = arith.constant dense<0x7F800000> : vector<256xf32>
      %reduce_min3A_36 = vector.multi_reduction <minimumf>, %scan3A_35, %reduce_min3A [1] : vector<256x1024xf32> to vector<256xf32>
      %broadcast_in_dim3A_37 = vector.shape_cast %reduce_min3A_36 : vector<256xf32> to vector<256x1xf32>
      %eq3A = vector.broadcast %broadcast_in_dim3A_37 : vector<256x1xf32> to vector<256x1024xf32>
      %eq3A_38 = arith.cmpf oeq, %scan3A_35, %eq3A : vector<256x1024xf32>
      %jit3A = arith.constant 1024 : i32
      %broadcast_in_dim3A_39 = vector.broadcast %jit3A : i32 to vector<256x1024xi32>
      %select_n3A = arith.select %eq3A_38, %iota3A, %broadcast_in_dim3A_39 : vector<256x1024xi1>, vector<256x1024xi32>
      %reduce_min3A_40 = arith.constant dense<2147483647> : vector<256xi32>
      %reduce_min3A_41 = vector.multi_reduction <minsi>, %select_n3A, %reduce_min3A_40 [1] : vector<256x1024xi32> to vector<256xi32>
      %broadcast_in_dim3A_42 = vector.shape_cast %reduce_min3A_36 : vector<256xf32> to vector<1x256xf32>
      %swap3A = arith.constant 0 : index
      %swap3A_43 = arith.index_cast %scan3A_34 : i32 to index
      %swap3A_44 = arith.constant 0 : index
      %swap3A_45 = vector.load %arg4[%swap3A, %swap3A_43, %swap3A_44] : memref<1x3x256xf32, #tpu.memory_space<vmem>>, vector<1x1x256xf32>
      %swap3A_46 = vector.shape_cast %swap3A_45 : vector<1x1x256xf32> to vector<1x256xf32>
      %swap3A_47 = vector.shape_cast %broadcast_in_dim3A_42 : vector<1x256xf32> to vector<1x1x256xf32>
      tpu.vector_store %arg4[%swap3A, %swap3A_43, %swap3A_44], %swap3A_47 {strides = array<i32>} : memref<1x3x256xf32, #tpu.memory_space<vmem>>, vector<1x1x256xf32>,
      %broadcast_in_dim3A_48 = vector.shape_cast %reduce_min3A_41 : vector<256xi32> to vector<1x256xi32>
      %swap3A_49 = arith.constant 0 : index
      %swap3A_50 = arith.index_cast %scan3A_34 : i32 to index
      %swap3A_51 = arith.constant 0 : index
      %swap3A_52 = vector.load %arg5[%swap3A_49, %swap3A_50, %swap3A_51] : memref<1x3x256xi32, #tpu.memory_space<vmem>>, vector<1x1x256xi32>
      %swap3A_53 = vector.shape_cast %swap3A_52 : vector<1x1x256xi32> to vector<1x256xi32>
      %swap3A_54 = vector.shape_cast %broadcast_in_dim3A_48 : vector<1x256xi32> to vector<1x1x256xi32>
      tpu.vector_store %arg5[%swap3A_49, %swap3A_50, %swap3A_51], %swap3A_54 {strides = array<i32>} : memref<1x3x256xi32, #tpu.memory_space<vmem>>, vector<1x1x256xi32>,
      %broadcast_in_dim3A_55 = vector.shape_cast %reduce_min3A_41 : vector<256xi32> to vector<256x1xi32>
      %eq3A_56 = vector.broadcast %broadcast_in_dim3A_55 : vector<256x1xi32> to vector<256x1024xi32>
      %eq3A_57 = arith.cmpi eq, %iota3A, %eq3A_56 : vector<256x1024xi32>
      %jit3A_58 = arith.constant 0x7F800000 : f32
      %broadcast_in_dim3A_59 = vector.broadcast %jit3A_58 : f32 to vector<256x1024xf32>
      %select_n3A_60 = arith.select %eq3A_57, %broadcast_in_dim3A_59, %scan3A_35 : vector<256x1024xi1>, vector<256x1024xf32>
      scf.yield %select_n3A_60 : vector<256x1024xf32>
    }
    %scan3A_33 = arith.constant 3 : i32
    return
  }
  func.func @transform_0(%arg0: i32, %arg1: i32) -> (i32, i32, i32) {
    %c0_i32 = arith.constant 0 : i32
    %c0_i32_0 = arith.constant 0 : i32
    return %arg0, %arg1, %c0_i32 : i32, i32, i32
  }
  func.func @transform_1(%arg0: i32, %arg1: i32) -> (i32, i32, i32) {
    %c0_i32 = arith.constant 0 : i32
    %c0_i32_0 = arith.constant 0 : i32
    %c0_i32_1 = arith.constant 0 : i32
    return %arg0, %c0_i32, %c0_i32_0 : i32, i32, i32
  }
  func.func @transform_2(%arg0: i32, %arg1: i32) -> (i32, i32, i32) {
    %c0_i32 = arith.constant 0 : i32
    %c0_i32_0 = arith.constant 0 : i32
    return %arg0, %c0_i32, %arg1 : i32, i32, i32
  }
  func.func @transform_3(%arg0: i32, %arg1: i32) -> (i32, i32, i32) {
    %c0_i32 = arith.constant 0 : i32
    %c0_i32_0 = arith.constant 0 : i32
    return %arg0, %c0_i32, %arg1 : i32, i32, i32
  }
}

module attributes {stable_mosaic.version = 14 : i64} {
  func.func @_adj_body(%arg0: i32, %arg1: i32, %arg2: memref<1x256x128xf32, #tpu.memory_space<vmem>>, %arg3: memref<1x2048x128xf32, #tpu.memory_space<vmem>>, %arg4: memref<1x256x16xi32, #tpu.memory_space<vmem>>, %arg5: memref<1x16x2048xi32, #tpu.memory_space<vmem>>, %arg6: memref<1x256x2048xf32, #tpu.memory_space<vmem>>) attributes {dimension_semantics = [#tpu.dimension_semantics<arbitrary>, #tpu.dimension_semantics<arbitrary>], iteration_bounds = array<i64: 4, 8>, scalar_prefetch = 0 : i64, scratch_operands = 0 : i64, tpu.core_type = #tpu.core_type<tc>, window_params = [{transform_indices = @transform_0, window_bounds = array<i64: 1, 256, 128>}, {transform_indices = @transform_1, window_bounds = array<i64: 1, 2048, 128>}, {transform_indices = @transform_2, window_bounds = array<i64: 1, 256, 16>}, {transform_indices = @transform_3, window_bounds = array<i64: 1, 16, 2048>}, {transform_indices = @transform_4, window_bounds = array<i64: 1, 256, 2048>}]} {
    %get3A = arith.constant 0 : index
    %get3A_0 = arith.constant 0 : index
    %get3A_1 = arith.constant 0 : index
    %get3A_2 = vector.load %arg2[%get3A, %get3A_0, %get3A_1] : memref<1x256x128xf32, #tpu.memory_space<vmem>>, vector<1x256x128xf32>
    %get3A_3 = vector.shape_cast %get3A_2 : vector<1x256x128xf32> to vector<256x128xf32>
    %get3A_4 = arith.constant 0 : index
    %get3A_5 = arith.constant 0 : index
    %get3A_6 = arith.constant 0 : index
    %get3A_7 = vector.load %arg3[%get3A_4, %get3A_5, %get3A_6] : memref<1x2048x128xf32, #tpu.memory_space<vmem>>, vector<1x2048x128xf32>
    %get3A_8 = vector.shape_cast %get3A_7 : vector<1x2048x128xf32> to vector<2048x128xf32>
    %dot_general3A = arith.constant dense<0.000000e+00> : vector<256x2048xf32>
    %dot_general3A_9 = tpu.matmul %get3A_3, %get3A_8, %dot_general3A {dimension_numbers = #tpu.dot_dimension_numbers<[1], [1], [0], [0], [0, 0, 1, 0], [], []>, precision = #tpu.contract_precision<fp32>, transpose_lhs_hint = false} : vector<256x128xf32>, vector<2048x128xf32>, vector<256x2048xf32> -> vector<256x2048xf32>
    %mul3A = arith.mulf %get3A_3, %get3A_3 : vector<256x128xf32>
    %reduce_sum3A = arith.constant dense<0.000000e+00> : vector<256xf32>
    %reduce_sum3A_10 = vector.multi_reduction <add>, %mul3A, %reduce_sum3A [1] : vector<256x128xf32> to vector<256xf32>
    %broadcast_in_dim3A = vector.shape_cast %reduce_sum3A_10 : vector<256xf32> to vector<256x1xf32>
    %mul3A_11 = arith.mulf %get3A_8, %get3A_8 : vector<2048x128xf32>
    %reduce_sum3A_12 = arith.constant dense<0.000000e+00> : vector<2048xf32>
    %reduce_sum3A_13 = vector.multi_reduction <add>, %mul3A_11, %reduce_sum3A_12 [1] : vector<2048x128xf32> to vector<2048xf32>
    %broadcast_in_dim3A_14 = vector.shape_cast %reduce_sum3A_13 : vector<2048xf32> to vector<1x2048xf32>
    %add3A = vector.broadcast %broadcast_in_dim3A : vector<256x1xf32> to vector<256x2048xf32>
    %add3A_15 = vector.broadcast %broadcast_in_dim3A_14 : vector<1x2048xf32> to vector<256x2048xf32>
    %add3A_16 = arith.addf %add3A, %add3A_15 : vector<256x2048xf32>
    %mul3A_17 = arith.constant 2.000000e+00 : f32
    %mul3A_18 = vector.broadcast %mul3A_17 : f32 to vector<256x2048xf32>
    %mul3A_19 = arith.mulf %mul3A_18, %dot_general3A_9 : vector<256x2048xf32>
    %sub3A = arith.subf %add3A_16, %mul3A_19 : vector<256x2048xf32>
    %max3A = arith.constant 0.000000e+00 : f32
    %max3A_20 = vector.broadcast %max3A : f32 to vector<256x2048xf32>
    %max3A_21 = arith.maximumf %sub3A, %max3A_20 : vector<256x2048xf32>
    %iota3A = tpu.iota {dimensions = array<i32: 1>} : vector<256x2048xi32>
    %iota3A_22 = tpu.iota {dimensions = array<i32: 0>} : vector<256x2048xi32>
    %mul3A_23 = arith.constant 256 : i32
    %mul3A_24 = arith.muli %arg1, %mul3A_23 : i32
    %add3A_25 = vector.broadcast %mul3A_24 : i32 to vector<256x2048xi32>
    %add3A_26 = arith.addi %iota3A_22, %add3A_25 : vector<256x2048xi32>
    %get3A_27 = arith.constant 0 : index
    %get3A_28 = arith.constant 0 : index
    %get3A_29 = arith.constant 0 : index
    %get3A_30 = vector.load %arg4[%get3A_27, %get3A_28, %get3A_29] : memref<1x256x16xi32, #tpu.memory_space<vmem>>, vector<1x256x16xi32>
    %get3A_31 = vector.shape_cast %get3A_30 : vector<1x256x16xi32> to vector<256x16xi32>
    %get3A_32 = arith.constant 0 : index
    %get3A_33 = arith.constant 0 : index
    %get3A_34 = arith.constant 0 : index
    %get3A_35 = vector.load %arg5[%get3A_32, %get3A_33, %get3A_34] : memref<1x16x2048xi32, #tpu.memory_space<vmem>>, vector<1x16x2048xi32>
    %get3A_36 = vector.shape_cast %get3A_35 : vector<1x16x2048xi32> to vector<16x2048xi32>
    %iota3A_37 = tpu.iota {dimensions = array<i32: 1>} : vector<256x16xi32>
    %iota3A_38 = tpu.iota {dimensions = array<i32: 0>} : vector<16x2048xi32>
    %broadcast_in_dim3A_39 = arith.constant 0.000000e+00 : f32
    %broadcast_in_dim3A_40 = vector.broadcast %broadcast_in_dim3A_39 : f32 to vector<256x2048xf32>
    %scan3A = arith.constant 0 : i32
    %scan3A_41 = arith.constant 8 : i32
    %scan3A_42 = arith.addi %scan3A, %scan3A_41 : i32
    %scan3A_43 = arith.constant 1 : i32
    %scan3A_44 = scf.for %scan3A_55 = %scan3A to %scan3A_42 step %scan3A_43 iter_args(%scan3A_56 = %broadcast_in_dim3A_40) -> (vector<256x2048xf32>)  : i32 {
      %mul3A_57 = arith.constant 2 : i32
      %mul3A_58 = arith.muli %scan3A_55, %mul3A_57 : i32
      %add3A_59 = arith.constant 0 : i32
      %add3A_60 = arith.addi %mul3A_58, %add3A_59 : i32
      %eq3A = vector.broadcast %add3A_60 : i32 to vector<256x16xi32>
      %eq3A_61 = arith.cmpi eq, %iota3A_37, %eq3A : vector<256x16xi32>
      %jit3A = arith.constant 0 : i32
      %broadcast_in_dim3A_62 = vector.broadcast %jit3A : i32 to vector<256x16xi32>
      %select_n3A = arith.select %eq3A_61, %get3A_31, %broadcast_in_dim3A_62 : vector<256x16xi1>, vector<256x16xi32>
      %reduce_sum3A_63 = arith.constant dense<0> : vector<256xi32>
      %reduce_sum3A_64 = vector.multi_reduction <add>, %select_n3A, %reduce_sum3A_63 [1] : vector<256x16xi32> to vector<256xi32>
      %broadcast_in_dim3A_65 = vector.shape_cast %reduce_sum3A_64 : vector<256xi32> to vector<256x1xi32>
      %eq3A_66 = vector.broadcast %add3A_60 : i32 to vector<16x2048xi32>
      %eq3A_67 = arith.cmpi eq, %iota3A_38, %eq3A_66 : vector<16x2048xi32>
      %jit3A_68 = arith.constant 0 : i32
      %broadcast_in_dim3A_69 = vector.broadcast %jit3A_68 : i32 to vector<16x2048xi32>
      %select_n3A_70 = arith.select %eq3A_67, %get3A_36, %broadcast_in_dim3A_69 : vector<16x2048xi1>, vector<16x2048xi32>
      %reduce_sum3A_71 = arith.constant dense<0> : vector<2048xi32>
      %reduce_sum3A_72 = vector.multi_reduction <add>, %select_n3A_70, %reduce_sum3A_71 [0] : vector<16x2048xi32> to vector<2048xi32>
      %broadcast_in_dim3A_73 = vector.shape_cast %reduce_sum3A_72 : vector<2048xi32> to vector<1x2048xi32>
      %eq3A_74 = vector.broadcast %broadcast_in_dim3A_65 : vector<256x1xi32> to vector<256x2048xi32>
      %eq3A_75 = arith.cmpi eq, %eq3A_74, %iota3A : vector<256x2048xi32>
      %convert_element_type3A = arith.extui %eq3A_75 : vector<256x2048xi1> to vector<256x2048xi32>
      %convert_element_type3A_76 = arith.sitofp %convert_element_type3A : vector<256x2048xi32> to vector<256x2048xf32>
      %add3A_77 = arith.addf %scan3A_56, %convert_element_type3A_76 : vector<256x2048xf32>
      %eq3A_78 = vector.broadcast %broadcast_in_dim3A_73 : vector<1x2048xi32> to vector<256x2048xi32>
      %eq3A_79 = arith.cmpi eq, %eq3A_78, %add3A_26 : vector<256x2048xi32>
      %convert_element_type3A_80 = arith.extui %eq3A_79 : vector<256x2048xi1> to vector<256x2048xi32>
      %convert_element_type3A_81 = arith.sitofp %convert_element_type3A_80 : vector<256x2048xi32> to vector<256x2048xf32>
      %add3A_82 = arith.addf %add3A_77, %convert_element_type3A_81 : vector<256x2048xf32>
      %mul3A_83 = arith.constant 2 : i32
      %mul3A_84 = arith.muli %scan3A_55, %mul3A_83 : i32
      %add3A_85 = arith.constant 1 : i32
      %add3A_86 = arith.addi %mul3A_84, %add3A_85 : i32
      %eq3A_87 = vector.broadcast %add3A_86 : i32 to vector<256x16xi32>
      %eq3A_88 = arith.cmpi eq, %iota3A_37, %eq3A_87 : vector<256x16xi32>
      %jit3A_89 = arith.constant 0 : i32
      %broadcast_in_dim3A_90 = vector.broadcast %jit3A_89 : i32 to vector<256x16xi32>
      %select_n3A_91 = arith.select %eq3A_88, %get3A_31, %broadcast_in_dim3A_90 : vector<256x16xi1>, vector<256x16xi32>
      %reduce_sum3A_92 = arith.constant dense<0> : vector<256xi32>
      %reduce_sum3A_93 = vector.multi_reduction <add>, %select_n3A_91, %reduce_sum3A_92 [1] : vector<256x16xi32> to vector<256xi32>
      %broadcast_in_dim3A_94 = vector.shape_cast %reduce_sum3A_93 : vector<256xi32> to vector<256x1xi32>
      %eq3A_95 = vector.broadcast %add3A_86 : i32 to vector<16x2048xi32>
      %eq3A_96 = arith.cmpi eq, %iota3A_38, %eq3A_95 : vector<16x2048xi32>
      %jit3A_97 = arith.constant 0 : i32
      %broadcast_in_dim3A_98 = vector.broadcast %jit3A_97 : i32 to vector<16x2048xi32>
      %select_n3A_99 = arith.select %eq3A_96, %get3A_36, %broadcast_in_dim3A_98 : vector<16x2048xi1>, vector<16x2048xi32>
      %reduce_sum3A_100 = arith.constant dense<0> : vector<2048xi32>
      %reduce_sum3A_101 = vector.multi_reduction <add>, %select_n3A_99, %reduce_sum3A_100 [0] : vector<16x2048xi32> to vector<2048xi32>
      %broadcast_in_dim3A_102 = vector.shape_cast %reduce_sum3A_101 : vector<2048xi32> to vector<1x2048xi32>
      %eq3A_103 = vector.broadcast %broadcast_in_dim3A_94 : vector<256x1xi32> to vector<256x2048xi32>
      %eq3A_104 = arith.cmpi eq, %eq3A_103, %iota3A : vector<256x2048xi32>
      %convert_element_type3A_105 = arith.extui %eq3A_104 : vector<256x2048xi1> to vector<256x2048xi32>
      %convert_element_type3A_106 = arith.sitofp %convert_element_type3A_105 : vector<256x2048xi32> to vector<256x2048xf32>
      %add3A_107 = arith.addf %add3A_82, %convert_element_type3A_106 : vector<256x2048xf32>
      %eq3A_108 = vector.broadcast %broadcast_in_dim3A_102 : vector<1x2048xi32> to vector<256x2048xi32>
      %eq3A_109 = arith.cmpi eq, %eq3A_108, %add3A_26 : vector<256x2048xi32>
      %convert_element_type3A_110 = arith.extui %eq3A_109 : vector<256x2048xi1> to vector<256x2048xi32>
      %convert_element_type3A_111 = arith.sitofp %convert_element_type3A_110 : vector<256x2048xi32> to vector<256x2048xf32>
      %add3A_112 = arith.addf %add3A_107, %convert_element_type3A_111 : vector<256x2048xf32>
      scf.yield %add3A_112 : vector<256x2048xf32>
    }
    %scan3A_45 = arith.constant 8 : i32
    %mul3A_46 = arith.constant 5.000000e-01 : f32
    %mul3A_47 = vector.broadcast %mul3A_46 : f32 to vector<256x2048xf32>
    %mul3A_48 = arith.mulf %mul3A_47, %scan3A_44 : vector<256x2048xf32>
    %mul3A_49 = arith.mulf %mul3A_48, %max3A_21 : vector<256x2048xf32>
    %swap3A = arith.constant 0 : index
    %swap3A_50 = arith.constant 0 : index
    %swap3A_51 = arith.constant 0 : index
    %swap3A_52 = vector.load %arg6[%swap3A, %swap3A_50, %swap3A_51] : memref<1x256x2048xf32, #tpu.memory_space<vmem>>, vector<1x256x2048xf32>
    %swap3A_53 = vector.shape_cast %swap3A_52 : vector<1x256x2048xf32> to vector<256x2048xf32>
    %swap3A_54 = vector.shape_cast %mul3A_49 : vector<256x2048xf32> to vector<1x256x2048xf32>
    tpu.vector_store %arg6[%swap3A, %swap3A_50, %swap3A_51], %swap3A_54 {strides = array<i32>} : memref<1x256x2048xf32, #tpu.memory_space<vmem>>, vector<1x256x2048xf32>,
    return
  }
  func.func @transform_0(%arg0: i32, %arg1: i32) -> (i32, i32, i32) {
    %c0_i32 = arith.constant 0 : i32
    %c0_i32_0 = arith.constant 0 : i32
    return %arg0, %arg1, %c0_i32 : i32, i32, i32
  }
  func.func @transform_1(%arg0: i32, %arg1: i32) -> (i32, i32, i32) {
    %c0_i32 = arith.constant 0 : i32
    %c0_i32_0 = arith.constant 0 : i32
    %c0_i32_1 = arith.constant 0 : i32
    return %arg0, %c0_i32, %c0_i32_0 : i32, i32, i32
  }
  func.func @transform_2(%arg0: i32, %arg1: i32) -> (i32, i32, i32) {
    %c0_i32 = arith.constant 0 : i32
    %c0_i32_0 = arith.constant 0 : i32
    return %arg0, %arg1, %c0_i32 : i32, i32, i32
  }
  func.func @transform_3(%arg0: i32, %arg1: i32) -> (i32, i32, i32) {
    %c0_i32 = arith.constant 0 : i32
    %c0_i32_0 = arith.constant 0 : i32
    %c0_i32_1 = arith.constant 0 : i32
    return %arg0, %c0_i32, %c0_i32_0 : i32, i32, i32
  }
  func.func @transform_4(%arg0: i32, %arg1: i32) -> (i32, i32, i32) {
    %c0_i32 = arith.constant 0 : i32
    %c0_i32_0 = arith.constant 0 : i32
    return %arg0, %arg1, %c0_i32 : i32, i32, i32
  }
}

</mosaic_0001>

<sc_bundles>
// kernel: kernel.19.cloned.1.call-start
scs
__scs_entry_jumppad:
0x0: {  	(pc) =	sbr.rel $0x88, $3  }
0x1: {  	(tag) =	ssettag $0x0;
	lr =	simm.s32 $0x1  }
0x2: {  	[smem:$0x3F90] =	sst lr;
	_ =	strace $0xD0000000  }
0x3: {  	_ = 	snop  }
0x4: {  	_ = 	snop  }
0x5: {  	_ = 	snop  }
0x6: {  	_ = 	snop  }
0x7: {  	_ = 	snop  }
__scs_overlays_trampoline_lowered:
0x8: {  	[smem:$0x3F9F] =	sst s0  }
0x9: {  	[smem:$0x3FA0] =	sst s1  }
0xa: {  	[smem:$0x3FA1] =	sst s2  }
0xb: {  	[smem:$0x3FA2] =	sst s3  }
0xc: {  	[smem:$0x3FA3] =	sst s4  }
0xd: {  	[smem:$0x3FA4] =	sst s5  }
0xe: {  	[smem:$0x3FA5] =	sst s6  }
0xf: {  	[smem:$0x3FA6] =	sst s7  }
0x10: {  	[smem:$0x3FA7] =	sst s8  }
0x11: {  	[smem:$0x3FA8] =	sst s9;
	s0 =	simm.s32 @!p0 $0x0  }
0x12: {  	s1 =	sld [smem:$0x3F8E];
	s0 =	simm.s32 @p0 $0x1  }
0x13: {  	[smem:$0x3FA9] =	sst s0;
	s0 =	simm.s32 @!p1 $0x0  }
0x14: {  	s2 =	sld [smem:$0x3F8D];
	s0 =	simm.s32 @p1 $0x1  }
0x15: {  	[smem:$0x3FAA] =	sst s0;
	s0 =	simm.s32 @!p2 $0x0  }
0x16: {  	s3 =	sld [smem:$0x3FDB];
	s0 =	simm.s32 @p2 $0x1  }
0x17: {  	s4 =	simm.s32 $0x1BF5;
	[smem:$0x3FAC] =	sst s0  }
0x18: {  	s0 =	sld [smem:$0x3F8F];
	_ =	swait.ge [sflag:s4], $0x0  }
0x19: {  	s7 =	sld [smem:$0x3F90]  }
0x1a: {  	s8 =	sadd.s32 $0xFFFFE003, lr  }
0x1b: {  	s9 =	sadd.s32 $0xFFFFFEF7, lr;
	s5 =	simm.s32 $0xFFFFFFFF;
	p2 =	slt.u32 s8, $0xFFFFF086  }
0x1c: {  	p1 =	slt.u32 s9, $0xF7A;
	s5 =	simm.s32 @!p2 $0x0  }
0x1d: {  	s5 =	simm.s32 @p1 $0x1;
	p0 =	seq.s32 s7, s2  }
0x1e: {  	s7 =	smul.u32 @!p0 $0xF7A, s2;
	p2 =	seq.s32 @!p0 s5, $0x0  }
0x1f: {  	s9 =	smul.u32 $0xF7A, s1;
	s8 =	simm.s32 @!p0 $0x1BF5;
	p2 =	por !p2, p0  }
0x20: {  	[sflag:s8] =	ssyncset.s32 @!p0 $0xFFFFF086;
	s6 =	sadd.s32 @!p0 s3, s7;
	s7 =	simm.s32 @!p0 $0x108  }
0x21: {  	s3 =	sadd.s32 s3, s9;
	s6 =	sadd.s32 @!p0 $0x88, s6;
	s7 =	simm.s32 @p2 $0x1082  }
0x22: {  	[simem:s7], [sflag:s8] =	dma.local @!p0 [hbm:s6], $0xF7A  }
0x23: {  	s9 =	sor.u32 $0xD0000000, s2;
	s6 =	simm.s32 $0x108;
	_ =	swait.ge @!p0 [sflag:s8], $0x0  }
0x24: {  	s3 =	sadd.s32 $0x88, s3;
	s6 =	simm.s32 @!p1 $0x1082;
	[sflag:s4] =	ssyncset.s32 $0xFFFFF086  }
0x25: {  	[simem:s6], [sflag:s4] =	dma.local [hbm:s3], $0xF7A  }
0x26: {  	[smem:$0x3F90] =	sst s1;
	(tag) =	ssettag s2;
	_ =	strace s9  }
0x27: {  	s1 =	sld [smem:$0x3FA0]  }
0x28: {  	s2 =	sld [smem:$0x3FA1]  }
0x29: {  	s4 =	sld [smem:$0x3FA3]  }
0x2a: {  	p0 =	seq.s32 s5, $0x0;
	s5 =	sld [smem:$0x3FA4]  }
0x2b: {  	s6 =	sld [smem:$0x3FA5]  }
0x2c: {  	s7 =	sld [smem:$0x3FA6]  }
0x2d: {  	s3 =	simm.s32 $0x108;
	s8 =	sld [smem:$0x3FA7]  }
0x2e: {  	s3 =	simm.s32 @!p0 $0x1082;
	s9 =	sld [smem:$0x3FA8]  }
0x2f: {  	lr =	sadd.s32 s0, s3;
	s0 =	sld [smem:$0x3F9F]  }
0x30: {  	s3 =	sld [smem:$0x3FA2]  }
0x31: {  	[smem:$0x3FAB] =	sst s10  }
0x32: {  	s10 =	sld [smem:$0x3FA9];
	_ =	sdelay $0x3  }
0x33: {  	p0 =	seq.s32 s10, $0x1;
	s10 =	sld [smem:$0x3FAB];
	_ =	sdelay $0x3  }
0x34: {  	[smem:$0x3FAB] =	sst s10  }
0x35: {  	s10 =	sld [smem:$0x3FAA];
	_ =	sdelay $0x3  }
0x36: {  	p1 =	seq.s32 s10, $0x1;
	s10 =	sld [smem:$0x3FAB];
	_ =	sdelay $0x3  }
0x37: {  	[smem:$0x3FAB] =	sst s10  }
0x38: {  	s10 =	sld [smem:$0x3FAC]  }
0x39: {  	_ = 	snop;
	(pc) =	sbr.ind lr, $3  }
0x3a: {  	_ = 	snop  }
0x3b: {  	_ = 	snop  }
0x3c: {  	p2 =	seq.s32 s10, $0x1;
	s10 =	sld [smem:$0x3FAB]  }
0x3d: {  	_ =	shalt  }
0x3e: {  	_ =	shalt  }
0x3f: {  	_ =	shalt  }
0x40: {  	_ =	shalt  }
0x41: {  	_ =	shalt  }
0x42: {  	_ =	shalt  }
0x43: {  	_ =	shalt  }
0x44: {  	_ =	shalt  }
0x45: {  	_ =	shalt  }
0x46: {  	_ =	shalt  }
0x47: {  	_ =	shalt  }
0x48: {  	_ =	shalt  }
0x49: {  	_ =	shalt  }
0x4a: {  	_ =	shalt  }
0x4b: {  	_ =	shalt  }
0x4c: {  	_ =	shalt  }
0x4d: {  	_ =	shalt  }
0x4e: {  	_ =	shalt  }
0x4f: {  	_ =	shalt  }
0x50: {  	_ =	shalt  }
0x51: {  	_ =	shalt  }
0x52: {  	_ =	shalt  }
0x53: {  	_ =	shalt  }
0x54: {  	_ =	shalt  }
0x55: {  	_ =	shalt  }
0x56: {  	_ =	shalt  }
0x57: {  	_ =	shalt  }
0x58: {  	_ =	shalt  }
0x59: {  	_ =	shalt  }
0x5a: {  	_ =	shalt  }
0x5b: {  	_ =	shalt  }
0x5c: {  	_ =	shalt  }
0x5d: {  	_ =	shalt  }
0x5e: {  	_ =	shalt  }
0x5f: {  	_ =	shalt  }
0x60: {  	_ =	shalt  }
0x61: {  	_ =	shalt  }
0x62: {  	_ =	shalt  }
0x63: {  	_ =	shalt  }
0x64: {  	_ =	shalt  }
0x65: {  	_ =	shalt  }
0x66: {  	_ =	shalt  }
0x67: {  	_ =	shalt  }
0x68: {  	_ =	shalt  }
0x69: {  	_ =	shalt  }
0x6a: {  	_ =	shalt  }
0x6b: {  	_ =	shalt  }
0x6c: {  	_ =	shalt  }
0x6d: {  	_ =	shalt  }
0x6e: {  	_ =	shalt  }
0x6f: {  	_ =	shalt  }
0x70: {  	_ =	shalt  }
0x71: {  	_ =	shalt  }
0x72: {  	_ =	shalt  }
0x73: {  	_ =	shalt  }
0x74: {  	_ =	shalt  }
0x75: {  	_ =	shalt  }
0x76: {  	_ =	shalt  }
0x77: {  	_ =	shalt  }
0x78: {  	_ =	shalt  }
0x79: {  	_ =	shalt  }
0x7a: {  	_ =	shalt  }
0x7b: {  	_ =	shalt  }
0x7c: {  	_ =	shalt  }
0x7d: {  	_ =	shalt  }
0x7e: {  	_ =	shalt  }
0x7f: {  	_ =	shalt  }
0x80: {  	_ =	shalt  }
0x81: {  	_ =	shalt  }
0x82: {  	_ =	shalt  }
0x83: {  	_ =	shalt  }
0x84: {  	_ =	shalt  }
0x85: {  	_ =	shalt  }
0x86: {  	_ =	shalt  }
0x87: {  	_ =	shalt  }
.Lfunc_end0:
.L_simem_size_0:
called_computation_lowered:
.L_overlay_start_0:
0x88: {  	s2 =	sld [smem:$0x3FD9]  }
0x89: {  	s3 =	sld [smem:$0x3FFE];
	_ =	sdelay $0x1  }
0x8a: {  	s1 =	srdreg.scid  }
0x8b: {  	s0 =	sand.u32 $0x1, s1  }
0x8c: {  	s17 =	sshll.u32 s0, $0xA;
	s2 =	sadd.s32 s3, s2  }
0x8d: {  	s2 =	sadd.s32 s2, s17  }
0x8e: {  	[smem:$0x3FB7] =	sst s2  }
0x8f: {  	_ = 	snop  }
0x90: {  	s2 =	sld [smem:$0x3FD0];
	(tm) =	ssettm $0x1  }
0x91: {  	s18 =	sld [smem:$0x3FFB];
	_ =	sdelay $0x3  }
0x92: {  	_ =	strace s18  }
0x93: {  	s3 =	sld [smem:$0x3FFC];
	_ =	sdelay $0x3  }
0x94: {  	_ =	strace s3  }
0x95: {  	s3 =	sld [smem:$0x3FFD];
	_ =	sdelay $0x3  }
0x96: {  	_ =	strace s3  }
0x97: {  	_ =	strace $0x8FFFFFFF  }
0x98: {  	s19 =	sld [smem:$0x3FDB];
	_ =	sdelay $0x1  }
0x99: {  	s4 =	simm.s32 $_scs_section_size  }
0x9a: {  	s5 =	simm.s32 $_size__tile_overlayer_lowered;
	s6 =	simm.s32 $_tile_overlayer_lowered  }
0x9b: {  	s22 =	simm.s32 $0x1BFF;
	s21 =	sshll.u32 s6, $0x1;
	s3 =	sadd.s32 s4, s19  }
0x9c: {  	s7 =	simm.s32 $0x0;
	s20 =	sshll.u32 s5, $0x1;
	s5 =	sadd.s32 s21, s3  }
0x9d: {  	[timem:s7], [sflag:s22] =	dma.local [hbm:s5], s20  }
0x9e: {  	_ =	swait.ge [sflag:s22], s20  }
0x9f: {  	s4 =	ssub.s32 $0x0, s20;
	[sflag:s22] =	ssyncset.done $0x0  }
0xa0: {  	[sflag:s22] =	ssyncadd.s32 s4;
	_ =	sdelay $0x1  }
0xa1: {  	s23 =	simm.s32 $0x1B8B  }
0xa2: {  	_ =	swait.ge [sflag:s23], $0x1  }
0xa3: {  	[sflag:s23] =	ssyncset.done $0x0  }
0xa4: {  	s25 =	simm.s32 $0x1B8E;
	s24 =	sld [smem:$0x3FFE];
	[sflag:s23] =	ssyncadd.s32 $0xFFFFFFFF  }
0xa5: {  	s26 =	simm.s32 $execute0_lowered;
	[smem:$0x3FD2] =	sst s25  }
0xa6: {  	s5 =	sshll.u32 s26, $0x1;
	_ =	strace $0x80000046;
	[dreg:$0x1] =	wrdreg $0xFFFFFFFF  }
0xa7: {  	s28 =	simm.s32 $_size_execute0_lowered;
	s3 =	sadd.s32 s3, s5;
	[dreg:$0x0] =	wrdreg $0x0  }
0xa8: {  	s5 =	sshll.u32 s28, $0x1;
	[dreg:$0x2] =	wrdreg s3  }
0xa9: {  	[dreg:$0x3] =	wrdreg s5  }
0xaa: {  	[dreg:$0x4] =	wrdreg $0xC0  }
0xab: {  	_ =	task [dreg:s7], $0x5FFFF  }
0xac: {  	[dreg:$0x1] =	wrdreg $0xFFFFFFFF  }
0xad: {  	[dreg:$0x0] =	wrdreg $0x60  }
0xae: {  	[dreg:$0x2] =	wrdreg s24  }
0xaf: {  	[dreg:$0x3] =	wrdreg s2  }
0xb0: {  	[dreg:$0x4] =	wrdreg $0x9  }
0xb1: {  	_ =	task.clear_ibuf [dreg:s7], $0x5FFFF;
	_ =	strace $0x90000046  }
0xb2: {  	s29 =	simm.s32 $0x9;
	_ =	strace $0x80000048  }
0xb3: {  	_ =	swait.ge [sflag:s29], $0x1  }
0xb4: {  	[sflag:s29] =	ssyncadd.s32 $0xFFFFFFFF  }
0xb5: {  	_ =	strace $0x90000048  }
0xb6: {  	_ =	sfence  }
0xb7: {  	s30 =	sld [smem:$0x0];
	_ =	sdelay $0x2  }
0xb8: {  	s31 =	sshll.u32 s1, $0xD;
	s1 =	sshrl.u32 s1, $0x2  }
0xb9: {  	s3 =	sand.u32 $0x4000, s31;
	s1 =	sadd.s32 s1, s30  }
0xba: {  	s0 =	sor.u32 s3, s0;
	s1 =	sshll.u32 s1, $0x11  }
0xbb: {  	s0 =	sor.u32 s1, s0  }
0xbc: {  	s0 =	sadd.s32 $0x8F2B, s0  }
0xbd: {  	[sflag:s0] =	ssyncadd.remote.s32 $0x1  }
0xbe: {  	_ =	sfence.sel $0xFFFF  }
0xbf: {  	[dreg:$0x0] =	wrdreg $0xFFFFFFFF;
	(pc) =	sbr.abs _section_cstart, $3  }
0xc0: {  	[dreg:$0x1] =	wrdreg $0xFFFFFFFF  }
0xc1: {  	_ =	task.clear_ibuf [dreg:s7], $0x2FFFF;
	_ =	strace $0x9FFFFFFF  }
0xc2: {  	(tm) =	ssettm $0x7FFFFFFF  }
0xc3: {  	_ =	shalt  }
tec
execute0_lowered:
.L_overlay_start_1:
0x0: {  	(tag) =	ssettag $0x1  }
0x1: {  	s4 =	rddreg [dreg:$0x0]  }
0x2: {  	s5 =	rddreg [dreg:$0x1]  }
0x3: {  	s0 =	rddreg [dreg:$0x2];
	s3 =	srdreg.scid  }
0x4: {  	s2 =	simm.s32 $0x0;
	s1 =	stileid.u32;
	s10 =	simm.s32 $0x5000  }
0x5: {  	s11 =	simm.s32 $0x1;
	s12 =	simm.s32 $0x2;
	s13 =	simm.s32 $0x0  }
0x6: {  	s6 =	sand.u32 $0x1, s3;
	[smem:$0x7FF] =	sst s2;
	s29 =	sshll.u32 s1, $0xD  }
0x7: {  	s3 =	sadd.s32 $0x4AE00, s4;
	s31 =	sshll.u32 s1, $0x11;
	s7 =	sshll.u32 s6, $0xC  }
0x8: {  	_ =	strace $0x80000047;
	s8 =	ssub.s32 $0x2, s6;
	s7 =	sor.u32 s7, s29  }
0x9: {  	s6 =	sshll.u32 s6, $0x10;
	s9 =	sshrl.u32 s8, $0x1;
	s7 =	sshrl.u32 s7, $0x3  }
0xa: {  	s30 =	ssub.s32 s8, s9;
	s8 =	sadd.s32 s31, s5;
	s9 =	simm.s32 $0x1000  }
0xb: {  	s4 =	sadd.s32 s7, s4;
	s5 =	smax.u32 s30, $0x1;
	s6 =	sadd.s32 s6, s8  }
0xc: {  	s7 =	simm.s32 $0x3;
	s8 =	simm.s32 $0x80;
	s4 =	sadd.s32 $0x46E00, s4  }
.LBB2_1:
0xd: {  	[tilespmem:s2], [sflag:$0x3] =	stream.linear.gather [hbm4b:s4+s2], $0x1000, $0x38;
	[tilespmem:$0x9000] =	vst v63  }
0xe: {  	_ =	swait.ge [sflag:s7], $0x1000  }
0xf: {  	[sflag:s7] =	ssyncset.done $0x0  }
0x10: {  	s14 =	simm.s32 $0x0;
	[sflag:s7] =	ssyncadd.s32 $0xFFFFF000  }
0x11: {  	[tilespmem:s9], [sflag:$0x1] =	stream.indirect.gather [hbm4b:s3+s8], $0x80, s14, s8, $0xb8;
	[tilespmem:$0x9000] =	vst v63  }
0x12: {  	s30 =	simm.s32 $0x80  }
0x13: {  	[tilespmem:s10], [sflag:$0x2] =	stream.indirect.gather [hbm4b:s3+s8], $0x80, s30, s8, $0xb8;
	[tilespmem:$0x9000] =	vst v63  }
0x14: {  	_ =	swait.ge [sflag:s11], $0x4000  }
0x15: {  	[sflag:s11] =	ssyncset.done $0x0  }
0x16: {  	[sflag:s11] =	ssyncadd.s32 $0xFFFFC000  }
0x17: {  	[hbm4b:s6+s2] =	stream.linear.scatter [tilespmem:s9], [sflag:$0x3], $0x4000, $0x38;
	[tilespmem:$0x9000] =	vst v63  }
0x18: {  	_ =	swait.ge [sflag:s7], $0x4000  }
0x19: {  	[sflag:s7] =	ssyncset.done $0x0  }
0x1a: {  	[sflag:s7] =	ssyncadd.s32 $0xFFFFC000  }
0x1b: {  	_ =	swait.ge [sflag:s12], $0x4000  }
0x1c: {  	[sflag:s12] =	ssyncset.done $0x0  }
0x1d: {  	s31 =	sadd.s32 $0x800, s6;
	[sflag:s12] =	ssyncadd.s32 $0xFFFFC000  }
0x1e: {  	[hbm4b:s31+s2] =	stream.linear.scatter [tilespmem:s10], [sflag:$0x3], $0x4000, $0x38;
	[tilespmem:$0x9000] =	vst v63  }
0x1f: {  	s15 =	simm.s32 $0x400;
	_ =	swait.ge [sflag:s7], $0x4000  }
0x20: {  	s16 =	simm.s32 $0x800;
	s14 =	sadd.s32 $0x1000, s6;
	[sflag:s7] =	ssyncset.done $0x0  }
.LBB2_2:
0x21: {  	s17 =	sshra.s32 s15, $0x2  }
0x22: {  	[sflag:s7] =	ssyncadd.s32 $0xFFFFC000;
	s15 =	smov.u32 s16;
	s18 =	sadd.s32 $0x400, s16  }
0x23: {  	[tilespmem:s9], [sflag:$0x1] =	stream.indirect.gather [hbm4b:s3+s8], $0x80, s17, s8, $0xb8;
	[tilespmem:$0x9000] =	vst v63  }
0x24: {  	p0 =	sne.s32 s16, $0x3C00;
	s16 =	sadd.s32 $0x80, s17  }
0x25: {  	[tilespmem:s10], [sflag:$0x2] =	stream.indirect.gather [hbm4b:s3+s8], $0x80, s16, s8, $0xb8;
	[tilespmem:$0x9000] =	vst v63  }
0x26: {  	_ =	swait.ge [sflag:s11], $0x4000  }
0x27: {  	[sflag:s11] =	ssyncset.done $0x0  }
0x28: {  	[sflag:s11] =	ssyncadd.s32 $0xFFFFC000  }
0x29: {  	[hbm4b:s14+s2] =	stream.linear.scatter [tilespmem:s9], [sflag:$0x3], $0x4000, $0x38;
	[tilespmem:$0x9000] =	vst v63  }
0x2a: {  	_ =	swait.ge [sflag:s7], $0x4000  }
0x2b: {  	[sflag:s7] =	ssyncset.done $0x0  }
0x2c: {  	[sflag:s7] =	ssyncadd.s32 $0xFFFFC000  }
0x2d: {  	_ =	swait.ge [sflag:s12], $0x4000  }
.Ltmp0:
0x2e: {  	[sflag:s12] =	ssyncset.done $0x0;
	(pc) =	sbr.rel @p0 .LBB2_2-.Ltmp0, $4  }
0x2f: {  	s16 =	sadd.s32 $0x800, s14;
	[sflag:s12] =	ssyncadd.s32 $0xFFFFC000  }
0x30: {  	[hbm4b:s16+s2] =	stream.linear.scatter [tilespmem:s10], [sflag:$0x3], $0x4000, $0x38;
	[tilespmem:$0x9000] =	vst v63  }
0x31: {  	_ =	swait.ge [sflag:s7], $0x4000  }
0x32: {  	s14 =	sadd.s32 $0x1000, s14;
	s16 =	smov.u32 s18;
	[sflag:s7] =	ssyncset.done $0x0  }
0x33: {  	s15 =	sshra.s32 s15, $0x2;
	[sflag:s7] =	ssyncadd.s32 $0xFFFFC000  }
0x34: {  	[tilespmem:s9], [sflag:$0x1] =	stream.indirect.gather [hbm4b:s3+s8], $0x80, s15, s8, $0xb8;
	[tilespmem:$0x9000] =	vst v63  }
0x35: {  	s15 =	sadd.s32 $0x80, s15  }
0x36: {  	[tilespmem:s10], [sflag:$0x2] =	stream.indirect.gather [hbm4b:s3+s8], $0x80, s15, s8, $0xb8;
	[tilespmem:$0x9000] =	vst v63  }
0x37: {  	_ =	swait.ge [sflag:s11], $0x4000  }
0x38: {  	[sflag:s11] =	ssyncset.done $0x0  }
0x39: {  	[sflag:s11] =	ssyncadd.s32 $0xFFFFC000  }
0x3a: {  	[hbm4b:s14+s2] =	stream.linear.scatter [tilespmem:s9], [sflag:$0x3], $0x4000, $0x38;
	[tilespmem:$0x9000] =	vst v63  }
0x3b: {  	_ =	swait.ge [sflag:s7], $0x4000  }
0x3c: {  	[sflag:s7] =	ssyncset.done $0x0  }
0x3d: {  	[sflag:s7] =	ssyncadd.s32 $0xFFFFC000  }
0x3e: {  	s13 =	sadd.s32 $0x1, s13;
	_ =	swait.ge [sflag:s12], $0x4000  }
0x3f: {  	p0 =	sne.s32 s13, s5;
	[sflag:s12] =	ssyncset.done $0x0  }
.Ltmp1:
0x40: {  	s31 =	sadd.s32 $0x800, s14;
	[sflag:s12] =	ssyncadd.s32 $0xFFFFC000;
	(pc) =	sbr.rel @p0 .LBB2_1-.Ltmp1, $4  }
0x41: {  	[hbm4b:s31+s2] =	stream.linear.scatter [tilespmem:s10], [sflag:$0x3], $0x4000, $0x38;
	[tilespmem:$0x9000] =	vst v63  }
0x42: {  	_ =	swait.ge [sflag:s7], $0x4000  }
0x43: {  	[sflag:s7] =	ssyncset.done $0x0  }
0x44: {  	[sflag:s7] =	ssyncadd.s32 $0xFFFFC000  }
0x45: {  	_ =	sfence.sel $0x180000  }
0x46: {  	[bflag:$0x0] =	sbarrier.arrive $0xFFFF  }
0x47: {  	p0 =	sne.s32 s1, $0x0;
	_ =	strace $0x90000047  }
0x48: {  	s0 =	sadd.s32 @!p0 $0x100000, s0;
	[bflag:$0x2] =	sbarrier.arrive $0xFFFF  }
0x49: {  	[sflag:s0] =	ssyncadd.tile.s32 @!p0 $0x1;
	_ =	shalt  }
.Lfunc_end2:
_tile_overlayer_lowered:
.L_overlay_start_2:
0x4a: {  	(tag) =	ssettag $0x2  }
0x4b: {  	s0 =	rddreg [dreg:$0x0];
	s2 =	stileid.u32  }
0x4c: {  	s1 =	rddreg [dreg:$0x1];
	p0 =	sne.s32 s2, $0x0  }
0x4d: {  	s3 =	rddreg [dreg:$0x2];
	[bflag:$0x3] =	sbarrier.arrive $0xFFFF;
	s2 =	simm.s32 @!p0 $0x1C03  }
0x4e: {  	[timem:s3], [sflag:s2] =	dma.local @!p0 [hbm:s0], s1  }
0x4f: {  	s0 =	simm.s32 @!p0 $0x3  }
0x50: {  	_ =	swait.ge @!p0 [sflag:s0], s1  }
0x51: {  	s1 =	ssub.s32 @!p0 $0x0, s1;
	[sflag:s0] =	ssyncset.done @!p0 $0x0  }
0x52: {  	[sflag:s0] =	ssyncadd.s32 @!p0 s1  }
0x53: {  	[bflag:$0x3] =	sbarrier.arrive $0xFFFF  }
0x54: {  	_ =	shalt  }

// kernel: kernel.22.cloned.1.call-start
scs
__scs_entry_jumppad:
0x0: {  	(pc) =	sbr.rel $0x88, $3  }
0x1: {  	(tag) =	ssettag $0x0;
	lr =	simm.s32 $0x1  }
0x2: {  	[smem:$0x3F90] =	sst lr;
	_ =	strace $0xD0000000  }
0x3: {  	_ = 	snop  }
0x4: {  	_ = 	snop  }
0x5: {  	_ = 	snop  }
0x6: {  	_ = 	snop  }
0x7: {  	_ = 	snop  }
__scs_overlays_trampoline_lowered:
0x8: {  	[smem:$0x3F9F] =	sst s0  }
0x9: {  	[smem:$0x3FA0] =	sst s1  }
0xa: {  	[smem:$0x3FA1] =	sst s2  }
0xb: {  	[smem:$0x3FA2] =	sst s3  }
0xc: {  	[smem:$0x3FA3] =	sst s4  }
0xd: {  	[smem:$0x3FA4] =	sst s5  }
0xe: {  	[smem:$0x3FA5] =	sst s6  }
0xf: {  	[smem:$0x3FA6] =	sst s7  }
0x10: {  	[smem:$0x3FA7] =	sst s8  }
0x11: {  	[smem:$0x3FA8] =	sst s9;
	s0 =	simm.s32 @!p0 $0x0  }
0x12: {  	s1 =	sld [smem:$0x3F8E];
	s0 =	simm.s32 @p0 $0x1  }
0x13: {  	[smem:$0x3FA9] =	sst s0;
	s0 =	simm.s32 @!p1 $0x0  }
0x14: {  	s2 =	sld [smem:$0x3F8D];
	s0 =	simm.s32 @p1 $0x1  }
0x15: {  	[smem:$0x3FAA] =	sst s0;
	s0 =	simm.s32 @!p2 $0x0  }
0x16: {  	s3 =	sld [smem:$0x3FDB];
	s0 =	simm.s32 @p2 $0x1  }
0x17: {  	s4 =	simm.s32 $0x1BF5;
	[smem:$0x3FAC] =	sst s0  }
0x18: {  	s0 =	sld [smem:$0x3F8F];
	_ =	swait.ge [sflag:s4], $0x0  }
0x19: {  	s7 =	sld [smem:$0x3F90]  }
0x1a: {  	s8 =	sadd.s32 $0xFFFFE003, lr  }
0x1b: {  	s9 =	sadd.s32 $0xFFFFFEF7, lr;
	s5 =	simm.s32 $0xFFFFFFFF;
	p2 =	slt.u32 s8, $0xFFFFF086  }
0x1c: {  	p1 =	slt.u32 s9, $0xF7A;
	s5 =	simm.s32 @!p2 $0x0  }
0x1d: {  	s5 =	simm.s32 @p1 $0x1;
	p0 =	seq.s32 s7, s2  }
0x1e: {  	s7 =	smul.u32 @!p0 $0xF7A, s2;
	p2 =	seq.s32 @!p0 s5, $0x0  }
0x1f: {  	s9 =	smul.u32 $0xF7A, s1;
	s8 =	simm.s32 @!p0 $0x1BF5;
	p2 =	por !p2, p0  }
0x20: {  	[sflag:s8] =	ssyncset.s32 @!p0 $0xFFFFF086;
	s6 =	sadd.s32 @!p0 s3, s7;
	s7 =	simm.s32 @!p0 $0x108  }
0x21: {  	s3 =	sadd.s32 s3, s9;
	s6 =	sadd.s32 @!p0 $0x88, s6;
	s7 =	simm.s32 @p2 $0x1082  }
0x22: {  	[simem:s7], [sflag:s8] =	dma.local @!p0 [hbm:s6], $0xF7A  }
0x23: {  	s9 =	sor.u32 $0xD0000000, s2;
	s6 =	simm.s32 $0x108;
	_ =	swait.ge @!p0 [sflag:s8], $0x0  }
0x24: {  	s3 =	sadd.s32 $0x88, s3;
	s6 =	simm.s32 @!p1 $0x1082;
	[sflag:s4] =	ssyncset.s32 $0xFFFFF086  }
0x25: {  	[simem:s6], [sflag:s4] =	dma.local [hbm:s3], $0xF7A  }
0x26: {  	[smem:$0x3F90] =	sst s1;
	(tag) =	ssettag s2;
	_ =	strace s9  }
0x27: {  	s1 =	sld [smem:$0x3FA0]  }
0x28: {  	s2 =	sld [smem:$0x3FA1]  }
0x29: {  	s4 =	sld [smem:$0x3FA3]  }
0x2a: {  	p0 =	seq.s32 s5, $0x0;
	s5 =	sld [smem:$0x3FA4]  }
0x2b: {  	s6 =	sld [smem:$0x3FA5]  }
0x2c: {  	s7 =	sld [smem:$0x3FA6]  }
0x2d: {  	s3 =	simm.s32 $0x108;
	s8 =	sld [smem:$0x3FA7]  }
0x2e: {  	s3 =	simm.s32 @!p0 $0x1082;
	s9 =	sld [smem:$0x3FA8]  }
0x2f: {  	lr =	sadd.s32 s0, s3;
	s0 =	sld [smem:$0x3F9F]  }
0x30: {  	s3 =	sld [smem:$0x3FA2]  }
0x31: {  	[smem:$0x3FAB] =	sst s10  }
0x32: {  	s10 =	sld [smem:$0x3FA9];
	_ =	sdelay $0x3  }
0x33: {  	p0 =	seq.s32 s10, $0x1;
	s10 =	sld [smem:$0x3FAB];
	_ =	sdelay $0x3  }
0x34: {  	[smem:$0x3FAB] =	sst s10  }
0x35: {  	s10 =	sld [smem:$0x3FAA];
	_ =	sdelay $0x3  }
0x36: {  	p1 =	seq.s32 s10, $0x1;
	s10 =	sld [smem:$0x3FAB];
	_ =	sdelay $0x3  }
0x37: {  	[smem:$0x3FAB] =	sst s10  }
0x38: {  	s10 =	sld [smem:$0x3FAC]  }
0x39: {  	_ = 	snop;
	(pc) =	sbr.ind lr, $3  }
0x3a: {  	_ = 	snop  }
0x3b: {  	_ = 	snop  }
0x3c: {  	p2 =	seq.s32 s10, $0x1;
	s10 =	sld [smem:$0x3FAB]  }
0x3d: {  	_ =	shalt  }
0x3e: {  	_ =	shalt  }
0x3f: {  	_ =	shalt  }
0x40: {  	_ =	shalt  }
0x41: {  	_ =	shalt  }
0x42: {  	_ =	shalt  }
0x43: {  	_ =	shalt  }
0x44: {  	_ =	shalt  }
0x45: {  	_ =	shalt  }
0x46: {  	_ =	shalt  }
0x47: {  	_ =	shalt  }
0x48: {  	_ =	shalt  }
0x49: {  	_ =	shalt  }
0x4a: {  	_ =	shalt  }
0x4b: {  	_ =	shalt  }
0x4c: {  	_ =	shalt  }
0x4d: {  	_ =	shalt  }
0x4e: {  	_ =	shalt  }
0x4f: {  	_ =	shalt  }
0x50: {  	_ =	shalt  }
0x51: {  	_ =	shalt  }
0x52: {  	_ =	shalt  }
0x53: {  	_ =	shalt  }
0x54: {  	_ =	shalt  }
0x55: {  	_ =	shalt  }
0x56: {  	_ =	shalt  }
0x57: {  	_ =	shalt  }
0x58: {  	_ =	shalt  }
0x59: {  	_ =	shalt  }
0x5a: {  	_ =	shalt  }
0x5b: {  	_ =	shalt  }
0x5c: {  	_ =	shalt  }
0x5d: {  	_ =	shalt  }
0x5e: {  	_ =	shalt  }
0x5f: {  	_ =	shalt  }
0x60: {  	_ =	shalt  }
0x61: {  	_ =	shalt  }
0x62: {  	_ =	shalt  }
0x63: {  	_ =	shalt  }
0x64: {  	_ =	shalt  }
0x65: {  	_ =	shalt  }
0x66: {  	_ =	shalt  }
0x67: {  	_ =	shalt  }
0x68: {  	_ =	shalt  }
0x69: {  	_ =	shalt  }
0x6a: {  	_ =	shalt  }
0x6b: {  	_ =	shalt  }
0x6c: {  	_ =	shalt  }
0x6d: {  	_ =	shalt  }
0x6e: {  	_ =	shalt  }
0x6f: {  	_ =	shalt  }
0x70: {  	_ =	shalt  }
0x71: {  	_ =	shalt  }
0x72: {  	_ =	shalt  }
0x73: {  	_ =	shalt  }
0x74: {  	_ =	shalt  }
0x75: {  	_ =	shalt  }
0x76: {  	_ =	shalt  }
0x77: {  	_ =	shalt  }
0x78: {  	_ =	shalt  }
0x79: {  	_ =	shalt  }
0x7a: {  	_ =	shalt  }
0x7b: {  	_ =	shalt  }
0x7c: {  	_ =	shalt  }
0x7d: {  	_ =	shalt  }
0x7e: {  	_ =	shalt  }
0x7f: {  	_ =	shalt  }
0x80: {  	_ =	shalt  }
0x81: {  	_ =	shalt  }
0x82: {  	_ =	shalt  }
0x83: {  	_ =	shalt  }
0x84: {  	_ =	shalt  }
0x85: {  	_ =	shalt  }
0x86: {  	_ =	shalt  }
0x87: {  	_ =	shalt  }
.Lfunc_end0:
.L_simem_size_0:
called_computation.1_lowered:
.L_overlay_start_0:
0x88: {  	s2 =	sld [smem:$0x3FD9]  }
0x89: {  	s3 =	sld [smem:$0x3FFE];
	_ =	sdelay $0x1  }
0x8a: {  	s1 =	srdreg.scid  }
0x8b: {  	s0 =	sand.u32 $0x1, s1  }
0x8c: {  	s17 =	sshll.u32 s0, $0xA;
	s2 =	sadd.s32 s3, s2  }
0x8d: {  	s2 =	sadd.s32 s2, s17  }
0x8e: {  	[smem:$0x3FB7] =	sst s2  }
0x8f: {  	_ = 	snop  }
0x90: {  	s2 =	sld [smem:$0x3FD0];
	(tm) =	ssettm $0x1  }
0x91: {  	s18 =	sld [smem:$0x3FFB];
	_ =	sdelay $0x3  }
0x92: {  	_ =	strace s18  }
0x93: {  	s3 =	sld [smem:$0x3FFC];
	_ =	sdelay $0x3  }
0x94: {  	_ =	strace s3  }
0x95: {  	s3 =	sld [smem:$0x3FFD];
	_ =	sdelay $0x3  }
0x96: {  	_ =	strace s3  }
0x97: {  	_ =	strace $0x8FFFFFFF  }
0x98: {  	s19 =	sld [smem:$0x3FDB];
	_ =	sdelay $0x1  }
0x99: {  	s4 =	simm.s32 $_scs_section_size  }
0x9a: {  	s5 =	simm.s32 $_size__tile_overlayer_lowered;
	s6 =	simm.s32 $_tile_overlayer_lowered  }
0x9b: {  	s22 =	simm.s32 $0x1BFF;
	s21 =	sshll.u32 s6, $0x1;
	s3 =	sadd.s32 s4, s19  }
0x9c: {  	s7 =	simm.s32 $0x0;
	s20 =	sshll.u32 s5, $0x1;
	s5 =	sadd.s32 s21, s3  }
0x9d: {  	[timem:s7], [sflag:s22] =	dma.local [hbm:s5], s20  }
0x9e: {  	_ =	swait.ge [sflag:s22], s20  }
0x9f: {  	s4 =	ssub.s32 $0x0, s20;
	[sflag:s22] =	ssyncset.done $0x0  }
0xa0: {  	[sflag:s22] =	ssyncadd.s32 s4;
	_ =	sdelay $0x1  }
0xa1: {  	s23 =	simm.s32 $0x1B8B  }
0xa2: {  	_ =	swait.ge [sflag:s23], $0x1  }
0xa3: {  	[sflag:s23] =	ssyncset.done $0x0  }
0xa4: {  	s25 =	simm.s32 $0x1B8E;
	s24 =	sld [smem:$0x3FFE];
	[sflag:s23] =	ssyncadd.s32 $0xFFFFFFFF  }
0xa5: {  	s26 =	simm.s32 $execute0_lowered;
	[smem:$0x3FD2] =	sst s25  }
0xa6: {  	s5 =	sshll.u32 s26, $0x1;
	_ =	strace $0x80000049;
	[dreg:$0x1] =	wrdreg $0xFFFFFFFF  }
0xa7: {  	s28 =	simm.s32 $_size_execute0_lowered;
	s3 =	sadd.s32 s3, s5;
	[dreg:$0x0] =	wrdreg $0x0  }
0xa8: {  	s5 =	sshll.u32 s28, $0x1;
	[dreg:$0x2] =	wrdreg s3  }
0xa9: {  	[dreg:$0x3] =	wrdreg s5  }
0xaa: {  	[dreg:$0x4] =	wrdreg $0xC0  }
0xab: {  	_ =	task [dreg:s7], $0x5FFFF  }
0xac: {  	[dreg:$0x1] =	wrdreg $0xFFFFFFFF  }
0xad: {  	[dreg:$0x0] =	wrdreg $0x60  }
0xae: {  	[dreg:$0x2] =	wrdreg s2  }
0xaf: {  	[dreg:$0x3] =	wrdreg s24  }
0xb0: {  	[dreg:$0x4] =	wrdreg $0x9  }
0xb1: {  	_ =	task.clear_ibuf [dreg:s7], $0x5FFFF;
	_ =	strace $0x90000049  }
0xb2: {  	s29 =	simm.s32 $0x9;
	_ =	strace $0x8000004B  }
0xb3: {  	_ =	swait.ge [sflag:s29], $0x1  }
0xb4: {  	[sflag:s29] =	ssyncadd.s32 $0xFFFFFFFF  }
0xb5: {  	_ =	strace $0x9000004B  }
0xb6: {  	_ =	sfence  }
0xb7: {  	s30 =	sld [smem:$0x0];
	_ =	sdelay $0x2  }
0xb8: {  	s31 =	sshll.u32 s1, $0xD;
	s1 =	sshrl.u32 s1, $0x2  }
0xb9: {  	s3 =	sand.u32 $0x4000, s31;
	s1 =	sadd.s32 s1, s30  }
0xba: {  	s0 =	sor.u32 s3, s0;
	s1 =	sshll.u32 s1, $0x11  }
0xbb: {  	s0 =	sor.u32 s1, s0  }
0xbc: {  	s0 =	sadd.s32 $0x8F2B, s0  }
0xbd: {  	[sflag:s0] =	ssyncadd.remote.s32 $0x1  }
0xbe: {  	_ =	sfence.sel $0xFFFF  }
0xbf: {  	[dreg:$0x0] =	wrdreg $0xFFFFFFFF;
	(pc) =	sbr.abs _section_cstart, $3  }
0xc0: {  	[dreg:$0x1] =	wrdreg $0xFFFFFFFF  }
0xc1: {  	_ =	task.clear_ibuf [dreg:s7], $0x2FFFF;
	_ =	strace $0x9FFFFFFF  }
0xc2: {  	(tm) =	ssettm $0x7FFFFFFF  }
0xc3: {  	_ =	shalt  }
tec
execute0_lowered:
.L_overlay_start_1:
0x0: {  	(tag) =	ssettag $0x1  }
0x1: {  	s1 =	srdreg.scid  }
0x2: {  	s0 =	stileid.u32;
	s6 =	sand.u32 $0x1, s1  }
0x3: {  	s2 =	rddreg [dreg:$0x0];
	s30 =	sshll.u32 s0, $0x8;
	s3 =	sshll.u32 s6, $0x7  }
0x4: {  	s8 =	rddreg [dreg:$0x1];
	s7 =	simm.s32 $0x1;
	s9 =	sor.u32 s3, s30  }
0x5: {  	s1 =	rddreg [dreg:$0x2];
	s3 =	simm.s32 $0x0;
	s4 =	sshrl.u32 s9, $0x3  }
0x6: {  	s10 =	ssub.s32 $0x2, s6;
	[smem:$0x7FF] =	sst s3;
	s4 =	sadd.s32 s4, s8  }
0x7: {  	_ =	strace $0x8000004A;
	s5 =	sadd.s32 $0x6AE00, s4;
	s4 =	simm.s32 $0x2  }
0x8: {  	[tilespmem:s3], [sflag:$0x2] =	stream.linear.gather [hbm4b:s5+s3], $0x80, $0x38;
	[tilespmem:$0x4080] =	vst v63  }
0x9: {  	s6 =	simm.s32 $0x80;
	s11 =	sshrl.u32 s10, $0x1;
	_ =	swait.ge [sflag:s4], $0x80  }
0xa: {  	s9 =	sshll.u32 s9, $0x4;
	s31 =	ssub.s32 s10, s11;
	[sflag:s4] =	ssyncset.done $0x0  }
0xb: {  	s8 =	sadd.s32 s9, s8;
	s9 =	smax.u32 s31, $0x1;
	[sflag:s4] =	ssyncadd.s32 $0xFFFFFF80  }
0xc: {  	[tilespmem:s6], [sflag:$0x1] =	stream.indirect.gather [hbm4b:s2+s6], $0x80, s3, s6, $0xb8;
	[tilespmem:$0x4080] =	vst v63  }
0xd: {  	p0 =	sne.s32 s9, $0x1;
	_ =	swait.ge [sflag:s7], $0x4000  }
.Ltmp0:
0xe: {  	[sflag:s7] =	ssyncset.done $0x0;
	(pc) =	sbr.rel @!p0 .LBB2_2-.Ltmp0, $4  }
0xf: {  	s8 =	sadd.s32 $0x6B000, s8;
	[sflag:s7] =	ssyncadd.s32 $0xFFFFC000  }
0x10: {  	[hbm4b:s8+s3] =	stream.linear.scatter [tilespmem:s6], [sflag:$0x2], $0x4000, $0x38;
	[tilespmem:$0x4080] =	vst v63  }
0x11: {  	_ =	swait.ge [sflag:s4], $0x4000  }
0x12: {  	s9 =	sadd.s32 $0xFFFFFFFF, s9;
	[sflag:s4] =	ssyncset.done $0x0  }
.LBB2_1:
0x13: {  	p0 =	sne.s32 s9, $0x1;
	s9 =	sadd.s32 $0xFFFFFFFF, s9;
	[sflag:s4] =	ssyncadd.s32 $0xFFFFC000  }
0x14: {  	[tilespmem:s3], [sflag:$0x2] =	stream.linear.gather [hbm4b:s5+s3], $0x80, $0x38;
	[tilespmem:$0x4080] =	vst v63  }
0x15: {  	_ =	swait.ge [sflag:s4], $0x80  }
0x16: {  	[sflag:s4] =	ssyncset.done $0x0  }
0x17: {  	[sflag:s4] =	ssyncadd.s32 $0xFFFFFF80  }
0x18: {  	[tilespmem:s6], [sflag:$0x1] =	stream.indirect.gather [hbm4b:s2+s6], $0x80, s3, s6, $0xb8;
	[tilespmem:$0x4080] =	vst v63  }
0x19: {  	_ =	swait.ge [sflag:s7], $0x4000  }
.Ltmp1:
0x1a: {  	[sflag:s7] =	ssyncset.done $0x0;
	(pc) =	sbr.rel @p0 .LBB2_1-.Ltmp1, $4  }
0x1b: {  	[sflag:s7] =	ssyncadd.s32 $0xFFFFC000  }
0x1c: {  	[hbm4b:s8+s3] =	stream.linear.scatter [tilespmem:s6], [sflag:$0x2], $0x4000, $0x38;
	[tilespmem:$0x4080] =	vst v63  }
0x1d: {  	_ =	swait.ge [sflag:s4], $0x4000  }
0x1e: {  	[sflag:s4] =	ssyncset.done $0x0  }
.LBB2_2:
0x1f: {  	[sflag:s4] =	ssyncadd.s32 $0xFFFFC000  }
0x20: {  	_ =	sfence.sel $0x180000  }
0x21: {  	[bflag:$0x0] =	sbarrier.arrive $0xFFFF  }
0x22: {  	p0 =	sne.s32 s0, $0x0;
	_ =	strace $0x9000004A  }
0x23: {  	s0 =	sadd.s32 @!p0 $0x100000, s1;
	[bflag:$0x2] =	sbarrier.arrive $0xFFFF  }
0x24: {  	[sflag:s0] =	ssyncadd.tile.s32 @!p0 $0x1;
	_ =	shalt  }
.Lfunc_end2:
_tile_overlayer_lowered:
.L_overlay_start_2:
0x25: {  	(tag) =	ssettag $0x2  }
0x26: {  	s0 =	rddreg [dreg:$0x0];
	s2 =	stileid.u32  }
0x27: {  	s1 =	rddreg [dreg:$0x1];
	p0 =	sne.s32 s2, $0x0  }
0x28: {  	s3 =	rddreg [dreg:$0x2];
	[bflag:$0x3] =	sbarrier.arrive $0xFFFF;
	s2 =	simm.s32 @!p0 $0x1C02  }
0x29: {  	[timem:s3], [sflag:s2] =	dma.local @!p0 [hbm:s0], s1  }
0x2a: {  	s0 =	simm.s32 @!p0 $0x2  }
0x2b: {  	_ =	swait.ge @!p0 [sflag:s0], s1  }
0x2c: {  	s1 =	ssub.s32 @!p0 $0x0, s1;
	[sflag:s0] =	ssyncset.done @!p0 $0x0  }
0x2d: {  	[sflag:s0] =	ssyncadd.s32 @!p0 s1  }
0x2e: {  	[bflag:$0x3] =	sbarrier.arrive $0xFFFF  }
0x2f: {  	_ =	shalt  }

// kernel: kernel.25.cloned.1.call-start
scs
__scs_entry_jumppad:
0x0: {  	(pc) =	sbr.rel $0x88, $3  }
0x1: {  	(tag) =	ssettag $0x0;
	lr =	simm.s32 $0x1  }
0x2: {  	[smem:$0x3F90] =	sst lr;
	_ =	strace $0xD0000000  }
0x3: {  	_ = 	snop  }
0x4: {  	_ = 	snop  }
0x5: {  	_ = 	snop  }
0x6: {  	_ = 	snop  }
0x7: {  	_ = 	snop  }
__scs_overlays_trampoline_lowered:
0x8: {  	[smem:$0x3F9F] =	sst s0  }
0x9: {  	[smem:$0x3FA0] =	sst s1  }
0xa: {  	[smem:$0x3FA1] =	sst s2  }
0xb: {  	[smem:$0x3FA2] =	sst s3  }
0xc: {  	[smem:$0x3FA3] =	sst s4  }
0xd: {  	[smem:$0x3FA4] =	sst s5  }
0xe: {  	[smem:$0x3FA5] =	sst s6  }
0xf: {  	[smem:$0x3FA6] =	sst s7  }
0x10: {  	[smem:$0x3FA7] =	sst s8  }
0x11: {  	[smem:$0x3FA8] =	sst s9;
	s0 =	simm.s32 @!p0 $0x0  }
0x12: {  	s1 =	sld [smem:$0x3F8E];
	s0 =	simm.s32 @p0 $0x1  }
0x13: {  	[smem:$0x3FA9] =	sst s0;
	s0 =	simm.s32 @!p1 $0x0  }
0x14: {  	s2 =	sld [smem:$0x3F8D];
	s0 =	simm.s32 @p1 $0x1  }
0x15: {  	[smem:$0x3FAA] =	sst s0;
	s0 =	simm.s32 @!p2 $0x0  }
0x16: {  	s3 =	sld [smem:$0x3FDB];
	s0 =	simm.s32 @p2 $0x1  }
0x17: {  	s4 =	simm.s32 $0x1BF5;
	[smem:$0x3FAC] =	sst s0  }
0x18: {  	s0 =	sld [smem:$0x3F8F];
	_ =	swait.ge [sflag:s4], $0x0  }
0x19: {  	s7 =	sld [smem:$0x3F90]  }
0x1a: {  	s8 =	sadd.s32 $0xFFFFE003, lr  }
0x1b: {  	s9 =	sadd.s32 $0xFFFFFEF7, lr;
	s5 =	simm.s32 $0xFFFFFFFF;
	p2 =	slt.u32 s8, $0xFFFFF086  }
0x1c: {  	p1 =	slt.u32 s9, $0xF7A;
	s5 =	simm.s32 @!p2 $0x0  }
0x1d: {  	s5 =	simm.s32 @p1 $0x1;
	p0 =	seq.s32 s7, s2  }
0x1e: {  	s7 =	smul.u32 @!p0 $0xF7A, s2;
	p2 =	seq.s32 @!p0 s5, $0x0  }
0x1f: {  	s9 =	smul.u32 $0xF7A, s1;
	s8 =	simm.s32 @!p0 $0x1BF5;
	p2 =	por !p2, p0  }
0x20: {  	[sflag:s8] =	ssyncset.s32 @!p0 $0xFFFFF086;
	s6 =	sadd.s32 @!p0 s3, s7;
	s7 =	simm.s32 @!p0 $0x108  }
0x21: {  	s3 =	sadd.s32 s3, s9;
	s6 =	sadd.s32 @!p0 $0x88, s6;
	s7 =	simm.s32 @p2 $0x1082  }
0x22: {  	[simem:s7], [sflag:s8] =	dma.local @!p0 [hbm:s6], $0xF7A  }
0x23: {  	s9 =	sor.u32 $0xD0000000, s2;
	s6 =	simm.s32 $0x108;
	_ =	swait.ge @!p0 [sflag:s8], $0x0  }
0x24: {  	s3 =	sadd.s32 $0x88, s3;
	s6 =	simm.s32 @!p1 $0x1082;
	[sflag:s4] =	ssyncset.s32 $0xFFFFF086  }
0x25: {  	[simem:s6], [sflag:s4] =	dma.local [hbm:s3], $0xF7A  }
0x26: {  	[smem:$0x3F90] =	sst s1;
	(tag) =	ssettag s2;
	_ =	strace s9  }
0x27: {  	s1 =	sld [smem:$0x3FA0]  }
0x28: {  	s2 =	sld [smem:$0x3FA1]  }
0x29: {  	s4 =	sld [smem:$0x3FA3]  }
0x2a: {  	p0 =	seq.s32 s5, $0x0;
	s5 =	sld [smem:$0x3FA4]  }
0x2b: {  	s6 =	sld [smem:$0x3FA5]  }
0x2c: {  	s7 =	sld [smem:$0x3FA6]  }
0x2d: {  	s3 =	simm.s32 $0x108;
	s8 =	sld [smem:$0x3FA7]  }
0x2e: {  	s3 =	simm.s32 @!p0 $0x1082;
	s9 =	sld [smem:$0x3FA8]  }
0x2f: {  	lr =	sadd.s32 s0, s3;
	s0 =	sld [smem:$0x3F9F]  }
0x30: {  	s3 =	sld [smem:$0x3FA2]  }
0x31: {  	[smem:$0x3FAB] =	sst s10  }
0x32: {  	s10 =	sld [smem:$0x3FA9];
	_ =	sdelay $0x3  }
0x33: {  	p0 =	seq.s32 s10, $0x1;
	s10 =	sld [smem:$0x3FAB];
	_ =	sdelay $0x3  }
0x34: {  	[smem:$0x3FAB] =	sst s10  }
0x35: {  	s10 =	sld [smem:$0x3FAA];
	_ =	sdelay $0x3  }
0x36: {  	p1 =	seq.s32 s10, $0x1;
	s10 =	sld [smem:$0x3FAB];
	_ =	sdelay $0x3  }
0x37: {  	[smem:$0x3FAB] =	sst s10  }
0x38: {  	s10 =	sld [smem:$0x3FAC]  }
0x39: {  	_ = 	snop;
	(pc) =	sbr.ind lr, $3  }
0x3a: {  	_ = 	snop  }
0x3b: {  	_ = 	snop  }
0x3c: {  	p2 =	seq.s32 s10, $0x1;
	s10 =	sld [smem:$0x3FAB]  }
0x3d: {  	_ =	shalt  }
0x3e: {  	_ =	shalt  }
0x3f: {  	_ =	shalt  }
0x40: {  	_ =	shalt  }
0x41: {  	_ =	shalt  }
0x42: {  	_ =	shalt  }
0x43: {  	_ =	shalt  }
0x44: {  	_ =	shalt  }
0x45: {  	_ =	shalt  }
0x46: {  	_ =	shalt  }
0x47: {  	_ =	shalt  }
0x48: {  	_ =	shalt  }
0x49: {  	_ =	shalt  }
0x4a: {  	_ =	shalt  }
0x4b: {  	_ =	shalt  }
0x4c: {  	_ =	shalt  }
0x4d: {  	_ =	shalt  }
0x4e: {  	_ =	shalt  }
0x4f: {  	_ =	shalt  }
0x50: {  	_ =	shalt  }
0x51: {  	_ =	shalt  }
0x52: {  	_ =	shalt  }
0x53: {  	_ =	shalt  }
0x54: {  	_ =	shalt  }
0x55: {  	_ =	shalt  }
0x56: {  	_ =	shalt  }
0x57: {  	_ =	shalt  }
0x58: {  	_ =	shalt  }
0x59: {  	_ =	shalt  }
0x5a: {  	_ =	shalt  }
0x5b: {  	_ =	shalt  }
0x5c: {  	_ =	shalt  }
0x5d: {  	_ =	shalt  }
0x5e: {  	_ =	shalt  }
0x5f: {  	_ =	shalt  }
0x60: {  	_ =	shalt  }
0x61: {  	_ =	shalt  }
0x62: {  	_ =	shalt  }
0x63: {  	_ =	shalt  }
0x64: {  	_ =	shalt  }
0x65: {  	_ =	shalt  }
0x66: {  	_ =	shalt  }
0x67: {  	_ =	shalt  }
0x68: {  	_ =	shalt  }
0x69: {  	_ =	shalt  }
0x6a: {  	_ =	shalt  }
0x6b: {  	_ =	shalt  }
0x6c: {  	_ =	shalt  }
0x6d: {  	_ =	shalt  }
0x6e: {  	_ =	shalt  }
0x6f: {  	_ =	shalt  }
0x70: {  	_ =	shalt  }
0x71: {  	_ =	shalt  }
0x72: {  	_ =	shalt  }
0x73: {  	_ =	shalt  }
0x74: {  	_ =	shalt  }
0x75: {  	_ =	shalt  }
0x76: {  	_ =	shalt  }
0x77: {  	_ =	shalt  }
0x78: {  	_ =	shalt  }
0x79: {  	_ =	shalt  }
0x7a: {  	_ =	shalt  }
0x7b: {  	_ =	shalt  }
0x7c: {  	_ =	shalt  }
0x7d: {  	_ =	shalt  }
0x7e: {  	_ =	shalt  }
0x7f: {  	_ =	shalt  }
0x80: {  	_ =	shalt  }
0x81: {  	_ =	shalt  }
0x82: {  	_ =	shalt  }
0x83: {  	_ =	shalt  }
0x84: {  	_ =	shalt  }
0x85: {  	_ =	shalt  }
0x86: {  	_ =	shalt  }
0x87: {  	_ =	shalt  }
.Lfunc_end0:
.L_simem_size_0:
called_computation.2_lowered:
.L_overlay_start_0:
0x88: {  	s2 =	sld [smem:$0x3FD9]  }
0x89: {  	s3 =	sld [smem:$0x3FFE];
	_ =	sdelay $0x1  }
0x8a: {  	s1 =	srdreg.scid  }
0x8b: {  	s0 =	sand.u32 $0x1, s1  }
0x8c: {  	s17 =	sshll.u32 s0, $0xA;
	s2 =	sadd.s32 s3, s2  }
0x8d: {  	s2 =	sadd.s32 s2, s17  }
0x8e: {  	[smem:$0x3FB7] =	sst s2  }
0x8f: {  	_ = 	snop  }
0x90: {  	s2 =	sld [smem:$0x3FD0];
	(tm) =	ssettm $0x1  }
0x91: {  	s18 =	sld [smem:$0x3FFB];
	_ =	sdelay $0x3  }
0x92: {  	_ =	strace s18  }
0x93: {  	s3 =	sld [smem:$0x3FFC];
	_ =	sdelay $0x3  }
0x94: {  	_ =	strace s3  }
0x95: {  	s3 =	sld [smem:$0x3FFD];
	_ =	sdelay $0x3  }
0x96: {  	_ =	strace s3  }
0x97: {  	_ =	strace $0x8FFFFFFF  }
0x98: {  	s19 =	sld [smem:$0x3FDB];
	_ =	sdelay $0x1  }
0x99: {  	s4 =	simm.s32 $_scs_section_size  }
0x9a: {  	s5 =	simm.s32 $_size__tile_overlayer_lowered;
	s6 =	simm.s32 $_tile_overlayer_lowered  }
0x9b: {  	s22 =	simm.s32 $0x1BFF;
	s21 =	sshll.u32 s6, $0x1;
	s3 =	sadd.s32 s4, s19  }
0x9c: {  	s7 =	simm.s32 $0x0;
	s20 =	sshll.u32 s5, $0x1;
	s5 =	sadd.s32 s21, s3  }
0x9d: {  	[timem:s7], [sflag:s22] =	dma.local [hbm:s5], s20  }
0x9e: {  	_ =	swait.ge [sflag:s22], s20  }
0x9f: {  	s4 =	ssub.s32 $0x0, s20;
	[sflag:s22] =	ssyncset.done $0x0  }
0xa0: {  	[sflag:s22] =	ssyncadd.s32 s4;
	_ =	sdelay $0x1  }
0xa1: {  	s23 =	simm.s32 $0x1B8B  }
0xa2: {  	_ =	swait.ge [sflag:s23], $0x1  }
0xa3: {  	[sflag:s23] =	ssyncset.done $0x0  }
0xa4: {  	s25 =	simm.s32 $0x1B8E;
	s24 =	sld [smem:$0x3FFE];
	[sflag:s23] =	ssyncadd.s32 $0xFFFFFFFF  }
0xa5: {  	s26 =	simm.s32 $execute0_lowered;
	[smem:$0x3FD2] =	sst s25  }
0xa6: {  	s5 =	sshll.u32 s26, $0x1;
	_ =	strace $0x8000004C;
	[dreg:$0x1] =	wrdreg $0xFFFFFFFF  }
0xa7: {  	s28 =	simm.s32 $_size_execute0_lowered;
	s3 =	sadd.s32 s3, s5;
	[dreg:$0x0] =	wrdreg $0x0  }
0xa8: {  	s5 =	sshll.u32 s28, $0x1;
	[dreg:$0x2] =	wrdreg s3  }
0xa9: {  	[dreg:$0x3] =	wrdreg s5  }
0xaa: {  	[dreg:$0x4] =	wrdreg $0xC0  }
0xab: {  	_ =	task [dreg:s7], $0x5FFFF  }
0xac: {  	[dreg:$0x1] =	wrdreg $0xFFFFFFFF  }
0xad: {  	[dreg:$0x0] =	wrdreg $0x60  }
0xae: {  	[dreg:$0x2] =	wrdreg s2  }
0xaf: {  	[dreg:$0x3] =	wrdreg s24  }
0xb0: {  	[dreg:$0x4] =	wrdreg $0x9  }
0xb1: {  	_ =	task.clear_ibuf [dreg:s7], $0x5FFFF;
	_ =	strace $0x9000004C  }
0xb2: {  	s29 =	simm.s32 $0x9;
	_ =	strace $0x8000004E  }
0xb3: {  	_ =	swait.ge [sflag:s29], $0x1  }
0xb4: {  	[sflag:s29] =	ssyncadd.s32 $0xFFFFFFFF  }
0xb5: {  	_ =	strace $0x9000004E  }
0xb6: {  	_ =	sfence  }
0xb7: {  	s30 =	sld [smem:$0x0];
	_ =	sdelay $0x2  }
0xb8: {  	s31 =	sshll.u32 s1, $0xD;
	s1 =	sshrl.u32 s1, $0x2  }
0xb9: {  	s3 =	sand.u32 $0x4000, s31;
	s1 =	sadd.s32 s1, s30  }
0xba: {  	s0 =	sor.u32 s3, s0;
	s1 =	sshll.u32 s1, $0x11  }
0xbb: {  	s0 =	sor.u32 s1, s0  }
0xbc: {  	s0 =	sadd.s32 $0x8F2B, s0  }
0xbd: {  	[sflag:s0] =	ssyncadd.remote.s32 $0x1  }
0xbe: {  	_ =	sfence.sel $0xFFFF  }
0xbf: {  	[dreg:$0x0] =	wrdreg $0xFFFFFFFF;
	(pc) =	sbr.abs _section_cstart, $3  }
0xc0: {  	[dreg:$0x1] =	wrdreg $0xFFFFFFFF  }
0xc1: {  	_ =	task.clear_ibuf [dreg:s7], $0x2FFFF;
	_ =	strace $0x9FFFFFFF  }
0xc2: {  	(tm) =	ssettm $0x7FFFFFFF  }
0xc3: {  	_ =	shalt  }
tec
execute0_lowered:
.L_overlay_start_1:
0x0: {  	(tag) =	ssettag $0x1  }
0x1: {  	s2 =	rddreg [dreg:$0x0]  }
0x2: {  	s4 =	rddreg [dreg:$0x1]  }
0x3: {  	s3 =	srdreg.scid;
	s0 =	rddreg [dreg:$0x2]  }
0x4: {  	s1 =	stileid.u32;
	s9 =	simm.s32 $0x800;
	s10 =	simm.s32 $0x4800  }
0x5: {  	s11 =	simm.s32 $0x1;
	s12 =	simm.s32 $0x2;
	s13 =	simm.s32 $0x0  }
0x6: {  	s5 =	sand.u32 $0x1, s3;
	s3 =	simm.s32 $0x0;
	s6 =	sshll.u32 s1, $0xC  }
0x7: {  	s29 =	sshll.u32 s1, $0x10;
	s7 =	sshll.u32 s5, $0xB;
	[smem:$0x7FF] =	sst s3  }
0x8: {  	s8 =	ssub.s32 $0x2, s5;
	s5 =	sshll.u32 s5, $0xF;
	s6 =	sor.u32 s7, s6  }
0x9: {  	_ =	strace $0x8000004D;
	s7 =	sadd.s32 s29, s4;
	s30 =	sshrl.u32 s8, $0x1  }
0xa: {  	s6 =	sshrl.u32 s6, $0x3;
	s8 =	ssub.s32 s8, s30;
	s31 =	sadd.s32 s5, s7  }
0xb: {  	s7 =	simm.s32 $0x3;
	s6 =	sadd.s32 s6, s4;
	s5 =	smax.u32 s8, $0x1  }
0xc: {  	s8 =	simm.s32 $0x80;
	s4 =	sadd.s32 $0x67000, s6;
	s6 =	sadd.s32 $0x69000, s31  }
.LBB2_1:
0xd: {  	[tilespmem:s3], [sflag:$0x3] =	stream.linear.gather [hbm4b:s4+s3], $0x800, $0x38;
	[tilespmem:$0x8800] =	vst v63  }
0xe: {  	_ =	swait.ge [sflag:s7], $0x800  }
0xf: {  	[sflag:s7] =	ssyncset.done $0x0  }
0x10: {  	s14 =	simm.s32 $0x0;
	[sflag:s7] =	ssyncadd.s32 $0xFFFFF800  }
0x11: {  	[tilespmem:s9], [sflag:$0x1] =	stream.indirect.gather [hbm4b:s2+s8], $0x80, s14, s8, $0xb8;
	[tilespmem:$0x8800] =	vst v63  }
0x12: {  	s30 =	simm.s32 $0x80  }
0x13: {  	[tilespmem:s10], [sflag:$0x2] =	stream.indirect.gather [hbm4b:s2+s8], $0x80, s30, s8, $0xb8;
	[tilespmem:$0x8800] =	vst v63  }
0x14: {  	_ =	swait.ge [sflag:s11], $0x4000  }
0x15: {  	[sflag:s11] =	ssyncset.done $0x0  }
0x16: {  	[sflag:s11] =	ssyncadd.s32 $0xFFFFC000  }
0x17: {  	[hbm4b:s6+s3] =	stream.linear.scatter [tilespmem:s9], [sflag:$0x3], $0x4000, $0x38;
	[tilespmem:$0x8800] =	vst v63  }
0x18: {  	_ =	swait.ge [sflag:s7], $0x4000  }
0x19: {  	[sflag:s7] =	ssyncset.done $0x0  }
0x1a: {  	[sflag:s7] =	ssyncadd.s32 $0xFFFFC000  }
0x1b: {  	_ =	swait.ge [sflag:s12], $0x4000  }
0x1c: {  	[sflag:s12] =	ssyncset.done $0x0  }
0x1d: {  	s31 =	sadd.s32 $0x800, s6;
	[sflag:s12] =	ssyncadd.s32 $0xFFFFC000  }
0x1e: {  	[hbm4b:s31+s3] =	stream.linear.scatter [tilespmem:s10], [sflag:$0x3], $0x4000, $0x38;
	[tilespmem:$0x8800] =	vst v63  }
0x1f: {  	s15 =	simm.s32 $0x400;
	_ =	swait.ge [sflag:s7], $0x4000  }
0x20: {  	s16 =	simm.s32 $0x800;
	s14 =	sadd.s32 $0x1000, s6;
	[sflag:s7] =	ssyncset.done $0x0  }
.LBB2_2:
0x21: {  	s17 =	sshra.s32 s15, $0x2  }
0x22: {  	[sflag:s7] =	ssyncadd.s32 $0xFFFFC000;
	s15 =	smov.u32 s16;
	s18 =	sadd.s32 $0x400, s16  }
0x23: {  	[tilespmem:s9], [sflag:$0x1] =	stream.indirect.gather [hbm4b:s2+s8], $0x80, s17, s8, $0xb8;
	[tilespmem:$0x8800] =	vst v63  }
0x24: {  	p0 =	sne.s32 s16, $0x1C00;
	s16 =	sadd.s32 $0x80, s17  }
0x25: {  	[tilespmem:s10], [sflag:$0x2] =	stream.indirect.gather [hbm4b:s2+s8], $0x80, s16, s8, $0xb8;
	[tilespmem:$0x8800] =	vst v63  }
0x26: {  	_ =	swait.ge [sflag:s11], $0x4000  }
0x27: {  	[sflag:s11] =	ssyncset.done $0x0  }
0x28: {  	[sflag:s11] =	ssyncadd.s32 $0xFFFFC000  }
0x29: {  	[hbm4b:s14+s3] =	stream.linear.scatter [tilespmem:s9], [sflag:$0x3], $0x4000, $0x38;
	[tilespmem:$0x8800] =	vst v63  }
0x2a: {  	_ =	swait.ge [sflag:s7], $0x4000  }
0x2b: {  	[sflag:s7] =	ssyncset.done $0x0  }
0x2c: {  	[sflag:s7] =	ssyncadd.s32 $0xFFFFC000  }
0x2d: {  	_ =	swait.ge [sflag:s12], $0x4000  }
.Ltmp0:
0x2e: {  	[sflag:s12] =	ssyncset.done $0x0;
	(pc) =	sbr.rel @p0 .LBB2_2-.Ltmp0, $4  }
0x2f: {  	s16 =	sadd.s32 $0x800, s14;
	[sflag:s12] =	ssyncadd.s32 $0xFFFFC000  }
0x30: {  	[hbm4b:s16+s3] =	stream.linear.scatter [tilespmem:s10], [sflag:$0x3], $0x4000, $0x38;
	[tilespmem:$0x8800] =	vst v63  }
0x31: {  	_ =	swait.ge [sflag:s7], $0x4000  }
0x32: {  	s14 =	sadd.s32 $0x1000, s14;
	s16 =	smov.u32 s18;
	[sflag:s7] =	ssyncset.done $0x0  }
0x33: {  	s15 =	sshra.s32 s15, $0x2;
	[sflag:s7] =	ssyncadd.s32 $0xFFFFC000  }
0x34: {  	[tilespmem:s9], [sflag:$0x1] =	stream.indirect.gather [hbm4b:s2+s8], $0x80, s15, s8, $0xb8;
	[tilespmem:$0x8800] =	vst v63  }
0x35: {  	s15 =	sadd.s32 $0x80, s15  }
0x36: {  	[tilespmem:s10], [sflag:$0x2] =	stream.indirect.gather [hbm4b:s2+s8], $0x80, s15, s8, $0xb8;
	[tilespmem:$0x8800] =	vst v63  }
0x37: {  	_ =	swait.ge [sflag:s11], $0x4000  }
0x38: {  	[sflag:s11] =	ssyncset.done $0x0  }
0x39: {  	[sflag:s11] =	ssyncadd.s32 $0xFFFFC000  }
0x3a: {  	[hbm4b:s14+s3] =	stream.linear.scatter [tilespmem:s9], [sflag:$0x3], $0x4000, $0x38;
	[tilespmem:$0x8800] =	vst v63  }
0x3b: {  	_ =	swait.ge [sflag:s7], $0x4000  }
0x3c: {  	[sflag:s7] =	ssyncset.done $0x0  }
0x3d: {  	[sflag:s7] =	ssyncadd.s32 $0xFFFFC000  }
0x3e: {  	s13 =	sadd.s32 $0x1, s13;
	_ =	swait.ge [sflag:s12], $0x4000  }
0x3f: {  	p0 =	sne.s32 s13, s5;
	[sflag:s12] =	ssyncset.done $0x0  }
.Ltmp1:
0x40: {  	s31 =	sadd.s32 $0x800, s14;
	[sflag:s12] =	ssyncadd.s32 $0xFFFFC000;
	(pc) =	sbr.rel @p0 .LBB2_1-.Ltmp1, $4  }
0x41: {  	[hbm4b:s31+s3] =	stream.linear.scatter [tilespmem:s10], [sflag:$0x3], $0x4000, $0x38;
	[tilespmem:$0x8800] =	vst v63  }
0x42: {  	_ =	swait.ge [sflag:s7], $0x4000  }
0x43: {  	[sflag:s7] =	ssyncset.done $0x0  }
0x44: {  	[sflag:s7] =	ssyncadd.s32 $0xFFFFC000  }
0x45: {  	_ =	sfence.sel $0x180000  }
0x46: {  	[bflag:$0x0] =	sbarrier.arrive $0xFFFF  }
0x47: {  	p0 =	sne.s32 s1, $0x0;
	_ =	strace $0x9000004D  }
0x48: {  	s0 =	sadd.s32 @!p0 $0x100000, s0;
	[bflag:$0x2] =	sbarrier.arrive $0xFFFF  }
0x49: {  	[sflag:s0] =	ssyncadd.tile.s32 @!p0 $0x1;
	_ =	shalt  }
.Lfunc_end2:
_tile_overlayer_lowered:
.L_overlay_start_2:
0x4a: {  	(tag) =	ssettag $0x2  }
0x4b: {  	s0 =	rddreg [dreg:$0x0];
	s2 =	stileid.u32  }
0x4c: {  	s1 =	rddreg [dreg:$0x1];
	p0 =	sne.s32 s2, $0x0  }
0x4d: {  	s3 =	rddreg [dreg:$0x2];
	[bflag:$0x3] =	sbarrier.arrive $0xFFFF;
	s2 =	simm.s32 @!p0 $0x1C03  }
0x4e: {  	[timem:s3], [sflag:s2] =	dma.local @!p0 [hbm:s0], s1  }
0x4f: {  	s0 =	simm.s32 @!p0 $0x3  }
0x50: {  	_ =	swait.ge @!p0 [sflag:s0], s1  }
0x51: {  	s1 =	ssub.s32 @!p0 $0x0, s1;
	[sflag:s0] =	ssyncset.done @!p0 $0x0  }
0x52: {  	[sflag:s0] =	ssyncadd.s32 @!p0 s1  }
0x53: {  	[bflag:$0x3] =	sbarrier.arrive $0xFFFF  }
0x54: {  	_ =	shalt  }

// kernel: kernel.28.cloned.1.call-start
scs
__scs_entry_jumppad:
0x0: {  	(pc) =	sbr.rel $0x88, $3  }
0x1: {  	(tag) =	ssettag $0x0;
	lr =	simm.s32 $0x1  }
0x2: {  	[smem:$0x3F90] =	sst lr;
	_ =	strace $0xD0000000  }
0x3: {  	_ = 	snop  }
0x4: {  	_ = 	snop  }
0x5: {  	_ = 	snop  }
0x6: {  	_ = 	snop  }
0x7: {  	_ = 	snop  }
__scs_overlays_trampoline_lowered:
0x8: {  	[smem:$0x3F9F] =	sst s0  }
0x9: {  	[smem:$0x3FA0] =	sst s1  }
0xa: {  	[smem:$0x3FA1] =	sst s2  }
0xb: {  	[smem:$0x3FA2] =	sst s3  }
0xc: {  	[smem:$0x3FA3] =	sst s4  }
0xd: {  	[smem:$0x3FA4] =	sst s5  }
0xe: {  	[smem:$0x3FA5] =	sst s6  }
0xf: {  	[smem:$0x3FA6] =	sst s7  }
0x10: {  	[smem:$0x3FA7] =	sst s8  }
0x11: {  	[smem:$0x3FA8] =	sst s9;
	s0 =	simm.s32 @!p0 $0x0  }
0x12: {  	s1 =	sld [smem:$0x3F8E];
	s0 =	simm.s32 @p0 $0x1  }
0x13: {  	[smem:$0x3FA9] =	sst s0;
	s0 =	simm.s32 @!p1 $0x0  }
0x14: {  	s2 =	sld [smem:$0x3F8D];
	s0 =	simm.s32 @p1 $0x1  }
0x15: {  	[smem:$0x3FAA] =	sst s0;
	s0 =	simm.s32 @!p2 $0x0  }
0x16: {  	s3 =	sld [smem:$0x3FDB];
	s0 =	simm.s32 @p2 $0x1  }
0x17: {  	s4 =	simm.s32 $0x1BF5;
	[smem:$0x3FAC] =	sst s0  }
0x18: {  	s0 =	sld [smem:$0x3F8F];
	_ =	swait.ge [sflag:s4], $0x0  }
0x19: {  	s7 =	sld [smem:$0x3F90]  }
0x1a: {  	s8 =	sadd.s32 $0xFFFFE003, lr  }
0x1b: {  	s9 =	sadd.s32 $0xFFFFFEF7, lr;
	s5 =	simm.s32 $0xFFFFFFFF;
	p2 =	slt.u32 s8, $0xFFFFF086  }
0x1c: {  	p1 =	slt.u32 s9, $0xF7A;
	s5 =	simm.s32 @!p2 $0x0  }
0x1d: {  	s5 =	simm.s32 @p1 $0x1;
	p0 =	seq.s32 s7, s2  }
0x1e: {  	s7 =	smul.u32 @!p0 $0xF7A, s2;
	p2 =	seq.s32 @!p0 s5, $0x0  }
0x1f: {  	s9 =	smul.u32 $0xF7A, s1;
	s8 =	simm.s32 @!p0 $0x1BF5;
	p2 =	por !p2, p0  }
0x20: {  	[sflag:s8] =	ssyncset.s32 @!p0 $0xFFFFF086;
	s6 =	sadd.s32 @!p0 s3, s7;
	s7 =	simm.s32 @!p0 $0x108  }
0x21: {  	s3 =	sadd.s32 s3, s9;
	s6 =	sadd.s32 @!p0 $0x88, s6;
	s7 =	simm.s32 @p2 $0x1082  }
0x22: {  	[simem:s7], [sflag:s8] =	dma.local @!p0 [hbm:s6], $0xF7A  }
0x23: {  	s9 =	sor.u32 $0xD0000000, s2;
	s6 =	simm.s32 $0x108;
	_ =	swait.ge @!p0 [sflag:s8], $0x0  }
0x24: {  	s3 =	sadd.s32 $0x88, s3;
	s6 =	simm.s32 @!p1 $0x1082;
	[sflag:s4] =	ssyncset.s32 $0xFFFFF086  }
0x25: {  	[simem:s6], [sflag:s4] =	dma.local [hbm:s3], $0xF7A  }
0x26: {  	[smem:$0x3F90] =	sst s1;
	(tag) =	ssettag s2;
	_ =	strace s9  }
0x27: {  	s1 =	sld [smem:$0x3FA0]  }
0x28: {  	s2 =	sld [smem:$0x3FA1]  }
0x29: {  	s4 =	sld [smem:$0x3FA3]  }
0x2a: {  	p0 =	seq.s32 s5, $0x0;
	s5 =	sld [smem:$0x3FA4]  }
0x2b: {  	s6 =	sld [smem:$0x3FA5]  }
0x2c: {  	s7 =	sld [smem:$0x3FA6]  }
0x2d: {  	s3 =	simm.s32 $0x108;
	s8 =	sld [smem:$0x3FA7]  }
0x2e: {  	s3 =	simm.s32 @!p0 $0x1082;
	s9 =	sld [smem:$0x3FA8]  }
0x2f: {  	lr =	sadd.s32 s0, s3;
	s0 =	sld [smem:$0x3F9F]  }
0x30: {  	s3 =	sld [smem:$0x3FA2]  }
0x31: {  	[smem:$0x3FAB] =	sst s10  }
0x32: {  	s10 =	sld [smem:$0x3FA9];
	_ =	sdelay $0x3  }
0x33: {  	p0 =	seq.s32 s10, $0x1;
	s10 =	sld [smem:$0x3FAB];
	_ =	sdelay $0x3  }
0x34: {  	[smem:$0x3FAB] =	sst s10  }
0x35: {  	s10 =	sld [smem:$0x3FAA];
	_ =	sdelay $0x3  }
0x36: {  	p1 =	seq.s32 s10, $0x1;
	s10 =	sld [smem:$0x3FAB];
	_ =	sdelay $0x3  }
0x37: {  	[smem:$0x3FAB] =	sst s10  }
0x38: {  	s10 =	sld [smem:$0x3FAC]  }
0x39: {  	_ = 	snop;
	(pc) =	sbr.ind lr, $3  }
0x3a: {  	_ = 	snop  }
0x3b: {  	_ = 	snop  }
0x3c: {  	p2 =	seq.s32 s10, $0x1;
	s10 =	sld [smem:$0x3FAB]  }
0x3d: {  	_ =	shalt  }
0x3e: {  	_ =	shalt  }
0x3f: {  	_ =	shalt  }
0x40: {  	_ =	shalt  }
0x41: {  	_ =	shalt  }
0x42: {  	_ =	shalt  }
0x43: {  	_ =	shalt  }
0x44: {  	_ =	shalt  }
0x45: {  	_ =	shalt  }
0x46: {  	_ =	shalt  }
0x47: {  	_ =	shalt  }
0x48: {  	_ =	shalt  }
0x49: {  	_ =	shalt  }
0x4a: {  	_ =	shalt  }
0x4b: {  	_ =	shalt  }
0x4c: {  	_ =	shalt  }
0x4d: {  	_ =	shalt  }
0x4e: {  	_ =	shalt  }
0x4f: {  	_ =	shalt  }
0x50: {  	_ =	shalt  }
0x51: {  	_ =	shalt  }
0x52: {  	_ =	shalt  }
0x53: {  	_ =	shalt  }
0x54: {  	_ =	shalt  }
0x55: {  	_ =	shalt  }
0x56: {  	_ =	shalt  }
0x57: {  	_ =	shalt  }
0x58: {  	_ =	shalt  }
0x59: {  	_ =	shalt  }
0x5a: {  	_ =	shalt  }
0x5b: {  	_ =	shalt  }
0x5c: {  	_ =	shalt  }
0x5d: {  	_ =	shalt  }
0x5e: {  	_ =	shalt  }
0x5f: {  	_ =	shalt  }
0x60: {  	_ =	shalt  }
0x61: {  	_ =	shalt  }
0x62: {  	_ =	shalt  }
0x63: {  	_ =	shalt  }
0x64: {  	_ =	shalt  }
0x65: {  	_ =	shalt  }
0x66: {  	_ =	shalt  }
0x67: {  	_ =	shalt  }
0x68: {  	_ =	shalt  }
0x69: {  	_ =	shalt  }
0x6a: {  	_ =	shalt  }
0x6b: {  	_ =	shalt  }
0x6c: {  	_ =	shalt  }
0x6d: {  	_ =	shalt  }
0x6e: {  	_ =	shalt  }
0x6f: {  	_ =	shalt  }
0x70: {  	_ =	shalt  }
0x71: {  	_ =	shalt  }
0x72: {  	_ =	shalt  }
0x73: {  	_ =	shalt  }
0x74: {  	_ =	shalt  }
0x75: {  	_ =	shalt  }
0x76: {  	_ =	shalt  }
0x77: {  	_ =	shalt  }
0x78: {  	_ =	shalt  }
0x79: {  	_ =	shalt  }
0x7a: {  	_ =	shalt  }
0x7b: {  	_ =	shalt  }
0x7c: {  	_ =	shalt  }
0x7d: {  	_ =	shalt  }
0x7e: {  	_ =	shalt  }
0x7f: {  	_ =	shalt  }
0x80: {  	_ =	shalt  }
0x81: {  	_ =	shalt  }
0x82: {  	_ =	shalt  }
0x83: {  	_ =	shalt  }
0x84: {  	_ =	shalt  }
0x85: {  	_ =	shalt  }
0x86: {  	_ =	shalt  }
0x87: {  	_ =	shalt  }
.Lfunc_end0:
.L_simem_size_0:
called_computation.3_lowered:
.L_overlay_start_0:
0x88: {  	s2 =	sld [smem:$0x3FD9]  }
0x89: {  	s3 =	sld [smem:$0x3FFE];
	_ =	sdelay $0x1  }
0x8a: {  	s1 =	srdreg.scid  }
0x8b: {  	s0 =	sand.u32 $0x1, s1  }
0x8c: {  	s17 =	sshll.u32 s0, $0xA;
	s2 =	sadd.s32 s3, s2  }
0x8d: {  	s2 =	sadd.s32 s2, s17  }
0x8e: {  	[smem:$0x3FB7] =	sst s2  }
0x8f: {  	_ = 	snop  }
0x90: {  	s2 =	sld [smem:$0x3FD0];
	(tm) =	ssettm $0x1  }
0x91: {  	s18 =	sld [smem:$0x3FFB];
	_ =	sdelay $0x3  }
0x92: {  	_ =	strace s18  }
0x93: {  	s3 =	sld [smem:$0x3FFC];
	_ =	sdelay $0x3  }
0x94: {  	_ =	strace s3  }
0x95: {  	s3 =	sld [smem:$0x3FFD];
	_ =	sdelay $0x3  }
0x96: {  	_ =	strace s3  }
0x97: {  	_ =	strace $0x8FFFFFFF  }
0x98: {  	s19 =	sld [smem:$0x3FDB];
	_ =	sdelay $0x1  }
0x99: {  	s4 =	simm.s32 $_scs_section_size  }
0x9a: {  	s5 =	simm.s32 $_size__tile_overlayer_lowered;
	s6 =	simm.s32 $_tile_overlayer_lowered  }
0x9b: {  	s22 =	simm.s32 $0x1BFF;
	s21 =	sshll.u32 s6, $0x1;
	s3 =	sadd.s32 s4, s19  }
0x9c: {  	s7 =	simm.s32 $0x0;
	s20 =	sshll.u32 s5, $0x1;
	s5 =	sadd.s32 s21, s3  }
0x9d: {  	[timem:s7], [sflag:s22] =	dma.local [hbm:s5], s20  }
0x9e: {  	_ =	swait.ge [sflag:s22], s20  }
0x9f: {  	s4 =	ssub.s32 $0x0, s20;
	[sflag:s22] =	ssyncset.done $0x0  }
0xa0: {  	[sflag:s22] =	ssyncadd.s32 s4;
	_ =	sdelay $0x1  }
0xa1: {  	s23 =	simm.s32 $0x1B8B  }
0xa2: {  	_ =	swait.ge [sflag:s23], $0x1  }
0xa3: {  	[sflag:s23] =	ssyncset.done $0x0  }
0xa4: {  	s25 =	simm.s32 $0x1B8E;
	s24 =	sld [smem:$0x3FFE];
	[sflag:s23] =	ssyncadd.s32 $0xFFFFFFFF  }
0xa5: {  	s26 =	simm.s32 $execute0_lowered;
	[smem:$0x3FD2] =	sst s25  }
0xa6: {  	s5 =	sshll.u32 s26, $0x1;
	_ =	strace $0x8000004F;
	[dreg:$0x1] =	wrdreg $0xFFFFFFFF  }
0xa7: {  	s28 =	simm.s32 $_size_execute0_lowered;
	s3 =	sadd.s32 s3, s5;
	[dreg:$0x0] =	wrdreg $0x0  }
0xa8: {  	s5 =	sshll.u32 s28, $0x1;
	[dreg:$0x2] =	wrdreg s3  }
0xa9: {  	[dreg:$0x3] =	wrdreg s5  }
0xaa: {  	[dreg:$0x4] =	wrdreg $0xC0  }
0xab: {  	_ =	task [dreg:s7], $0x5FFFF  }
0xac: {  	[dreg:$0x1] =	wrdreg $0xFFFFFFFF  }
0xad: {  	[dreg:$0x0] =	wrdreg $0x60  }
0xae: {  	[dreg:$0x2] =	wrdreg s2  }
0xaf: {  	[dreg:$0x3] =	wrdreg s24  }
0xb0: {  	[dreg:$0x4] =	wrdreg $0x9  }
0xb1: {  	_ =	task.clear_ibuf [dreg:s7], $0x5FFFF;
	_ =	strace $0x9000004F  }
0xb2: {  	s29 =	simm.s32 $0x9;
	_ =	strace $0x80000051  }
0xb3: {  	_ =	swait.ge [sflag:s29], $0x1  }
0xb4: {  	[sflag:s29] =	ssyncadd.s32 $0xFFFFFFFF  }
0xb5: {  	_ =	strace $0x90000051  }
0xb6: {  	_ =	sfence  }
0xb7: {  	s30 =	sld [smem:$0x0];
	_ =	sdelay $0x2  }
0xb8: {  	s31 =	sshll.u32 s1, $0xD;
	s1 =	sshrl.u32 s1, $0x2  }
0xb9: {  	s3 =	sand.u32 $0x4000, s31;
	s1 =	sadd.s32 s1, s30  }
0xba: {  	s0 =	sor.u32 s3, s0;
	s1 =	sshll.u32 s1, $0x11  }
0xbb: {  	s0 =	sor.u32 s1, s0  }
0xbc: {  	s0 =	sadd.s32 $0x8F2B, s0  }
0xbd: {  	[sflag:s0] =	ssyncadd.remote.s32 $0x1  }
0xbe: {  	_ =	sfence.sel $0xFFFF  }
0xbf: {  	[dreg:$0x0] =	wrdreg $0xFFFFFFFF;
	(pc) =	sbr.abs _section_cstart, $3  }
0xc0: {  	[dreg:$0x1] =	wrdreg $0xFFFFFFFF  }
0xc1: {  	_ =	task.clear_ibuf [dreg:s7], $0x2FFFF;
	_ =	strace $0x9FFFFFFF  }
0xc2: {  	(tm) =	ssettm $0x7FFFFFFF  }
0xc3: {  	_ =	shalt  }
tec
execute0_lowered:
.L_overlay_start_1:
0x0: {  	(tag) =	ssettag $0x1  }
0x1: {  	s2 =	rddreg [dreg:$0x0]  }
0x2: {  	s4 =	rddreg [dreg:$0x1]  }
0x3: {  	s0 =	rddreg [dreg:$0x2];
	s5 =	srdreg.scid  }
0x4: {  	s1 =	stileid.u32;
	s3 =	simm.s32 $0x0;
	s9 =	simm.s32 $0x880  }
0x5: {  	s10 =	simm.s32 $0x1080;
	s11 =	simm.s32 $0x1880;
	s12 =	simm.s32 $0x2080  }
0x6: {  	s13 =	simm.s32 $0x2880;
	s14 =	simm.s32 $0x3080;
	s15 =	simm.s32 $0x3880  }
0x7: {  	s5 =	sand.u32 $0x1, s5;
	s6 =	sshll.u32 s1, $0x1;
	[smem:$0x7FF] =	sst s3  }
0x8: {  	s16 =	simm.s32 $0x1;
	s6 =	sor.u32 s5, s6;
	_ =	strace $0x80000050  }
0x9: {  	s5 =	ssub.s32 $0x2, s5;
	s7 =	sshll.u32 s6, $0x4;
	s6 =	sshll.u32 s6, $0xB  }
0xa: {  	v2 =	vlaneseq.u32;
	s8 =	sshrl.u32 s5, $0x1;
	s7 =	sadd.s32 s7, s4;
	s6 =	sadd.s32 s6, s4  }
0xb: {  	vm0 =	vmmov $0xffff;
	v1 =	vshrl.u32 v2, $0x3;
	s8 =	ssub.s32 s5, s8;
	s4 =	sadd.s32 $0x169000, s7;
	s5 =	sadd.s32 $0x6F000, s6  }
0xc: {  	v0 =	vand.u32 $0x7, v2;
	v2 =	vor.u32 $0x8, v2;
	v1 =	vmul.u32 $0x8, v1;
	s6 =	smax.u32 s8, $0x1;
	s7 =	simm.s32 $0x2;
	s8 =	simm.s32 $0x80  }
.LBB2_1:
0xd: {  	[tilespmem:s3], [sflag:$0x2] =	stream.linear.gather [hbm4b:s4+s3], $0x80, $0x38;
	[tilespmem:$0x4080] =	vst v63  }
0xe: {  	_ =	swait.ge [sflag:s7], $0x80  }
0xf: {  	[sflag:s7] =	ssyncset.done $0x0  }
0x10: {  	[sflag:s7] =	ssyncadd.s32 $0xFFFFFF80  }
0x11: {  	v3 =	vld [tilespmem:$0x0];
	_ =	sdelay $0x4  }
0x12: {  	v4 =	vshll.u32 v3, $0x1  }
0x13: {  	v3 =	vand.u32 $0x7, v3;
	v4 =	vand.u32 $0xFFFFFFF0, v4  }
0x14: {  	v3 =	vor.u32 v3, v4  }
0x15: {  	v4 =	vperm.xlane v3, v0;
	_ =	sdelay $0x1  }
0x16: {  	v3 =	vperm.xlane v3, v2;
	v4 =	vadd.s32 v1, v4;
	_ =	sdelay $0x1  }
0x17: {  	v3 =	vadd.s32 v1, v3;
	_ =	sdelay $0x2  }
0x18: {  	[tilespmem:s8], [sflag:$0x1] =	stream.indirect_vreg.gather [hbm4b:s2+s3], $0x80, v4, vm0, $0xb8;
	[tilespmem:$0x4080] =	vst v63  }
0x19: {  	_ = 	snop  }
0x1a: {  	[tilespmem:s9], [sflag:$0x1] =	stream.indirect_vreg.gather [hbm4b:s2+s3], $0x80, v3, vm0, $0xb8;
	[tilespmem:$0x4080] =	vst v63  }
0x1b: {  	v3 =	vld [tilespmem:$0x10];
	_ =	sdelay $0x4  }
0x1c: {  	v61 =	vshll.u32 v3, $0x1  }
0x1d: {  	v3 =	vand.u32 $0x7, v3;
	v4 =	vand.u32 $0xFFFFFFF0, v61  }
0x1e: {  	v3 =	vor.u32 v3, v4  }
0x1f: {  	v4 =	vperm.xlane v3, v0;
	_ =	sdelay $0x1  }
0x20: {  	v3 =	vperm.xlane v3, v2;
	v4 =	vadd.s32 v1, v4;
	_ =	sdelay $0x1  }
0x21: {  	v3 =	vadd.s32 v1, v3;
	_ =	sdelay $0x2  }
0x22: {  	[tilespmem:s10], [sflag:$0x1] =	stream.indirect_vreg.gather [hbm4b:s2+s3], $0x80, v4, vm0, $0xb8;
	[tilespmem:$0x4080] =	vst v63  }
0x23: {  	_ = 	snop  }
0x24: {  	[tilespmem:s11], [sflag:$0x1] =	stream.indirect_vreg.gather [hbm4b:s2+s3], $0x80, v3, vm0, $0xb8;
	[tilespmem:$0x4080] =	vst v63  }
0x25: {  	v3 =	vld [tilespmem:$0x20];
	_ =	sdelay $0x4  }
0x26: {  	v62 =	vshll.u32 v3, $0x1  }
0x27: {  	v3 =	vand.u32 $0x7, v3;
	v4 =	vand.u32 $0xFFFFFFF0, v62  }
0x28: {  	v3 =	vor.u32 v3, v4  }
0x29: {  	v4 =	vperm.xlane v3, v0;
	_ =	sdelay $0x1  }
0x2a: {  	v3 =	vperm.xlane v3, v2;
	v4 =	vadd.s32 v1, v4;
	_ =	sdelay $0x1  }
0x2b: {  	v3 =	vadd.s32 v1, v3;
	_ =	sdelay $0x2  }
0x2c: {  	[tilespmem:s12], [sflag:$0x1] =	stream.indirect_vreg.gather [hbm4b:s2+s3], $0x80, v4, vm0, $0xb8;
	[tilespmem:$0x4080] =	vst v63  }
0x2d: {  	_ = 	snop  }
0x2e: {  	[tilespmem:s13], [sflag:$0x1] =	stream.indirect_vreg.gather [hbm4b:s2+s3], $0x80, v3, vm0, $0xb8;
	[tilespmem:$0x4080] =	vst v63  }
0x2f: {  	v3 =	vld [tilespmem:$0x30];
	_ =	sdelay $0x4  }
0x30: {  	v63 =	vshll.u32 v3, $0x1  }
0x31: {  	v3 =	vand.u32 $0x7, v3;
	v4 =	vand.u32 $0xFFFFFFF0, v63  }
0x32: {  	v3 =	vor.u32 v3, v4  }
0x33: {  	v4 =	vperm.xlane v3, v0;
	_ =	sdelay $0x1  }
0x34: {  	v3 =	vperm.xlane v3, v2;
	v4 =	vadd.s32 v1, v4;
	_ =	sdelay $0x1  }
0x35: {  	v3 =	vadd.s32 v1, v3;
	_ =	sdelay $0x2  }
0x36: {  	[tilespmem:s14], [sflag:$0x1] =	stream.indirect_vreg.gather [hbm4b:s2+s3], $0x80, v4, vm0, $0xb8;
	[tilespmem:$0x4080] =	vst v63  }
0x37: {  	_ = 	snop  }
0x38: {  	[tilespmem:s15], [sflag:$0x1] =	stream.indirect_vreg.gather [hbm4b:s2+s3], $0x80, v3, vm0, $0xb8;
	[tilespmem:$0x4080] =	vst v63  }
0x39: {  	_ =	swait.ge [sflag:s16], $0x4000  }
0x3a: {  	p0 =	sne.s32 s6, $0x1;
	[sflag:s16] =	ssyncset.done $0x0  }
.Ltmp0:
0x3b: {  	[sflag:s16] =	ssyncadd.s32 $0xFFFFC000;
	(pc) =	sbr.rel @p0 .LBB2_1-.Ltmp0, $4  }
0x3c: {  	[hbm4b:s5+s3] =	stream.linear.scatter [tilespmem:s8], [sflag:$0x2], $0x4000, $0x38;
	[tilespmem:$0x4080] =	vst v63  }
0x3d: {  	_ =	swait.ge [sflag:s7], $0x4000  }
0x3e: {  	[sflag:s7] =	ssyncset.done $0x0  }
0x3f: {  	s6 =	sadd.s32 $0xFFFFFFFF, s6;
	[sflag:s7] =	ssyncadd.s32 $0xFFFFC000  }
0x40: {  	_ =	sfence.sel $0x180000  }
0x41: {  	[bflag:$0x0] =	sbarrier.arrive $0xFFFF  }
0x42: {  	p0 =	sne.s32 s1, $0x0;
	_ =	strace $0x90000050  }
0x43: {  	s0 =	sadd.s32 @!p0 $0x100000, s0;
	[bflag:$0x2] =	sbarrier.arrive $0xFFFF  }
0x44: {  	[sflag:s0] =	ssyncadd.tile.s32 @!p0 $0x1;
	_ =	shalt  }
.Lfunc_end2:
_tile_overlayer_lowered:
.L_overlay_start_2:
0x45: {  	(tag) =	ssettag $0x2  }
0x46: {  	s0 =	rddreg [dreg:$0x0];
	s2 =	stileid.u32  }
0x47: {  	s1 =	rddreg [dreg:$0x1];
	p0 =	sne.s32 s2, $0x0  }
0x48: {  	s3 =	rddreg [dreg:$0x2];
	[bflag:$0x3] =	sbarrier.arrive $0xFFFF;
	s2 =	simm.s32 @!p0 $0x1C02  }
0x49: {  	[timem:s3], [sflag:s2] =	dma.local @!p0 [hbm:s0], s1  }
0x4a: {  	s0 =	simm.s32 @!p0 $0x2  }
0x4b: {  	_ =	swait.ge @!p0 [sflag:s0], s1  }
0x4c: {  	s1 =	ssub.s32 @!p0 $0x0, s1;
	[sflag:s0] =	ssyncset.done @!p0 $0x0  }
0x4d: {  	[sflag:s0] =	ssyncadd.s32 @!p0 s1  }
0x4e: {  	[bflag:$0x3] =	sbarrier.arrive $0xFFFF  }
0x4f: {  	_ =	shalt  }

// kernel: kernel.31.cloned.1.call-start
scs
__scs_entry_jumppad:
0x0: {  	(pc) =	sbr.rel $0x88, $3  }
0x1: {  	(tag) =	ssettag $0x0;
	lr =	simm.s32 $0x1  }
0x2: {  	[smem:$0x3F90] =	sst lr;
	_ =	strace $0xD0000000  }
0x3: {  	_ = 	snop  }
0x4: {  	_ = 	snop  }
0x5: {  	_ = 	snop  }
0x6: {  	_ = 	snop  }
0x7: {  	_ = 	snop  }
__scs_overlays_trampoline_lowered:
0x8: {  	[smem:$0x3F9F] =	sst s0  }
0x9: {  	[smem:$0x3FA0] =	sst s1  }
0xa: {  	[smem:$0x3FA1] =	sst s2  }
0xb: {  	[smem:$0x3FA2] =	sst s3  }
0xc: {  	[smem:$0x3FA3] =	sst s4  }
0xd: {  	[smem:$0x3FA4] =	sst s5  }
0xe: {  	[smem:$0x3FA5] =	sst s6  }
0xf: {  	[smem:$0x3FA6] =	sst s7  }
0x10: {  	[smem:$0x3FA7] =	sst s8  }
0x11: {  	[smem:$0x3FA8] =	sst s9;
	s0 =	simm.s32 @!p0 $0x0  }
0x12: {  	s1 =	sld [smem:$0x3F8E];
	s0 =	simm.s32 @p0 $0x1  }
0x13: {  	[smem:$0x3FA9] =	sst s0;
	s0 =	simm.s32 @!p1 $0x0  }
0x14: {  	s2 =	sld [smem:$0x3F8D];
	s0 =	simm.s32 @p1 $0x1  }
0x15: {  	[smem:$0x3FAA] =	sst s0;
	s0 =	simm.s32 @!p2 $0x0  }
0x16: {  	s3 =	sld [smem:$0x3FDB];
	s0 =	simm.s32 @p2 $0x1  }
0x17: {  	s4 =	simm.s32 $0x1BF5;
	[smem:$0x3FAC] =	sst s0  }
0x18: {  	s0 =	sld [smem:$0x3F8F];
	_ =	swait.ge [sflag:s4], $0x0  }
0x19: {  	s7 =	sld [smem:$0x3F90]  }
0x1a: {  	s8 =	sadd.s32 $0xFFFFE003, lr  }
0x1b: {  	s9 =	sadd.s32 $0xFFFFFEF7, lr;
	s5 =	simm.s32 $0xFFFFFFFF;
	p2 =	slt.u32 s8, $0xFFFFF086  }
0x1c: {  	p1 =	slt.u32 s9, $0xF7A;
	s5 =	simm.s32 @!p2 $0x0  }
0x1d: {  	s5 =	simm.s32 @p1 $0x1;
	p0 =	seq.s32 s7, s2  }
0x1e: {  	s7 =	smul.u32 @!p0 $0xF7A, s2;
	p2 =	seq.s32 @!p0 s5, $0x0  }
0x1f: {  	s9 =	smul.u32 $0xF7A, s1;
	s8 =	simm.s32 @!p0 $0x1BF5;
	p2 =	por !p2, p0  }
0x20: {  	[sflag:s8] =	ssyncset.s32 @!p0 $0xFFFFF086;
	s6 =	sadd.s32 @!p0 s3, s7;
	s7 =	simm.s32 @!p0 $0x108  }
0x21: {  	s3 =	sadd.s32 s3, s9;
	s6 =	sadd.s32 @!p0 $0x88, s6;
	s7 =	simm.s32 @p2 $0x1082  }
0x22: {  	[simem:s7], [sflag:s8] =	dma.local @!p0 [hbm:s6], $0xF7A  }
0x23: {  	s9 =	sor.u32 $0xD0000000, s2;
	s6 =	simm.s32 $0x108;
	_ =	swait.ge @!p0 [sflag:s8], $0x0  }
0x24: {  	s3 =	sadd.s32 $0x88, s3;
	s6 =	simm.s32 @!p1 $0x1082;
	[sflag:s4] =	ssyncset.s32 $0xFFFFF086  }
0x25: {  	[simem:s6], [sflag:s4] =	dma.local [hbm:s3], $0xF7A  }
0x26: {  	[smem:$0x3F90] =	sst s1;
	(tag) =	ssettag s2;
	_ =	strace s9  }
0x27: {  	s1 =	sld [smem:$0x3FA0]  }
0x28: {  	s2 =	sld [smem:$0x3FA1]  }
0x29: {  	s4 =	sld [smem:$0x3FA3]  }
0x2a: {  	p0 =	seq.s32 s5, $0x0;
	s5 =	sld [smem:$0x3FA4]  }
0x2b: {  	s6 =	sld [smem:$0x3FA5]  }
0x2c: {  	s7 =	sld [smem:$0x3FA6]  }
0x2d: {  	s3 =	simm.s32 $0x108;
	s8 =	sld [smem:$0x3FA7]  }
0x2e: {  	s3 =	simm.s32 @!p0 $0x1082;
	s9 =	sld [smem:$0x3FA8]  }
0x2f: {  	lr =	sadd.s32 s0, s3;
	s0 =	sld [smem:$0x3F9F]  }
0x30: {  	s3 =	sld [smem:$0x3FA2]  }
0x31: {  	[smem:$0x3FAB] =	sst s10  }
0x32: {  	s10 =	sld [smem:$0x3FA9];
	_ =	sdelay $0x3  }
0x33: {  	p0 =	seq.s32 s10, $0x1;
	s10 =	sld [smem:$0x3FAB];
	_ =	sdelay $0x3  }
0x34: {  	[smem:$0x3FAB] =	sst s10  }
0x35: {  	s10 =	sld [smem:$0x3FAA];
	_ =	sdelay $0x3  }
0x36: {  	p1 =	seq.s32 s10, $0x1;
	s10 =	sld [smem:$0x3FAB];
	_ =	sdelay $0x3  }
0x37: {  	[smem:$0x3FAB] =	sst s10  }
0x38: {  	s10 =	sld [smem:$0x3FAC]  }
0x39: {  	_ = 	snop;
	(pc) =	sbr.ind lr, $3  }
0x3a: {  	_ = 	snop  }
0x3b: {  	_ = 	snop  }
0x3c: {  	p2 =	seq.s32 s10, $0x1;
	s10 =	sld [smem:$0x3FAB]  }
0x3d: {  	_ =	shalt  }
0x3e: {  	_ =	shalt  }
0x3f: {  	_ =	shalt  }
0x40: {  	_ =	shalt  }
0x41: {  	_ =	shalt  }
0x42: {  	_ =	shalt  }
0x43: {  	_ =	shalt  }
0x44: {  	_ =	shalt  }
0x45: {  	_ =	shalt  }
0x46: {  	_ =	shalt  }
0x47: {  	_ =	shalt  }
0x48: {  	_ =	shalt  }
0x49: {  	_ =	shalt  }
0x4a: {  	_ =	shalt  }
0x4b: {  	_ =	shalt  }
0x4c: {  	_ =	shalt  }
0x4d: {  	_ =	shalt  }
0x4e: {  	_ =	shalt  }
0x4f: {  	_ =	shalt  }
0x50: {  	_ =	shalt  }
0x51: {  	_ =	shalt  }
0x52: {  	_ =	shalt  }
0x53: {  	_ =	shalt  }
0x54: {  	_ =	shalt  }
0x55: {  	_ =	shalt  }
0x56: {  	_ =	shalt  }
0x57: {  	_ =	shalt  }
0x58: {  	_ =	shalt  }
0x59: {  	_ =	shalt  }
0x5a: {  	_ =	shalt  }
0x5b: {  	_ =	shalt  }
0x5c: {  	_ =	shalt  }
0x5d: {  	_ =	shalt  }
0x5e: {  	_ =	shalt  }
0x5f: {  	_ =	shalt  }
0x60: {  	_ =	shalt  }
0x61: {  	_ =	shalt  }
0x62: {  	_ =	shalt  }
0x63: {  	_ =	shalt  }
0x64: {  	_ =	shalt  }
0x65: {  	_ =	shalt  }
0x66: {  	_ =	shalt  }
0x67: {  	_ =	shalt  }
0x68: {  	_ =	shalt  }
0x69: {  	_ =	shalt  }
0x6a: {  	_ =	shalt  }
0x6b: {  	_ =	shalt  }
0x6c: {  	_ =	shalt  }
0x6d: {  	_ =	shalt  }
0x6e: {  	_ =	shalt  }
0x6f: {  	_ =	shalt  }
0x70: {  	_ =	shalt  }
0x71: {  	_ =	shalt  }
0x72: {  	_ =	shalt  }
0x73: {  	_ =	shalt  }
0x74: {  	_ =	shalt  }
0x75: {  	_ =	shalt  }
0x76: {  	_ =	shalt  }
0x77: {  	_ =	shalt  }
0x78: {  	_ =	shalt  }
0x79: {  	_ =	shalt  }
0x7a: {  	_ =	shalt  }
0x7b: {  	_ =	shalt  }
0x7c: {  	_ =	shalt  }
0x7d: {  	_ =	shalt  }
0x7e: {  	_ =	shalt  }
0x7f: {  	_ =	shalt  }
0x80: {  	_ =	shalt  }
0x81: {  	_ =	shalt  }
0x82: {  	_ =	shalt  }
0x83: {  	_ =	shalt  }
0x84: {  	_ =	shalt  }
0x85: {  	_ =	shalt  }
0x86: {  	_ =	shalt  }
0x87: {  	_ =	shalt  }
.Lfunc_end0:
.L_simem_size_0:
called_computation.4_lowered:
.L_overlay_start_0:
0x88: {  	s2 =	sld [smem:$0x3FD9]  }
0x89: {  	s3 =	sld [smem:$0x3FFE];
	_ =	sdelay $0x1  }
0x8a: {  	s1 =	srdreg.scid  }
0x8b: {  	s0 =	sand.u32 $0x1, s1  }
0x8c: {  	s17 =	sshll.u32 s0, $0xA;
	s2 =	sadd.s32 s3, s2  }
0x8d: {  	s2 =	sadd.s32 s2, s17  }
0x8e: {  	[smem:$0x3FB7] =	sst s2  }
0x8f: {  	_ = 	snop  }
0x90: {  	s2 =	sld [smem:$0x3FD0];
	(tm) =	ssettm $0x1  }
0x91: {  	s18 =	sld [smem:$0x3FFB];
	_ =	sdelay $0x3  }
0x92: {  	_ =	strace s18  }
0x93: {  	s3 =	sld [smem:$0x3FFC];
	_ =	sdelay $0x3  }
0x94: {  	_ =	strace s3  }
0x95: {  	s3 =	sld [smem:$0x3FFD];
	_ =	sdelay $0x3  }
0x96: {  	_ =	strace s3  }
0x97: {  	_ =	strace $0x8FFFFFFF  }
0x98: {  	s19 =	sld [smem:$0x3FDB];
	_ =	sdelay $0x1  }
0x99: {  	s4 =	simm.s32 $_scs_section_size  }
0x9a: {  	s5 =	simm.s32 $_size__tile_overlayer_lowered;
	s6 =	simm.s32 $_tile_overlayer_lowered  }
0x9b: {  	s22 =	simm.s32 $0x1BFF;
	s21 =	sshll.u32 s6, $0x1;
	s3 =	sadd.s32 s4, s19  }
0x9c: {  	s7 =	simm.s32 $0x0;
	s20 =	sshll.u32 s5, $0x1;
	s5 =	sadd.s32 s21, s3  }
0x9d: {  	[timem:s7], [sflag:s22] =	dma.local [hbm:s5], s20  }
0x9e: {  	_ =	swait.ge [sflag:s22], s20  }
0x9f: {  	s4 =	ssub.s32 $0x0, s20;
	[sflag:s22] =	ssyncset.done $0x0  }
0xa0: {  	[sflag:s22] =	ssyncadd.s32 s4;
	_ =	sdelay $0x1  }
0xa1: {  	s23 =	simm.s32 $0x1B8B  }
0xa2: {  	_ =	swait.ge [sflag:s23], $0x1  }
0xa3: {  	[sflag:s23] =	ssyncset.done $0x0  }
0xa4: {  	s25 =	simm.s32 $0x1B8E;
	s24 =	sld [smem:$0x3FFE];
	[sflag:s23] =	ssyncadd.s32 $0xFFFFFFFF  }
0xa5: {  	s26 =	simm.s32 $execute0_lowered;
	[smem:$0x3FD2] =	sst s25  }
0xa6: {  	s5 =	sshll.u32 s26, $0x1;
	_ =	strace $0x80000052;
	[dreg:$0x1] =	wrdreg $0xFFFFFFFF  }
0xa7: {  	s28 =	simm.s32 $_size_execute0_lowered;
	s3 =	sadd.s32 s3, s5;
	[dreg:$0x0] =	wrdreg $0x0  }
0xa8: {  	s5 =	sshll.u32 s28, $0x1;
	[dreg:$0x2] =	wrdreg s3  }
0xa9: {  	[dreg:$0x3] =	wrdreg s5  }
0xaa: {  	[dreg:$0x4] =	wrdreg $0xC0  }
0xab: {  	_ =	task [dreg:s7], $0x5FFFF  }
0xac: {  	[dreg:$0x1] =	wrdreg $0xFFFFFFFF  }
0xad: {  	[dreg:$0x0] =	wrdreg $0x60  }
0xae: {  	[dreg:$0x2] =	wrdreg s24  }
0xaf: {  	[dreg:$0x3] =	wrdreg s2  }
0xb0: {  	[dreg:$0x4] =	wrdreg $0x9  }
0xb1: {  	_ =	task.clear_ibuf [dreg:s7], $0x5FFFF;
	_ =	strace $0x90000052  }
0xb2: {  	s29 =	simm.s32 $0x9;
	_ =	strace $0x80000054  }
0xb3: {  	_ =	swait.ge [sflag:s29], $0x1  }
0xb4: {  	[sflag:s29] =	ssyncadd.s32 $0xFFFFFFFF  }
0xb5: {  	_ =	strace $0x90000054  }
0xb6: {  	_ =	sfence  }
0xb7: {  	s30 =	sld [smem:$0x0];
	_ =	sdelay $0x2  }
0xb8: {  	s31 =	sshll.u32 s1, $0xD;
	s1 =	sshrl.u32 s1, $0x2  }
0xb9: {  	s3 =	sand.u32 $0x4000, s31;
	s1 =	sadd.s32 s1, s30  }
0xba: {  	s0 =	sor.u32 s3, s0;
	s1 =	sshll.u32 s1, $0x11  }
0xbb: {  	s0 =	sor.u32 s1, s0  }
0xbc: {  	s0 =	sadd.s32 $0x8F2B, s0  }
0xbd: {  	[sflag:s0] =	ssyncadd.remote.s32 $0x1  }
0xbe: {  	_ =	sfence.sel $0xFFFF  }
0xbf: {  	[dreg:$0x0] =	wrdreg $0xFFFFFFFF;
	(pc) =	sbr.abs _section_cstart, $3  }
0xc0: {  	[dreg:$0x1] =	wrdreg $0xFFFFFFFF  }
0xc1: {  	_ =	task.clear_ibuf [dreg:s7], $0x2FFFF;
	_ =	strace $0x9FFFFFFF  }
0xc2: {  	(tm) =	ssettm $0x7FFFFFFF  }
0xc3: {  	_ =	shalt  }
tec
execute0_lowered:
.L_overlay_start_1:
0x0: {  	(tag) =	ssettag $0x1  }
0x1: {  	s0 =	rddreg [dreg:$0x0]  }
0x2: {  	s3 =	rddreg [dreg:$0x1]  }
0x3: {  	s4 =	srdreg.scid;
	s1 =	stileid.u32  }
0x4: {  	s2 =	simm.s32 $0x0;
	s15 =	simm.s32 $0xC00;
	s16 =	simm.s32 $0x1400  }
0x5: {  	s17 =	simm.s32 $0x1C00;
	s18 =	simm.s32 $0x2400;
	s19 =	simm.s32 $0x2C00  }
0x6: {  	s20 =	simm.s32 $0x3400;
	s21 =	simm.s32 $0x3C00;
	[smem:$0x7FF] =	sst s2  }
0x7: {  	s23 =	simm.s32 $0x4400;
	_ =	strace $0x80000053;
	[dreg:$0x4] =	wrdreg s15  }
0x8: {  	s24 =	simm.s32 $0x4C00;
	s25 =	simm.s32 $0x5400;
	[dreg:$0x5] =	wrdreg s16  }
0x9: {  	s26 =	simm.s32 $0x5C00;
	s31 =	simm.s32 $0x6400;
	[dreg:$0x6] =	wrdreg s17  }
0xa: {  	s8 =	simm.s32 $0x6C00;
	s9 =	simm.s32 $0x7400;
	[dreg:$0x7] =	wrdreg s18  }
0xb: {  	s10 =	simm.s32 $0x7C00;
	s11 =	simm.s32 $0x8400;
	[dreg:$0x8] =	wrdreg s19  }
0xc: {  	s12 =	simm.s32 $0x8C00;
	s13 =	simm.s32 $0x9400;
	[dreg:$0x9] =	wrdreg s20  }
0xd: {  	s28 =	simm.s32 $0x1;
	s29 =	simm.s32 $0x2;
	[dreg:$0xa] =	wrdreg s21  }
0xe: {  	s30 =	simm.s32 $0x0;
	s4 =	sand.u32 $0x1, s4;
	[dreg:$0xb] =	wrdreg s23  }
0xf: {  	s5 =	sshll.u32 s1, $0x10;
	s6 =	sshll.u32 s1, $0xB;
	[dreg:$0xc] =	wrdreg s24  }
0x10: {  	s3 =	sadd.s32 s5, s3;
	s14 =	sshll.u32 s4, $0xF;
	[dreg:$0xd] =	wrdreg s25  }
0x11: {  	s7 =	sshll.u32 s4, $0xA;
	s4 =	ssub.s32 $0x2, s4;
	[dreg:$0xe] =	wrdreg s26  }
0x12: {  	[dreg:$0xf] =	wrdreg s31;
	s15 =	simm.s32 $0xA400;
	s16 =	simm.s32 $0xAC00  }
0x13: {  	s17 =	simm.s32 $0xB400;
	s18 =	simm.s32 $0xBC00;
	s19 =	simm.s32 $0xC400  }
0x14: {  	s20 =	simm.s32 $0xCC00;
	s21 =	simm.s32 $0xD400;
	s23 =	simm.s32 $0xE400  }
0x15: {  	s24 =	simm.s32 $0xEC00;
	s25 =	simm.s32 $0xF400;
	s26 =	simm.s32 $0xFC00  }
0x16: {  	s5 =	sadd.s32 s14, s3;
	s3 =	sadd.s32 $0x6F000, s0;
	s6 =	sor.u32 s7, s6  }
0x17: {  	s22 =	sshrl.u32 s4, $0x1;
	s7 =	simm.s32 $0x400;
	s6 =	sshrl.u32 s6, $0x3  }
0x18: {  	v2 =	vlaneseq.u32;
	s14 =	simm.s32 $0x9C00;
	[dreg:$0x3] =	wrdreg s5;
	s0 =	sadd.s32 s6, s0  }
0x19: {  	vm0 =	vmmov $0xffff;
	v1 =	vshrl.u32 v2, $0x3;
	s6 =	ssub.s32 s4, s22;
	s22 =	simm.s32 $0xDC00;
	s0 =	sadd.s32 $0x7F000, s0  }
0x1a: {  	v0 =	vand.u32 $0x7, v2;
	v2 =	vor.u32 $0x8, v2;
	v1 =	vmul.u32 $0x8, v1;
	s5 =	smax.u32 s6, $0x1;
	s6 =	simm.s32 $0x3;
	[dreg:$0x10] =	wrdreg s0  }
.LBB2_1:
0x1b: {  	s0 =	rddreg [dreg:$0x10]  }
0x1c: {  	[tilespmem:s2], [sflag:$0x3] =	stream.linear.gather [hbm4b:s0+s2], $0x400, $0x38;
	[tilespmem:$0x10400] =	vst v63  }
0x1d: {  	_ =	swait.ge [sflag:s6], $0x400  }
0x1e: {  	[sflag:s6] =	ssyncset.done $0x0  }
0x1f: {  	s31 =	simm.s32 $0x80;
	s0 =	simm.s32 $0x0;
	[sflag:s6] =	ssyncadd.s32 $0xFFFFFC00  }
.LBB2_2:
0x20: {  	v3 =	vld [tilespmem:s31+$0xFFFFFF80];
	_ =	sdelay $0x4  }
0x21: {  	v4 =	vshll.u32 v3, $0x1  }
0x22: {  	v3 =	vand.u32 $0x7, v3;
	v4 =	vand.u32 $0xFFFFFFF0, v4  }
0x23: {  	v3 =	vor.u32 v3, v4  }
0x24: {  	v4 =	vperm.xlane v3, v0;
	_ =	sdelay $0x1  }
0x25: {  	v3 =	vperm.xlane v3, v2;
	v4 =	vadd.s32 v1, v4;
	_ =	sdelay $0x1  }
0x26: {  	v3 =	vadd.s32 v1, v3;
	_ =	sdelay $0x2  }
0x27: {  	[tilespmem:s7], [sflag:$0x1] =	stream.indirect_vreg.gather [hbm4b:s3+s2], $0x80, v4, vm0, $0xb8;
	[tilespmem:$0x10400] =	vst v63  }
0x28: {  	s1 =	rddreg [dreg:$0x4]  }
0x29: {  	[tilespmem:s1], [sflag:$0x1] =	stream.indirect_vreg.gather [hbm4b:s3+s2], $0x80, v3, vm0, $0xb8;
	[tilespmem:$0x10400] =	vst v63  }
0x2a: {  	v3 =	vld [tilespmem:s31+$0xFFFFFF90];
	_ =	sdelay $0x4  }
0x2b: {  	v49 =	vshll.u32 v3, $0x1  }
0x2c: {  	v3 =	vand.u32 $0x7, v3;
	v4 =	vand.u32 $0xFFFFFFF0, v49  }
0x2d: {  	v3 =	vor.u32 v3, v4  }
0x2e: {  	v4 =	vperm.xlane v3, v0;
	_ =	sdelay $0x1  }
0x2f: {  	v3 =	vperm.xlane v3, v2;
	v4 =	vadd.s32 v1, v4;
	_ =	sdelay $0x1  }
0x30: {  	v3 =	vadd.s32 v1, v3;
	_ =	sdelay $0x1  }
0x31: {  	s1 =	rddreg [dreg:$0x5]  }
0x32: {  	[tilespmem:s1], [sflag:$0x1] =	stream.indirect_vreg.gather [hbm4b:s3+s2], $0x80, v4, vm0, $0xb8;
	[tilespmem:$0x10400] =	vst v63  }
0x33: {  	s4 =	rddreg [dreg:$0x6]  }
0x34: {  	[tilespmem:s4], [sflag:$0x1] =	stream.indirect_vreg.gather [hbm4b:s3+s2], $0x80, v3, vm0, $0xb8;
	[tilespmem:$0x10400] =	vst v63  }
0x35: {  	v3 =	vld [tilespmem:s31+$0xFFFFFFA0];
	_ =	sdelay $0x4  }
0x36: {  	v50 =	vshll.u32 v3, $0x1  }
0x37: {  	v3 =	vand.u32 $0x7, v3;
	v4 =	vand.u32 $0xFFFFFFF0, v50  }
0x38: {  	v3 =	vor.u32 v3, v4  }
0x39: {  	v4 =	vperm.xlane v3, v0;
	_ =	sdelay $0x1  }
0x3a: {  	v3 =	vperm.xlane v3, v2;
	v4 =	vadd.s32 v1, v4;
	_ =	sdelay $0x1  }
0x3b: {  	v3 =	vadd.s32 v1, v3;
	_ =	sdelay $0x1  }
0x3c: {  	s1 =	rddreg [dreg:$0x7]  }
0x3d: {  	[tilespmem:s1], [sflag:$0x1] =	stream.indirect_vreg.gather [hbm4b:s3+s2], $0x80, v4, vm0, $0xb8;
	[tilespmem:$0x10400] =	vst v63  }
0x3e: {  	s4 =	rddreg [dreg:$0x8]  }
0x3f: {  	[tilespmem:s4], [sflag:$0x1] =	stream.indirect_vreg.gather [hbm4b:s3+s2], $0x80, v3, vm0, $0xb8;
	[tilespmem:$0x10400] =	vst v63  }
0x40: {  	v3 =	vld [tilespmem:s31+$0xFFFFFFB0];
	_ =	sdelay $0x4  }
0x41: {  	v51 =	vshll.u32 v3, $0x1  }
0x42: {  	v3 =	vand.u32 $0x7, v3;
	v4 =	vand.u32 $0xFFFFFFF0, v51  }
0x43: {  	v3 =	vor.u32 v3, v4  }
0x44: {  	v4 =	vperm.xlane v3, v0;
	_ =	sdelay $0x1  }
0x45: {  	v3 =	vperm.xlane v3, v2;
	v4 =	vadd.s32 v1, v4;
	_ =	sdelay $0x1  }
0x46: {  	v3 =	vadd.s32 v1, v3;
	_ =	sdelay $0x1  }
0x47: {  	s1 =	rddreg [dreg:$0x9]  }
0x48: {  	[tilespmem:s1], [sflag:$0x1] =	stream.indirect_vreg.gather [hbm4b:s3+s2], $0x80, v4, vm0, $0xb8;
	[tilespmem:$0x10400] =	vst v63  }
0x49: {  	s4 =	rddreg [dreg:$0xa]  }
0x4a: {  	[tilespmem:s4], [sflag:$0x1] =	stream.indirect_vreg.gather [hbm4b:s3+s2], $0x80, v3, vm0, $0xb8;
	[tilespmem:$0x10400] =	vst v63  }
0x4b: {  	v3 =	vld [tilespmem:s31+$0xFFFFFFC0];
	_ =	sdelay $0x4  }
0x4c: {  	v52 =	vshll.u32 v3, $0x1  }
0x4d: {  	v3 =	vand.u32 $0x7, v3;
	v4 =	vand.u32 $0xFFFFFFF0, v52  }
0x4e: {  	v3 =	vor.u32 v3, v4  }
0x4f: {  	v4 =	vperm.xlane v3, v0;
	_ =	sdelay $0x1  }
0x50: {  	v3 =	vperm.xlane v3, v2;
	v4 =	vadd.s32 v1, v4;
	_ =	sdelay $0x1  }
0x51: {  	v3 =	vadd.s32 v1, v3;
	_ =	sdelay $0x1  }
0x52: {  	s1 =	rddreg [dreg:$0xb]  }
0x53: {  	[tilespmem:s1], [sflag:$0x1] =	stream.indirect_vreg.gather [hbm4b:s3+s2], $0x80, v4, vm0, $0xb8;
	[tilespmem:$0x10400] =	vst v63  }
0x54: {  	s4 =	rddreg [dreg:$0xc]  }
0x55: {  	[tilespmem:s4], [sflag:$0x1] =	stream.indirect_vreg.gather [hbm4b:s3+s2], $0x80, v3, vm0, $0xb8;
	[tilespmem:$0x10400] =	vst v63  }
0x56: {  	v3 =	vld [tilespmem:s31+$0xFFFFFFD0];
	_ =	sdelay $0x4  }
0x57: {  	v53 =	vshll.u32 v3, $0x1  }
0x58: {  	v3 =	vand.u32 $0x7, v3;
	v4 =	vand.u32 $0xFFFFFFF0, v53  }
0x59: {  	v3 =	vor.u32 v3, v4  }
0x5a: {  	v4 =	vperm.xlane v3, v0;
	_ =	sdelay $0x1  }
0x5b: {  	v3 =	vperm.xlane v3, v2;
	v4 =	vadd.s32 v1, v4;
	_ =	sdelay $0x1  }
0x5c: {  	v3 =	vadd.s32 v1, v3;
	_ =	sdelay $0x1  }
0x5d: {  	s1 =	rddreg [dreg:$0xd]  }
0x5e: {  	[tilespmem:s1], [sflag:$0x1] =	stream.indirect_vreg.gather [hbm4b:s3+s2], $0x80, v4, vm0, $0xb8;
	[tilespmem:$0x10400] =	vst v63  }
0x5f: {  	s4 =	rddreg [dreg:$0xe]  }
0x60: {  	[tilespmem:s4], [sflag:$0x1] =	stream.indirect_vreg.gather [hbm4b:s3+s2], $0x80, v3, vm0, $0xb8;
	[tilespmem:$0x10400] =	vst v63  }
0x61: {  	v3 =	vld [tilespmem:s31+$0xFFFFFFE0];
	_ =	sdelay $0x4  }
0x62: {  	v54 =	vshll.u32 v3, $0x1  }
0x63: {  	v3 =	vand.u32 $0x7, v3;
	v4 =	vand.u32 $0xFFFFFFF0, v54  }
0x64: {  	v3 =	vor.u32 v3, v4  }
0x65: {  	v4 =	vperm.xlane v3, v0;
	_ =	sdelay $0x1  }
0x66: {  	v3 =	vperm.xlane v3, v2;
	v4 =	vadd.s32 v1, v4;
	_ =	sdelay $0x1  }
0x67: {  	v3 =	vadd.s32 v1, v3;
	_ =	sdelay $0x1  }
0x68: {  	s4 =	rddreg [dreg:$0xf]  }
0x69: {  	[tilespmem:s4], [sflag:$0x1] =	stream.indirect_vreg.gather [hbm4b:s3+s2], $0x80, v4, vm0, $0xb8;
	[tilespmem:$0x10400] =	vst v63  }
0x6a: {  	_ = 	snop  }
0x6b: {  	[tilespmem:s8], [sflag:$0x1] =	stream.indirect_vreg.gather [hbm4b:s3+s2], $0x80, v3, vm0, $0xb8;
	[tilespmem:$0x10400] =	vst v63  }
0x6c: {  	v3 =	vld [tilespmem:s31+$0xFFFFFFF0];
	_ =	sdelay $0x4  }
0x6d: {  	v55 =	vshll.u32 v3, $0x1  }
0x6e: {  	v3 =	vand.u32 $0x7, v3;
	v4 =	vand.u32 $0xFFFFFFF0, v55  }
0x6f: {  	v3 =	vor.u32 v3, v4  }
0x70: {  	v4 =	vperm.xlane v3, v0;
	_ =	sdelay $0x1  }
0x71: {  	v3 =	vperm.xlane v3, v2;
	v4 =	vadd.s32 v1, v4;
	_ =	sdelay $0x1  }
0x72: {  	v3 =	vadd.s32 v1, v3;
	_ =	sdelay $0x2  }
0x73: {  	[tilespmem:s9], [sflag:$0x1] =	stream.indirect_vreg.gather [hbm4b:s3+s2], $0x80, v4, vm0, $0xb8;
	[tilespmem:$0x10400] =	vst v63  }
0x74: {  	_ = 	snop  }
0x75: {  	[tilespmem:s10], [sflag:$0x1] =	stream.indirect_vreg.gather [hbm4b:s3+s2], $0x80, v3, vm0, $0xb8;
	[tilespmem:$0x10400] =	vst v63  }
0x76: {  	v3 =	vld [tilespmem:s31+$0x0];
	_ =	sdelay $0x4  }
0x77: {  	v56 =	vshll.u32 v3, $0x1  }
0x78: {  	v3 =	vand.u32 $0x7, v3;
	v4 =	vand.u32 $0xFFFFFFF0, v56  }
0x79: {  	v3 =	vor.u32 v3, v4  }
0x7a: {  	v4 =	vperm.xlane v3, v0;
	_ =	sdelay $0x1  }
0x7b: {  	v3 =	vperm.xlane v3, v2;
	v4 =	vadd.s32 v1, v4;
	_ =	sdelay $0x1  }
0x7c: {  	v3 =	vadd.s32 v1, v3;
	_ =	sdelay $0x2  }
0x7d: {  	[tilespmem:s11], [sflag:$0x2] =	stream.indirect_vreg.gather [hbm4b:s3+s2], $0x80, v4, vm0, $0xb8;
	[tilespmem:$0x10400] =	vst v63  }
0x7e: {  	_ = 	snop  }
0x7f: {  	[tilespmem:s12], [sflag:$0x2] =	stream.indirect_vreg.gather [hbm4b:s3+s2], $0x80, v3, vm0, $0xb8;
	[tilespmem:$0x10400] =	vst v63  }
0x80: {  	v3 =	vld [tilespmem:s31+$0x10];
	_ =	sdelay $0x4  }
0x81: {  	v57 =	vshll.u32 v3, $0x1  }
0x82: {  	v3 =	vand.u32 $0x7, v3;
	v4 =	vand.u32 $0xFFFFFFF0, v57  }
0x83: {  	v3 =	vor.u32 v3, v4  }
0x84: {  	v4 =	vperm.xlane v3, v0;
	_ =	sdelay $0x1  }
0x85: {  	v3 =	vperm.xlane v3, v2;
	v4 =	vadd.s32 v1, v4;
	_ =	sdelay $0x1  }
0x86: {  	v3 =	vadd.s32 v1, v3;
	_ =	sdelay $0x2  }
0x87: {  	[tilespmem:s13], [sflag:$0x2] =	stream.indirect_vreg.gather [hbm4b:s3+s2], $0x80, v4, vm0, $0xb8;
	[tilespmem:$0x10400] =	vst v63  }
0x88: {  	_ = 	snop  }
0x89: {  	[tilespmem:s14], [sflag:$0x2] =	stream.indirect_vreg.gather [hbm4b:s3+s2], $0x80, v3, vm0, $0xb8;
	[tilespmem:$0x10400] =	vst v63  }
0x8a: {  	v3 =	vld [tilespmem:s31+$0x20];
	_ =	sdelay $0x4  }
0x8b: {  	v58 =	vshll.u32 v3, $0x1  }
0x8c: {  	v3 =	vand.u32 $0x7, v3;
	v4 =	vand.u32 $0xFFFFFFF0, v58  }
0x8d: {  	v3 =	vor.u32 v3, v4  }
0x8e: {  	v4 =	vperm.xlane v3, v0;
	_ =	sdelay $0x1  }
0x8f: {  	v3 =	vperm.xlane v3, v2;
	v4 =	vadd.s32 v1, v4;
	_ =	sdelay $0x1  }
0x90: {  	v3 =	vadd.s32 v1, v3;
	_ =	sdelay $0x2  }
0x91: {  	[tilespmem:s15], [sflag:$0x2] =	stream.indirect_vreg.gather [hbm4b:s3+s2], $0x80, v4, vm0, $0xb8;
	[tilespmem:$0x10400] =	vst v63  }
0x92: {  	_ = 	snop  }
0x93: {  	[tilespmem:s16], [sflag:$0x2] =	stream.indirect_vreg.gather [hbm4b:s3+s2], $0x80, v3, vm0, $0xb8;
	[tilespmem:$0x10400] =	vst v63  }
0x94: {  	v3 =	vld [tilespmem:s31+$0x30];
	_ =	sdelay $0x4  }
0x95: {  	v59 =	vshll.u32 v3, $0x1  }
0x96: {  	v3 =	vand.u32 $0x7, v3;
	v4 =	vand.u32 $0xFFFFFFF0, v59  }
0x97: {  	v3 =	vor.u32 v3, v4  }
0x98: {  	v4 =	vperm.xlane v3, v0;
	_ =	sdelay $0x1  }
0x99: {  	v3 =	vperm.xlane v3, v2;
	v4 =	vadd.s32 v1, v4;
	_ =	sdelay $0x1  }
0x9a: {  	v3 =	vadd.s32 v1, v3;
	_ =	sdelay $0x2  }
0x9b: {  	[tilespmem:s17], [sflag:$0x2] =	stream.indirect_vreg.gather [hbm4b:s3+s2], $0x80, v4, vm0, $0xb8;
	[tilespmem:$0x10400] =	vst v63  }
0x9c: {  	_ = 	snop  }
0x9d: {  	[tilespmem:s18], [sflag:$0x2] =	stream.indirect_vreg.gather [hbm4b:s3+s2], $0x80, v3, vm0, $0xb8;
	[tilespmem:$0x10400] =	vst v63  }
0x9e: {  	v3 =	vld [tilespmem:s31+$0x40];
	_ =	sdelay $0x4  }
0x9f: {  	v60 =	vshll.u32 v3, $0x1  }
0xa0: {  	v3 =	vand.u32 $0x7, v3;
	v4 =	vand.u32 $0xFFFFFFF0, v60  }
0xa1: {  	v3 =	vor.u32 v3, v4  }
0xa2: {  	v4 =	vperm.xlane v3, v0;
	_ =	sdelay $0x1  }
0xa3: {  	v3 =	vperm.xlane v3, v2;
	v4 =	vadd.s32 v1, v4;
	_ =	sdelay $0x1  }
0xa4: {  	v3 =	vadd.s32 v1, v3;
	_ =	sdelay $0x2  }
0xa5: {  	[tilespmem:s19], [sflag:$0x2] =	stream.indirect_vreg.gather [hbm4b:s3+s2], $0x80, v4, vm0, $0xb8;
	[tilespmem:$0x10400] =	vst v63  }
0xa6: {  	_ = 	snop  }
0xa7: {  	[tilespmem:s20], [sflag:$0x2] =	stream.indirect_vreg.gather [hbm4b:s3+s2], $0x80, v3, vm0, $0xb8;
	[tilespmem:$0x10400] =	vst v63  }
0xa8: {  	v3 =	vld [tilespmem:s31+$0x50];
	_ =	sdelay $0x4  }
0xa9: {  	v61 =	vshll.u32 v3, $0x1  }
0xaa: {  	v3 =	vand.u32 $0x7, v3;
	v4 =	vand.u32 $0xFFFFFFF0, v61  }
0xab: {  	v3 =	vor.u32 v3, v4  }
0xac: {  	v4 =	vperm.xlane v3, v0;
	_ =	sdelay $0x1  }
0xad: {  	v3 =	vperm.xlane v3, v2;
	v4 =	vadd.s32 v1, v4;
	_ =	sdelay $0x1  }
0xae: {  	v3 =	vadd.s32 v1, v3;
	_ =	sdelay $0x2  }
0xaf: {  	[tilespmem:s21], [sflag:$0x2] =	stream.indirect_vreg.gather [hbm4b:s3+s2], $0x80, v4, vm0, $0xb8;
	[tilespmem:$0x10400] =	vst v63  }
0xb0: {  	_ = 	snop  }
0xb1: {  	[tilespmem:s22], [sflag:$0x2] =	stream.indirect_vreg.gather [hbm4b:s3+s2], $0x80, v3, vm0, $0xb8;
	[tilespmem:$0x10400] =	vst v63  }
0xb2: {  	v3 =	vld [tilespmem:s31+$0x60];
	_ =	sdelay $0x4  }
0xb3: {  	v62 =	vshll.u32 v3, $0x1  }
0xb4: {  	v3 =	vand.u32 $0x7, v3;
	v4 =	vand.u32 $0xFFFFFFF0, v62  }
0xb5: {  	v3 =	vor.u32 v3, v4  }
0xb6: {  	v4 =	vperm.xlane v3, v0;
	_ =	sdelay $0x1  }
0xb7: {  	v3 =	vperm.xlane v3, v2;
	v4 =	vadd.s32 v1, v4;
	_ =	sdelay $0x1  }
0xb8: {  	v3 =	vadd.s32 v1, v3;
	_ =	sdelay $0x2  }
0xb9: {  	[tilespmem:s23], [sflag:$0x2] =	stream.indirect_vreg.gather [hbm4b:s3+s2], $0x80, v4, vm0, $0xb8;
	[tilespmem:$0x10400] =	vst v63  }
0xba: {  	_ = 	snop  }
0xbb: {  	[tilespmem:s24], [sflag:$0x2] =	stream.indirect_vreg.gather [hbm4b:s3+s2], $0x80, v3, vm0, $0xb8;
	[tilespmem:$0x10400] =	vst v63  }
0xbc: {  	v3 =	vld [tilespmem:s31+$0x70];
	_ =	sdelay $0x4  }
0xbd: {  	v63 =	vshll.u32 v3, $0x1  }
0xbe: {  	v3 =	vand.u32 $0x7, v3;
	v4 =	vand.u32 $0xFFFFFFF0, v63  }
0xbf: {  	v3 =	vor.u32 v3, v4  }
0xc0: {  	v4 =	vperm.xlane v3, v0;
	_ =	sdelay $0x1  }
0xc1: {  	v3 =	vperm.xlane v3, v2;
	v4 =	vadd.s32 v1, v4;
	_ =	sdelay $0x1  }
0xc2: {  	v3 =	vadd.s32 v1, v3;
	_ =	sdelay $0x2  }
0xc3: {  	[tilespmem:s25], [sflag:$0x2] =	stream.indirect_vreg.gather [hbm4b:s3+s2], $0x80, v4, vm0, $0xb8;
	[tilespmem:$0x10400] =	vst v63  }
0xc4: {  	_ = 	snop  }
0xc5: {  	[tilespmem:s26], [sflag:$0x2] =	stream.indirect_vreg.gather [hbm4b:s3+s2], $0x80, v3, vm0, $0xb8;
	[tilespmem:$0x10400] =	vst v63  }
0xc6: {  	_ =	swait.ge [sflag:s28], $0x8000  }
0xc7: {  	s4 =	rddreg [dreg:$0x3];
	[sflag:s28] =	ssyncset.done $0x0  }
0xc8: {  	[sflag:s28] =	ssyncadd.s32 $0xFFFF8000;
	s1 =	sadd.s32 s0, s4  }
0xc9: {  	[hbm4b:s1+s2] =	stream.linear.scatter [tilespmem:s7], [sflag:$0x3], $0x8000, $0x38;
	[tilespmem:$0x10400] =	vst v63  }
0xca: {  	_ =	swait.ge [sflag:s6], $0x8000  }
0xcb: {  	[sflag:s6] =	ssyncset.done $0x0  }
0xcc: {  	[sflag:s6] =	ssyncadd.s32 $0xFFFF8000  }
0xcd: {  	_ =	swait.ge [sflag:s29], $0x8000  }
0xce: {  	p0 =	sne.s32 s0, $0x6000;
	[sflag:s29] =	ssyncset.done $0x0  }
.Ltmp0:
0xcf: {  	s1 =	sadd.s32 $0x1000, s1;
	[sflag:s29] =	ssyncadd.s32 $0xFFFF8000;
	(pc) =	sbr.rel @p0 .LBB2_2-.Ltmp0, $4  }
0xd0: {  	[hbm4b:s1+s2] =	stream.linear.scatter [tilespmem:s11], [sflag:$0x3], $0x8000, $0x38;
	[tilespmem:$0x10400] =	vst v63  }
0xd1: {  	_ =	swait.ge [sflag:s6], $0x8000  }
0xd2: {  	[sflag:s6] =	ssyncset.done $0x0  }
0xd3: {  	s31 =	sadd.s32 $0x100, s31;
	s0 =	sadd.s32 $0x2000, s0;
	[sflag:s6] =	ssyncadd.s32 $0xFFFF8000  }
0xd4: {  	s30 =	sadd.s32 $0x1, s30  }
0xd5: {  	p0 =	sne.s32 s30, s5  }
.Ltmp1:
0xd6: {  	_ = 	snop;
	(pc) =	sbr.rel @p0 .LBB2_1-.Ltmp1, $1  }
0xd7: {  	_ =	sdelay $0x3  }
0xd8: {  	_ =	sfence.sel $0x180000  }
0xd9: {  	[bflag:$0x0] =	sbarrier.arrive $0xFFFF  }
0xda: {  	_ =	strace $0x90000053  }
0xdb: {  	s0 =	stileid.u32;
	[bflag:$0x2] =	sbarrier.arrive $0xFFFF  }
0xdc: {  	p0 =	sne.s32 s0, $0x0;
	s0 =	rddreg [dreg:$0x2]  }
0xdd: {  	s0 =	sadd.s32 @!p0 $0x100000, s0  }
0xde: {  	[sflag:s0] =	ssyncadd.tile.s32 @!p0 $0x1;
	_ =	shalt  }
.Lfunc_end2:
_tile_overlayer_lowered:
.L_overlay_start_2:
0xdf: {  	(tag) =	ssettag $0x2  }
0xe0: {  	s0 =	rddreg [dreg:$0x0];
	s2 =	stileid.u32  }
0xe1: {  	s1 =	rddreg [dreg:$0x1];
	p0 =	sne.s32 s2, $0x0  }
0xe2: {  	s3 =	rddreg [dreg:$0x2];
	[bflag:$0x3] =	sbarrier.arrive $0xFFFF;
	s2 =	simm.s32 @!p0 $0x1C03  }
0xe3: {  	[timem:s3], [sflag:s2] =	dma.local @!p0 [hbm:s0], s1  }
0xe4: {  	s0 =	simm.s32 @!p0 $0x3  }
0xe5: {  	_ =	swait.ge @!p0 [sflag:s0], s1  }
0xe6: {  	s1 =	ssub.s32 @!p0 $0x0, s1;
	[sflag:s0] =	ssyncset.done @!p0 $0x0  }
0xe7: {  	[sflag:s0] =	ssyncadd.s32 @!p0 s1  }
0xe8: {  	[bflag:$0x3] =	sbarrier.arrive $0xFFFF  }
0xe9: {  	_ =	shalt  }

// kernel: kernel.34.cloned.1.call-start
scs
__scs_entry_jumppad:
0x0: {  	(pc) =	sbr.rel $0x88, $3  }
0x1: {  	(tag) =	ssettag $0x0;
	lr =	simm.s32 $0x1  }
0x2: {  	[smem:$0x3F90] =	sst lr;
	_ =	strace $0xD0000000  }
0x3: {  	_ = 	snop  }
0x4: {  	_ = 	snop  }
0x5: {  	_ = 	snop  }
0x6: {  	_ = 	snop  }
0x7: {  	_ = 	snop  }
__scs_overlays_trampoline_lowered:
0x8: {  	[smem:$0x3F9F] =	sst s0  }
0x9: {  	[smem:$0x3FA0] =	sst s1  }
0xa: {  	[smem:$0x3FA1] =	sst s2  }
0xb: {  	[smem:$0x3FA2] =	sst s3  }
0xc: {  	[smem:$0x3FA3] =	sst s4  }
0xd: {  	[smem:$0x3FA4] =	sst s5  }
0xe: {  	[smem:$0x3FA5] =	sst s6  }
0xf: {  	[smem:$0x3FA6] =	sst s7  }
0x10: {  	[smem:$0x3FA7] =	sst s8  }
0x11: {  	[smem:$0x3FA8] =	sst s9;
	s0 =	simm.s32 @!p0 $0x0  }
0x12: {  	s1 =	sld [smem:$0x3F8E];
	s0 =	simm.s32 @p0 $0x1  }
0x13: {  	[smem:$0x3FA9] =	sst s0;
	s0 =	simm.s32 @!p1 $0x0  }
0x14: {  	s2 =	sld [smem:$0x3F8D];
	s0 =	simm.s32 @p1 $0x1  }
0x15: {  	[smem:$0x3FAA] =	sst s0;
	s0 =	simm.s32 @!p2 $0x0  }
0x16: {  	s3 =	sld [smem:$0x3FDB];
	s0 =	simm.s32 @p2 $0x1  }
0x17: {  	s4 =	simm.s32 $0x1BF5;
	[smem:$0x3FAC] =	sst s0  }
0x18: {  	s0 =	sld [smem:$0x3F8F];
	_ =	swait.ge [sflag:s4], $0x0  }
0x19: {  	s7 =	sld [smem:$0x3F90]  }
0x1a: {  	s8 =	sadd.s32 $0xFFFFE003, lr  }
0x1b: {  	s9 =	sadd.s32 $0xFFFFFEF7, lr;
	s5 =	simm.s32 $0xFFFFFFFF;
	p2 =	slt.u32 s8, $0xFFFFF086  }
0x1c: {  	p1 =	slt.u32 s9, $0xF7A;
	s5 =	simm.s32 @!p2 $0x0  }
0x1d: {  	s5 =	simm.s32 @p1 $0x1;
	p0 =	seq.s32 s7, s2  }
0x1e: {  	s7 =	smul.u32 @!p0 $0xF7A, s2;
	p2 =	seq.s32 @!p0 s5, $0x0  }
0x1f: {  	s9 =	smul.u32 $0xF7A, s1;
	s8 =	simm.s32 @!p0 $0x1BF5;
	p2 =	por !p2, p0  }
0x20: {  	[sflag:s8] =	ssyncset.s32 @!p0 $0xFFFFF086;
	s6 =	sadd.s32 @!p0 s3, s7;
	s7 =	simm.s32 @!p0 $0x108  }
0x21: {  	s3 =	sadd.s32 s3, s9;
	s6 =	sadd.s32 @!p0 $0x88, s6;
	s7 =	simm.s32 @p2 $0x1082  }
0x22: {  	[simem:s7], [sflag:s8] =	dma.local @!p0 [hbm:s6], $0xF7A  }
0x23: {  	s9 =	sor.u32 $0xD0000000, s2;
	s6 =	simm.s32 $0x108;
	_ =	swait.ge @!p0 [sflag:s8], $0x0  }
0x24: {  	s3 =	sadd.s32 $0x88, s3;
	s6 =	simm.s32 @!p1 $0x1082;
	[sflag:s4] =	ssyncset.s32 $0xFFFFF086  }
0x25: {  	[simem:s6], [sflag:s4] =	dma.local [hbm:s3], $0xF7A  }
0x26: {  	[smem:$0x3F90] =	sst s1;
	(tag) =	ssettag s2;
	_ =	strace s9  }
0x27: {  	s1 =	sld [smem:$0x3FA0]  }
0x28: {  	s2 =	sld [smem:$0x3FA1]  }
0x29: {  	s4 =	sld [smem:$0x3FA3]  }
0x2a: {  	p0 =	seq.s32 s5, $0x0;
	s5 =	sld [smem:$0x3FA4]  }
0x2b: {  	s6 =	sld [smem:$0x3FA5]  }
0x2c: {  	s7 =	sld [smem:$0x3FA6]  }
0x2d: {  	s3 =	simm.s32 $0x108;
	s8 =	sld [smem:$0x3FA7]  }
0x2e: {  	s3 =	simm.s32 @!p0 $0x1082;
	s9 =	sld [smem:$0x3FA8]  }
0x2f: {  	lr =	sadd.s32 s0, s3;
	s0 =	sld [smem:$0x3F9F]  }
0x30: {  	s3 =	sld [smem:$0x3FA2]  }
0x31: {  	[smem:$0x3FAB] =	sst s10  }
0x32: {  	s10 =	sld [smem:$0x3FA9];
	_ =	sdelay $0x3  }
0x33: {  	p0 =	seq.s32 s10, $0x1;
	s10 =	sld [smem:$0x3FAB];
	_ =	sdelay $0x3  }
0x34: {  	[smem:$0x3FAB] =	sst s10  }
0x35: {  	s10 =	sld [smem:$0x3FAA];
	_ =	sdelay $0x3  }
0x36: {  	p1 =	seq.s32 s10, $0x1;
	s10 =	sld [smem:$0x3FAB];
	_ =	sdelay $0x3  }
0x37: {  	[smem:$0x3FAB] =	sst s10  }
0x38: {  	s10 =	sld [smem:$0x3FAC]  }
0x39: {  	_ = 	snop;
	(pc) =	sbr.ind lr, $3  }
0x3a: {  	_ = 	snop  }
0x3b: {  	_ = 	snop  }
0x3c: {  	p2 =	seq.s32 s10, $0x1;
	s10 =	sld [smem:$0x3FAB]  }
0x3d: {  	_ =	shalt  }
0x3e: {  	_ =	shalt  }
0x3f: {  	_ =	shalt  }
0x40: {  	_ =	shalt  }
0x41: {  	_ =	shalt  }
0x42: {  	_ =	shalt  }
0x43: {  	_ =	shalt  }
0x44: {  	_ =	shalt  }
0x45: {  	_ =	shalt  }
0x46: {  	_ =	shalt  }
0x47: {  	_ =	shalt  }
0x48: {  	_ =	shalt  }
0x49: {  	_ =	shalt  }
0x4a: {  	_ =	shalt  }
0x4b: {  	_ =	shalt  }
0x4c: {  	_ =	shalt  }
0x4d: {  	_ =	shalt  }
0x4e: {  	_ =	shalt  }
0x4f: {  	_ =	shalt  }
0x50: {  	_ =	shalt  }
0x51: {  	_ =	shalt  }
0x52: {  	_ =	shalt  }
0x53: {  	_ =	shalt  }
0x54: {  	_ =	shalt  }
0x55: {  	_ =	shalt  }
0x56: {  	_ =	shalt  }
0x57: {  	_ =	shalt  }
0x58: {  	_ =	shalt  }
0x59: {  	_ =	shalt  }
0x5a: {  	_ =	shalt  }
0x5b: {  	_ =	shalt  }
0x5c: {  	_ =	shalt  }
0x5d: {  	_ =	shalt  }
0x5e: {  	_ =	shalt  }
0x5f: {  	_ =	shalt  }
0x60: {  	_ =	shalt  }
0x61: {  	_ =	shalt  }
0x62: {  	_ =	shalt  }
0x63: {  	_ =	shalt  }
0x64: {  	_ =	shalt  }
0x65: {  	_ =	shalt  }
0x66: {  	_ =	shalt  }
0x67: {  	_ =	shalt  }
0x68: {  	_ =	shalt  }
0x69: {  	_ =	shalt  }
0x6a: {  	_ =	shalt  }
0x6b: {  	_ =	shalt  }
0x6c: {  	_ =	shalt  }
0x6d: {  	_ =	shalt  }
0x6e: {  	_ =	shalt  }
0x6f: {  	_ =	shalt  }
0x70: {  	_ =	shalt  }
0x71: {  	_ =	shalt  }
0x72: {  	_ =	shalt  }
0x73: {  	_ =	shalt  }
0x74: {  	_ =	shalt  }
0x75: {  	_ =	shalt  }
0x76: {  	_ =	shalt  }
0x77: {  	_ =	shalt  }
0x78: {  	_ =	shalt  }
0x79: {  	_ =	shalt  }
0x7a: {  	_ =	shalt  }
0x7b: {  	_ =	shalt  }
0x7c: {  	_ =	shalt  }
0x7d: {  	_ =	shalt  }
0x7e: {  	_ =	shalt  }
0x7f: {  	_ =	shalt  }
0x80: {  	_ =	shalt  }
0x81: {  	_ =	shalt  }
0x82: {  	_ =	shalt  }
0x83: {  	_ =	shalt  }
0x84: {  	_ =	shalt  }
0x85: {  	_ =	shalt  }
0x86: {  	_ =	shalt  }
0x87: {  	_ =	shalt  }
.Lfunc_end0:
.L_simem_size_0:
called_computation.5_lowered:
.L_overlay_start_0:
0x88: {  	s2 =	sld [smem:$0x3FD9]  }
0x89: {  	s3 =	sld [smem:$0x3FFE];
	_ =	sdelay $0x1  }
0x8a: {  	s1 =	srdreg.scid  }
0x8b: {  	s0 =	sand.u32 $0x1, s1  }
0x8c: {  	s17 =	sshll.u32 s0, $0xA;
	s2 =	sadd.s32 s3, s2  }
0x8d: {  	s2 =	sadd.s32 s2, s17  }
0x8e: {  	[smem:$0x3FB7] =	sst s2  }
0x8f: {  	_ = 	snop  }
0x90: {  	s2 =	sld [smem:$0x3FD0];
	(tm) =	ssettm $0x1  }
0x91: {  	s18 =	sld [smem:$0x3FFB];
	_ =	sdelay $0x3  }
0x92: {  	_ =	strace s18  }
0x93: {  	s3 =	sld [smem:$0x3FFC];
	_ =	sdelay $0x3  }
0x94: {  	_ =	strace s3  }
0x95: {  	s3 =	sld [smem:$0x3FFD];
	_ =	sdelay $0x3  }
0x96: {  	_ =	strace s3  }
0x97: {  	_ =	strace $0x8FFFFFFF  }
0x98: {  	s19 =	sld [smem:$0x3FDB];
	_ =	sdelay $0x1  }
0x99: {  	s4 =	simm.s32 $_scs_section_size  }
0x9a: {  	s5 =	simm.s32 $_size__tile_overlayer_lowered;
	s6 =	simm.s32 $_tile_overlayer_lowered  }
0x9b: {  	s22 =	simm.s32 $0x1BFF;
	s21 =	sshll.u32 s6, $0x1;
	s3 =	sadd.s32 s4, s19  }
0x9c: {  	s7 =	simm.s32 $0x0;
	s20 =	sshll.u32 s5, $0x1;
	s5 =	sadd.s32 s21, s3  }
0x9d: {  	[timem:s7], [sflag:s22] =	dma.local [hbm:s5], s20  }
0x9e: {  	_ =	swait.ge [sflag:s22], s20  }
0x9f: {  	s4 =	ssub.s32 $0x0, s20;
	[sflag:s22] =	ssyncset.done $0x0  }
0xa0: {  	[sflag:s22] =	ssyncadd.s32 s4;
	_ =	sdelay $0x1  }
0xa1: {  	s23 =	simm.s32 $0x1B8B  }
0xa2: {  	_ =	swait.ge [sflag:s23], $0x1  }
0xa3: {  	[sflag:s23] =	ssyncset.done $0x0  }
0xa4: {  	s25 =	simm.s32 $0x1B8E;
	s24 =	sld [smem:$0x3FFE];
	[sflag:s23] =	ssyncadd.s32 $0xFFFFFFFF  }
0xa5: {  	s26 =	simm.s32 $execute0_lowered;
	[smem:$0x3FD2] =	sst s25  }
0xa6: {  	s5 =	sshll.u32 s26, $0x1;
	_ =	strace $0x80000055;
	[dreg:$0x1] =	wrdreg $0xFFFFFFFF  }
0xa7: {  	s28 =	simm.s32 $_size_execute0_lowered;
	s3 =	sadd.s32 s3, s5;
	[dreg:$0x0] =	wrdreg $0x0  }
0xa8: {  	s5 =	sshll.u32 s28, $0x1;
	[dreg:$0x2] =	wrdreg s3  }
0xa9: {  	[dreg:$0x3] =	wrdreg s5  }
0xaa: {  	[dreg:$0x4] =	wrdreg $0xC0  }
0xab: {  	_ =	task [dreg:s7], $0x5FFFF  }
0xac: {  	[dreg:$0x1] =	wrdreg $0xFFFFFFFF  }
0xad: {  	[dreg:$0x0] =	wrdreg $0x60  }
0xae: {  	[dreg:$0x2] =	wrdreg s24  }
0xaf: {  	[dreg:$0x3] =	wrdreg s2  }
0xb0: {  	[dreg:$0x4] =	wrdreg $0x9  }
0xb1: {  	_ =	task.clear_ibuf [dreg:s7], $0x5FFFF;
	_ =	strace $0x90000055  }
0xb2: {  	s29 =	simm.s32 $0x9;
	_ =	strace $0x80000057  }
0xb3: {  	_ =	swait.ge [sflag:s29], $0x1  }
0xb4: {  	[sflag:s29] =	ssyncadd.s32 $0xFFFFFFFF  }
0xb5: {  	_ =	strace $0x90000057  }
0xb6: {  	_ =	sfence  }
0xb7: {  	s30 =	sld [smem:$0x0];
	_ =	sdelay $0x2  }
0xb8: {  	s31 =	sshll.u32 s1, $0xD;
	s1 =	sshrl.u32 s1, $0x2  }
0xb9: {  	s3 =	sand.u32 $0x4000, s31;
	s1 =	sadd.s32 s1, s30  }
0xba: {  	s0 =	sor.u32 s3, s0;
	s1 =	sshll.u32 s1, $0x11  }
0xbb: {  	s0 =	sor.u32 s1, s0  }
0xbc: {  	s0 =	sadd.s32 $0x8F2B, s0  }
0xbd: {  	[sflag:s0] =	ssyncadd.remote.s32 $0x1  }
0xbe: {  	_ =	sfence.sel $0xFFFF  }
0xbf: {  	[dreg:$0x0] =	wrdreg $0xFFFFFFFF;
	(pc) =	sbr.abs _section_cstart, $3  }
0xc0: {  	[dreg:$0x1] =	wrdreg $0xFFFFFFFF  }
0xc1: {  	_ =	task.clear_ibuf [dreg:s7], $0x2FFFF;
	_ =	strace $0x9FFFFFFF  }
0xc2: {  	(tm) =	ssettm $0x7FFFFFFF  }
0xc3: {  	_ =	shalt  }
tec
execute0_lowered:
.L_overlay_start_1:
0x0: {  	(tag) =	ssettag $0x1  }
0x1: {  	s0 =	rddreg [dreg:$0x0]  }
0x2: {  	s2 =	rddreg [dreg:$0x1]  }
0x3: {  	s1 =	srdreg.scid;
	s4 =	stileid.u32  }
0x4: {  	s3 =	simm.s32 $0x0;
	s8 =	simm.s32 $0x3;
	s9 =	simm.s32 $0x200  }
0x5: {  	s11 =	simm.s32 $0xA00;
	s21 =	simm.s32 $0x6200;
	s13 =	simm.s32 $0x1A00  }
0x6: {  	s14 =	simm.s32 $0x2200;
	s15 =	simm.s32 $0x2A00;
	s16 =	simm.s32 $0x3200  }
0x7: {  	s17 =	simm.s32 $0x3A00;
	s18 =	simm.s32 $0x4200;
	s19 =	simm.s32 $0x4A00  }
0x8: {  	s20 =	simm.s32 $0x5200;
	s22 =	simm.s32 $0x5A00;
	s23 =	simm.s32 $0x6A00  }
0x9: {  	s24 =	simm.s32 $0x7200;
	s25 =	simm.s32 $0x7A00;
	s28 =	simm.s32 $0x8A00  }
0xa: {  	s29 =	simm.s32 $0x9200;
	s30 =	simm.s32 $0x9A00;
	s31 =	simm.s32 $0xA200  }
0xb: {  	s12 =	simm.s32 $0xBA00;
	s1 =	sand.u32 $0x1, s1;
	s4 =	sshll.u32 s4, $0x1  }
0xc: {  	[smem:$0x7FF] =	sst s3;
	s5 =	sor.u32 s1, s4;
	s1 =	ssub.s32 $0x2, s1  }
0xd: {  	_ =	strace $0x80000056;
	s6 =	sshll.u32 s5, $0x6;
	s7 =	sshrl.u32 s1, $0x1  }
0xe: {  	s4 =	sadd.s32 $0x6F000, s0;
	s0 =	sadd.s32 s6, s0;
	s1 =	ssub.s32 s1, s7  }
0xf: {  	v2 =	vlaneseq.u32;
	s6 =	smul.u32 $0x180, s5;
	s5 =	simm.s32 $0x2;
	s0 =	sadd.s32 $0x80000, s0  }
0x10: {  	vm0 =	vmmov $0xffff;
	v1 =	vshrl.u32 v2, $0x3;
	s26 =	smax.u32 s1, $0x1;
	s1 =	simm.s32 $0xB200;
	[dreg:$0x3] =	wrdreg s0  }
0x11: {  	v0 =	vand.u32 $0x7, v2;
	v2 =	vor.u32 $0x8, v2;
	v1 =	vmul.u32 $0x8, v1;
	[dreg:$0x4] =	wrdreg s26;
	s0 =	simm.s32 $0x0;
	s26 =	simm.s32 $0x8200  }
.LBB2_1:
0x12: {  	[dreg:$0x5] =	wrdreg s0  }
0x13: {  	s7 =	rddreg [dreg:$0x3]  }
0x14: {  	[tilespmem:s3], [sflag:$0x3] =	stream.linear.gather [hbm4b:s7+s3], $0x200, $0x38;
	[tilespmem:$0xC200] =	vst v63  }
0x15: {  	_ =	swait.ge [sflag:s8], $0x200  }
0x16: {  	p0 =	por $0x1, $0x1;
	[sflag:s8] =	ssyncset.done $0x0  }
0x17: {  	s0 =	simm.s32 $0xAA00;
	s7 =	simm.s32 $0x0;
	[sflag:s8] =	ssyncadd.s32 $0xFFFFFE00  }
.LBB2_2:
0x18: {  	s10 =	sshll.u32 s7, $0x8  }
0x19: {  	s10 =	sand.u32 $0x3FFFFF00, s10  }
0x1a: {  	v3 =	vld [tilespmem:s10+$0x0];
	_ =	sdelay $0x4  }
0x1b: {  	v4 =	vshll.u32 v3, $0x1  }
0x1c: {  	v3 =	vand.u32 $0x7, v3;
	v4 =	vand.u32 $0xFFFFFFF0, v4  }
0x1d: {  	v3 =	vor.u32 v3, v4  }
0x1e: {  	v4 =	vperm.xlane v3, v0;
	_ =	sdelay $0x1  }
0x1f: {  	v3 =	vperm.xlane v3, v2;
	v4 =	vadd.s32 v1, v4;
	_ =	sdelay $0x1  }
0x20: {  	v3 =	vadd.s32 v1, v3;
	_ =	sdelay $0x2  }
0x21: {  	[tilespmem:s9], [sflag:$0x1] =	stream.indirect_vreg.gather [hbm4b:s4+s3], $0x80, v4, vm0, $0xb8;
	[tilespmem:$0xC200] =	vst v63  }
0x22: {  	_ = 	snop  }
0x23: {  	[tilespmem:s11], [sflag:$0x1] =	stream.indirect_vreg.gather [hbm4b:s4+s3], $0x80, v3, vm0, $0xb8;
	[tilespmem:$0xC200] =	vst v63  }
0x24: {  	v3 =	vld [tilespmem:s10+$0x10];
	_ =	sdelay $0x4  }
0x25: {  	v53 =	vshll.u32 v3, $0x1  }
0x26: {  	v3 =	vand.u32 $0x7, v3;
	v4 =	vand.u32 $0xFFFFFFF0, v53  }
0x27: {  	v3 =	vor.u32 v3, v4  }
0x28: {  	v4 =	vperm.xlane v3, v0;
	_ =	sdelay $0x1  }
0x29: {  	v3 =	vperm.xlane v3, v2;
	v4 =	vadd.s32 v1, v4;
	_ =	sdelay $0x1  }
0x2a: {  	v3 =	vadd.s32 v1, v3;
	_ =	sdelay $0x1  }
0x2b: {  	s11 =	simm.s32 $0x1200  }
0x2c: {  	[tilespmem:s11], [sflag:$0x1] =	stream.indirect_vreg.gather [hbm4b:s4+s3], $0x80, v4, vm0, $0xb8;
	[tilespmem:$0xC200] =	vst v63  }
0x2d: {  	_ = 	snop  }
0x2e: {  	[tilespmem:s13], [sflag:$0x1] =	stream.indirect_vreg.gather [hbm4b:s4+s3], $0x80, v3, vm0, $0xb8;
	[tilespmem:$0xC200] =	vst v63  }
0x2f: {  	v3 =	vld [tilespmem:s10+$0x20];
	_ =	sdelay $0x4  }
0x30: {  	v54 =	vshll.u32 v3, $0x1  }
0x31: {  	v3 =	vand.u32 $0x7, v3;
	v4 =	vand.u32 $0xFFFFFFF0, v54  }
0x32: {  	v3 =	vor.u32 v3, v4  }
0x33: {  	v4 =	vperm.xlane v3, v0;
	_ =	sdelay $0x1  }
0x34: {  	v3 =	vperm.xlane v3, v2;
	v4 =	vadd.s32 v1, v4;
	_ =	sdelay $0x1  }
0x35: {  	v3 =	vadd.s32 v1, v3;
	_ =	sdelay $0x2  }
0x36: {  	[tilespmem:s14], [sflag:$0x1] =	stream.indirect_vreg.gather [hbm4b:s4+s3], $0x80, v4, vm0, $0xb8;
	[tilespmem:$0xC200] =	vst v63  }
0x37: {  	_ = 	snop  }
0x38: {  	[tilespmem:s15], [sflag:$0x1] =	stream.indirect_vreg.gather [hbm4b:s4+s3], $0x80, v3, vm0, $0xb8;
	[tilespmem:$0xC200] =	vst v63  }
0x39: {  	v3 =	vld [tilespmem:s10+$0x30];
	_ =	sdelay $0x4  }
0x3a: {  	v55 =	vshll.u32 v3, $0x1  }
0x3b: {  	v3 =	vand.u32 $0x7, v3;
	v4 =	vand.u32 $0xFFFFFFF0, v55  }
0x3c: {  	v3 =	vor.u32 v3, v4  }
0x3d: {  	v4 =	vperm.xlane v3, v0;
	_ =	sdelay $0x1  }
0x3e: {  	v3 =	vperm.xlane v3, v2;
	v4 =	vadd.s32 v1, v4;
	_ =	sdelay $0x1  }
0x3f: {  	v3 =	vadd.s32 v1, v3;
	_ =	sdelay $0x2  }
0x40: {  	[tilespmem:s16], [sflag:$0x1] =	stream.indirect_vreg.gather [hbm4b:s4+s3], $0x80, v4, vm0, $0xb8;
	[tilespmem:$0xC200] =	vst v63  }
0x41: {  	_ = 	snop  }
0x42: {  	[tilespmem:s17], [sflag:$0x1] =	stream.indirect_vreg.gather [hbm4b:s4+s3], $0x80, v3, vm0, $0xb8;
	[tilespmem:$0xC200] =	vst v63  }
0x43: {  	v3 =	vld [tilespmem:s10+$0x40];
	_ =	sdelay $0x4  }
0x44: {  	v56 =	vshll.u32 v3, $0x1  }
0x45: {  	v3 =	vand.u32 $0x7, v3;
	v4 =	vand.u32 $0xFFFFFFF0, v56  }
0x46: {  	v3 =	vor.u32 v3, v4  }
0x47: {  	v4 =	vperm.xlane v3, v0;
	_ =	sdelay $0x1  }
0x48: {  	v3 =	vperm.xlane v3, v2;
	v4 =	vadd.s32 v1, v4;
	_ =	sdelay $0x1  }
0x49: {  	v3 =	vadd.s32 v1, v3;
	_ =	sdelay $0x2  }
0x4a: {  	[tilespmem:s18], [sflag:$0x1] =	stream.indirect_vreg.gather [hbm4b:s4+s3], $0x80, v4, vm0, $0xb8;
	[tilespmem:$0xC200] =	vst v63  }
0x4b: {  	_ = 	snop  }
0x4c: {  	[tilespmem:s19], [sflag:$0x1] =	stream.indirect_vreg.gather [hbm4b:s4+s3], $0x80, v3, vm0, $0xb8;
	[tilespmem:$0xC200] =	vst v63  }
0x4d: {  	v3 =	vld [tilespmem:s10+$0x50];
	_ =	sdelay $0x4  }
0x4e: {  	v57 =	vshll.u32 v3, $0x1  }
0x4f: {  	v3 =	vand.u32 $0x7, v3;
	v4 =	vand.u32 $0xFFFFFFF0, v57  }
0x50: {  	v3 =	vor.u32 v3, v4  }
0x51: {  	v4 =	vperm.xlane v3, v0;
	_ =	sdelay $0x1  }
0x52: {  	v3 =	vperm.xlane v3, v2;
	v4 =	vadd.s32 v1, v4;
	_ =	sdelay $0x1  }
0x53: {  	v3 =	vadd.s32 v1, v3  }
0x54: {  	s10 =	sshllo.u32 s7, $0x1  }
0x55: {  	s11 =	sshll.u32 s10, $0x7  }
0x56: {  	[tilespmem:s20], [sflag:$0x1] =	stream.indirect_vreg.gather [hbm4b:s4+s3], $0x80, v4, vm0, $0xb8;
	[tilespmem:$0xC200] =	vst v63  }
0x57: {  	s11 =	sand.u32 $0x3FFFFF80, s11  }
0x58: {  	[tilespmem:s22], [sflag:$0x1] =	stream.indirect_vreg.gather [hbm4b:s4+s3], $0x80, v3, vm0, $0xb8;
	[tilespmem:$0xC200] =	vst v63  }
0x59: {  	v3 =	vld [tilespmem:s11+$0x0];
	_ =	sdelay $0x4  }
0x5a: {  	v58 =	vshll.u32 v3, $0x1  }
0x5b: {  	v3 =	vand.u32 $0x7, v3;
	v4 =	vand.u32 $0xFFFFFFF0, v58  }
0x5c: {  	v3 =	vor.u32 v3, v4  }
0x5d: {  	v4 =	vperm.xlane v3, v0;
	_ =	sdelay $0x1  }
0x5e: {  	v3 =	vperm.xlane v3, v2;
	v4 =	vadd.s32 v1, v4;
	_ =	sdelay $0x1  }
0x5f: {  	v3 =	vadd.s32 v1, v3;
	_ =	sdelay $0x2  }
0x60: {  	[tilespmem:s21], [sflag:$0x2] =	stream.indirect_vreg.gather [hbm4b:s4+s3], $0x80, v4, vm0, $0xb8;
	[tilespmem:$0xC200] =	vst v63  }
0x61: {  	_ = 	snop  }
0x62: {  	[tilespmem:s23], [sflag:$0x2] =	stream.indirect_vreg.gather [hbm4b:s4+s3], $0x80, v3, vm0, $0xb8;
	[tilespmem:$0xC200] =	vst v63  }
0x63: {  	v3 =	vld [tilespmem:s11+$0x10];
	_ =	sdelay $0x4  }
0x64: {  	v59 =	vshll.u32 v3, $0x1  }
0x65: {  	v3 =	vand.u32 $0x7, v3;
	v4 =	vand.u32 $0xFFFFFFF0, v59  }
0x66: {  	v3 =	vor.u32 v3, v4  }
0x67: {  	v4 =	vperm.xlane v3, v0;
	_ =	sdelay $0x1  }
0x68: {  	v3 =	vperm.xlane v3, v2;
	v4 =	vadd.s32 v1, v4;
	_ =	sdelay $0x1  }
0x69: {  	v3 =	vadd.s32 v1, v3;
	_ =	sdelay $0x2  }
0x6a: {  	[tilespmem:s24], [sflag:$0x2] =	stream.indirect_vreg.gather [hbm4b:s4+s3], $0x80, v4, vm0, $0xb8;
	[tilespmem:$0xC200] =	vst v63  }
0x6b: {  	_ = 	snop  }
0x6c: {  	[tilespmem:s25], [sflag:$0x2] =	stream.indirect_vreg.gather [hbm4b:s4+s3], $0x80, v3, vm0, $0xb8;
	[tilespmem:$0xC200] =	vst v63  }
0x6d: {  	v3 =	vld [tilespmem:s11+$0x20];
	_ =	sdelay $0x4  }
0x6e: {  	v60 =	vshll.u32 v3, $0x1  }
0x6f: {  	v3 =	vand.u32 $0x7, v3;
	v4 =	vand.u32 $0xFFFFFFF0, v60  }
0x70: {  	v3 =	vor.u32 v3, v4  }
0x71: {  	v4 =	vperm.xlane v3, v0;
	_ =	sdelay $0x1  }
0x72: {  	v3 =	vperm.xlane v3, v2;
	v4 =	vadd.s32 v1, v4;
	_ =	sdelay $0x1  }
0x73: {  	v3 =	vadd.s32 v1, v3;
	_ =	sdelay $0x2  }
0x74: {  	[tilespmem:s26], [sflag:$0x2] =	stream.indirect_vreg.gather [hbm4b:s4+s3], $0x80, v4, vm0, $0xb8;
	[tilespmem:$0xC200] =	vst v63  }
0x75: {  	_ = 	snop  }
0x76: {  	[tilespmem:s28], [sflag:$0x2] =	stream.indirect_vreg.gather [hbm4b:s4+s3], $0x80, v3, vm0, $0xb8;
	[tilespmem:$0xC200] =	vst v63  }
0x77: {  	v3 =	vld [tilespmem:s11+$0x30];
	_ =	sdelay $0x4  }
0x78: {  	v61 =	vshll.u32 v3, $0x1  }
0x79: {  	v3 =	vand.u32 $0x7, v3;
	v4 =	vand.u32 $0xFFFFFFF0, v61  }
0x7a: {  	v3 =	vor.u32 v3, v4  }
0x7b: {  	v4 =	vperm.xlane v3, v0;
	_ =	sdelay $0x1  }
0x7c: {  	v3 =	vperm.xlane v3, v2;
	v4 =	vadd.s32 v1, v4;
	_ =	sdelay $0x1  }
0x7d: {  	v3 =	vadd.s32 v1, v3;
	_ =	sdelay $0x2  }
0x7e: {  	[tilespmem:s29], [sflag:$0x2] =	stream.indirect_vreg.gather [hbm4b:s4+s3], $0x80, v4, vm0, $0xb8;
	[tilespmem:$0xC200] =	vst v63  }
0x7f: {  	_ = 	snop  }
0x80: {  	[tilespmem:s30], [sflag:$0x2] =	stream.indirect_vreg.gather [hbm4b:s4+s3], $0x80, v3, vm0, $0xb8;
	[tilespmem:$0xC200] =	vst v63  }
0x81: {  	v3 =	vld [tilespmem:s11+$0x40];
	_ =	sdelay $0x4  }
0x82: {  	v62 =	vshll.u32 v3, $0x1  }
0x83: {  	v3 =	vand.u32 $0x7, v3;
	v4 =	vand.u32 $0xFFFFFFF0, v62  }
0x84: {  	v3 =	vor.u32 v3, v4  }
0x85: {  	v4 =	vperm.xlane v3, v0;
	_ =	sdelay $0x1  }
0x86: {  	v3 =	vperm.xlane v3, v2;
	v4 =	vadd.s32 v1, v4;
	_ =	sdelay $0x1  }
0x87: {  	v3 =	vadd.s32 v1, v3;
	_ =	sdelay $0x2  }
0x88: {  	[tilespmem:s31], [sflag:$0x2] =	stream.indirect_vreg.gather [hbm4b:s4+s3], $0x80, v4, vm0, $0xb8;
	[tilespmem:$0xC200] =	vst v63  }
0x89: {  	_ = 	snop  }
0x8a: {  	[tilespmem:s0], [sflag:$0x2] =	stream.indirect_vreg.gather [hbm4b:s4+s3], $0x80, v3, vm0, $0xb8;
	[tilespmem:$0xC200] =	vst v63  }
0x8b: {  	v3 =	vld [tilespmem:s11+$0x50];
	_ =	sdelay $0x4  }
0x8c: {  	v63 =	vshll.u32 v3, $0x1  }
0x8d: {  	v3 =	vand.u32 $0x7, v3;
	v4 =	vand.u32 $0xFFFFFFF0, v63  }
0x8e: {  	v3 =	vor.u32 v3, v4  }
0x8f: {  	v4 =	vperm.xlane v3, v0;
	_ =	sdelay $0x1  }
0x90: {  	v3 =	vperm.xlane v3, v2;
	v4 =	vadd.s32 v1, v4;
	_ =	sdelay $0x1  }
0x91: {  	v3 =	vadd.s32 v1, v3;
	_ =	sdelay $0x2  }
0x92: {  	[tilespmem:s1], [sflag:$0x2] =	stream.indirect_vreg.gather [hbm4b:s4+s3], $0x80, v4, vm0, $0xb8;
	[tilespmem:$0xC200] =	vst v63  }
0x93: {  	s7 =	smul.u32 $0xC0, s7;
	s11 =	simm.s32 $0x1  }
0x94: {  	[tilespmem:s12], [sflag:$0x2] =	stream.indirect_vreg.gather [hbm4b:s4+s3], $0x80, v3, vm0, $0xb8;
	[tilespmem:$0xC200] =	vst v63  }
0x95: {  	s7 =	sadd.s32 s6, s7;
	_ =	swait.ge [sflag:s11], $0x6000  }
0x96: {  	s7 =	sshll.u32 s7, $0x5;
	[sflag:s11] =	ssyncset.done $0x0  }
0x97: {  	s7 =	sadd.s32 s2, s7;
	[sflag:s11] =	ssyncadd.s32 $0xFFFFA000  }
0x98: {  	[hbm4b:s7+s3] =	stream.linear.scatter [tilespmem:s9], [sflag:$0x3], $0x6000, $0x38;
	[tilespmem:$0xC200] =	vst v63  }
0x99: {  	_ =	swait.ge [sflag:s8], $0x6000  }
0x9a: {  	s10 =	smul.u32 $0x60, s10;
	[sflag:s8] =	ssyncset.done $0x0  }
0x9b: {  	[sflag:s8] =	ssyncadd.s32 $0xFFFFA000  }
0x9c: {  	s7 =	sadd.s32 s6, s10;
	_ =	swait.ge [sflag:s5], $0x6000  }
0x9d: {  	p1 =	por p0, p0;
	s7 =	sshll.u32 s7, $0x5;
	[sflag:s5] =	ssyncset.done $0x0  }
.Ltmp0:
0x9e: {  	s7 =	sadd.s32 s2, s7;
	[sflag:s5] =	ssyncadd.s32 $0xFFFFA000;
	(pc) =	sbr.rel @p1 .LBB2_2-.Ltmp0, $4  }
0x9f: {  	[hbm4b:s7+s3] =	stream.linear.scatter [tilespmem:s21], [sflag:$0x3], $0x6000, $0x38;
	[tilespmem:$0xC200] =	vst v63  }
0xa0: {  	_ =	swait.ge [sflag:s8], $0x6000  }
0xa1: {  	p0 =	por $0x0, $0x0;
	[sflag:s8] =	ssyncset.done $0x0  }
0xa2: {  	s11 =	simm.s32 $0xA00;
	s7 =	simm.s32 $0x1;
	[sflag:s8] =	ssyncadd.s32 $0xFFFFA000  }
0xa3: {  	s0 =	rddreg [dreg:$0x5]  }
0xa4: {  	s7 =	rddreg [dreg:$0x4];
	s0 =	sadd.s32 $0x1, s0  }
0xa5: {  	p0 =	sne.s32 s0, s7  }
.Ltmp1:
0xa6: {  	_ = 	snop;
	(pc) =	sbr.rel @p0 .LBB2_1-.Ltmp1, $1  }
0xa7: {  	_ =	sdelay $0x3  }
0xa8: {  	_ =	sfence.sel $0x180000  }
0xa9: {  	[bflag:$0x0] =	sbarrier.arrive $0xFFFF  }
0xaa: {  	_ =	strace $0x90000056  }
0xab: {  	s0 =	stileid.u32;
	[bflag:$0x2] =	sbarrier.arrive $0xFFFF  }
0xac: {  	p0 =	sne.s32 s0, $0x0;
	s0 =	rddreg [dreg:$0x2]  }
0xad: {  	s0 =	sadd.s32 @!p0 $0x100000, s0  }
0xae: {  	[sflag:s0] =	ssyncadd.tile.s32 @!p0 $0x1;
	_ =	shalt  }
.Lfunc_end2:
_tile_overlayer_lowered:
.L_overlay_start_2:
0xaf: {  	(tag) =	ssettag $0x2  }
0xb0: {  	s0 =	rddreg [dreg:$0x0];
	s2 =	stileid.u32  }
0xb1: {  	s1 =	rddreg [dreg:$0x1];
	p0 =	sne.s32 s2, $0x0  }
0xb2: {  	s3 =	rddreg [dreg:$0x2];
	[bflag:$0x3] =	sbarrier.arrive $0xFFFF;
	s2 =	simm.s32 @!p0 $0x1C03  }
0xb3: {  	[timem:s3], [sflag:s2] =	dma.local @!p0 [hbm:s0], s1  }
0xb4: {  	s0 =	simm.s32 @!p0 $0x3  }
0xb5: {  	_ =	swait.ge @!p0 [sflag:s0], s1  }
0xb6: {  	s1 =	ssub.s32 @!p0 $0x0, s1;
	[sflag:s0] =	ssyncset.done @!p0 $0x0  }
0xb7: {  	[sflag:s0] =	ssyncadd.s32 @!p0 s1  }
0xb8: {  	[bflag:$0x3] =	sbarrier.arrive $0xFFFF  }
0xb9: {  	_ =	shalt  }

// kernel: kernel.37.cloned.1.call-start
scs
__scs_entry_jumppad:
0x0: {  	(pc) =	sbr.rel $0x88, $3  }
0x1: {  	(tag) =	ssettag $0x0;
	lr =	simm.s32 $0x1  }
0x2: {  	[smem:$0x3F90] =	sst lr;
	_ =	strace $0xD0000000  }
0x3: {  	_ = 	snop  }
0x4: {  	_ = 	snop  }
0x5: {  	_ = 	snop  }
0x6: {  	_ = 	snop  }
0x7: {  	_ = 	snop  }
__scs_overlays_trampoline_lowered:
0x8: {  	[smem:$0x3F9F] =	sst s0  }
0x9: {  	[smem:$0x3FA0] =	sst s1  }
0xa: {  	[smem:$0x3FA1] =	sst s2  }
0xb: {  	[smem:$0x3FA2] =	sst s3  }
0xc: {  	[smem:$0x3FA3] =	sst s4  }
0xd: {  	[smem:$0x3FA4] =	sst s5  }
0xe: {  	[smem:$0x3FA5] =	sst s6  }
0xf: {  	[smem:$0x3FA6] =	sst s7  }
0x10: {  	[smem:$0x3FA7] =	sst s8  }
0x11: {  	[smem:$0x3FA8] =	sst s9;
	s0 =	simm.s32 @!p0 $0x0  }
0x12: {  	s1 =	sld [smem:$0x3F8E];
	s0 =	simm.s32 @p0 $0x1  }
0x13: {  	[smem:$0x3FA9] =	sst s0;
	s0 =	simm.s32 @!p1 $0x0  }
0x14: {  	s2 =	sld [smem:$0x3F8D];
	s0 =	simm.s32 @p1 $0x1  }
0x15: {  	[smem:$0x3FAA] =	sst s0;
	s0 =	simm.s32 @!p2 $0x0  }
0x16: {  	s3 =	sld [smem:$0x3FDB];
	s0 =	simm.s32 @p2 $0x1  }
0x17: {  	s4 =	simm.s32 $0x1BF5;
	[smem:$0x3FAC] =	sst s0  }
0x18: {  	s0 =	sld [smem:$0x3F8F];
	_ =	swait.ge [sflag:s4], $0x0  }
0x19: {  	s7 =	sld [smem:$0x3F90]  }
0x1a: {  	s8 =	sadd.s32 $0xFFFFE003, lr  }
0x1b: {  	s9 =	sadd.s32 $0xFFFFFEF7, lr;
	s5 =	simm.s32 $0xFFFFFFFF;
	p2 =	slt.u32 s8, $0xFFFFF086  }
0x1c: {  	p1 =	slt.u32 s9, $0xF7A;
	s5 =	simm.s32 @!p2 $0x0  }
0x1d: {  	s5 =	simm.s32 @p1 $0x1;
	p0 =	seq.s32 s7, s2  }
0x1e: {  	s7 =	smul.u32 @!p0 $0xF7A, s2;
	p2 =	seq.s32 @!p0 s5, $0x0  }
0x1f: {  	s9 =	smul.u32 $0xF7A, s1;
	s8 =	simm.s32 @!p0 $0x1BF5;
	p2 =	por !p2, p0  }
0x20: {  	[sflag:s8] =	ssyncset.s32 @!p0 $0xFFFFF086;
	s6 =	sadd.s32 @!p0 s3, s7;
	s7 =	simm.s32 @!p0 $0x108  }
0x21: {  	s3 =	sadd.s32 s3, s9;
	s6 =	sadd.s32 @!p0 $0x88, s6;
	s7 =	simm.s32 @p2 $0x1082  }
0x22: {  	[simem:s7], [sflag:s8] =	dma.local @!p0 [hbm:s6], $0xF7A  }
0x23: {  	s9 =	sor.u32 $0xD0000000, s2;
	s6 =	simm.s32 $0x108;
	_ =	swait.ge @!p0 [sflag:s8], $0x0  }
0x24: {  	s3 =	sadd.s32 $0x88, s3;
	s6 =	simm.s32 @!p1 $0x1082;
	[sflag:s4] =	ssyncset.s32 $0xFFFFF086  }
0x25: {  	[simem:s6], [sflag:s4] =	dma.local [hbm:s3], $0xF7A  }
0x26: {  	[smem:$0x3F90] =	sst s1;
	(tag) =	ssettag s2;
	_ =	strace s9  }
0x27: {  	s1 =	sld [smem:$0x3FA0]  }
0x28: {  	s2 =	sld [smem:$0x3FA1]  }
0x29: {  	s4 =	sld [smem:$0x3FA3]  }
0x2a: {  	p0 =	seq.s32 s5, $0x0;
	s5 =	sld [smem:$0x3FA4]  }
0x2b: {  	s6 =	sld [smem:$0x3FA5]  }
0x2c: {  	s7 =	sld [smem:$0x3FA6]  }
0x2d: {  	s3 =	simm.s32 $0x108;
	s8 =	sld [smem:$0x3FA7]  }
0x2e: {  	s3 =	simm.s32 @!p0 $0x1082;
	s9 =	sld [smem:$0x3FA8]  }
0x2f: {  	lr =	sadd.s32 s0, s3;
	s0 =	sld [smem:$0x3F9F]  }
0x30: {  	s3 =	sld [smem:$0x3FA2]  }
0x31: {  	[smem:$0x3FAB] =	sst s10  }
0x32: {  	s10 =	sld [smem:$0x3FA9];
	_ =	sdelay $0x3  }
0x33: {  	p0 =	seq.s32 s10, $0x1;
	s10 =	sld [smem:$0x3FAB];
	_ =	sdelay $0x3  }
0x34: {  	[smem:$0x3FAB] =	sst s10  }
0x35: {  	s10 =	sld [smem:$0x3FAA];
	_ =	sdelay $0x3  }
0x36: {  	p1 =	seq.s32 s10, $0x1;
	s10 =	sld [smem:$0x3FAB];
	_ =	sdelay $0x3  }
0x37: {  	[smem:$0x3FAB] =	sst s10  }
0x38: {  	s10 =	sld [smem:$0x3FAC]  }
0x39: {  	_ = 	snop;
	(pc) =	sbr.ind lr, $3  }
0x3a: {  	_ = 	snop  }
0x3b: {  	_ = 	snop  }
0x3c: {  	p2 =	seq.s32 s10, $0x1;
	s10 =	sld [smem:$0x3FAB]  }
0x3d: {  	_ =	shalt  }
0x3e: {  	_ =	shalt  }
0x3f: {  	_ =	shalt  }
0x40: {  	_ =	shalt  }
0x41: {  	_ =	shalt  }
0x42: {  	_ =	shalt  }
0x43: {  	_ =	shalt  }
0x44: {  	_ =	shalt  }
0x45: {  	_ =	shalt  }
0x46: {  	_ =	shalt  }
0x47: {  	_ =	shalt  }
0x48: {  	_ =	shalt  }
0x49: {  	_ =	shalt  }
0x4a: {  	_ =	shalt  }
0x4b: {  	_ =	shalt  }
0x4c: {  	_ =	shalt  }
0x4d: {  	_ =	shalt  }
0x4e: {  	_ =	shalt  }
0x4f: {  	_ =	shalt  }
0x50: {  	_ =	shalt  }
0x51: {  	_ =	shalt  }
0x52: {  	_ =	shalt  }
0x53: {  	_ =	shalt  }
0x54: {  	_ =	shalt  }
0x55: {  	_ =	shalt  }
0x56: {  	_ =	shalt  }
0x57: {  	_ =	shalt  }
0x58: {  	_ =	shalt  }
0x59: {  	_ =	shalt  }
0x5a: {  	_ =	shalt  }
0x5b: {  	_ =	shalt  }
0x5c: {  	_ =	shalt  }
0x5d: {  	_ =	shalt  }
0x5e: {  	_ =	shalt  }
0x5f: {  	_ =	shalt  }
0x60: {  	_ =	shalt  }
0x61: {  	_ =	shalt  }
0x62: {  	_ =	shalt  }
0x63: {  	_ =	shalt  }
0x64: {  	_ =	shalt  }
0x65: {  	_ =	shalt  }
0x66: {  	_ =	shalt  }
0x67: {  	_ =	shalt  }
0x68: {  	_ =	shalt  }
0x69: {  	_ =	shalt  }
0x6a: {  	_ =	shalt  }
0x6b: {  	_ =	shalt  }
0x6c: {  	_ =	shalt  }
0x6d: {  	_ =	shalt  }
0x6e: {  	_ =	shalt  }
0x6f: {  	_ =	shalt  }
0x70: {  	_ =	shalt  }
0x71: {  	_ =	shalt  }
0x72: {  	_ =	shalt  }
0x73: {  	_ =	shalt  }
0x74: {  	_ =	shalt  }
0x75: {  	_ =	shalt  }
0x76: {  	_ =	shalt  }
0x77: {  	_ =	shalt  }
0x78: {  	_ =	shalt  }
0x79: {  	_ =	shalt  }
0x7a: {  	_ =	shalt  }
0x7b: {  	_ =	shalt  }
0x7c: {  	_ =	shalt  }
0x7d: {  	_ =	shalt  }
0x7e: {  	_ =	shalt  }
0x7f: {  	_ =	shalt  }
0x80: {  	_ =	shalt  }
0x81: {  	_ =	shalt  }
0x82: {  	_ =	shalt  }
0x83: {  	_ =	shalt  }
0x84: {  	_ =	shalt  }
0x85: {  	_ =	shalt  }
0x86: {  	_ =	shalt  }
0x87: {  	_ =	shalt  }
.Lfunc_end0:
.L_simem_size_0:
called_computation.6_lowered:
.L_overlay_start_0:
0x88: {  	s2 =	sld [smem:$0x3FD9]  }
0x89: {  	s3 =	sld [smem:$0x3FFE];
	_ =	sdelay $0x1  }
0x8a: {  	s1 =	srdreg.scid  }
0x8b: {  	s0 =	sand.u32 $0x1, s1  }
0x8c: {  	s17 =	sshll.u32 s0, $0xA;
	s2 =	sadd.s32 s3, s2  }
0x8d: {  	s2 =	sadd.s32 s2, s17  }
0x8e: {  	[smem:$0x3FB7] =	sst s2  }
0x8f: {  	_ = 	snop  }
0x90: {  	s2 =	sld [smem:$0x3FD0];
	(tm) =	ssettm $0x1  }
0x91: {  	s18 =	sld [smem:$0x3FFB];
	_ =	sdelay $0x3  }
0x92: {  	_ =	strace s18  }
0x93: {  	s3 =	sld [smem:$0x3FFC];
	_ =	sdelay $0x3  }
0x94: {  	_ =	strace s3  }
0x95: {  	s3 =	sld [smem:$0x3FFD];
	_ =	sdelay $0x3  }
0x96: {  	_ =	strace s3  }
0x97: {  	_ =	strace $0x8FFFFFFF  }
0x98: {  	s19 =	sld [smem:$0x3FDB];
	_ =	sdelay $0x1  }
0x99: {  	s4 =	simm.s32 $_scs_section_size  }
0x9a: {  	s5 =	simm.s32 $_size__tile_overlayer_lowered;
	s6 =	simm.s32 $_tile_overlayer_lowered  }
0x9b: {  	s22 =	simm.s32 $0x1BFF;
	s21 =	sshll.u32 s6, $0x1;
	s3 =	sadd.s32 s4, s19  }
0x9c: {  	s7 =	simm.s32 $0x0;
	s20 =	sshll.u32 s5, $0x1;
	s5 =	sadd.s32 s21, s3  }
0x9d: {  	[timem:s7], [sflag:s22] =	dma.local [hbm:s5], s20  }
0x9e: {  	_ =	swait.ge [sflag:s22], s20  }
0x9f: {  	s4 =	ssub.s32 $0x0, s20;
	[sflag:s22] =	ssyncset.done $0x0  }
0xa0: {  	[sflag:s22] =	ssyncadd.s32 s4;
	_ =	sdelay $0x1  }
0xa1: {  	s23 =	simm.s32 $0x1B8B  }
0xa2: {  	_ =	swait.ge [sflag:s23], $0x1  }
0xa3: {  	[sflag:s23] =	ssyncset.done $0x0  }
0xa4: {  	s25 =	simm.s32 $0x1B8E;
	s24 =	sld [smem:$0x3FFE];
	[sflag:s23] =	ssyncadd.s32 $0xFFFFFFFF  }
0xa5: {  	s26 =	simm.s32 $execute0_lowered;
	[smem:$0x3FD2] =	sst s25  }
0xa6: {  	s5 =	sshll.u32 s26, $0x1;
	_ =	strace $0x80000058;
	[dreg:$0x1] =	wrdreg $0xFFFFFFFF  }
0xa7: {  	s28 =	simm.s32 $_size_execute0_lowered;
	s3 =	sadd.s32 s3, s5;
	[dreg:$0x0] =	wrdreg $0x0  }
0xa8: {  	s5 =	sshll.u32 s28, $0x1;
	[dreg:$0x2] =	wrdreg s3  }
0xa9: {  	[dreg:$0x3] =	wrdreg s5  }
0xaa: {  	[dreg:$0x4] =	wrdreg $0xC0  }
0xab: {  	_ =	task [dreg:s7], $0x5FFFF  }
0xac: {  	[dreg:$0x1] =	wrdreg $0xFFFFFFFF  }
0xad: {  	[dreg:$0x0] =	wrdreg $0x60  }
0xae: {  	[dreg:$0x2] =	wrdreg s24  }
0xaf: {  	[dreg:$0x3] =	wrdreg s2  }
0xb0: {  	[dreg:$0x4] =	wrdreg $0x9  }
0xb1: {  	_ =	task.clear_ibuf [dreg:s7], $0x5FFFF;
	_ =	strace $0x90000058  }
0xb2: {  	s29 =	simm.s32 $0x9;
	_ =	strace $0x8000005A  }
0xb3: {  	_ =	swait.ge [sflag:s29], $0x1  }
0xb4: {  	[sflag:s29] =	ssyncadd.s32 $0xFFFFFFFF  }
0xb5: {  	_ =	strace $0x9000005A  }
0xb6: {  	_ =	sfence  }
0xb7: {  	s30 =	sld [smem:$0x0];
	_ =	sdelay $0x2  }
0xb8: {  	s31 =	sshll.u32 s1, $0xD;
	s1 =	sshrl.u32 s1, $0x2  }
0xb9: {  	s3 =	sand.u32 $0x4000, s31;
	s1 =	sadd.s32 s1, s30  }
0xba: {  	s0 =	sor.u32 s3, s0;
	s1 =	sshll.u32 s1, $0x11  }
0xbb: {  	s0 =	sor.u32 s1, s0  }
0xbc: {  	s0 =	sadd.s32 $0x8F2B, s0  }
0xbd: {  	[sflag:s0] =	ssyncadd.remote.s32 $0x1  }
0xbe: {  	_ =	sfence.sel $0xFFFF  }
0xbf: {  	[dreg:$0x0] =	wrdreg $0xFFFFFFFF;
	(pc) =	sbr.abs _section_cstart, $3  }
0xc0: {  	[dreg:$0x1] =	wrdreg $0xFFFFFFFF  }
0xc1: {  	_ =	task.clear_ibuf [dreg:s7], $0x2FFFF;
	_ =	strace $0x9FFFFFFF  }
0xc2: {  	(tm) =	ssettm $0x7FFFFFFF  }
0xc3: {  	_ =	shalt  }
tec
execute0_lowered:
.L_overlay_start_1:
0x0: {  	(tag) =	ssettag $0x1  }
0x1: {  	s4 =	rddreg [dreg:$0x0]  }
0x2: {  	s5 =	rddreg [dreg:$0x1]  }
0x3: {  	s0 =	rddreg [dreg:$0x2];
	s3 =	srdreg.scid  }
0x4: {  	s2 =	simm.s32 $0x0;
	s1 =	stileid.u32;
	s10 =	simm.s32 $0x4800  }
0x5: {  	s11 =	simm.s32 $0x1;
	s12 =	simm.s32 $0x2;
	s13 =	simm.s32 $0x0  }
0x6: {  	s6 =	sand.u32 $0x1, s3;
	[smem:$0x7FF] =	sst s2;
	s29 =	sshll.u32 s1, $0xC  }
0x7: {  	s3 =	sadd.s32 $0x6F000, s4;
	s31 =	sshll.u32 s1, $0x10;
	s7 =	sshll.u32 s6, $0xB  }
0x8: {  	_ =	strace $0x80000059;
	s8 =	ssub.s32 $0x2, s6;
	s7 =	sor.u32 s7, s29  }
0x9: {  	s6 =	sshll.u32 s6, $0xF;
	s9 =	sshrl.u32 s8, $0x1;
	s7 =	sshrl.u32 s7, $0x3  }
0xa: {  	s30 =	ssub.s32 s8, s9;
	s8 =	sadd.s32 s31, s5;
	s9 =	simm.s32 $0x800  }
0xb: {  	s4 =	sadd.s32 s7, s4;
	s5 =	smax.u32 s30, $0x1;
	s6 =	sadd.s32 s6, s8  }
0xc: {  	s7 =	simm.s32 $0x3;
	s8 =	simm.s32 $0x80;
	s4 =	sadd.s32 $0x67000, s4  }
.LBB2_1:
0xd: {  	[tilespmem:s2], [sflag:$0x3] =	stream.linear.gather [hbm4b:s4+s2], $0x800, $0x38;
	[tilespmem:$0x8800] =	vst v63  }
0xe: {  	_ =	swait.ge [sflag:s7], $0x800  }
0xf: {  	[sflag:s7] =	ssyncset.done $0x0  }
0x10: {  	s14 =	simm.s32 $0x0;
	[sflag:s7] =	ssyncadd.s32 $0xFFFFF800  }
0x11: {  	[tilespmem:s9], [sflag:$0x1] =	stream.indirect.gather [hbm4b:s3+s8], $0x80, s14, s8, $0xb8;
	[tilespmem:$0x8800] =	vst v63  }
0x12: {  	s30 =	simm.s32 $0x80  }
0x13: {  	[tilespmem:s10], [sflag:$0x2] =	stream.indirect.gather [hbm4b:s3+s8], $0x80, s30, s8, $0xb8;
	[tilespmem:$0x8800] =	vst v63  }
0x14: {  	_ =	swait.ge [sflag:s11], $0x4000  }
0x15: {  	[sflag:s11] =	ssyncset.done $0x0  }
0x16: {  	[sflag:s11] =	ssyncadd.s32 $0xFFFFC000  }
0x17: {  	[hbm4b:s6+s2] =	stream.linear.scatter [tilespmem:s9], [sflag:$0x3], $0x4000, $0x38;
	[tilespmem:$0x8800] =	vst v63  }
0x18: {  	_ =	swait.ge [sflag:s7], $0x4000  }
0x19: {  	[sflag:s7] =	ssyncset.done $0x0  }
0x1a: {  	[sflag:s7] =	ssyncadd.s32 $0xFFFFC000  }
0x1b: {  	_ =	swait.ge [sflag:s12], $0x4000  }
0x1c: {  	[sflag:s12] =	ssyncset.done $0x0  }
0x1d: {  	s31 =	sadd.s32 $0x800, s6;
	[sflag:s12] =	ssyncadd.s32 $0xFFFFC000  }
0x1e: {  	[hbm4b:s31+s2] =	stream.linear.scatter [tilespmem:s10], [sflag:$0x3], $0x4000, $0x38;
	[tilespmem:$0x8800] =	vst v63  }
0x1f: {  	s15 =	simm.s32 $0x400;
	_ =	swait.ge [sflag:s7], $0x4000  }
0x20: {  	s16 =	simm.s32 $0x800;
	s14 =	sadd.s32 $0x1000, s6;
	[sflag:s7] =	ssyncset.done $0x0  }
.LBB2_2:
0x21: {  	s17 =	sshra.s32 s15, $0x2  }
0x22: {  	[sflag:s7] =	ssyncadd.s32 $0xFFFFC000;
	s15 =	smov.u32 s16;
	s18 =	sadd.s32 $0x400, s16  }
0x23: {  	[tilespmem:s9], [sflag:$0x1] =	stream.indirect.gather [hbm4b:s3+s8], $0x80, s17, s8, $0xb8;
	[tilespmem:$0x8800] =	vst v63  }
0x24: {  	p0 =	sne.s32 s16, $0x1C00;
	s16 =	sadd.s32 $0x80, s17  }
0x25: {  	[tilespmem:s10], [sflag:$0x2] =	stream.indirect.gather [hbm4b:s3+s8], $0x80, s16, s8, $0xb8;
	[tilespmem:$0x8800] =	vst v63  }
0x26: {  	_ =	swait.ge [sflag:s11], $0x4000  }
0x27: {  	[sflag:s11] =	ssyncset.done $0x0  }
0x28: {  	[sflag:s11] =	ssyncadd.s32 $0xFFFFC000  }
0x29: {  	[hbm4b:s14+s2] =	stream.linear.scatter [tilespmem:s9], [sflag:$0x3], $0x4000, $0x38;
	[tilespmem:$0x8800] =	vst v63  }
0x2a: {  	_ =	swait.ge [sflag:s7], $0x4000  }
0x2b: {  	[sflag:s7] =	ssyncset.done $0x0  }
0x2c: {  	[sflag:s7] =	ssyncadd.s32 $0xFFFFC000  }
0x2d: {  	_ =	swait.ge [sflag:s12], $0x4000  }
.Ltmp0:
0x2e: {  	[sflag:s12] =	ssyncset.done $0x0;
	(pc) =	sbr.rel @p0 .LBB2_2-.Ltmp0, $4  }
0x2f: {  	s16 =	sadd.s32 $0x800, s14;
	[sflag:s12] =	ssyncadd.s32 $0xFFFFC000  }
0x30: {  	[hbm4b:s16+s2] =	stream.linear.scatter [tilespmem:s10], [sflag:$0x3], $0x4000, $0x38;
	[tilespmem:$0x8800] =	vst v63  }
0x31: {  	_ =	swait.ge [sflag:s7], $0x4000  }
0x32: {  	s14 =	sadd.s32 $0x1000, s14;
	s16 =	smov.u32 s18;
	[sflag:s7] =	ssyncset.done $0x0  }
0x33: {  	s15 =	sshra.s32 s15, $0x2;
	[sflag:s7] =	ssyncadd.s32 $0xFFFFC000  }
0x34: {  	[tilespmem:s9], [sflag:$0x1] =	stream.indirect.gather [hbm4b:s3+s8], $0x80, s15, s8, $0xb8;
	[tilespmem:$0x8800] =	vst v63  }
0x35: {  	s15 =	sadd.s32 $0x80, s15  }
0x36: {  	[tilespmem:s10], [sflag:$0x2] =	stream.indirect.gather [hbm4b:s3+s8], $0x80, s15, s8, $0xb8;
	[tilespmem:$0x8800] =	vst v63  }
0x37: {  	_ =	swait.ge [sflag:s11], $0x4000  }
0x38: {  	[sflag:s11] =	ssyncset.done $0x0  }
0x39: {  	[sflag:s11] =	ssyncadd.s32 $0xFFFFC000  }
0x3a: {  	[hbm4b:s14+s2] =	stream.linear.scatter [tilespmem:s9], [sflag:$0x3], $0x4000, $0x38;
	[tilespmem:$0x8800] =	vst v63  }
0x3b: {  	_ =	swait.ge [sflag:s7], $0x4000  }
0x3c: {  	[sflag:s7] =	ssyncset.done $0x0  }
0x3d: {  	[sflag:s7] =	ssyncadd.s32 $0xFFFFC000  }
0x3e: {  	s13 =	sadd.s32 $0x1, s13;
	_ =	swait.ge [sflag:s12], $0x4000  }
0x3f: {  	p0 =	sne.s32 s13, s5;
	[sflag:s12] =	ssyncset.done $0x0  }
.Ltmp1:
0x40: {  	s31 =	sadd.s32 $0x800, s14;
	[sflag:s12] =	ssyncadd.s32 $0xFFFFC000;
	(pc) =	sbr.rel @p0 .LBB2_1-.Ltmp1, $4  }
0x41: {  	[hbm4b:s31+s2] =	stream.linear.scatter [tilespmem:s10], [sflag:$0x3], $0x4000, $0x38;
	[tilespmem:$0x8800] =	vst v63  }
0x42: {  	_ =	swait.ge [sflag:s7], $0x4000  }
0x43: {  	[sflag:s7] =	ssyncset.done $0x0  }
0x44: {  	[sflag:s7] =	ssyncadd.s32 $0xFFFFC000  }
0x45: {  	_ =	sfence.sel $0x180000  }
0x46: {  	[bflag:$0x0] =	sbarrier.arrive $0xFFFF  }
0x47: {  	p0 =	sne.s32 s1, $0x0;
	_ =	strace $0x90000059  }
0x48: {  	s0 =	sadd.s32 @!p0 $0x100000, s0;
	[bflag:$0x2] =	sbarrier.arrive $0xFFFF  }
0x49: {  	[sflag:s0] =	ssyncadd.tile.s32 @!p0 $0x1;
	_ =	shalt  }
.Lfunc_end2:
_tile_overlayer_lowered:
.L_overlay_start_2:
0x4a: {  	(tag) =	ssettag $0x2  }
0x4b: {  	s0 =	rddreg [dreg:$0x0];
	s2 =	stileid.u32  }
0x4c: {  	s1 =	rddreg [dreg:$0x1];
	p0 =	sne.s32 s2, $0x0  }
0x4d: {  	s3 =	rddreg [dreg:$0x2];
	[bflag:$0x3] =	sbarrier.arrive $0xFFFF;
	s2 =	simm.s32 @!p0 $0x1C03  }
0x4e: {  	[timem:s3], [sflag:s2] =	dma.local @!p0 [hbm:s0], s1  }
0x4f: {  	s0 =	simm.s32 @!p0 $0x3  }
0x50: {  	_ =	swait.ge @!p0 [sflag:s0], s1  }
0x51: {  	s1 =	ssub.s32 @!p0 $0x0, s1;
	[sflag:s0] =	ssyncset.done @!p0 $0x0  }
0x52: {  	[sflag:s0] =	ssyncadd.s32 @!p0 s1  }
0x53: {  	[bflag:$0x3] =	sbarrier.arrive $0xFFFF  }
0x54: {  	_ =	shalt  }

// kernel: kernel.40.cloned.1.call-start
scs
__scs_entry_jumppad:
0x0: {  	(pc) =	sbr.rel $0x88, $3  }
0x1: {  	(tag) =	ssettag $0x0;
	lr =	simm.s32 $0x1  }
0x2: {  	[smem:$0x3F90] =	sst lr;
	_ =	strace $0xD0000000  }
0x3: {  	_ = 	snop  }
0x4: {  	_ = 	snop  }
0x5: {  	_ = 	snop  }
0x6: {  	_ = 	snop  }
0x7: {  	_ = 	snop  }
__scs_overlays_trampoline_lowered:
0x8: {  	[smem:$0x3F9F] =	sst s0  }
0x9: {  	[smem:$0x3FA0] =	sst s1  }
0xa: {  	[smem:$0x3FA1] =	sst s2  }
0xb: {  	[smem:$0x3FA2] =	sst s3  }
0xc: {  	[smem:$0x3FA3] =	sst s4  }
0xd: {  	[smem:$0x3FA4] =	sst s5  }
0xe: {  	[smem:$0x3FA5] =	sst s6  }
0xf: {  	[smem:$0x3FA6] =	sst s7  }
0x10: {  	[smem:$0x3FA7] =	sst s8  }
0x11: {  	[smem:$0x3FA8] =	sst s9;
	s0 =	simm.s32 @!p0 $0x0  }
0x12: {  	s1 =	sld [smem:$0x3F8E];
	s0 =	simm.s32 @p0 $0x1  }
0x13: {  	[smem:$0x3FA9] =	sst s0;
	s0 =	simm.s32 @!p1 $0x0  }
0x14: {  	s2 =	sld [smem:$0x3F8D];
	s0 =	simm.s32 @p1 $0x1  }
0x15: {  	[smem:$0x3FAA] =	sst s0;
	s0 =	simm.s32 @!p2 $0x0  }
0x16: {  	s3 =	sld [smem:$0x3FDB];
	s0 =	simm.s32 @p2 $0x1  }
0x17: {  	s4 =	simm.s32 $0x1BF5;
	[smem:$0x3FAC] =	sst s0  }
0x18: {  	s0 =	sld [smem:$0x3F8F];
	_ =	swait.ge [sflag:s4], $0x0  }
0x19: {  	s7 =	sld [smem:$0x3F90]  }
0x1a: {  	s8 =	sadd.s32 $0xFFFFE003, lr  }
0x1b: {  	s9 =	sadd.s32 $0xFFFFFEF7, lr;
	s5 =	simm.s32 $0xFFFFFFFF;
	p2 =	slt.u32 s8, $0xFFFFF086  }
0x1c: {  	p1 =	slt.u32 s9, $0xF7A;
	s5 =	simm.s32 @!p2 $0x0  }
0x1d: {  	s5 =	simm.s32 @p1 $0x1;
	p0 =	seq.s32 s7, s2  }
0x1e: {  	s7 =	smul.u32 @!p0 $0xF7A, s2;
	p2 =	seq.s32 @!p0 s5, $0x0  }
0x1f: {  	s9 =	smul.u32 $0xF7A, s1;
	s8 =	simm.s32 @!p0 $0x1BF5;
	p2 =	por !p2, p0  }
0x20: {  	[sflag:s8] =	ssyncset.s32 @!p0 $0xFFFFF086;
	s6 =	sadd.s32 @!p0 s3, s7;
	s7 =	simm.s32 @!p0 $0x108  }
0x21: {  	s3 =	sadd.s32 s3, s9;
	s6 =	sadd.s32 @!p0 $0x88, s6;
	s7 =	simm.s32 @p2 $0x1082  }
0x22: {  	[simem:s7], [sflag:s8] =	dma.local @!p0 [hbm:s6], $0xF7A  }
0x23: {  	s9 =	sor.u32 $0xD0000000, s2;
	s6 =	simm.s32 $0x108;
	_ =	swait.ge @!p0 [sflag:s8], $0x0  }
0x24: {  	s3 =	sadd.s32 $0x88, s3;
	s6 =	simm.s32 @!p1 $0x1082;
	[sflag:s4] =	ssyncset.s32 $0xFFFFF086  }
0x25: {  	[simem:s6], [sflag:s4] =	dma.local [hbm:s3], $0xF7A  }
0x26: {  	[smem:$0x3F90] =	sst s1;
	(tag) =	ssettag s2;
	_ =	strace s9  }
0x27: {  	s1 =	sld [smem:$0x3FA0]  }
0x28: {  	s2 =	sld [smem:$0x3FA1]  }
0x29: {  	s4 =	sld [smem:$0x3FA3]  }
0x2a: {  	p0 =	seq.s32 s5, $0x0;
	s5 =	sld [smem:$0x3FA4]  }
0x2b: {  	s6 =	sld [smem:$0x3FA5]  }
0x2c: {  	s7 =	sld [smem:$0x3FA6]  }
0x2d: {  	s3 =	simm.s32 $0x108;
	s8 =	sld [smem:$0x3FA7]  }
0x2e: {  	s3 =	simm.s32 @!p0 $0x1082;
	s9 =	sld [smem:$0x3FA8]  }
0x2f: {  	lr =	sadd.s32 s0, s3;
	s0 =	sld [smem:$0x3F9F]  }
0x30: {  	s3 =	sld [smem:$0x3FA2]  }
0x31: {  	[smem:$0x3FAB] =	sst s10  }
0x32: {  	s10 =	sld [smem:$0x3FA9];
	_ =	sdelay $0x3  }
0x33: {  	p0 =	seq.s32 s10, $0x1;
	s10 =	sld [smem:$0x3FAB];
	_ =	sdelay $0x3  }
0x34: {  	[smem:$0x3FAB] =	sst s10  }
0x35: {  	s10 =	sld [smem:$0x3FAA];
	_ =	sdelay $0x3  }
0x36: {  	p1 =	seq.s32 s10, $0x1;
	s10 =	sld [smem:$0x3FAB];
	_ =	sdelay $0x3  }
0x37: {  	[smem:$0x3FAB] =	sst s10  }
0x38: {  	s10 =	sld [smem:$0x3FAC]  }
0x39: {  	_ = 	snop;
	(pc) =	sbr.ind lr, $3  }
0x3a: {  	_ = 	snop  }
0x3b: {  	_ = 	snop  }
0x3c: {  	p2 =	seq.s32 s10, $0x1;
	s10 =	sld [smem:$0x3FAB]  }
0x3d: {  	_ =	shalt  }
0x3e: {  	_ =	shalt  }
0x3f: {  	_ =	shalt  }
0x40: {  	_ =	shalt  }
0x41: {  	_ =	shalt  }
0x42: {  	_ =	shalt  }
0x43: {  	_ =	shalt  }
0x44: {  	_ =	shalt  }
0x45: {  	_ =	shalt  }
0x46: {  	_ =	shalt  }
0x47: {  	_ =	shalt  }
0x48: {  	_ =	shalt  }
0x49: {  	_ =	shalt  }
0x4a: {  	_ =	shalt  }
0x4b: {  	_ =	shalt  }
0x4c: {  	_ =	shalt  }
0x4d: {  	_ =	shalt  }
0x4e: {  	_ =	shalt  }
0x4f: {  	_ =	shalt  }
0x50: {  	_ =	shalt  }
0x51: {  	_ =	shalt  }
0x52: {  	_ =	shalt  }
0x53: {  	_ =	shalt  }
0x54: {  	_ =	shalt  }
0x55: {  	_ =	shalt  }
0x56: {  	_ =	shalt  }
0x57: {  	_ =	shalt  }
0x58: {  	_ =	shalt  }
0x59: {  	_ =	shalt  }
0x5a: {  	_ =	shalt  }
0x5b: {  	_ =	shalt  }
0x5c: {  	_ =	shalt  }
0x5d: {  	_ =	shalt  }
0x5e: {  	_ =	shalt  }
0x5f: {  	_ =	shalt  }
0x60: {  	_ =	shalt  }
0x61: {  	_ =	shalt  }
0x62: {  	_ =	shalt  }
0x63: {  	_ =	shalt  }
0x64: {  	_ =	shalt  }
0x65: {  	_ =	shalt  }
0x66: {  	_ =	shalt  }
0x67: {  	_ =	shalt  }
0x68: {  	_ =	shalt  }
0x69: {  	_ =	shalt  }
0x6a: {  	_ =	shalt  }
0x6b: {  	_ =	shalt  }
0x6c: {  	_ =	shalt  }
0x6d: {  	_ =	shalt  }
0x6e: {  	_ =	shalt  }
0x6f: {  	_ =	shalt  }
0x70: {  	_ =	shalt  }
0x71: {  	_ =	shalt  }
0x72: {  	_ =	shalt  }
0x73: {  	_ =	shalt  }
0x74: {  	_ =	shalt  }
0x75: {  	_ =	shalt  }
0x76: {  	_ =	shalt  }
0x77: {  	_ =	shalt  }
0x78: {  	_ =	shalt  }
0x79: {  	_ =	shalt  }
0x7a: {  	_ =	shalt  }
0x7b: {  	_ =	shalt  }
0x7c: {  	_ =	shalt  }
0x7d: {  	_ =	shalt  }
0x7e: {  	_ =	shalt  }
0x7f: {  	_ =	shalt  }
0x80: {  	_ =	shalt  }
0x81: {  	_ =	shalt  }
0x82: {  	_ =	shalt  }
0x83: {  	_ =	shalt  }
0x84: {  	_ =	shalt  }
0x85: {  	_ =	shalt  }
0x86: {  	_ =	shalt  }
0x87: {  	_ =	shalt  }
.Lfunc_end0:
.L_simem_size_0:
called_computation.7_lowered:
.L_overlay_start_0:
0x88: {  	s2 =	sld [smem:$0x3FD9]  }
0x89: {  	s3 =	sld [smem:$0x3FFE];
	_ =	sdelay $0x1  }
0x8a: {  	s1 =	srdreg.scid  }
0x8b: {  	s0 =	sand.u32 $0x1, s1  }
0x8c: {  	s17 =	sshll.u32 s0, $0xA;
	s2 =	sadd.s32 s3, s2  }
0x8d: {  	s2 =	sadd.s32 s2, s17  }
0x8e: {  	[smem:$0x3FB7] =	sst s2  }
0x8f: {  	_ = 	snop  }
0x90: {  	s2 =	sld [smem:$0x3FD0];
	(tm) =	ssettm $0x1  }
0x91: {  	s18 =	sld [smem:$0x3FFB];
	_ =	sdelay $0x3  }
0x92: {  	_ =	strace s18  }
0x93: {  	s3 =	sld [smem:$0x3FFC];
	_ =	sdelay $0x3  }
0x94: {  	_ =	strace s3  }
0x95: {  	s3 =	sld [smem:$0x3FFD];
	_ =	sdelay $0x3  }
0x96: {  	_ =	strace s3  }
0x97: {  	_ =	strace $0x8FFFFFFF  }
0x98: {  	s19 =	sld [smem:$0x3FDB];
	_ =	sdelay $0x1  }
0x99: {  	s4 =	simm.s32 $_scs_section_size  }
0x9a: {  	s5 =	simm.s32 $_size__tile_overlayer_lowered;
	s6 =	simm.s32 $_tile_overlayer_lowered  }
0x9b: {  	s22 =	simm.s32 $0x1BFF;
	s21 =	sshll.u32 s6, $0x1;
	s3 =	sadd.s32 s4, s19  }
0x9c: {  	s7 =	simm.s32 $0x0;
	s20 =	sshll.u32 s5, $0x1;
	s5 =	sadd.s32 s21, s3  }
0x9d: {  	[timem:s7], [sflag:s22] =	dma.local [hbm:s5], s20  }
0x9e: {  	_ =	swait.ge [sflag:s22], s20  }
0x9f: {  	s4 =	ssub.s32 $0x0, s20;
	[sflag:s22] =	ssyncset.done $0x0  }
0xa0: {  	[sflag:s22] =	ssyncadd.s32 s4;
	_ =	sdelay $0x1  }
0xa1: {  	s23 =	simm.s32 $0x1B8B  }
0xa2: {  	_ =	swait.ge [sflag:s23], $0x1  }
0xa3: {  	[sflag:s23] =	ssyncset.done $0x0  }
0xa4: {  	s25 =	simm.s32 $0x1B8E;
	s24 =	sld [smem:$0x3FFE];
	[sflag:s23] =	ssyncadd.s32 $0xFFFFFFFF  }
0xa5: {  	s26 =	simm.s32 $execute0_lowered;
	[smem:$0x3FD2] =	sst s25  }
0xa6: {  	s5 =	sshll.u32 s26, $0x1;
	_ =	strace $0x8000005B;
	[dreg:$0x1] =	wrdreg $0xFFFFFFFF  }
0xa7: {  	s28 =	simm.s32 $_size_execute0_lowered;
	s3 =	sadd.s32 s3, s5;
	[dreg:$0x0] =	wrdreg $0x0  }
0xa8: {  	s5 =	sshll.u32 s28, $0x1;
	[dreg:$0x2] =	wrdreg s3  }
0xa9: {  	[dreg:$0x3] =	wrdreg s5  }
0xaa: {  	[dreg:$0x4] =	wrdreg $0xC0  }
0xab: {  	_ =	task [dreg:s7], $0x5FFFF  }
0xac: {  	[dreg:$0x1] =	wrdreg $0xFFFFFFFF  }
0xad: {  	[dreg:$0x0] =	wrdreg $0x60  }
0xae: {  	[dreg:$0x2] =	wrdreg s24  }
0xaf: {  	[dreg:$0x3] =	wrdreg s2  }
0xb0: {  	[dreg:$0x4] =	wrdreg $0x9  }
0xb1: {  	_ =	task.clear_ibuf [dreg:s7], $0x5FFFF;
	_ =	strace $0x9000005B  }
0xb2: {  	s29 =	simm.s32 $0x9;
	_ =	strace $0x8000005D  }
0xb3: {  	_ =	swait.ge [sflag:s29], $0x1  }
0xb4: {  	[sflag:s29] =	ssyncadd.s32 $0xFFFFFFFF  }
0xb5: {  	_ =	strace $0x9000005D  }
0xb6: {  	_ =	sfence  }
0xb7: {  	s30 =	sld [smem:$0x0];
	_ =	sdelay $0x2  }
0xb8: {  	s31 =	sshll.u32 s1, $0xD;
	s1 =	sshrl.u32 s1, $0x2  }
0xb9: {  	s3 =	sand.u32 $0x4000, s31;
	s1 =	sadd.s32 s1, s30  }
0xba: {  	s0 =	sor.u32 s3, s0;
	s1 =	sshll.u32 s1, $0x11  }
0xbb: {  	s0 =	sor.u32 s1, s0  }
0xbc: {  	s0 =	sadd.s32 $0x8F2B, s0  }
0xbd: {  	[sflag:s0] =	ssyncadd.remote.s32 $0x1  }
0xbe: {  	_ =	sfence.sel $0xFFFF  }
0xbf: {  	[dreg:$0x0] =	wrdreg $0xFFFFFFFF;
	(pc) =	sbr.abs _section_cstart, $3  }
0xc0: {  	[dreg:$0x1] =	wrdreg $0xFFFFFFFF  }
0xc1: {  	_ =	task.clear_ibuf [dreg:s7], $0x2FFFF;
	_ =	strace $0x9FFFFFFF  }
0xc2: {  	(tm) =	ssettm $0x7FFFFFFF  }
0xc3: {  	_ =	shalt  }
tec
execute0_lowered:
.L_overlay_start_1:
0x0: {  	(tag) =	ssettag $0x1  }
0x1: {  	s1 =	srdreg.scid;
	s0 =	stileid.u32  }
0x2: {  	s5 =	rddreg [dreg:$0x0];
	s20 =	sand.u32 $0x1, s1;
	s31 =	sshll.u32 s0, $0x1  }
0x3: {  	s12 =	rddreg [dreg:$0x1];
	s11 =	sor.u32 s20, s31  }
0x4: {  	s2 =	simm.s32 $0x0;
	s1 =	rddreg [dreg:$0x2];
	s3 =	sshll.u32 s11, $0x7  }
0x5: {  	[smem:$0x7FF] =	sst s2;
	s3 =	sadd.s32 s3, s5  }
0x6: {  	_ =	strace $0x8000005C;
	s4 =	sadd.s32 $0x2E00, s3;
	s3 =	simm.s32 $0x3  }
0x7: {  	[tilespmem:s2], [sflag:$0x3] =	stream.linear.gather [hbm4b:s4+s2], $0x300, $0x38;
	[tilespmem:$0x8400] =	vst v63  }
0x8: {  	_ =	swait.ge [sflag:s3], $0x300  }
0x9: {  	s6 =	simm.s32 $0x80;
	[sflag:s3] =	ssyncset.done $0x0  }
0xa: {  	s7 =	simm.s32 $0x400;
	s5 =	sadd.s32 $0x3E00, s5;
	[sflag:s3] =	ssyncadd.s32 $0xFFFFFD00  }
0xb: {  	[tilespmem:s7], [sflag:$0x1] =	stream.indirect.gather [hbm4b:s5+s6], $0x80, s2, s6, $0xb8;
	[tilespmem:$0x8400] =	vst v63  }
0xc: {  	s8 =	simm.s32 $0x4400;
	s9 =	simm.s32 $0x1;
	s10 =	smul.u32 $0x18000, s11  }
0xd: {  	[tilespmem:s8], [sflag:$0x2] =	stream.indirect.gather [hbm4b:s5+s6], $0x80, s6, s6, $0xb8;
	[tilespmem:$0x8400] =	vst v63  }
0xe: {  	_ =	swait.ge [sflag:s9], $0x4000  }
0xf: {  	s10 =	sshrl.u32 s10, $0x3;
	[sflag:s9] =	ssyncset.done $0x0  }
0x10: {  	s10 =	sadd.s32 s12, s10;
	[sflag:s9] =	ssyncadd.s32 $0xFFFFC000  }
0x11: {  	[hbm4b:s10+s2] =	stream.linear.scatter [tilespmem:s7], [sflag:$0x3], $0x4000, $0x38;
	[tilespmem:$0x8400] =	vst v63  }
0x12: {  	_ =	swait.ge [sflag:s3], $0x4000  }
0x13: {  	[sflag:s3] =	ssyncset.done $0x0  }
0x14: {  	s13 =	smul.u32 $0x3000, s11;
	s11 =	simm.s32 $0x2;
	[sflag:s3] =	ssyncadd.s32 $0xFFFFC000  }
0x15: {  	_ =	swait.ge [sflag:s11], $0x4000  }
0x16: {  	s21 =	sadd.s32 s12, s13;
	[sflag:s11] =	ssyncset.done $0x0  }
0x17: {  	s12 =	sadd.s32 $0x800, s21;
	[sflag:s11] =	ssyncadd.s32 $0xFFFFC000  }
0x18: {  	[hbm4b:s12+s2] =	stream.linear.scatter [tilespmem:s8], [sflag:$0x3], $0x4000, $0x38;
	[tilespmem:$0x8400] =	vst v63  }
0x19: {  	_ =	swait.ge [sflag:s3], $0x4000  }
0x1a: {  	[sflag:s3] =	ssyncset.done $0x0  }
0x1b: {  	s13 =	simm.s32 $0x100;
	[sflag:s3] =	ssyncadd.s32 $0xFFFFC000  }
0x1c: {  	[tilespmem:s7], [sflag:$0x1] =	stream.indirect.gather [hbm4b:s5+s6], $0x80, s13, s6, $0xb8;
	[tilespmem:$0x8400] =	vst v63  }
0x1d: {  	s14 =	simm.s32 $0x180  }
0x1e: {  	[tilespmem:s8], [sflag:$0x2] =	stream.indirect.gather [hbm4b:s5+s6], $0x80, s14, s6, $0xb8;
	[tilespmem:$0x8400] =	vst v63  }
0x1f: {  	_ =	swait.ge [sflag:s9], $0x4000  }
0x20: {  	[sflag:s9] =	ssyncset.done $0x0  }
0x21: {  	s15 =	sadd.s32 $0x1000, s10;
	[sflag:s9] =	ssyncadd.s32 $0xFFFFC000  }
0x22: {  	[hbm4b:s15+s2] =	stream.linear.scatter [tilespmem:s7], [sflag:$0x3], $0x4000, $0x38;
	[tilespmem:$0x8400] =	vst v63  }
0x23: {  	_ =	swait.ge [sflag:s3], $0x4000  }
0x24: {  	[sflag:s3] =	ssyncset.done $0x0  }
0x25: {  	[sflag:s3] =	ssyncadd.s32 $0xFFFFC000  }
0x26: {  	_ =	swait.ge [sflag:s11], $0x4000  }
0x27: {  	[sflag:s11] =	ssyncset.done $0x0  }
0x28: {  	s16 =	sadd.s32 $0x1800, s21;
	[sflag:s11] =	ssyncadd.s32 $0xFFFFC000  }
0x29: {  	[hbm4b:s16+s2] =	stream.linear.scatter [tilespmem:s8], [sflag:$0x3], $0x4000, $0x38;
	[tilespmem:$0x8400] =	vst v63  }
0x2a: {  	_ =	swait.ge [sflag:s3], $0x4000  }
0x2b: {  	[sflag:s3] =	ssyncset.done $0x0  }
0x2c: {  	s17 =	simm.s32 $0x200;
	[sflag:s3] =	ssyncadd.s32 $0xFFFFC000  }
0x2d: {  	[tilespmem:s7], [sflag:$0x1] =	stream.indirect.gather [hbm4b:s5+s6], $0x80, s17, s6, $0xb8;
	[tilespmem:$0x8400] =	vst v63  }
0x2e: {  	s18 =	simm.s32 $0x280  }
0x2f: {  	[tilespmem:s8], [sflag:$0x2] =	stream.indirect.gather [hbm4b:s5+s6], $0x80, s18, s6, $0xb8;
	[tilespmem:$0x8400] =	vst v63  }
0x30: {  	_ =	swait.ge [sflag:s9], $0x4000  }
0x31: {  	[sflag:s9] =	ssyncset.done $0x0  }
0x32: {  	s20 =	ssub.s32 $0x2, s20;
	s19 =	sadd.s32 $0x2000, s10;
	[sflag:s9] =	ssyncadd.s32 $0xFFFFC000  }
0x33: {  	[hbm4b:s19+s2] =	stream.linear.scatter [tilespmem:s7], [sflag:$0x3], $0x4000, $0x38;
	[tilespmem:$0x8400] =	vst v63  }
0x34: {  	s22 =	sshrl.u32 s20, $0x1;
	_ =	swait.ge [sflag:s3], $0x4000  }
0x35: {  	s20 =	ssub.s32 s20, s22;
	[sflag:s3] =	ssyncset.done $0x0  }
0x36: {  	s22 =	smax.u32 s20, $0x1;
	[sflag:s3] =	ssyncadd.s32 $0xFFFFC000  }
0x37: {  	p0 =	sne.s32 s22, $0x1;
	_ =	swait.ge [sflag:s11], $0x4000  }
.Ltmp0:
0x38: {  	[sflag:s11] =	ssyncset.done $0x0;
	(pc) =	sbr.rel @!p0 .LBB2_2-.Ltmp0, $4  }
0x39: {  	s20 =	sadd.s32 $0x2800, s21;
	[sflag:s11] =	ssyncadd.s32 $0xFFFFC000  }
0x3a: {  	[hbm4b:s20+s2] =	stream.linear.scatter [tilespmem:s8], [sflag:$0x3], $0x4000, $0x38;
	[tilespmem:$0x8400] =	vst v63  }
0x3b: {  	_ =	swait.ge [sflag:s3], $0x4000  }
0x3c: {  	s21 =	sadd.s32 $0xFFFFFFFF, s22;
	[sflag:s3] =	ssyncset.done $0x0  }
.LBB2_1:
0x3d: {  	p0 =	sne.s32 s21, $0x1;
	s21 =	sadd.s32 $0xFFFFFFFF, s21;
	[sflag:s3] =	ssyncadd.s32 $0xFFFFC000  }
0x3e: {  	[tilespmem:s2], [sflag:$0x3] =	stream.linear.gather [hbm4b:s4+s2], $0x300, $0x38;
	[tilespmem:$0x8400] =	vst v63  }
0x3f: {  	_ =	swait.ge [sflag:s3], $0x300  }
0x40: {  	[sflag:s3] =	ssyncset.done $0x0  }
0x41: {  	[sflag:s3] =	ssyncadd.s32 $0xFFFFFD00  }
0x42: {  	[tilespmem:s7], [sflag:$0x1] =	stream.indirect.gather [hbm4b:s5+s6], $0x80, s2, s6, $0xb8;
	[tilespmem:$0x8400] =	vst v63  }
0x43: {  	_ = 	snop  }
0x44: {  	[tilespmem:s8], [sflag:$0x2] =	stream.indirect.gather [hbm4b:s5+s6], $0x80, s6, s6, $0xb8;
	[tilespmem:$0x8400] =	vst v63  }
0x45: {  	_ =	swait.ge [sflag:s9], $0x4000  }
0x46: {  	[sflag:s9] =	ssyncset.done $0x0  }
0x47: {  	[sflag:s9] =	ssyncadd.s32 $0xFFFFC000  }
0x48: {  	[hbm4b:s10+s2] =	stream.linear.scatter [tilespmem:s7], [sflag:$0x3], $0x4000, $0x38;
	[tilespmem:$0x8400] =	vst v63  }
0x49: {  	_ =	swait.ge [sflag:s3], $0x4000  }
0x4a: {  	[sflag:s3] =	ssyncset.done $0x0  }
0x4b: {  	[sflag:s3] =	ssyncadd.s32 $0xFFFFC000  }
0x4c: {  	_ =	swait.ge [sflag:s11], $0x4000  }
0x4d: {  	[sflag:s11] =	ssyncset.done $0x0  }
0x4e: {  	[sflag:s11] =	ssyncadd.s32 $0xFFFFC000  }
0x4f: {  	[hbm4b:s12+s2] =	stream.linear.scatter [tilespmem:s8], [sflag:$0x3], $0x4000, $0x38;
	[tilespmem:$0x8400] =	vst v63  }
0x50: {  	_ =	swait.ge [sflag:s3], $0x4000  }
0x51: {  	[sflag:s3] =	ssyncset.done $0x0  }
0x52: {  	[sflag:s3] =	ssyncadd.s32 $0xFFFFC000  }
0x53: {  	[tilespmem:s7], [sflag:$0x1] =	stream.indirect.gather [hbm4b:s5+s6], $0x80, s13, s6, $0xb8;
	[tilespmem:$0x8400] =	vst v63  }
0x54: {  	_ = 	snop  }
0x55: {  	[tilespmem:s8], [sflag:$0x2] =	stream.indirect.gather [hbm4b:s5+s6], $0x80, s14, s6, $0xb8;
	[tilespmem:$0x8400] =	vst v63  }
0x56: {  	_ =	swait.ge [sflag:s9], $0x4000  }
0x57: {  	[sflag:s9] =	ssyncset.done $0x0  }
0x58: {  	[sflag:s9] =	ssyncadd.s32 $0xFFFFC000  }
0x59: {  	[hbm4b:s15+s2] =	stream.linear.scatter [tilespmem:s7], [sflag:$0x3], $0x4000, $0x38;
	[tilespmem:$0x8400] =	vst v63  }
0x5a: {  	_ =	swait.ge [sflag:s3], $0x4000  }
0x5b: {  	[sflag:s3] =	ssyncset.done $0x0  }
0x5c: {  	[sflag:s3] =	ssyncadd.s32 $0xFFFFC000  }
0x5d: {  	_ =	swait.ge [sflag:s11], $0x4000  }
0x5e: {  	[sflag:s11] =	ssyncset.done $0x0  }
0x5f: {  	[sflag:s11] =	ssyncadd.s32 $0xFFFFC000  }
0x60: {  	[hbm4b:s16+s2] =	stream.linear.scatter [tilespmem:s8], [sflag:$0x3], $0x4000, $0x38;
	[tilespmem:$0x8400] =	vst v63  }
0x61: {  	_ =	swait.ge [sflag:s3], $0x4000  }
0x62: {  	[sflag:s3] =	ssyncset.done $0x0  }
0x63: {  	[sflag:s3] =	ssyncadd.s32 $0xFFFFC000  }
0x64: {  	[tilespmem:s7], [sflag:$0x1] =	stream.indirect.gather [hbm4b:s5+s6], $0x80, s17, s6, $0xb8;
	[tilespmem:$0x8400] =	vst v63  }
0x65: {  	_ = 	snop  }
0x66: {  	[tilespmem:s8], [sflag:$0x2] =	stream.indirect.gather [hbm4b:s5+s6], $0x80, s18, s6, $0xb8;
	[tilespmem:$0x8400] =	vst v63  }
0x67: {  	_ =	swait.ge [sflag:s9], $0x4000  }
0x68: {  	[sflag:s9] =	ssyncset.done $0x0  }
0x69: {  	[sflag:s9] =	ssyncadd.s32 $0xFFFFC000  }
0x6a: {  	[hbm4b:s19+s2] =	stream.linear.scatter [tilespmem:s7], [sflag:$0x3], $0x4000, $0x38;
	[tilespmem:$0x8400] =	vst v63  }
0x6b: {  	_ =	swait.ge [sflag:s3], $0x4000  }
0x6c: {  	[sflag:s3] =	ssyncset.done $0x0  }
0x6d: {  	[sflag:s3] =	ssyncadd.s32 $0xFFFFC000  }
0x6e: {  	_ =	swait.ge [sflag:s11], $0x4000  }
.Ltmp1:
0x6f: {  	[sflag:s11] =	ssyncset.done $0x0;
	(pc) =	sbr.rel @p0 .LBB2_1-.Ltmp1, $4  }
0x70: {  	[sflag:s11] =	ssyncadd.s32 $0xFFFFC000  }
0x71: {  	[hbm4b:s20+s2] =	stream.linear.scatter [tilespmem:s8], [sflag:$0x3], $0x4000, $0x38;
	[tilespmem:$0x8400] =	vst v63  }
0x72: {  	_ =	swait.ge [sflag:s3], $0x4000  }
0x73: {  	[sflag:s3] =	ssyncset.done $0x0  }
.LBB2_2:
0x74: {  	[sflag:s3] =	ssyncadd.s32 $0xFFFFC000  }
0x75: {  	_ =	sfence.sel $0x180000  }
0x76: {  	[bflag:$0x0] =	sbarrier.arrive $0xFFFF  }
0x77: {  	p0 =	sne.s32 s0, $0x0;
	_ =	strace $0x9000005C  }
0x78: {  	s0 =	sadd.s32 @!p0 $0x100000, s1;
	[bflag:$0x2] =	sbarrier.arrive $0xFFFF  }
0x79: {  	[sflag:s0] =	ssyncadd.tile.s32 @!p0 $0x1;
	_ =	shalt  }
.Lfunc_end2:
_tile_overlayer_lowered:
.L_overlay_start_2:
0x7a: {  	(tag) =	ssettag $0x2  }
0x7b: {  	s0 =	rddreg [dreg:$0x0];
	s2 =	stileid.u32  }
0x7c: {  	s1 =	rddreg [dreg:$0x1];
	p0 =	sne.s32 s2, $0x0  }
0x7d: {  	s3 =	rddreg [dreg:$0x2];
	[bflag:$0x3] =	sbarrier.arrive $0xFFFF;
	s2 =	simm.s32 @!p0 $0x1C03  }
0x7e: {  	[timem:s3], [sflag:s2] =	dma.local @!p0 [hbm:s0], s1  }
0x7f: {  	s0 =	simm.s32 @!p0 $0x3  }
0x80: {  	_ =	swait.ge @!p0 [sflag:s0], s1  }
0x81: {  	s1 =	ssub.s32 @!p0 $0x0, s1;
	[sflag:s0] =	ssyncset.done @!p0 $0x0  }
0x82: {  	[sflag:s0] =	ssyncadd.s32 @!p0 s1  }
0x83: {  	[bflag:$0x3] =	sbarrier.arrive $0xFFFF  }
0x84: {  	_ =	shalt  }

// kernel: kernel.43.cloned.1.call-start
scs
__scs_entry_jumppad:
0x0: {  	(pc) =	sbr.rel $0x88, $3  }
0x1: {  	(tag) =	ssettag $0x0;
	lr =	simm.s32 $0x1  }
0x2: {  	[smem:$0x3F90] =	sst lr;
	_ =	strace $0xD0000000  }
0x3: {  	_ = 	snop  }
0x4: {  	_ = 	snop  }
0x5: {  	_ = 	snop  }
0x6: {  	_ = 	snop  }
0x7: {  	_ = 	snop  }
__scs_overlays_trampoline_lowered:
0x8: {  	[smem:$0x3F9F] =	sst s0  }
0x9: {  	[smem:$0x3FA0] =	sst s1  }
0xa: {  	[smem:$0x3FA1] =	sst s2  }
0xb: {  	[smem:$0x3FA2] =	sst s3  }
0xc: {  	[smem:$0x3FA3] =	sst s4  }
0xd: {  	[smem:$0x3FA4] =	sst s5  }
0xe: {  	[smem:$0x3FA5] =	sst s6  }
0xf: {  	[smem:$0x3FA6] =	sst s7  }
0x10: {  	[smem:$0x3FA7] =	sst s8  }
0x11: {  	[smem:$0x3FA8] =	sst s9;
	s0 =	simm.s32 @!p0 $0x0  }
0x12: {  	s1 =	sld [smem:$0x3F8E];
	s0 =	simm.s32 @p0 $0x1  }
0x13: {  	[smem:$0x3FA9] =	sst s0;
	s0 =	simm.s32 @!p1 $0x0  }
0x14: {  	s2 =	sld [smem:$0x3F8D];
	s0 =	simm.s32 @p1 $0x1  }
0x15: {  	[smem:$0x3FAA] =	sst s0;
	s0 =	simm.s32 @!p2 $0x0  }
0x16: {  	s3 =	sld [smem:$0x3FDB];
	s0 =	simm.s32 @p2 $0x1  }
0x17: {  	s4 =	simm.s32 $0x1BF5;
	[smem:$0x3FAC] =	sst s0  }
0x18: {  	s0 =	sld [smem:$0x3F8F];
	_ =	swait.ge [sflag:s4], $0x0  }
0x19: {  	s7 =	sld [smem:$0x3F90]  }
0x1a: {  	s8 =	sadd.s32 $0xFFFFE003, lr  }
0x1b: {  	s9 =	sadd.s32 $0xFFFFFEF7, lr;
	s5 =	simm.s32 $0xFFFFFFFF;
	p2 =	slt.u32 s8, $0xFFFFF086  }
0x1c: {  	p1 =	slt.u32 s9, $0xF7A;
	s5 =	simm.s32 @!p2 $0x0  }
0x1d: {  	s5 =	simm.s32 @p1 $0x1;
	p0 =	seq.s32 s7, s2  }
0x1e: {  	s7 =	smul.u32 @!p0 $0xF7A, s2;
	p2 =	seq.s32 @!p0 s5, $0x0  }
0x1f: {  	s9 =	smul.u32 $0xF7A, s1;
	s8 =	simm.s32 @!p0 $0x1BF5;
	p2 =	por !p2, p0  }
0x20: {  	[sflag:s8] =	ssyncset.s32 @!p0 $0xFFFFF086;
	s6 =	sadd.s32 @!p0 s3, s7;
	s7 =	simm.s32 @!p0 $0x108  }
0x21: {  	s3 =	sadd.s32 s3, s9;
	s6 =	sadd.s32 @!p0 $0x88, s6;
	s7 =	simm.s32 @p2 $0x1082  }
0x22: {  	[simem:s7], [sflag:s8] =	dma.local @!p0 [hbm:s6], $0xF7A  }
0x23: {  	s9 =	sor.u32 $0xD0000000, s2;
	s6 =	simm.s32 $0x108;
	_ =	swait.ge @!p0 [sflag:s8], $0x0  }
0x24: {  	s3 =	sadd.s32 $0x88, s3;
	s6 =	simm.s32 @!p1 $0x1082;
	[sflag:s4] =	ssyncset.s32 $0xFFFFF086  }
0x25: {  	[simem:s6], [sflag:s4] =	dma.local [hbm:s3], $0xF7A  }
0x26: {  	[smem:$0x3F90] =	sst s1;
	(tag) =	ssettag s2;
	_ =	strace s9  }
0x27: {  	s1 =	sld [smem:$0x3FA0]  }
0x28: {  	s2 =	sld [smem:$0x3FA1]  }
0x29: {  	s4 =	sld [smem:$0x3FA3]  }
0x2a: {  	p0 =	seq.s32 s5, $0x0;
	s5 =	sld [smem:$0x3FA4]  }
0x2b: {  	s6 =	sld [smem:$0x3FA5]  }
0x2c: {  	s7 =	sld [smem:$0x3FA6]  }
0x2d: {  	s3 =	simm.s32 $0x108;
	s8 =	sld [smem:$0x3FA7]  }
0x2e: {  	s3 =	simm.s32 @!p0 $0x1082;
	s9 =	sld [smem:$0x3FA8]  }
0x2f: {  	lr =	sadd.s32 s0, s3;
	s0 =	sld [smem:$0x3F9F]  }
0x30: {  	s3 =	sld [smem:$0x3FA2]  }
0x31: {  	[smem:$0x3FAB] =	sst s10  }
0x32: {  	s10 =	sld [smem:$0x3FA9];
	_ =	sdelay $0x3  }
0x33: {  	p0 =	seq.s32 s10, $0x1;
	s10 =	sld [smem:$0x3FAB];
	_ =	sdelay $0x3  }
0x34: {  	[smem:$0x3FAB] =	sst s10  }
0x35: {  	s10 =	sld [smem:$0x3FAA];
	_ =	sdelay $0x3  }
0x36: {  	p1 =	seq.s32 s10, $0x1;
	s10 =	sld [smem:$0x3FAB];
	_ =	sdelay $0x3  }
0x37: {  	[smem:$0x3FAB] =	sst s10  }
0x38: {  	s10 =	sld [smem:$0x3FAC]  }
0x39: {  	_ = 	snop;
	(pc) =	sbr.ind lr, $3  }
0x3a: {  	_ = 	snop  }
0x3b: {  	_ = 	snop  }
0x3c: {  	p2 =	seq.s32 s10, $0x1;
	s10 =	sld [smem:$0x3FAB]  }
0x3d: {  	_ =	shalt  }
0x3e: {  	_ =	shalt  }
0x3f: {  	_ =	shalt  }
0x40: {  	_ =	shalt  }
0x41: {  	_ =	shalt  }
0x42: {  	_ =	shalt  }
0x43: {  	_ =	shalt  }
0x44: {  	_ =	shalt  }
0x45: {  	_ =	shalt  }
0x46: {  	_ =	shalt  }
0x47: {  	_ =	shalt  }
0x48: {  	_ =	shalt  }
0x49: {  	_ =	shalt  }
0x4a: {  	_ =	shalt  }
0x4b: {  	_ =	shalt  }
0x4c: {  	_ =	shalt  }
0x4d: {  	_ =	shalt  }
0x4e: {  	_ =	shalt  }
0x4f: {  	_ =	shalt  }
0x50: {  	_ =	shalt  }
0x51: {  	_ =	shalt  }
0x52: {  	_ =	shalt  }
0x53: {  	_ =	shalt  }
0x54: {  	_ =	shalt  }
0x55: {  	_ =	shalt  }
0x56: {  	_ =	shalt  }
0x57: {  	_ =	shalt  }
0x58: {  	_ =	shalt  }
0x59: {  	_ =	shalt  }
0x5a: {  	_ =	shalt  }
0x5b: {  	_ =	shalt  }
0x5c: {  	_ =	shalt  }
0x5d: {  	_ =	shalt  }
0x5e: {  	_ =	shalt  }
0x5f: {  	_ =	shalt  }
0x60: {  	_ =	shalt  }
0x61: {  	_ =	shalt  }
0x62: {  	_ =	shalt  }
0x63: {  	_ =	shalt  }
0x64: {  	_ =	shalt  }
0x65: {  	_ =	shalt  }
0x66: {  	_ =	shalt  }
0x67: {  	_ =	shalt  }
0x68: {  	_ =	shalt  }
0x69: {  	_ =	shalt  }
0x6a: {  	_ =	shalt  }
0x6b: {  	_ =	shalt  }
0x6c: {  	_ =	shalt  }
0x6d: {  	_ =	shalt  }
0x6e: {  	_ =	shalt  }
0x6f: {  	_ =	shalt  }
0x70: {  	_ =	shalt  }
0x71: {  	_ =	shalt  }
0x72: {  	_ =	shalt  }
0x73: {  	_ =	shalt  }
0x74: {  	_ =	shalt  }
0x75: {  	_ =	shalt  }
0x76: {  	_ =	shalt  }
0x77: {  	_ =	shalt  }
0x78: {  	_ =	shalt  }
0x79: {  	_ =	shalt  }
0x7a: {  	_ =	shalt  }
0x7b: {  	_ =	shalt  }
0x7c: {  	_ =	shalt  }
0x7d: {  	_ =	shalt  }
0x7e: {  	_ =	shalt  }
0x7f: {  	_ =	shalt  }
0x80: {  	_ =	shalt  }
0x81: {  	_ =	shalt  }
0x82: {  	_ =	shalt  }
0x83: {  	_ =	shalt  }
0x84: {  	_ =	shalt  }
0x85: {  	_ =	shalt  }
0x86: {  	_ =	shalt  }
0x87: {  	_ =	shalt  }
.Lfunc_end0:
.L_simem_size_0:
called_computation.8_lowered:
.L_overlay_start_0:
0x88: {  	s2 =	sld [smem:$0x3FD9]  }
0x89: {  	s3 =	sld [smem:$0x3FFE];
	_ =	sdelay $0x1  }
0x8a: {  	s1 =	srdreg.scid  }
0x8b: {  	s0 =	sand.u32 $0x1, s1  }
0x8c: {  	s17 =	sshll.u32 s0, $0xA;
	s2 =	sadd.s32 s3, s2  }
0x8d: {  	s2 =	sadd.s32 s2, s17  }
0x8e: {  	[smem:$0x3FB7] =	sst s2  }
0x8f: {  	_ = 	snop  }
0x90: {  	s2 =	sld [smem:$0x3FD0];
	(tm) =	ssettm $0x1  }
0x91: {  	s18 =	sld [smem:$0x3FFB];
	_ =	sdelay $0x3  }
0x92: {  	_ =	strace s18  }
0x93: {  	s3 =	sld [smem:$0x3FFC];
	_ =	sdelay $0x3  }
0x94: {  	_ =	strace s3  }
0x95: {  	s3 =	sld [smem:$0x3FFD];
	_ =	sdelay $0x3  }
0x96: {  	_ =	strace s3  }
0x97: {  	_ =	strace $0x8FFFFFFF  }
0x98: {  	s19 =	sld [smem:$0x3FDB];
	_ =	sdelay $0x1  }
0x99: {  	s4 =	simm.s32 $_scs_section_size  }
0x9a: {  	s5 =	simm.s32 $_size__tile_overlayer_lowered;
	s6 =	simm.s32 $_tile_overlayer_lowered  }
0x9b: {  	s22 =	simm.s32 $0x1BFF;
	s21 =	sshll.u32 s6, $0x1;
	s3 =	sadd.s32 s4, s19  }
0x9c: {  	s7 =	simm.s32 $0x0;
	s20 =	sshll.u32 s5, $0x1;
	s5 =	sadd.s32 s21, s3  }
0x9d: {  	[timem:s7], [sflag:s22] =	dma.local [hbm:s5], s20  }
0x9e: {  	_ =	swait.ge [sflag:s22], s20  }
0x9f: {  	s4 =	ssub.s32 $0x0, s20;
	[sflag:s22] =	ssyncset.done $0x0  }
0xa0: {  	[sflag:s22] =	ssyncadd.s32 s4;
	_ =	sdelay $0x1  }
0xa1: {  	s23 =	simm.s32 $0x1B8B  }
0xa2: {  	_ =	swait.ge [sflag:s23], $0x1  }
0xa3: {  	[sflag:s23] =	ssyncset.done $0x0  }
0xa4: {  	s25 =	simm.s32 $0x1B8E;
	s24 =	sld [smem:$0x3FFE];
	[sflag:s23] =	ssyncadd.s32 $0xFFFFFFFF  }
0xa5: {  	s26 =	simm.s32 $execute0_lowered;
	[smem:$0x3FD2] =	sst s25  }
0xa6: {  	s5 =	sshll.u32 s26, $0x1;
	_ =	strace $0x8000005E;
	[dreg:$0x1] =	wrdreg $0xFFFFFFFF  }
0xa7: {  	s28 =	simm.s32 $_size_execute0_lowered;
	s3 =	sadd.s32 s3, s5;
	[dreg:$0x0] =	wrdreg $0x0  }
0xa8: {  	s5 =	sshll.u32 s28, $0x1;
	[dreg:$0x2] =	wrdreg s3  }
0xa9: {  	[dreg:$0x3] =	wrdreg s5  }
0xaa: {  	[dreg:$0x4] =	wrdreg $0xC0  }
0xab: {  	_ =	task [dreg:s7], $0x5FFFF  }
0xac: {  	[dreg:$0x1] =	wrdreg $0xFFFFFFFF  }
0xad: {  	[dreg:$0x0] =	wrdreg $0x60  }
0xae: {  	[dreg:$0x2] =	wrdreg s24  }
0xaf: {  	[dreg:$0x3] =	wrdreg s2  }
0xb0: {  	[dreg:$0x4] =	wrdreg $0x9  }
0xb1: {  	_ =	task.clear_ibuf [dreg:s7], $0x5FFFF;
	_ =	strace $0x9000005E  }
0xb2: {  	s29 =	simm.s32 $0x9;
	_ =	strace $0x80000060  }
0xb3: {  	_ =	swait.ge [sflag:s29], $0x1  }
0xb4: {  	[sflag:s29] =	ssyncadd.s32 $0xFFFFFFFF  }
0xb5: {  	_ =	strace $0x90000060  }
0xb6: {  	_ =	sfence  }
0xb7: {  	s30 =	sld [smem:$0x0];
	_ =	sdelay $0x2  }
0xb8: {  	s31 =	sshll.u32 s1, $0xD;
	s1 =	sshrl.u32 s1, $0x2  }
0xb9: {  	s3 =	sand.u32 $0x4000, s31;
	s1 =	sadd.s32 s1, s30  }
0xba: {  	s0 =	sor.u32 s3, s0;
	s1 =	sshll.u32 s1, $0x11  }
0xbb: {  	s0 =	sor.u32 s1, s0  }
0xbc: {  	s0 =	sadd.s32 $0x8F2B, s0  }
0xbd: {  	[sflag:s0] =	ssyncadd.remote.s32 $0x1  }
0xbe: {  	_ =	sfence.sel $0xFFFF  }
0xbf: {  	[dreg:$0x0] =	wrdreg $0xFFFFFFFF;
	(pc) =	sbr.abs _section_cstart, $3  }
0xc0: {  	[dreg:$0x1] =	wrdreg $0xFFFFFFFF  }
0xc1: {  	_ =	task.clear_ibuf [dreg:s7], $0x2FFFF;
	_ =	strace $0x9FFFFFFF  }
0xc2: {  	(tm) =	ssettm $0x7FFFFFFF  }
0xc3: {  	_ =	shalt  }
tec
execute0_lowered:
.L_overlay_start_1:
0x0: {  	(tag) =	ssettag $0x1  }
0x1: {  	s4 =	rddreg [dreg:$0x0]  }
0x2: {  	s5 =	rddreg [dreg:$0x1]  }
0x3: {  	s0 =	rddreg [dreg:$0x2];
	s3 =	srdreg.scid  }
0x4: {  	s2 =	simm.s32 $0x0;
	s1 =	stileid.u32;
	s10 =	simm.s32 $0x5000  }
0x5: {  	s11 =	simm.s32 $0x1;
	s12 =	simm.s32 $0x2;
	s13 =	simm.s32 $0x0  }
0x6: {  	s6 =	sand.u32 $0x1, s3;
	[smem:$0x7FF] =	sst s2;
	s29 =	sshll.u32 s1, $0xD  }
0x7: {  	s3 =	sadd.s32 $0x2E00, s4;
	s31 =	sshll.u32 s1, $0x11;
	s7 =	sshll.u32 s6, $0xC  }
0x8: {  	_ =	strace $0x8000005F;
	s8 =	ssub.s32 $0x2, s6;
	s7 =	sor.u32 s7, s29  }
0x9: {  	s6 =	sshll.u32 s6, $0x10;
	s9 =	sshrl.u32 s8, $0x1;
	s7 =	sshrl.u32 s7, $0x3  }
0xa: {  	s30 =	ssub.s32 s8, s9;
	s8 =	sadd.s32 s31, s5;
	s9 =	simm.s32 $0x1000  }
0xb: {  	s4 =	sadd.s32 s7, s4;
	s5 =	smax.u32 s30, $0x1;
	s6 =	sadd.s32 s6, s8  }
0xc: {  	s7 =	simm.s32 $0x3;
	s8 =	simm.s32 $0x80;
	s4 =	sadd.s32 $0x46E00, s4  }
.LBB2_1:
0xd: {  	[tilespmem:s2], [sflag:$0x3] =	stream.linear.gather [hbm4b:s4+s2], $0x1000, $0x38;
	[tilespmem:$0x9000] =	vst v63  }
0xe: {  	_ =	swait.ge [sflag:s7], $0x1000  }
0xf: {  	[sflag:s7] =	ssyncset.done $0x0  }
0x10: {  	s14 =	simm.s32 $0x0;
	[sflag:s7] =	ssyncadd.s32 $0xFFFFF000  }
0x11: {  	[tilespmem:s9], [sflag:$0x1] =	stream.indirect.gather [hbm4b:s3+s8], $0x80, s14, s8, $0xb8;
	[tilespmem:$0x9000] =	vst v63  }
0x12: {  	s30 =	simm.s32 $0x80  }
0x13: {  	[tilespmem:s10], [sflag:$0x2] =	stream.indirect.gather [hbm4b:s3+s8], $0x80, s30, s8, $0xb8;
	[tilespmem:$0x9000] =	vst v63  }
0x14: {  	_ =	swait.ge [sflag:s11], $0x4000  }
0x15: {  	[sflag:s11] =	ssyncset.done $0x0  }
0x16: {  	[sflag:s11] =	ssyncadd.s32 $0xFFFFC000  }
0x17: {  	[hbm4b:s6+s2] =	stream.linear.scatter [tilespmem:s9], [sflag:$0x3], $0x4000, $0x38;
	[tilespmem:$0x9000] =	vst v63  }
0x18: {  	_ =	swait.ge [sflag:s7], $0x4000  }
0x19: {  	[sflag:s7] =	ssyncset.done $0x0  }
0x1a: {  	[sflag:s7] =	ssyncadd.s32 $0xFFFFC000  }
0x1b: {  	_ =	swait.ge [sflag:s12], $0x4000  }
0x1c: {  	[sflag:s12] =	ssyncset.done $0x0  }
0x1d: {  	s31 =	sadd.s32 $0x800, s6;
	[sflag:s12] =	ssyncadd.s32 $0xFFFFC000  }
0x1e: {  	[hbm4b:s31+s2] =	stream.linear.scatter [tilespmem:s10], [sflag:$0x3], $0x4000, $0x38;
	[tilespmem:$0x9000] =	vst v63  }
0x1f: {  	s15 =	simm.s32 $0x400;
	_ =	swait.ge [sflag:s7], $0x4000  }
0x20: {  	s16 =	simm.s32 $0x800;
	s14 =	sadd.s32 $0x1000, s6;
	[sflag:s7] =	ssyncset.done $0x0  }
.LBB2_2:
0x21: {  	s17 =	sshra.s32 s15, $0x2  }
0x22: {  	[sflag:s7] =	ssyncadd.s32 $0xFFFFC000;
	s15 =	smov.u32 s16;
	s18 =	sadd.s32 $0x400, s16  }
0x23: {  	[tilespmem:s9], [sflag:$0x1] =	stream.indirect.gather [hbm4b:s3+s8], $0x80, s17, s8, $0xb8;
	[tilespmem:$0x9000] =	vst v63  }
0x24: {  	p0 =	sne.s32 s16, $0x3C00;
	s16 =	sadd.s32 $0x80, s17  }
0x25: {  	[tilespmem:s10], [sflag:$0x2] =	stream.indirect.gather [hbm4b:s3+s8], $0x80, s16, s8, $0xb8;
	[tilespmem:$0x9000] =	vst v63  }
0x26: {  	_ =	swait.ge [sflag:s11], $0x4000  }
0x27: {  	[sflag:s11] =	ssyncset.done $0x0  }
0x28: {  	[sflag:s11] =	ssyncadd.s32 $0xFFFFC000  }
0x29: {  	[hbm4b:s14+s2] =	stream.linear.scatter [tilespmem:s9], [sflag:$0x3], $0x4000, $0x38;
	[tilespmem:$0x9000] =	vst v63  }
0x2a: {  	_ =	swait.ge [sflag:s7], $0x4000  }
0x2b: {  	[sflag:s7] =	ssyncset.done $0x0  }
0x2c: {  	[sflag:s7] =	ssyncadd.s32 $0xFFFFC000  }
0x2d: {  	_ =	swait.ge [sflag:s12], $0x4000  }
.Ltmp0:
0x2e: {  	[sflag:s12] =	ssyncset.done $0x0;
	(pc) =	sbr.rel @p0 .LBB2_2-.Ltmp0, $4  }
0x2f: {  	s16 =	sadd.s32 $0x800, s14;
	[sflag:s12] =	ssyncadd.s32 $0xFFFFC000  }
0x30: {  	[hbm4b:s16+s2] =	stream.linear.scatter [tilespmem:s10], [sflag:$0x3], $0x4000, $0x38;
	[tilespmem:$0x9000] =	vst v63  }
0x31: {  	_ =	swait.ge [sflag:s7], $0x4000  }
0x32: {  	s14 =	sadd.s32 $0x1000, s14;
	s16 =	smov.u32 s18;
	[sflag:s7] =	ssyncset.done $0x0  }
0x33: {  	s15 =	sshra.s32 s15, $0x2;
	[sflag:s7] =	ssyncadd.s32 $0xFFFFC000  }
0x34: {  	[tilespmem:s9], [sflag:$0x1] =	stream.indirect.gather [hbm4b:s3+s8], $0x80, s15, s8, $0xb8;
	[tilespmem:$0x9000] =	vst v63  }
0x35: {  	s15 =	sadd.s32 $0x80, s15  }
0x36: {  	[tilespmem:s10], [sflag:$0x2] =	stream.indirect.gather [hbm4b:s3+s8], $0x80, s15, s8, $0xb8;
	[tilespmem:$0x9000] =	vst v63  }
0x37: {  	_ =	swait.ge [sflag:s11], $0x4000  }
0x38: {  	[sflag:s11] =	ssyncset.done $0x0  }
0x39: {  	[sflag:s11] =	ssyncadd.s32 $0xFFFFC000  }
0x3a: {  	[hbm4b:s14+s2] =	stream.linear.scatter [tilespmem:s9], [sflag:$0x3], $0x4000, $0x38;
	[tilespmem:$0x9000] =	vst v63  }
0x3b: {  	_ =	swait.ge [sflag:s7], $0x4000  }
0x3c: {  	[sflag:s7] =	ssyncset.done $0x0  }
0x3d: {  	[sflag:s7] =	ssyncadd.s32 $0xFFFFC000  }
0x3e: {  	s13 =	sadd.s32 $0x1, s13;
	_ =	swait.ge [sflag:s12], $0x4000  }
0x3f: {  	p0 =	sne.s32 s13, s5;
	[sflag:s12] =	ssyncset.done $0x0  }
.Ltmp1:
0x40: {  	s31 =	sadd.s32 $0x800, s14;
	[sflag:s12] =	ssyncadd.s32 $0xFFFFC000;
	(pc) =	sbr.rel @p0 .LBB2_1-.Ltmp1, $4  }
0x41: {  	[hbm4b:s31+s2] =	stream.linear.scatter [tilespmem:s10], [sflag:$0x3], $0x4000, $0x38;
	[tilespmem:$0x9000] =	vst v63  }
0x42: {  	_ =	swait.ge [sflag:s7], $0x4000  }
0x43: {  	[sflag:s7] =	ssyncset.done $0x0  }
0x44: {  	[sflag:s7] =	ssyncadd.s32 $0xFFFFC000  }
0x45: {  	_ =	sfence.sel $0x180000  }
0x46: {  	[bflag:$0x0] =	sbarrier.arrive $0xFFFF  }
0x47: {  	p0 =	sne.s32 s1, $0x0;
	_ =	strace $0x9000005F  }
0x48: {  	s0 =	sadd.s32 @!p0 $0x100000, s0;
	[bflag:$0x2] =	sbarrier.arrive $0xFFFF  }
0x49: {  	[sflag:s0] =	ssyncadd.tile.s32 @!p0 $0x1;
	_ =	shalt  }
.Lfunc_end2:
_tile_overlayer_lowered:
.L_overlay_start_2:
0x4a: {  	(tag) =	ssettag $0x2  }
0x4b: {  	s0 =	rddreg [dreg:$0x0];
	s2 =	stileid.u32  }
0x4c: {  	s1 =	rddreg [dreg:$0x1];
	p0 =	sne.s32 s2, $0x0  }
0x4d: {  	s3 =	rddreg [dreg:$0x2];
	[bflag:$0x3] =	sbarrier.arrive $0xFFFF;
	s2 =	simm.s32 @!p0 $0x1C03  }
0x4e: {  	[timem:s3], [sflag:s2] =	dma.local @!p0 [hbm:s0], s1  }
0x4f: {  	s0 =	simm.s32 @!p0 $0x3  }
0x50: {  	_ =	swait.ge @!p0 [sflag:s0], s1  }
0x51: {  	s1 =	ssub.s32 @!p0 $0x0, s1;
	[sflag:s0] =	ssyncset.done @!p0 $0x0  }
0x52: {  	[sflag:s0] =	ssyncadd.s32 @!p0 s1  }
0x53: {  	[bflag:$0x3] =	sbarrier.arrive $0xFFFF  }
0x54: {  	_ =	shalt  }

</sc_bundles>
